<compile_context>
chip_gen: v7x
topology: tpu7x:2x2x1
jax: 0.10.2.dev20260603
libtpu: 0.0.44.dev20260713+nightly
codegen_flags: <defaults>
</compile_context>

<pallas_src>
import functools

import jax
import jax.numpy as jnp
from jax import lax
from jax.experimental import pallas as pl
from jax.experimental.pallas import tpu as pltpu
from jax.experimental.pallas import tpu_sc as plsc

MEM = 2048
DIM = 1024
N = 4096
RB = 512
NBLK = 2048 // RB


def _stats_body(att_ref, colsum_ref, ent_ref, colacc_ref):
    rb = pl.program_id(1)
    a = att_ref[0]

    acc = a[0:8, :]
    for t in range(1, RB // 8):
        acc = acc + a[t * 8:(t + 1) * 8, :]
    q = acc[0:4, :] + acc[4:8, :]
    r = q[0:2, :] + q[2:4, :]
    bsum = r[0:1, :] + r[1:2, :]

    @pl.when(rb == 0)
    def _():
        colacc_ref[...] = bsum

    @pl.when(rb > 0)
    def _():
        colacc_ref[...] = colacc_ref[...] + bsum

    @pl.when(rb == NBLK - 1)
    def _():
        colsum_ref[0] = colacc_ref[...]

    z = jnp.sum(a, axis=1, keepdims=True)
    p = a / (z + 1e-10)
    entc = -jnp.sum(p * jnp.log(p + 1e-10), axis=1, keepdims=True)
    ent_ref[0] = jnp.reshape(entc, (1, RB))


_stats_call = pl.pallas_call(
    _stats_body,
    grid=(2, NBLK),
    in_specs=[pl.BlockSpec((1, RB, 2048), lambda b, rb: (b, rb, 0))],
    out_specs=[
        pl.BlockSpec((1, 1, 2048), lambda b, rb: (b, 0, 0)),
        pl.BlockSpec((1, 1, RB), lambda b, rb: (b * NBLK + rb, 0, 0)),
    ],
    out_shape=[
        jax.ShapeDtypeStruct((2, 1, 2048), jnp.float32),
        jax.ShapeDtypeStruct((2 * NBLK, 1, RB), jnp.float32),
    ],
    scratch_shapes=[pltpu.VMEM((1, 2048), jnp.float32)],
)


CH = 256


def _rank_body(imp_row_ref, ent_ref,
               active_ref, wsrc_ref, wslot_ref, em_ref, ev_ref):
    vrow = imp_row_ref[...]
    vcol = jnp.reshape(vrow, (N, 1))

    nb = N // CH
    jj = lax.broadcasted_iota(jnp.int32, (CH, CH), 0)
    ii = lax.broadcasted_iota(jnp.int32, (CH, CH), 1)
    vi_rows = [vrow[0:1, b * CH:(b + 1) * CH] for b in range(nb)]
    vj_cols = [vcol[b * CH:(b + 1) * CH] for b in range(nb)]
    acc = []
    for b in range(nb):
        win = ((vj_cols[b] > vi_rows[b])
               | ((vj_cols[b] == vi_rows[b]) & (jj < ii)))
        acc.append(jnp.sum(win.astype(jnp.float32), axis=0, keepdims=True))
    for bi in range(nb):
        for bj in range(bi + 1, nb):
            c = (vj_cols[bj] > vi_rows[bi]).astype(jnp.float32)
            acc[bi] = acc[bi] + jnp.sum(c, axis=0, keepdims=True)
            sj = jnp.sum(c, axis=1, keepdims=True)
            acc[bj] = acc[bj] + (jnp.float32(CH) - jnp.reshape(sj, (1, CH)))
    rank = jnp.concatenate(acc, axis=1)
    rank_col = jnp.reshape(rank, (N, 1))

    jcol = lax.broadcasted_iota(jnp.int32, (N, 1), 0).astype(jnp.float32)
    act_chunks = []
    for c in range(MEM // CH):
        r_row = jnp.float32(c * CH) + lax.broadcasted_iota(
            jnp.int32, (1, CH), 1).astype(jnp.float32)
        eq = (rank_col == r_row).astype(jnp.float32)
        act_chunks.append(jnp.sum(jcol * eq, axis=0, keepdims=True))
    active_ref[...] = jnp.concatenate(act_chunks, axis=1).astype(jnp.int32)

    r1 = rank[0:1, 0:MEM]
    r2 = rank[0:1, MEM:N]
    kf = jnp.float32(MEM)
    sel1 = r1 < kf
    sel2 = r2 < kf
    flag = sel1 | sel2
    s_iota = lax.broadcasted_iota(jnp.int32, (1, MEM), 1).astype(jnp.float32)
    src = jnp.where(sel1 & sel2,
                    jnp.where(r1 > r2, s_iota, s_iota + kf),
                    jnp.where(sel1, s_iota, s_iota + kf))

    flagf = flag.astype(jnp.float32)
    incl = flagf
    sh = 1
    lane = lax.broadcasted_iota(jnp.int32, (1, MEM), 1)
    while sh < MEM:
        rolled = pltpu.roll(incl, sh, 1)
        incl = incl + jnp.where(lane >= sh, rolled, 0.0)
        sh *= 2
    pos = jnp.where(flag, incl - flagf, -1.0)
    n1 = jnp.sum(flagf)

    pos_col = jnp.reshape(pos, (MEM, 1))
    src_col = jnp.reshape(src, (MEM, 1))
    s_col = lax.broadcasted_iota(jnp.int32, (MEM, 1), 0).astype(jnp.float32)
    wsrc_chunks = []
    wslot_chunks = []
    for c in range(MEM // CH):
        r_row = jnp.float32(c * CH) + lax.broadcasted_iota(
            jnp.int32, (1, CH), 1).astype(jnp.float32)
        rr = jnp.where(r_row < n1, r_row, r_row - n1)
        eq = (pos_col == rr).astype(jnp.float32)
        wsrc_chunks.append(jnp.sum(src_col * eq, axis=0, keepdims=True))
        wslot_chunks.append(jnp.sum(s_col * eq, axis=0, keepdims=True))
    wsrc_ref[...] = jnp.concatenate(wsrc_chunks, axis=1).astype(jnp.int32)
    wslot_ref[...] = jnp.concatenate(wslot_chunks, axis=1).astype(jnp.int32)

    ent = ent_ref[...]
    m = jnp.sum(ent) / jnp.float32(N)
    d = ent - m
    em_ref[...] = jnp.reshape(m, (1, 1))
    ev_ref[...] = jnp.reshape(jnp.sum(d * d) / jnp.float32(N), (1, 1))


_rank_call = pl.pallas_call(
    _rank_body,
    out_shape=[
        jax.ShapeDtypeStruct((1, MEM), jnp.int32),
        jax.ShapeDtypeStruct((1, MEM), jnp.int32),
        jax.ShapeDtypeStruct((1, MEM), jnp.int32),
        jax.ShapeDtypeStruct((1, 1), jnp.float32),
        jax.ShapeDtypeStruct((1, 1), jnp.float32),
    ],
)


_ROWS_PER_W = MEM // 32


@functools.cache
def _sc_kernels():
    mesh = plsc.VectorSubcoreMesh(core_axis_name="c", subcore_axis_name="s")

    @functools.partial(
        pl.kernel,
        mesh=mesh,
        out_type=(
            jax.ShapeDtypeStruct((MEM, DIM), jnp.float32),
            jax.ShapeDtypeStruct((MEM, DIM), jnp.float32),
        ),
        scratch_types=[pltpu.VMEM((_ROWS_PER_W, DIM), jnp.float32)],
    )
    def sc_copy(mk_hbm, mv_hbm, ok_hbm, ov_hbm, buf):
        wid = lax.axis_index("s") * 2 + lax.axis_index("c")
        base = wid * _ROWS_PER_W
        pltpu.sync_copy(mk_hbm.at[pl.ds(base, _ROWS_PER_W)], buf)
        pltpu.sync_copy(buf, ok_hbm.at[pl.ds(base, _ROWS_PER_W)])
        pltpu.sync_copy(mv_hbm.at[pl.ds(base, _ROWS_PER_W)], buf)
        pltpu.sync_copy(buf, ov_hbm.at[pl.ds(base, _ROWS_PER_W)])

    _NCH = 4
    _CW = _ROWS_PER_W // _NCH

    @functools.partial(
        pl.kernel,
        mesh=mesh,
        out_type=(),
        scratch_types=[
            pltpu.VMEM((_NCH, _CW), jnp.int32),
            pltpu.VMEM((_NCH, _CW), jnp.int32),
            pltpu.VMEM((_NCH, _CW, DIM), jnp.float32),
            pltpu.SemaphoreType.DMA,
            pltpu.SemaphoreType.DMA,
        ],
    )
    def sc_scatter(hid_hbm, wsrc_hbm, wslot_hbm, ok_ref, ov_ref,
                   srcbuf, slotbuf, rowbuf, gsem, ssem):
        wid = lax.axis_index("s") * 2 + lax.axis_index("c")
        pltpu.sync_copy(wsrc_hbm.at[wid], srcbuf)
        pltpu.sync_copy(wslot_hbm.at[wid], slotbuf)
        gathers = [
            pltpu.async_copy(hid_hbm.at[srcbuf.at[c]], rowbuf.at[c], gsem)
            for c in range(_NCH)
        ]
        scats = []
        for c in range(_NCH):
            gathers[c].wait()
            scats.append(
                pltpu.async_copy(rowbuf.at[c], ok_ref.at[slotbuf.at[c]], ssem))
            scats.append(
                pltpu.async_copy(rowbuf.at[c], ov_ref.at[slotbuf.at[c]], ssem))
        for s in scats:
            s.wait()

    return sc_copy, sc_scatter


def kernel(hidden_states, attention_weights, memory_keys, memory_values):
    B, S, D = hidden_states.shape
    hid = hidden_states.reshape(B * S, D)

    sc_copy, sc_scatter = _sc_kernels()
    base_k, base_v = sc_copy(memory_keys, memory_values)

    colsum3, ent_col = _stats_call(attention_weights)
    imp_row = colsum3.reshape(1, N)

    active_row, wsrc_row, wslot_row, em, ev = _rank_call(imp_row, ent_col)

    kref = jax.new_ref(base_k)
    vref = jax.new_ref(base_v)
    sc_scatter(hid, wsrc_row.reshape(32, 4, _ROWS_PER_W // 4),
               wslot_row.reshape(32, 4, _ROWS_PER_W // 4), kref, vref)

    sparse_k = kref[...]
    sparse_v = vref[...]
    return (sparse_k, sparse_v, active_row.reshape(MEM),
            em.reshape(()), ev.reshape(()))

# --- scband reference (transcript-rebuilt; emitter-appended) ---
"""Pipeline reference for scband-l2-working-memory-adapter-1795296329754 (READ-ONLY COPY).

The authoritative reference and input builder live on the scoring server;
editing this copy changes nothing except your own understanding.
"""

import jax, jax.numpy as jnp
import numpy as np

MEMORY_SIZE = 2048
EMBED_DIM = 1024


def setup_inputs(seed: int = 0) -> dict:
    key = jax.random.key(seed)
    k1, k2, k3, k4 = jax.random.split(key, 4)
    hidden_states = jax.random.normal(k1, (2, 2048, EMBED_DIM), dtype=jnp.float32)
    attention_weights = jax.random.uniform(k2, (2, 2048, 2048), dtype=jnp.float32)
    # learned / persistent working-memory state (memory_size x embedding_dim)
    memory_keys = jax.random.normal(k3, (MEMORY_SIZE, EMBED_DIM), dtype=jnp.float32) * 0.02
    memory_values = jax.random.normal(k4, (MEMORY_SIZE, EMBED_DIM), dtype=jnp.float32) * 0.02
    return {
        "hidden_states": hidden_states,
        "attention_weights": attention_weights,
        "memory_keys": memory_keys,
        "memory_values": memory_values,
    }


def reference(hidden_states, attention_weights, memory_keys, memory_values):
    """L2WorkingMemoryAdapter.forward:
    key = value = hidden_states
    working_memory.update(key, value, attention_weights) -> top-k importance-based
        scatter-overwrite into the fixed-size memory buffer (memory_size slots)
    get_sparse_kv -> (sparse_k, sparse_v, active_indices)
    entropy_tracker.update(attention_weights) -> entropy statistics
    """
    B, S, D = hidden_states.shape
    flat_k = hidden_states.reshape(B * S, D)
    flat_v = flat_k

    # token importance = total attention mass received (column sums)
    importance = attention_weights.sum(axis=1).reshape(-1)  # [B*S]

    # top-k token selection (update_strategy='topk')
    _, active_idx = jax.lax.top_k(importance, MEMORY_SIZE)

    # scatter-overwrite selected tokens into memory slots (eviction by slot hash)
    slots = jnp.mod(active_idx, MEMORY_SIZE)
    sel_k = jnp.take(flat_k, active_idx, axis=0)
    sel_v = jnp.take(flat_v, active_idx, axis=0)
    sparse_k = memory_keys.at[slots].set(sel_k)
    sparse_v = memory_values.at[slots].set(sel_v)

    # entropy tracker statistics over attention distribution
    p = attention_weights / (attention_weights.sum(axis=-1, keepdims=True) + 1e-10)
    ent = -jnp.sum(p * jnp.log(p + 1e-10), axis=-1)  # [B, S]
    ent_mean = ent.mean()
    ent_var = ent.var()

    return (sparse_k, sparse_v, active_idx, ent_mean, ent_var)

if __name__ == "__main__":
    import jax
    _d = setup_inputs()
    print(jax.jit(kernel)(*tuple(_d.values())))

</pallas_src>

<mosaic_0001>
#map = affine_map<(d0, d1) -> (0, 0)>
module attributes {stable_mosaic.version = 14 : i64} {
  func.func @sc_copy(%arg0: i32, %arg1: i32, %arg2: memref<2048x1024xf32, #tpu.memory_space<hbm>>, %arg3: memref<2048x1024xf32, #tpu.memory_space<hbm>>, %arg4: memref<2048x1024xf32, #tpu.memory_space<hbm>>, %arg5: memref<2048x1024xf32, #tpu.memory_space<hbm>>, %arg6: memref<64x1024xf32, #tpu.memory_space<vmem>>) attributes {dimension_semantics = [#tpu.dimension_semantics<core_parallel>, #tpu.dimension_semantics<subcore_parallel>], iteration_bounds = array<i64: 2, 16>, scalar_prefetch = 0 : i64, scratch_operands = 1 : i64, tpu.core_type = #tpu.core_type<sc_vector_subcore>, window_params = [{transform_indices = #map}, {transform_indices = #map}, {transform_indices = #map}, {transform_indices = #map}]} {
    %mul3A = arith.constant 2 : i32
    %mul3A_0 = arith.muli %arg1, %mul3A : i32
    %add3A = arith.addi %mul3A_0, %arg0 : i32
    %mul3A_1 = arith.constant 64 : i32
    %mul3A_2 = arith.muli %add3A, %mul3A_1 : i32
    "tpu.region"() ({
      %run_scoped3A = tpu.sem_alloc : memref<!tpu.dma_semaphore, #tpu.memory_space<semaphore_mem>>
      %dma_start3A = arith.constant 0 : i32
      %dma_start3A_3 = tpu.memref_slice %arg2[%mul3A_2, %dma_start3A] : memref<2048x1024xf32, #tpu.memory_space<hbm>> -> memref<64x1024xf32, #tpu.memory_space<hbm>>
      %dma_start3A_4 = arith.constant 0 : i32
      %dma_start3A_5 = tpu.memref_slice %arg2[%mul3A_2, %dma_start3A_4] : memref<2048x1024xf32, #tpu.memory_space<hbm>> -> memref<64x1024xf32, #tpu.memory_space<hbm>>
      tpu.enqueue_dma source(%dma_start3A_5 : memref<64x1024xf32, #tpu.memory_space<hbm>>) target(%arg6 : memref<64x1024xf32, #tpu.memory_space<vmem>>) target_semaphore(%run_scoped3A : memref<!tpu.dma_semaphore, #tpu.memory_space<semaphore_mem>>)
      %dma_wait3A = arith.constant 0 : i32
      %dma_wait3A_6 = tpu.memref_slice %arg2[%mul3A_2, %dma_wait3A] : memref<2048x1024xf32, #tpu.memory_space<hbm>> -> memref<64x1024xf32, #tpu.memory_space<hbm>>
      %dma_wait3A_7 = arith.constant 0 : i32
      %dma_wait3A_8 = tpu.memref_slice %arg2[%mul3A_2, %dma_wait3A_7] : memref<2048x1024xf32, #tpu.memory_space<hbm>> -> memref<64x1024xf32, #tpu.memory_space<hbm>>
      tpu.wait_dma2 semaphore(%run_scoped3A : memref<!tpu.dma_semaphore, #tpu.memory_space<semaphore_mem>>) src(%dma_wait3A_8 : memref<64x1024xf32, #tpu.memory_space<hbm>>) dst(%arg6 : memref<64x1024xf32, #tpu.memory_space<vmem>>)
      tpu.yield
    }) : () -> ()
    "tpu.region"() ({
      %run_scoped3A = tpu.sem_alloc : memref<!tpu.dma_semaphore, #tpu.memory_space<semaphore_mem>>
      %dma_start3A = arith.constant 0 : i32
      %dma_start3A_3 = tpu.memref_slice %arg4[%mul3A_2, %dma_start3A] : memref<2048x1024xf32, #tpu.memory_space<hbm>> -> memref<64x1024xf32, #tpu.memory_space<hbm>>
      %dma_start3A_4 = arith.constant 0 : i32
      %dma_start3A_5 = tpu.memref_slice %arg4[%mul3A_2, %dma_start3A_4] : memref<2048x1024xf32, #tpu.memory_space<hbm>> -> memref<64x1024xf32, #tpu.memory_space<hbm>>
      tpu.enqueue_dma source(%arg6 : memref<64x1024xf32, #tpu.memory_space<vmem>>) target(%dma_start3A_5 : memref<64x1024xf32, #tpu.memory_space<hbm>>) target_semaphore(%run_scoped3A : memref<!tpu.dma_semaphore, #tpu.memory_space<semaphore_mem>>)
      %dma_wait3A = arith.constant 0 : i32
      %dma_wait3A_6 = tpu.memref_slice %arg4[%mul3A_2, %dma_wait3A] : memref<2048x1024xf32, #tpu.memory_space<hbm>> -> memref<64x1024xf32, #tpu.memory_space<hbm>>
      %dma_wait3A_7 = arith.constant 0 : i32
      %dma_wait3A_8 = tpu.memref_slice %arg4[%mul3A_2, %dma_wait3A_7] : memref<2048x1024xf32, #tpu.memory_space<hbm>> -> memref<64x1024xf32, #tpu.memory_space<hbm>>
      tpu.wait_dma2 semaphore(%run_scoped3A : memref<!tpu.dma_semaphore, #tpu.memory_space<semaphore_mem>>) src(%arg6 : memref<64x1024xf32, #tpu.memory_space<vmem>>) dst(%dma_wait3A_8 : memref<64x1024xf32, #tpu.memory_space<hbm>>)
      tpu.yield
    }) : () -> ()
    "tpu.region"() ({
      %run_scoped3A = tpu.sem_alloc : memref<!tpu.dma_semaphore, #tpu.memory_space<semaphore_mem>>
      %dma_start3A = arith.constant 0 : i32
      %dma_start3A_3 = tpu.memref_slice %arg3[%mul3A_2, %dma_start3A] : memref<2048x1024xf32, #tpu.memory_space<hbm>> -> memref<64x1024xf32, #tpu.memory_space<hbm>>
      %dma_start3A_4 = arith.constant 0 : i32
      %dma_start3A_5 = tpu.memref_slice %arg3[%mul3A_2, %dma_start3A_4] : memref<2048x1024xf32, #tpu.memory_space<hbm>> -> memref<64x1024xf32, #tpu.memory_space<hbm>>
      tpu.enqueue_dma source(%dma_start3A_5 : memref<64x1024xf32, #tpu.memory_space<hbm>>) target(%arg6 : memref<64x1024xf32, #tpu.memory_space<vmem>>) target_semaphore(%run_scoped3A : memref<!tpu.dma_semaphore, #tpu.memory_space<semaphore_mem>>)
      %dma_wait3A = arith.constant 0 : i32
      %dma_wait3A_6 = tpu.memref_slice %arg3[%mul3A_2, %dma_wait3A] : memref<2048x1024xf32, #tpu.memory_space<hbm>> -> memref<64x1024xf32, #tpu.memory_space<hbm>>
      %dma_wait3A_7 = arith.constant 0 : i32
      %dma_wait3A_8 = tpu.memref_slice %arg3[%mul3A_2, %dma_wait3A_7] : memref<2048x1024xf32, #tpu.memory_space<hbm>> -> memref<64x1024xf32, #tpu.memory_space<hbm>>
      tpu.wait_dma2 semaphore(%run_scoped3A : memref<!tpu.dma_semaphore, #tpu.memory_space<semaphore_mem>>) src(%dma_wait3A_8 : memref<64x1024xf32, #tpu.memory_space<hbm>>) dst(%arg6 : memref<64x1024xf32, #tpu.memory_space<vmem>>)
      tpu.yield
    }) : () -> ()
    "tpu.region"() ({
      %run_scoped3A = tpu.sem_alloc : memref<!tpu.dma_semaphore, #tpu.memory_space<semaphore_mem>>
      %dma_start3A = arith.constant 0 : i32
      %dma_start3A_3 = tpu.memref_slice %arg5[%mul3A_2, %dma_start3A] : memref<2048x1024xf32, #tpu.memory_space<hbm>> -> memref<64x1024xf32, #tpu.memory_space<hbm>>
      %dma_start3A_4 = arith.constant 0 : i32
      %dma_start3A_5 = tpu.memref_slice %arg5[%mul3A_2, %dma_start3A_4] : memref<2048x1024xf32, #tpu.memory_space<hbm>> -> memref<64x1024xf32, #tpu.memory_space<hbm>>
      tpu.enqueue_dma source(%arg6 : memref<64x1024xf32, #tpu.memory_space<vmem>>) target(%dma_start3A_5 : memref<64x1024xf32, #tpu.memory_space<hbm>>) target_semaphore(%run_scoped3A : memref<!tpu.dma_semaphore, #tpu.memory_space<semaphore_mem>>)
      %dma_wait3A = arith.constant 0 : i32
      %dma_wait3A_6 = tpu.memref_slice %arg5[%mul3A_2, %dma_wait3A] : memref<2048x1024xf32, #tpu.memory_space<hbm>> -> memref<64x1024xf32, #tpu.memory_space<hbm>>
      %dma_wait3A_7 = arith.constant 0 : i32
      %dma_wait3A_8 = tpu.memref_slice %arg5[%mul3A_2, %dma_wait3A_7] : memref<2048x1024xf32, #tpu.memory_space<hbm>> -> memref<64x1024xf32, #tpu.memory_space<hbm>>
      tpu.wait_dma2 semaphore(%run_scoped3A : memref<!tpu.dma_semaphore, #tpu.memory_space<semaphore_mem>>) src(%arg6 : memref<64x1024xf32, #tpu.memory_space<vmem>>) dst(%dma_wait3A_8 : memref<64x1024xf32, #tpu.memory_space<hbm>>)
      tpu.yield
    }) : () -> ()
    return
  }
}

#map = affine_map<(d0, d1) -> (0, 0)>
#map1 = affine_map<(d0, d1) -> (0, 0, 0)>
module attributes {stable_mosaic.version = 14 : i64} {
  func.func @new_body(%arg0: i32, %arg1: i32, %arg2: memref<4096x1024xf32, #tpu.memory_space<hbm>>, %arg3: memref<32x4x16xi32, #tpu.memory_space<hbm>>, %arg4: memref<32x4x16xi32, #tpu.memory_space<hbm>>, %arg5: memref<2048x1024xf32, #tpu.memory_space<hbm>>, %arg6: memref<2048x1024xf32, #tpu.memory_space<hbm>>, %arg7: memref<2048x1024xf32, #tpu.memory_space<hbm>>, %arg8: memref<2048x1024xf32, #tpu.memory_space<hbm>>, %arg9: memref<4x16xi32, #tpu.memory_space<vmem>>, %arg10: memref<4x16xi32, #tpu.memory_space<vmem>>, %arg11: memref<4x16x1024xf32, #tpu.memory_space<vmem>>, %arg12: memref<!tpu.dma_semaphore, #tpu.memory_space<semaphore_mem>>, %arg13: memref<!tpu.dma_semaphore, #tpu.memory_space<semaphore_mem>>) attributes {dimension_semantics = [#tpu.dimension_semantics<core_parallel>, #tpu.dimension_semantics<subcore_parallel>], iteration_bounds = array<i64: 2, 16>, scalar_prefetch = 0 : i64, scratch_operands = 5 : i64, tpu.core_type = #tpu.core_type<sc_vector_subcore>, window_params = [{transform_indices = #map}, {transform_indices = #map1}, {transform_indices = #map1}, {transform_indices = #map}, {transform_indices = #map}, {transform_indices = #map}, {transform_indices = #map}]} {
    %mul3A = arith.constant 2 : i32
    %mul3A_0 = arith.muli %arg1, %mul3A : i32
    %add3A = arith.addi %mul3A_0, %arg0 : i32
    "tpu.region"() ({
      %run_scoped3A = tpu.sem_alloc : memref<!tpu.dma_semaphore, #tpu.memory_space<semaphore_mem>>
      %dma_start3A_287 = arith.constant 0 : i32
      %dma_start3A_288 = arith.constant 0 : i32
      %dma_start3A_289 = tpu.memref_slice %arg3[%add3A, %dma_start3A_287, %dma_start3A_288] : memref<32x4x16xi32, #tpu.memory_space<hbm>> -> memref<1x4x16xi32, #tpu.memory_space<hbm>>
      %dma_start3A_290 = tpu.memref_squeeze %dma_start3A_289 : memref<1x4x16xi32, #tpu.memory_space<hbm>> -> memref<4x16xi32, #tpu.memory_space<hbm>>
      %dma_start3A_291 = arith.constant 0 : i32
      %dma_start3A_292 = arith.constant 0 : i32
      %dma_start3A_293 = tpu.memref_slice %arg3[%add3A, %dma_start3A_291, %dma_start3A_292] : memref<32x4x16xi32, #tpu.memory_space<hbm>> -> memref<1x4x16xi32, #tpu.memory_space<hbm>>
      %dma_start3A_294 = tpu.memref_squeeze %dma_start3A_293 : memref<1x4x16xi32, #tpu.memory_space<hbm>> -> memref<4x16xi32, #tpu.memory_space<hbm>>
      tpu.enqueue_dma source(%dma_start3A_294 : memref<4x16xi32, #tpu.memory_space<hbm>>) target(%arg9 : memref<4x16xi32, #tpu.memory_space<vmem>>) target_semaphore(%run_scoped3A : memref<!tpu.dma_semaphore, #tpu.memory_space<semaphore_mem>>)
      %dma_wait3A_295 = arith.constant 0 : i32
      %dma_wait3A_296 = arith.constant 0 : i32
      %dma_wait3A_297 = tpu.memref_slice %arg3[%add3A, %dma_wait3A_295, %dma_wait3A_296] : memref<32x4x16xi32, #tpu.memory_space<hbm>> -> memref<1x4x16xi32, #tpu.memory_space<hbm>>
      %dma_wait3A_298 = tpu.memref_squeeze %dma_wait3A_297 : memref<1x4x16xi32, #tpu.memory_space<hbm>> -> memref<4x16xi32, #tpu.memory_space<hbm>>
      %dma_wait3A_299 = arith.constant 0 : i32
      %dma_wait3A_300 = arith.constant 0 : i32
      %dma_wait3A_301 = tpu.memref_slice %arg3[%add3A, %dma_wait3A_299, %dma_wait3A_300] : memref<32x4x16xi32, #tpu.memory_space<hbm>> -> memref<1x4x16xi32, #tpu.memory_space<hbm>>
      %dma_wait3A_302 = tpu.memref_squeeze %dma_wait3A_301 : memref<1x4x16xi32, #tpu.memory_space<hbm>> -> memref<4x16xi32, #tpu.memory_space<hbm>>
      tpu.wait_dma2 semaphore(%run_scoped3A : memref<!tpu.dma_semaphore, #tpu.memory_space<semaphore_mem>>) src(%dma_wait3A_302 : memref<4x16xi32, #tpu.memory_space<hbm>>) dst(%arg9 : memref<4x16xi32, #tpu.memory_space<vmem>>)
      tpu.yield
    }) : () -> ()
    "tpu.region"() ({
      %run_scoped3A = tpu.sem_alloc : memref<!tpu.dma_semaphore, #tpu.memory_space<semaphore_mem>>
      %dma_start3A_287 = arith.constant 0 : i32
      %dma_start3A_288 = arith.constant 0 : i32
      %dma_start3A_289 = tpu.memref_slice %arg4[%add3A, %dma_start3A_287, %dma_start3A_288] : memref<32x4x16xi32, #tpu.memory_space<hbm>> -> memref<1x4x16xi32, #tpu.memory_space<hbm>>
      %dma_start3A_290 = tpu.memref_squeeze %dma_start3A_289 : memref<1x4x16xi32, #tpu.memory_space<hbm>> -> memref<4x16xi32, #tpu.memory_space<hbm>>
      %dma_start3A_291 = arith.constant 0 : i32
      %dma_start3A_292 = arith.constant 0 : i32
      %dma_start3A_293 = tpu.memref_slice %arg4[%add3A, %dma_start3A_291, %dma_start3A_292] : memref<32x4x16xi32, #tpu.memory_space<hbm>> -> memref<1x4x16xi32, #tpu.memory_space<hbm>>
      %dma_start3A_294 = tpu.memref_squeeze %dma_start3A_293 : memref<1x4x16xi32, #tpu.memory_space<hbm>> -> memref<4x16xi32, #tpu.memory_space<hbm>>
      tpu.enqueue_dma source(%dma_start3A_294 : memref<4x16xi32, #tpu.memory_space<hbm>>) target(%arg10 : memref<4x16xi32, #tpu.memory_space<vmem>>) target_semaphore(%run_scoped3A : memref<!tpu.dma_semaphore, #tpu.memory_space<semaphore_mem>>)
      %dma_wait3A_295 = arith.constant 0 : i32
      %dma_wait3A_296 = arith.constant 0 : i32
      %dma_wait3A_297 = tpu.memref_slice %arg4[%add3A, %dma_wait3A_295, %dma_wait3A_296] : memref<32x4x16xi32, #tpu.memory_space<hbm>> -> memref<1x4x16xi32, #tpu.memory_space<hbm>>
      %dma_wait3A_298 = tpu.memref_squeeze %dma_wait3A_297 : memref<1x4x16xi32, #tpu.memory_space<hbm>> -> memref<4x16xi32, #tpu.memory_space<hbm>>
      %dma_wait3A_299 = arith.constant 0 : i32
      %dma_wait3A_300 = arith.constant 0 : i32
      %dma_wait3A_301 = tpu.memref_slice %arg4[%add3A, %dma_wait3A_299, %dma_wait3A_300] : memref<32x4x16xi32, #tpu.memory_space<hbm>> -> memref<1x4x16xi32, #tpu.memory_space<hbm>>
      %dma_wait3A_302 = tpu.memref_squeeze %dma_wait3A_301 : memref<1x4x16xi32, #tpu.memory_space<hbm>> -> memref<4x16xi32, #tpu.memory_space<hbm>>
      tpu.wait_dma2 semaphore(%run_scoped3A : memref<!tpu.dma_semaphore, #tpu.memory_space<semaphore_mem>>) src(%dma_wait3A_302 : memref<4x16xi32, #tpu.memory_space<hbm>>) dst(%arg10 : memref<4x16xi32, #tpu.memory_space<vmem>>)
      tpu.yield
    }) : () -> ()
    %dma_start3A = arith.constant 0 : i32
    %dma_start3A_1 = arith.constant 0 : i32
    %dma_start3A_2 = arith.constant 0 : i32
    %dma_start3A_3 = arith.constant 0 : i32
    %dma_start3A_4 = tpu.memref_slice %arg11[%dma_start3A_1, %dma_start3A_2, %dma_start3A_3] : memref<4x16x1024xf32, #tpu.memory_space<vmem>> -> memref<1x16x1024xf32, #tpu.memory_space<vmem>>
    %dma_start3A_5 = tpu.memref_squeeze %dma_start3A_4 : memref<1x16x1024xf32, #tpu.memory_space<vmem>> -> memref<16x1024xf32, #tpu.memory_space<vmem>>
    %dma_start3A_6 = arith.constant 0 : i32
    %dma_start3A_7 = tpu.memref_slice %arg9[%dma_start3A, %dma_start3A_6] : memref<4x16xi32, #tpu.memory_space<vmem>> -> memref<1x16xi32, #tpu.memory_space<vmem>>
    %dma_start3A_8 = tpu.memref_squeeze %dma_start3A_7 : memref<1x16xi32, #tpu.memory_space<vmem>> -> memref<16xi32, #tpu.memory_space<vmem>>
    %dma_start3A_9 = arith.constant 0 : i32
    %dma_start3A_10 = arith.constant 0 : i32
    %dma_start3A_11 = tpu.memref_slice %arg2[%dma_start3A_9, %dma_start3A_10] : memref<4096x1024xf32, #tpu.memory_space<hbm>> -> memref<4096x1024xf32, #tpu.memory_space<hbm>>
    tpu.enqueue_indirect_dma source(%dma_start3A_11 : memref<4096x1024xf32, #tpu.memory_space<hbm>>) target(%dma_start3A_5 : memref<16x1024xf32, #tpu.memory_space<vmem>>) offsets(%dma_start3A_8 : memref<16xi32, #tpu.memory_space<vmem>>) semaphore(%arg12 : memref<!tpu.dma_semaphore, #tpu.memory_space<semaphore_mem>>)
    %dma_start3A_12 = arith.constant 1 : i32
    %dma_start3A_13 = arith.constant 1 : i32
    %dma_start3A_14 = arith.constant 0 : i32
    %dma_start3A_15 = arith.constant 0 : i32
    %dma_start3A_16 = tpu.memref_slice %arg11[%dma_start3A_13, %dma_start3A_14, %dma_start3A_15] : memref<4x16x1024xf32, #tpu.memory_space<vmem>> -> memref<1x16x1024xf32, #tpu.memory_space<vmem>>
    %dma_start3A_17 = tpu.memref_squeeze %dma_start3A_16 : memref<1x16x1024xf32, #tpu.memory_space<vmem>> -> memref<16x1024xf32, #tpu.memory_space<vmem>>
    %dma_start3A_18 = arith.constant 0 : i32
    %dma_start3A_19 = tpu.memref_slice %arg9[%dma_start3A_12, %dma_start3A_18] : memref<4x16xi32, #tpu.memory_space<vmem>> -> memref<1x16xi32, #tpu.memory_space<vmem>>
    %dma_start3A_20 = tpu.memref_squeeze %dma_start3A_19 : memref<1x16xi32, #tpu.memory_space<vmem>> -> memref<16xi32, #tpu.memory_space<vmem>>
    %dma_start3A_21 = arith.constant 0 : i32
    %dma_start3A_22 = arith.constant 0 : i32
    %dma_start3A_23 = tpu.memref_slice %arg2[%dma_start3A_21, %dma_start3A_22] : memref<4096x1024xf32, #tpu.memory_space<hbm>> -> memref<4096x1024xf32, #tpu.memory_space<hbm>>
    tpu.enqueue_indirect_dma source(%dma_start3A_23 : memref<4096x1024xf32, #tpu.memory_space<hbm>>) target(%dma_start3A_17 : memref<16x1024xf32, #tpu.memory_space<vmem>>) offsets(%dma_start3A_20 : memref<16xi32, #tpu.memory_space<vmem>>) semaphore(%arg12 : memref<!tpu.dma_semaphore, #tpu.memory_space<semaphore_mem>>)
    %dma_start3A_24 = arith.constant 2 : i32
    %dma_start3A_25 = arith.constant 2 : i32
    %dma_start3A_26 = arith.constant 0 : i32
    %dma_start3A_27 = arith.constant 0 : i32
    %dma_start3A_28 = tpu.memref_slice %arg11[%dma_start3A_25, %dma_start3A_26, %dma_start3A_27] : memref<4x16x1024xf32, #tpu.memory_space<vmem>> -> memref<1x16x1024xf32, #tpu.memory_space<vmem>>
    %dma_start3A_29 = tpu.memref_squeeze %dma_start3A_28 : memref<1x16x1024xf32, #tpu.memory_space<vmem>> -> memref<16x1024xf32, #tpu.memory_space<vmem>>
    %dma_start3A_30 = arith.constant 0 : i32
    %dma_start3A_31 = tpu.memref_slice %arg9[%dma_start3A_24, %dma_start3A_30] : memref<4x16xi32, #tpu.memory_space<vmem>> -> memref<1x16xi32, #tpu.memory_space<vmem>>
    %dma_start3A_32 = tpu.memref_squeeze %dma_start3A_31 : memref<1x16xi32, #tpu.memory_space<vmem>> -> memref<16xi32, #tpu.memory_space<vmem>>
    %dma_start3A_33 = arith.constant 0 : i32
    %dma_start3A_34 = arith.constant 0 : i32
    %dma_start3A_35 = tpu.memref_slice %arg2[%dma_start3A_33, %dma_start3A_34] : memref<4096x1024xf32, #tpu.memory_space<hbm>> -> memref<4096x1024xf32, #tpu.memory_space<hbm>>
    tpu.enqueue_indirect_dma source(%dma_start3A_35 : memref<4096x1024xf32, #tpu.memory_space<hbm>>) target(%dma_start3A_29 : memref<16x1024xf32, #tpu.memory_space<vmem>>) offsets(%dma_start3A_32 : memref<16xi32, #tpu.memory_space<vmem>>) semaphore(%arg12 : memref<!tpu.dma_semaphore, #tpu.memory_space<semaphore_mem>>)
    %dma_start3A_36 = arith.constant 3 : i32
    %dma_start3A_37 = arith.constant 3 : i32
    %dma_start3A_38 = arith.constant 0 : i32
    %dma_start3A_39 = arith.constant 0 : i32
    %dma_start3A_40 = tpu.memref_slice %arg11[%dma_start3A_37, %dma_start3A_38, %dma_start3A_39] : memref<4x16x1024xf32, #tpu.memory_space<vmem>> -> memref<1x16x1024xf32, #tpu.memory_space<vmem>>
    %dma_start3A_41 = tpu.memref_squeeze %dma_start3A_40 : memref<1x16x1024xf32, #tpu.memory_space<vmem>> -> memref<16x1024xf32, #tpu.memory_space<vmem>>
    %dma_start3A_42 = arith.constant 0 : i32
    %dma_start3A_43 = tpu.memref_slice %arg9[%dma_start3A_36, %dma_start3A_42] : memref<4x16xi32, #tpu.memory_space<vmem>> -> memref<1x16xi32, #tpu.memory_space<vmem>>
    %dma_start3A_44 = tpu.memref_squeeze %dma_start3A_43 : memref<1x16xi32, #tpu.memory_space<vmem>> -> memref<16xi32, #tpu.memory_space<vmem>>
    %dma_start3A_45 = arith.constant 0 : i32
    %dma_start3A_46 = arith.constant 0 : i32
    %dma_start3A_47 = tpu.memref_slice %arg2[%dma_start3A_45, %dma_start3A_46] : memref<4096x1024xf32, #tpu.memory_space<hbm>> -> memref<4096x1024xf32, #tpu.memory_space<hbm>>
    tpu.enqueue_indirect_dma source(%dma_start3A_47 : memref<4096x1024xf32, #tpu.memory_space<hbm>>) target(%dma_start3A_41 : memref<16x1024xf32, #tpu.memory_space<vmem>>) offsets(%dma_start3A_44 : memref<16xi32, #tpu.memory_space<vmem>>) semaphore(%arg12 : memref<!tpu.dma_semaphore, #tpu.memory_space<semaphore_mem>>)
    %dma_wait3A = arith.constant 0 : i32
    %dma_wait3A_48 = arith.constant 0 : i32
    %dma_wait3A_49 = arith.constant 0 : i32
    %dma_wait3A_50 = arith.constant 0 : i32
    %dma_wait3A_51 = tpu.memref_slice %arg11[%dma_wait3A_48, %dma_wait3A_49, %dma_wait3A_50] : memref<4x16x1024xf32, #tpu.memory_space<vmem>> -> memref<1x16x1024xf32, #tpu.memory_space<vmem>>
    %dma_wait3A_52 = tpu.memref_squeeze %dma_wait3A_51 : memref<1x16x1024xf32, #tpu.memory_space<vmem>> -> memref<16x1024xf32, #tpu.memory_space<vmem>>
    %dma_wait3A_53 = arith.constant 0 : i32
    %dma_wait3A_54 = tpu.memref_slice %arg9[%dma_wait3A, %dma_wait3A_53] : memref<4x16xi32, #tpu.memory_space<vmem>> -> memref<1x16xi32, #tpu.memory_space<vmem>>
    %dma_wait3A_55 = tpu.memref_squeeze %dma_wait3A_54 : memref<1x16xi32, #tpu.memory_space<vmem>> -> memref<16xi32, #tpu.memory_space<vmem>>
    %dma_wait3A_56 = arith.constant 0 : i32
    %dma_wait3A_57 = arith.constant 0 : i32
    %dma_wait3A_58 = tpu.memref_slice %arg2[%dma_wait3A_56, %dma_wait3A_57] : memref<4096x1024xf32, #tpu.memory_space<hbm>> -> memref<4096x1024xf32, #tpu.memory_space<hbm>>
    tpu.wait_indirect_dma semaphore(%arg12 : memref<!tpu.dma_semaphore, #tpu.memory_space<semaphore_mem>>) src(%dma_wait3A_58 : memref<4096x1024xf32, #tpu.memory_space<hbm>>) dst(%dma_wait3A_52 : memref<16x1024xf32, #tpu.memory_space<vmem>>)
    %dma_start3A_59 = arith.constant 0 : i32
    %dma_start3A_60 = arith.constant 0 : i32
    %dma_start3A_61 = arith.constant 0 : i32
    %dma_start3A_62 = arith.constant 0 : i32
    %dma_start3A_63 = tpu.memref_slice %arg11[%dma_start3A_59, %dma_start3A_61, %dma_start3A_62] : memref<4x16x1024xf32, #tpu.memory_space<vmem>> -> memref<1x16x1024xf32, #tpu.memory_space<vmem>>
    %dma_start3A_64 = tpu.memref_squeeze %dma_start3A_63 : memref<1x16x1024xf32, #tpu.memory_space<vmem>> -> memref<16x1024xf32, #tpu.memory_space<vmem>>
    %dma_start3A_65 = arith.constant 0 : i32
    %dma_start3A_66 = tpu.memref_slice %arg10[%dma_start3A_60, %dma_start3A_65] : memref<4x16xi32, #tpu.memory_space<vmem>> -> memref<1x16xi32, #tpu.memory_space<vmem>>
    %dma_start3A_67 = tpu.memref_squeeze %dma_start3A_66 : memref<1x16xi32, #tpu.memory_space<vmem>> -> memref<16xi32, #tpu.memory_space<vmem>>
    %dma_start3A_68 = arith.constant 0 : i32
    %dma_start3A_69 = arith.constant 0 : i32
    %dma_start3A_70 = tpu.memref_slice %arg5[%dma_start3A_68, %dma_start3A_69] : memref<2048x1024xf32, #tpu.memory_space<hbm>> -> memref<2048x1024xf32, #tpu.memory_space<hbm>>
    tpu.enqueue_indirect_dma source(%dma_start3A_64 : memref<16x1024xf32, #tpu.memory_space<vmem>>) target(%dma_start3A_70 : memref<2048x1024xf32, #tpu.memory_space<hbm>>) offsets(%dma_start3A_67 : memref<16xi32, #tpu.memory_space<vmem>>) semaphore(%arg13 : memref<!tpu.dma_semaphore, #tpu.memory_space<semaphore_mem>>)
    %dma_start3A_71 = arith.constant 0 : i32
    %dma_start3A_72 = arith.constant 0 : i32
    %dma_start3A_73 = arith.constant 0 : i32
    %dma_start3A_74 = arith.constant 0 : i32
    %dma_start3A_75 = tpu.memref_slice %arg11[%dma_start3A_71, %dma_start3A_73, %dma_start3A_74] : memref<4x16x1024xf32, #tpu.memory_space<vmem>> -> memref<1x16x1024xf32, #tpu.memory_space<vmem>>
    %dma_start3A_76 = tpu.memref_squeeze %dma_start3A_75 : memref<1x16x1024xf32, #tpu.memory_space<vmem>> -> memref<16x1024xf32, #tpu.memory_space<vmem>>
    %dma_start3A_77 = arith.constant 0 : i32
    %dma_start3A_78 = tpu.memref_slice %arg10[%dma_start3A_72, %dma_start3A_77] : memref<4x16xi32, #tpu.memory_space<vmem>> -> memref<1x16xi32, #tpu.memory_space<vmem>>
    %dma_start3A_79 = tpu.memref_squeeze %dma_start3A_78 : memref<1x16xi32, #tpu.memory_space<vmem>> -> memref<16xi32, #tpu.memory_space<vmem>>
    %dma_start3A_80 = arith.constant 0 : i32
    %dma_start3A_81 = arith.constant 0 : i32
    %dma_start3A_82 = tpu.memref_slice %arg6[%dma_start3A_80, %dma_start3A_81] : memref<2048x1024xf32, #tpu.memory_space<hbm>> -> memref<2048x1024xf32, #tpu.memory_space<hbm>>
    tpu.enqueue_indirect_dma source(%dma_start3A_76 : memref<16x1024xf32, #tpu.memory_space<vmem>>) target(%dma_start3A_82 : memref<2048x1024xf32, #tpu.memory_space<hbm>>) offsets(%dma_start3A_79 : memref<16xi32, #tpu.memory_space<vmem>>) semaphore(%arg13 : memref<!tpu.dma_semaphore, #tpu.memory_space<semaphore_mem>>)
    %dma_wait3A_83 = arith.constant 1 : i32
    %dma_wait3A_84 = arith.constant 1 : i32
    %dma_wait3A_85 = arith.constant 0 : i32
    %dma_wait3A_86 = arith.constant 0 : i32
    %dma_wait3A_87 = tpu.memref_slice %arg11[%dma_wait3A_84, %dma_wait3A_85, %dma_wait3A_86] : memref<4x16x1024xf32, #tpu.memory_space<vmem>> -> memref<1x16x1024xf32, #tpu.memory_space<vmem>>
    %dma_wait3A_88 = tpu.memref_squeeze %dma_wait3A_87 : memref<1x16x1024xf32, #tpu.memory_space<vmem>> -> memref<16x1024xf32, #tpu.memory_space<vmem>>
    %dma_wait3A_89 = arith.constant 0 : i32
    %dma_wait3A_90 = tpu.memref_slice %arg9[%dma_wait3A_83, %dma_wait3A_89] : memref<4x16xi32, #tpu.memory_space<vmem>> -> memref<1x16xi32, #tpu.memory_space<vmem>>
    %dma_wait3A_91 = tpu.memref_squeeze %dma_wait3A_90 : memref<1x16xi32, #tpu.memory_space<vmem>> -> memref<16xi32, #tpu.memory_space<vmem>>
    %dma_wait3A_92 = arith.constant 0 : i32
    %dma_wait3A_93 = arith.constant 0 : i32
    %dma_wait3A_94 = tpu.memref_slice %arg2[%dma_wait3A_92, %dma_wait3A_93] : memref<4096x1024xf32, #tpu.memory_space<hbm>> -> memref<4096x1024xf32, #tpu.memory_space<hbm>>
    tpu.wait_indirect_dma semaphore(%arg12 : memref<!tpu.dma_semaphore, #tpu.memory_space<semaphore_mem>>) src(%dma_wait3A_94 : memref<4096x1024xf32, #tpu.memory_space<hbm>>) dst(%dma_wait3A_88 : memref<16x1024xf32, #tpu.memory_space<vmem>>)
    %dma_start3A_95 = arith.constant 1 : i32
    %dma_start3A_96 = arith.constant 1 : i32
    %dma_start3A_97 = arith.constant 0 : i32
    %dma_start3A_98 = arith.constant 0 : i32
    %dma_start3A_99 = tpu.memref_slice %arg11[%dma_start3A_95, %dma_start3A_97, %dma_start3A_98] : memref<4x16x1024xf32, #tpu.memory_space<vmem>> -> memref<1x16x1024xf32, #tpu.memory_space<vmem>>
    %dma_start3A_100 = tpu.memref_squeeze %dma_start3A_99 : memref<1x16x1024xf32, #tpu.memory_space<vmem>> -> memref<16x1024xf32, #tpu.memory_space<vmem>>
    %dma_start3A_101 = arith.constant 0 : i32
    %dma_start3A_102 = tpu.memref_slice %arg10[%dma_start3A_96, %dma_start3A_101] : memref<4x16xi32, #tpu.memory_space<vmem>> -> memref<1x16xi32, #tpu.memory_space<vmem>>
    %dma_start3A_103 = tpu.memref_squeeze %dma_start3A_102 : memref<1x16xi32, #tpu.memory_space<vmem>> -> memref<16xi32, #tpu.memory_space<vmem>>
    %dma_start3A_104 = arith.constant 0 : i32
    %dma_start3A_105 = arith.constant 0 : i32
    %dma_start3A_106 = tpu.memref_slice %arg5[%dma_start3A_104, %dma_start3A_105] : memref<2048x1024xf32, #tpu.memory_space<hbm>> -> memref<2048x1024xf32, #tpu.memory_space<hbm>>
    tpu.enqueue_indirect_dma source(%dma_start3A_100 : memref<16x1024xf32, #tpu.memory_space<vmem>>) target(%dma_start3A_106 : memref<2048x1024xf32, #tpu.memory_space<hbm>>) offsets(%dma_start3A_103 : memref<16xi32, #tpu.memory_space<vmem>>) semaphore(%arg13 : memref<!tpu.dma_semaphore, #tpu.memory_space<semaphore_mem>>)
    %dma_start3A_107 = arith.constant 1 : i32
    %dma_start3A_108 = arith.constant 1 : i32
    %dma_start3A_109 = arith.constant 0 : i32
    %dma_start3A_110 = arith.constant 0 : i32
    %dma_start3A_111 = tpu.memref_slice %arg11[%dma_start3A_107, %dma_start3A_109, %dma_start3A_110] : memref<4x16x1024xf32, #tpu.memory_space<vmem>> -> memref<1x16x1024xf32, #tpu.memory_space<vmem>>
    %dma_start3A_112 = tpu.memref_squeeze %dma_start3A_111 : memref<1x16x1024xf32, #tpu.memory_space<vmem>> -> memref<16x1024xf32, #tpu.memory_space<vmem>>
    %dma_start3A_113 = arith.constant 0 : i32
    %dma_start3A_114 = tpu.memref_slice %arg10[%dma_start3A_108, %dma_start3A_113] : memref<4x16xi32, #tpu.memory_space<vmem>> -> memref<1x16xi32, #tpu.memory_space<vmem>>
    %dma_start3A_115 = tpu.memref_squeeze %dma_start3A_114 : memref<1x16xi32, #tpu.memory_space<vmem>> -> memref<16xi32, #tpu.memory_space<vmem>>
    %dma_start3A_116 = arith.constant 0 : i32
    %dma_start3A_117 = arith.constant 0 : i32
    %dma_start3A_118 = tpu.memref_slice %arg6[%dma_start3A_116, %dma_start3A_117] : memref<2048x1024xf32, #tpu.memory_space<hbm>> -> memref<2048x1024xf32, #tpu.memory_space<hbm>>
    tpu.enqueue_indirect_dma source(%dma_start3A_112 : memref<16x1024xf32, #tpu.memory_space<vmem>>) target(%dma_start3A_118 : memref<2048x1024xf32, #tpu.memory_space<hbm>>) offsets(%dma_start3A_115 : memref<16xi32, #tpu.memory_space<vmem>>) semaphore(%arg13 : memref<!tpu.dma_semaphore, #tpu.memory_space<semaphore_mem>>)
    %dma_wait3A_119 = arith.constant 2 : i32
    %dma_wait3A_120 = arith.constant 2 : i32
    %dma_wait3A_121 = arith.constant 0 : i32
    %dma_wait3A_122 = arith.constant 0 : i32
    %dma_wait3A_123 = tpu.memref_slice %arg11[%dma_wait3A_120, %dma_wait3A_121, %dma_wait3A_122] : memref<4x16x1024xf32, #tpu.memory_space<vmem>> -> memref<1x16x1024xf32, #tpu.memory_space<vmem>>
    %dma_wait3A_124 = tpu.memref_squeeze %dma_wait3A_123 : memref<1x16x1024xf32, #tpu.memory_space<vmem>> -> memref<16x1024xf32, #tpu.memory_space<vmem>>
    %dma_wait3A_125 = arith.constant 0 : i32
    %dma_wait3A_126 = tpu.memref_slice %arg9[%dma_wait3A_119, %dma_wait3A_125] : memref<4x16xi32, #tpu.memory_space<vmem>> -> memref<1x16xi32, #tpu.memory_space<vmem>>
    %dma_wait3A_127 = tpu.memref_squeeze %dma_wait3A_126 : memref<1x16xi32, #tpu.memory_space<vmem>> -> memref<16xi32, #tpu.memory_space<vmem>>
    %dma_wait3A_128 = arith.constant 0 : i32
    %dma_wait3A_129 = arith.constant 0 : i32
    %dma_wait3A_130 = tpu.memref_slice %arg2[%dma_wait3A_128, %dma_wait3A_129] : memref<4096x1024xf32, #tpu.memory_space<hbm>> -> memref<4096x1024xf32, #tpu.memory_space<hbm>>
    tpu.wait_indirect_dma semaphore(%arg12 : memref<!tpu.dma_semaphore, #tpu.memory_space<semaphore_mem>>) src(%dma_wait3A_130 : memref<4096x1024xf32, #tpu.memory_space<hbm>>) dst(%dma_wait3A_124 : memref<16x1024xf32, #tpu.memory_space<vmem>>)
    %dma_start3A_131 = arith.constant 2 : i32
    %dma_start3A_132 = arith.constant 2 : i32
    %dma_start3A_133 = arith.constant 0 : i32
    %dma_start3A_134 = arith.constant 0 : i32
    %dma_start3A_135 = tpu.memref_slice %arg11[%dma_start3A_131, %dma_start3A_133, %dma_start3A_134] : memref<4x16x1024xf32, #tpu.memory_space<vmem>> -> memref<1x16x1024xf32, #tpu.memory_space<vmem>>
    %dma_start3A_136 = tpu.memref_squeeze %dma_start3A_135 : memref<1x16x1024xf32, #tpu.memory_space<vmem>> -> memref<16x1024xf32, #tpu.memory_space<vmem>>
    %dma_start3A_137 = arith.constant 0 : i32
    %dma_start3A_138 = tpu.memref_slice %arg10[%dma_start3A_132, %dma_start3A_137] : memref<4x16xi32, #tpu.memory_space<vmem>> -> memref<1x16xi32, #tpu.memory_space<vmem>>
    %dma_start3A_139 = tpu.memref_squeeze %dma_start3A_138 : memref<1x16xi32, #tpu.memory_space<vmem>> -> memref<16xi32, #tpu.memory_space<vmem>>
    %dma_start3A_140 = arith.constant 0 : i32
    %dma_start3A_141 = arith.constant 0 : i32
    %dma_start3A_142 = tpu.memref_slice %arg5[%dma_start3A_140, %dma_start3A_141] : memref<2048x1024xf32, #tpu.memory_space<hbm>> -> memref<2048x1024xf32, #tpu.memory_space<hbm>>
    tpu.enqueue_indirect_dma source(%dma_start3A_136 : memref<16x1024xf32, #tpu.memory_space<vmem>>) target(%dma_start3A_142 : memref<2048x1024xf32, #tpu.memory_space<hbm>>) offsets(%dma_start3A_139 : memref<16xi32, #tpu.memory_space<vmem>>) semaphore(%arg13 : memref<!tpu.dma_semaphore, #tpu.memory_space<semaphore_mem>>)
    %dma_start3A_143 = arith.constant 2 : i32
    %dma_start3A_144 = arith.constant 2 : i32
    %dma_start3A_145 = arith.constant 0 : i32
    %dma_start3A_146 = arith.constant 0 : i32
    %dma_start3A_147 = tpu.memref_slice %arg11[%dma_start3A_143, %dma_start3A_145, %dma_start3A_146] : memref<4x16x1024xf32, #tpu.memory_space<vmem>> -> memref<1x16x1024xf32, #tpu.memory_space<vmem>>
    %dma_start3A_148 = tpu.memref_squeeze %dma_start3A_147 : memref<1x16x1024xf32, #tpu.memory_space<vmem>> -> memref<16x1024xf32, #tpu.memory_space<vmem>>
    %dma_start3A_149 = arith.constant 0 : i32
    %dma_start3A_150 = tpu.memref_slice %arg10[%dma_start3A_144, %dma_start3A_149] : memref<4x16xi32, #tpu.memory_space<vmem>> -> memref<1x16xi32, #tpu.memory_space<vmem>>
    %dma_start3A_151 = tpu.memref_squeeze %dma_start3A_150 : memref<1x16xi32, #tpu.memory_space<vmem>> -> memref<16xi32, #tpu.memory_space<vmem>>
    %dma_start3A_152 = arith.constant 0 : i32
    %dma_start3A_153 = arith.constant 0 : i32
    %dma_start3A_154 = tpu.memref_slice %arg6[%dma_start3A_152, %dma_start3A_153] : memref<2048x1024xf32, #tpu.memory_space<hbm>> -> memref<2048x1024xf32, #tpu.memory_space<hbm>>
    tpu.enqueue_indirect_dma source(%dma_start3A_148 : memref<16x1024xf32, #tpu.memory_space<vmem>>) target(%dma_start3A_154 : memref<2048x1024xf32, #tpu.memory_space<hbm>>) offsets(%dma_start3A_151 : memref<16xi32, #tpu.memory_space<vmem>>) semaphore(%arg13 : memref<!tpu.dma_semaphore, #tpu.memory_space<semaphore_mem>>)
    %dma_wait3A_155 = arith.constant 3 : i32
    %dma_wait3A_156 = arith.constant 3 : i32
    %dma_wait3A_157 = arith.constant 0 : i32
    %dma_wait3A_158 = arith.constant 0 : i32
    %dma_wait3A_159 = tpu.memref_slice %arg11[%dma_wait3A_156, %dma_wait3A_157, %dma_wait3A_158] : memref<4x16x1024xf32, #tpu.memory_space<vmem>> -> memref<1x16x1024xf32, #tpu.memory_space<vmem>>
    %dma_wait3A_160 = tpu.memref_squeeze %dma_wait3A_159 : memref<1x16x1024xf32, #tpu.memory_space<vmem>> -> memref<16x1024xf32, #tpu.memory_space<vmem>>
    %dma_wait3A_161 = arith.constant 0 : i32
    %dma_wait3A_162 = tpu.memref_slice %arg9[%dma_wait3A_155, %dma_wait3A_161] : memref<4x16xi32, #tpu.memory_space<vmem>> -> memref<1x16xi32, #tpu.memory_space<vmem>>
    %dma_wait3A_163 = tpu.memref_squeeze %dma_wait3A_162 : memref<1x16xi32, #tpu.memory_space<vmem>> -> memref<16xi32, #tpu.memory_space<vmem>>
    %dma_wait3A_164 = arith.constant 0 : i32
    %dma_wait3A_165 = arith.constant 0 : i32
    %dma_wait3A_166 = tpu.memref_slice %arg2[%dma_wait3A_164, %dma_wait3A_165] : memref<4096x1024xf32, #tpu.memory_space<hbm>> -> memref<4096x1024xf32, #tpu.memory_space<hbm>>
    tpu.wait_indirect_dma semaphore(%arg12 : memref<!tpu.dma_semaphore, #tpu.memory_space<semaphore_mem>>) src(%dma_wait3A_166 : memref<4096x1024xf32, #tpu.memory_space<hbm>>) dst(%dma_wait3A_160 : memref<16x1024xf32, #tpu.memory_space<vmem>>)
    %dma_start3A_167 = arith.constant 3 : i32
    %dma_start3A_168 = arith.constant 3 : i32
    %dma_start3A_169 = arith.constant 0 : i32
    %dma_start3A_170 = arith.constant 0 : i32
    %dma_start3A_171 = tpu.memref_slice %arg11[%dma_start3A_167, %dma_start3A_169, %dma_start3A_170] : memref<4x16x1024xf32, #tpu.memory_space<vmem>> -> memref<1x16x1024xf32, #tpu.memory_space<vmem>>
    %dma_start3A_172 = tpu.memref_squeeze %dma_start3A_171 : memref<1x16x1024xf32, #tpu.memory_space<vmem>> -> memref<16x1024xf32, #tpu.memory_space<vmem>>
    %dma_start3A_173 = arith.constant 0 : i32
    %dma_start3A_174 = tpu.memref_slice %arg10[%dma_start3A_168, %dma_start3A_173] : memref<4x16xi32, #tpu.memory_space<vmem>> -> memref<1x16xi32, #tpu.memory_space<vmem>>
    %dma_start3A_175 = tpu.memref_squeeze %dma_start3A_174 : memref<1x16xi32, #tpu.memory_space<vmem>> -> memref<16xi32, #tpu.memory_space<vmem>>
    %dma_start3A_176 = arith.constant 0 : i32
    %dma_start3A_177 = arith.constant 0 : i32
    %dma_start3A_178 = tpu.memref_slice %arg5[%dma_start3A_176, %dma_start3A_177] : memref<2048x1024xf32, #tpu.memory_space<hbm>> -> memref<2048x1024xf32, #tpu.memory_space<hbm>>
    tpu.enqueue_indirect_dma source(%dma_start3A_172 : memref<16x1024xf32, #tpu.memory_space<vmem>>) target(%dma_start3A_178 : memref<2048x1024xf32, #tpu.memory_space<hbm>>) offsets(%dma_start3A_175 : memref<16xi32, #tpu.memory_space<vmem>>) semaphore(%arg13 : memref<!tpu.dma_semaphore, #tpu.memory_space<semaphore_mem>>)
    %dma_start3A_179 = arith.constant 3 : i32
    %dma_start3A_180 = arith.constant 3 : i32
    %dma_start3A_181 = arith.constant 0 : i32
    %dma_start3A_182 = arith.constant 0 : i32
    %dma_start3A_183 = tpu.memref_slice %arg11[%dma_start3A_179, %dma_start3A_181, %dma_start3A_182] : memref<4x16x1024xf32, #tpu.memory_space<vmem>> -> memref<1x16x1024xf32, #tpu.memory_space<vmem>>
    %dma_start3A_184 = tpu.memref_squeeze %dma_start3A_183 : memref<1x16x1024xf32, #tpu.memory_space<vmem>> -> memref<16x1024xf32, #tpu.memory_space<vmem>>
    %dma_start3A_185 = arith.constant 0 : i32
    %dma_start3A_186 = tpu.memref_slice %arg10[%dma_start3A_180, %dma_start3A_185] : memref<4x16xi32, #tpu.memory_space<vmem>> -> memref<1x16xi32, #tpu.memory_space<vmem>>
    %dma_start3A_187 = tpu.memref_squeeze %dma_start3A_186 : memref<1x16xi32, #tpu.memory_space<vmem>> -> memref<16xi32, #tpu.memory_space<vmem>>
    %dma_start3A_188 = arith.constant 0 : i32
    %dma_start3A_189 = arith.constant 0 : i32
    %dma_start3A_190 = tpu.memref_slice %arg6[%dma_start3A_188, %dma_start3A_189] : memref<2048x1024xf32, #tpu.memory_space<hbm>> -> memref<2048x1024xf32, #tpu.memory_space<hbm>>
    tpu.enqueue_indirect_dma source(%dma_start3A_184 : memref<16x1024xf32, #tpu.memory_space<vmem>>) target(%dma_start3A_190 : memref<2048x1024xf32, #tpu.memory_space<hbm>>) offsets(%dma_start3A_187 : memref<16xi32, #tpu.memory_space<vmem>>) semaphore(%arg13 : memref<!tpu.dma_semaphore, #tpu.memory_space<semaphore_mem>>)
    %dma_wait3A_191 = arith.constant 0 : i32
    %dma_wait3A_192 = arith.constant 0 : i32
    %dma_wait3A_193 = arith.constant 0 : i32
    %dma_wait3A_194 = arith.constant 0 : i32
    %dma_wait3A_195 = tpu.memref_slice %arg11[%dma_wait3A_191, %dma_wait3A_193, %dma_wait3A_194] : memref<4x16x1024xf32, #tpu.memory_space<vmem>> -> memref<1x16x1024xf32, #tpu.memory_space<vmem>>
    %dma_wait3A_196 = tpu.memref_squeeze %dma_wait3A_195 : memref<1x16x1024xf32, #tpu.memory_space<vmem>> -> memref<16x1024xf32, #tpu.memory_space<vmem>>
    %dma_wait3A_197 = arith.constant 0 : i32
    %dma_wait3A_198 = tpu.memref_slice %arg10[%dma_wait3A_192, %dma_wait3A_197] : memref<4x16xi32, #tpu.memory_space<vmem>> -> memref<1x16xi32, #tpu.memory_space<vmem>>
    %dma_wait3A_199 = tpu.memref_squeeze %dma_wait3A_198 : memref<1x16xi32, #tpu.memory_space<vmem>> -> memref<16xi32, #tpu.memory_space<vmem>>
    %dma_wait3A_200 = arith.constant 0 : i32
    %dma_wait3A_201 = arith.constant 0 : i32
    %dma_wait3A_202 = tpu.memref_slice %arg5[%dma_wait3A_200, %dma_wait3A_201] : memref<2048x1024xf32, #tpu.memory_space<hbm>> -> memref<2048x1024xf32, #tpu.memory_space<hbm>>
    tpu.wait_indirect_dma semaphore(%arg13 : memref<!tpu.dma_semaphore, #tpu.memory_space<semaphore_mem>>) src(%dma_wait3A_196 : memref<16x1024xf32, #tpu.memory_space<vmem>>) dst(%dma_wait3A_202 : memref<2048x1024xf32, #tpu.memory_space<hbm>>)
    %dma_wait3A_203 = arith.constant 0 : i32
    %dma_wait3A_204 = arith.constant 0 : i32
    %dma_wait3A_205 = arith.constant 0 : i32
    %dma_wait3A_206 = arith.constant 0 : i32
    %dma_wait3A_207 = tpu.memref_slice %arg11[%dma_wait3A_203, %dma_wait3A_205, %dma_wait3A_206] : memref<4x16x1024xf32, #tpu.memory_space<vmem>> -> memref<1x16x1024xf32, #tpu.memory_space<vmem>>
    %dma_wait3A_208 = tpu.memref_squeeze %dma_wait3A_207 : memref<1x16x1024xf32, #tpu.memory_space<vmem>> -> memref<16x1024xf32, #tpu.memory_space<vmem>>
    %dma_wait3A_209 = arith.constant 0 : i32
    %dma_wait3A_210 = tpu.memref_slice %arg10[%dma_wait3A_204, %dma_wait3A_209] : memref<4x16xi32, #tpu.memory_space<vmem>> -> memref<1x16xi32, #tpu.memory_space<vmem>>
    %dma_wait3A_211 = tpu.memref_squeeze %dma_wait3A_210 : memref<1x16xi32, #tpu.memory_space<vmem>> -> memref<16xi32, #tpu.memory_space<vmem>>
    %dma_wait3A_212 = arith.constant 0 : i32
    %dma_wait3A_213 = arith.constant 0 : i32
    %dma_wait3A_214 = tpu.memref_slice %arg6[%dma_wait3A_212, %dma_wait3A_213] : memref<2048x1024xf32, #tpu.memory_space<hbm>> -> memref<2048x1024xf32, #tpu.memory_space<hbm>>
    tpu.wait_indirect_dma semaphore(%arg13 : memref<!tpu.dma_semaphore, #tpu.memory_space<semaphore_mem>>) src(%dma_wait3A_208 : memref<16x1024xf32, #tpu.memory_space<vmem>>) dst(%dma_wait3A_214 : memref<2048x1024xf32, #tpu.memory_space<hbm>>)
    %dma_wait3A_215 = arith.constant 1 : i32
    %dma_wait3A_216 = arith.constant 1 : i32
    %dma_wait3A_217 = arith.constant 0 : i32
    %dma_wait3A_218 = arith.constant 0 : i32
    %dma_wait3A_219 = tpu.memref_slice %arg11[%dma_wait3A_215, %dma_wait3A_217, %dma_wait3A_218] : memref<4x16x1024xf32, #tpu.memory_space<vmem>> -> memref<1x16x1024xf32, #tpu.memory_space<vmem>>
    %dma_wait3A_220 = tpu.memref_squeeze %dma_wait3A_219 : memref<1x16x1024xf32, #tpu.memory_space<vmem>> -> memref<16x1024xf32, #tpu.memory_space<vmem>>
    %dma_wait3A_221 = arith.constant 0 : i32
    %dma_wait3A_222 = tpu.memref_slice %arg10[%dma_wait3A_216, %dma_wait3A_221] : memref<4x16xi32, #tpu.memory_space<vmem>> -> memref<1x16xi32, #tpu.memory_space<vmem>>
    %dma_wait3A_223 = tpu.memref_squeeze %dma_wait3A_222 : memref<1x16xi32, #tpu.memory_space<vmem>> -> memref<16xi32, #tpu.memory_space<vmem>>
    %dma_wait3A_224 = arith.constant 0 : i32
    %dma_wait3A_225 = arith.constant 0 : i32
    %dma_wait3A_226 = tpu.memref_slice %arg5[%dma_wait3A_224, %dma_wait3A_225] : memref<2048x1024xf32, #tpu.memory_space<hbm>> -> memref<2048x1024xf32, #tpu.memory_space<hbm>>
    tpu.wait_indirect_dma semaphore(%arg13 : memref<!tpu.dma_semaphore, #tpu.memory_space<semaphore_mem>>) src(%dma_wait3A_220 : memref<16x1024xf32, #tpu.memory_space<vmem>>) dst(%dma_wait3A_226 : memref<2048x1024xf32, #tpu.memory_space<hbm>>)
    %dma_wait3A_227 = arith.constant 1 : i32
    %dma_wait3A_228 = arith.constant 1 : i32
    %dma_wait3A_229 = arith.constant 0 : i32
    %dma_wait3A_230 = arith.constant 0 : i32
    %dma_wait3A_231 = tpu.memref_slice %arg11[%dma_wait3A_227, %dma_wait3A_229, %dma_wait3A_230] : memref<4x16x1024xf32, #tpu.memory_space<vmem>> -> memref<1x16x1024xf32, #tpu.memory_space<vmem>>
    %dma_wait3A_232 = tpu.memref_squeeze %dma_wait3A_231 : memref<1x16x1024xf32, #tpu.memory_space<vmem>> -> memref<16x1024xf32, #tpu.memory_space<vmem>>
    %dma_wait3A_233 = arith.constant 0 : i32
    %dma_wait3A_234 = tpu.memref_slice %arg10[%dma_wait3A_228, %dma_wait3A_233] : memref<4x16xi32, #tpu.memory_space<vmem>> -> memref<1x16xi32, #tpu.memory_space<vmem>>
    %dma_wait3A_235 = tpu.memref_squeeze %dma_wait3A_234 : memref<1x16xi32, #tpu.memory_space<vmem>> -> memref<16xi32, #tpu.memory_space<vmem>>
    %dma_wait3A_236 = arith.constant 0 : i32
    %dma_wait3A_237 = arith.constant 0 : i32
    %dma_wait3A_238 = tpu.memref_slice %arg6[%dma_wait3A_236, %dma_wait3A_237] : memref<2048x1024xf32, #tpu.memory_space<hbm>> -> memref<2048x1024xf32, #tpu.memory_space<hbm>>
    tpu.wait_indirect_dma semaphore(%arg13 : memref<!tpu.dma_semaphore, #tpu.memory_space<semaphore_mem>>) src(%dma_wait3A_232 : memref<16x1024xf32, #tpu.memory_space<vmem>>) dst(%dma_wait3A_238 : memref<2048x1024xf32, #tpu.memory_space<hbm>>)
    %dma_wait3A_239 = arith.constant 2 : i32
    %dma_wait3A_240 = arith.constant 2 : i32
    %dma_wait3A_241 = arith.constant 0 : i32
    %dma_wait3A_242 = arith.constant 0 : i32
    %dma_wait3A_243 = tpu.memref_slice %arg11[%dma_wait3A_239, %dma_wait3A_241, %dma_wait3A_242] : memref<4x16x1024xf32, #tpu.memory_space<vmem>> -> memref<1x16x1024xf32, #tpu.memory_space<vmem>>
    %dma_wait3A_244 = tpu.memref_squeeze %dma_wait3A_243 : memref<1x16x1024xf32, #tpu.memory_space<vmem>> -> memref<16x1024xf32, #tpu.memory_space<vmem>>
    %dma_wait3A_245 = arith.constant 0 : i32
    %dma_wait3A_246 = tpu.memref_slice %arg10[%dma_wait3A_240, %dma_wait3A_245] : memref<4x16xi32, #tpu.memory_space<vmem>> -> memref<1x16xi32, #tpu.memory_space<vmem>>
    %dma_wait3A_247 = tpu.memref_squeeze %dma_wait3A_246 : memref<1x16xi32, #tpu.memory_space<vmem>> -> memref<16xi32, #tpu.memory_space<vmem>>
    %dma_wait3A_248 = arith.constant 0 : i32
    %dma_wait3A_249 = arith.constant 0 : i32
    %dma_wait3A_250 = tpu.memref_slice %arg5[%dma_wait3A_248, %dma_wait3A_249] : memref<2048x1024xf32, #tpu.memory_space<hbm>> -> memref<2048x1024xf32, #tpu.memory_space<hbm>>
    tpu.wait_indirect_dma semaphore(%arg13 : memref<!tpu.dma_semaphore, #tpu.memory_space<semaphore_mem>>) src(%dma_wait3A_244 : memref<16x1024xf32, #tpu.memory_space<vmem>>) dst(%dma_wait3A_250 : memref<2048x1024xf32, #tpu.memory_space<hbm>>)
    %dma_wait3A_251 = arith.constant 2 : i32
    %dma_wait3A_252 = arith.constant 2 : i32
    %dma_wait3A_253 = arith.constant 0 : i32
    %dma_wait3A_254 = arith.constant 0 : i32
    %dma_wait3A_255 = tpu.memref_slice %arg11[%dma_wait3A_251, %dma_wait3A_253, %dma_wait3A_254] : memref<4x16x1024xf32, #tpu.memory_space<vmem>> -> memref<1x16x1024xf32, #tpu.memory_space<vmem>>
    %dma_wait3A_256 = tpu.memref_squeeze %dma_wait3A_255 : memref<1x16x1024xf32, #tpu.memory_space<vmem>> -> memref<16x1024xf32, #tpu.memory_space<vmem>>
    %dma_wait3A_257 = arith.constant 0 : i32
    %dma_wait3A_258 = tpu.memref_slice %arg10[%dma_wait3A_252, %dma_wait3A_257] : memref<4x16xi32, #tpu.memory_space<vmem>> -> memref<1x16xi32, #tpu.memory_space<vmem>>
    %dma_wait3A_259 = tpu.memref_squeeze %dma_wait3A_258 : memref<1x16xi32, #tpu.memory_space<vmem>> -> memref<16xi32, #tpu.memory_space<vmem>>
    %dma_wait3A_260 = arith.constant 0 : i32
    %dma_wait3A_261 = arith.constant 0 : i32
    %dma_wait3A_262 = tpu.memref_slice %arg6[%dma_wait3A_260, %dma_wait3A_261] : memref<2048x1024xf32, #tpu.memory_space<hbm>> -> memref<2048x1024xf32, #tpu.memory_space<hbm>>
    tpu.wait_indirect_dma semaphore(%arg13 : memref<!tpu.dma_semaphore, #tpu.memory_space<semaphore_mem>>) src(%dma_wait3A_256 : memref<16x1024xf32, #tpu.memory_space<vmem>>) dst(%dma_wait3A_262 : memref<2048x1024xf32, #tpu.memory_space<hbm>>)
    %dma_wait3A_263 = arith.constant 3 : i32
    %dma_wait3A_264 = arith.constant 3 : i32
    %dma_wait3A_265 = arith.constant 0 : i32
    %dma_wait3A_266 = arith.constant 0 : i32
    %dma_wait3A_267 = tpu.memref_slice %arg11[%dma_wait3A_263, %dma_wait3A_265, %dma_wait3A_266] : memref<4x16x1024xf32, #tpu.memory_space<vmem>> -> memref<1x16x1024xf32, #tpu.memory_space<vmem>>
    %dma_wait3A_268 = tpu.memref_squeeze %dma_wait3A_267 : memref<1x16x1024xf32, #tpu.memory_space<vmem>> -> memref<16x1024xf32, #tpu.memory_space<vmem>>
    %dma_wait3A_269 = arith.constant 0 : i32
    %dma_wait3A_270 = tpu.memref_slice %arg10[%dma_wait3A_264, %dma_wait3A_269] : memref<4x16xi32, #tpu.memory_space<vmem>> -> memref<1x16xi32, #tpu.memory_space<vmem>>
    %dma_wait3A_271 = tpu.memref_squeeze %dma_wait3A_270 : memref<1x16xi32, #tpu.memory_space<vmem>> -> memref<16xi32, #tpu.memory_space<vmem>>
    %dma_wait3A_272 = arith.constant 0 : i32
    %dma_wait3A_273 = arith.constant 0 : i32
    %dma_wait3A_274 = tpu.memref_slice %arg5[%dma_wait3A_272, %dma_wait3A_273] : memref<2048x1024xf32, #tpu.memory_space<hbm>> -> memref<2048x1024xf32, #tpu.memory_space<hbm>>
    tpu.wait_indirect_dma semaphore(%arg13 : memref<!tpu.dma_semaphore, #tpu.memory_space<semaphore_mem>>) src(%dma_wait3A_268 : memref<16x1024xf32, #tpu.memory_space<vmem>>) dst(%dma_wait3A_274 : memref<2048x1024xf32, #tpu.memory_space<hbm>>)
    %dma_wait3A_275 = arith.constant 3 : i32
    %dma_wait3A_276 = arith.constant 3 : i32
    %dma_wait3A_277 = arith.constant 0 : i32
    %dma_wait3A_278 = arith.constant 0 : i32
    %dma_wait3A_279 = tpu.memref_slice %arg11[%dma_wait3A_275, %dma_wait3A_277, %dma_wait3A_278] : memref<4x16x1024xf32, #tpu.memory_space<vmem>> -> memref<1x16x1024xf32, #tpu.memory_space<vmem>>
    %dma_wait3A_280 = tpu.memref_squeeze %dma_wait3A_279 : memref<1x16x1024xf32, #tpu.memory_space<vmem>> -> memref<16x1024xf32, #tpu.memory_space<vmem>>
    %dma_wait3A_281 = arith.constant 0 : i32
    %dma_wait3A_282 = tpu.memref_slice %arg10[%dma_wait3A_276, %dma_wait3A_281] : memref<4x16xi32, #tpu.memory_space<vmem>> -> memref<1x16xi32, #tpu.memory_space<vmem>>
    %dma_wait3A_283 = tpu.memref_squeeze %dma_wait3A_282 : memref<1x16xi32, #tpu.memory_space<vmem>> -> memref<16xi32, #tpu.memory_space<vmem>>
    %dma_wait3A_284 = arith.constant 0 : i32
    %dma_wait3A_285 = arith.constant 0 : i32
    %dma_wait3A_286 = tpu.memref_slice %arg6[%dma_wait3A_284, %dma_wait3A_285] : memref<2048x1024xf32, #tpu.memory_space<hbm>> -> memref<2048x1024xf32, #tpu.memory_space<hbm>>
    tpu.wait_indirect_dma semaphore(%arg13 : memref<!tpu.dma_semaphore, #tpu.memory_space<semaphore_mem>>) src(%dma_wait3A_280 : memref<16x1024xf32, #tpu.memory_space<vmem>>) dst(%dma_wait3A_286 : memref<2048x1024xf32, #tpu.memory_space<hbm>>)
    return
  }
}

module attributes {stable_mosaic.version = 14 : i64} {
  func.func @_stats_body(%arg0: i32, %arg1: i32, %arg2: memref<1x512x2048xf32, #tpu.memory_space<vmem>>, %arg3: memref<1x1x2048xf32, #tpu.memory_space<vmem>>, %arg4: memref<1x1x512xf32, #tpu.memory_space<vmem>>, %arg5: memref<1x2048xf32, #tpu.memory_space<vmem>>) attributes {dimension_semantics = [#tpu.dimension_semantics<arbitrary>, #tpu.dimension_semantics<arbitrary>], iteration_bounds = array<i64: 2, 4>, scalar_prefetch = 0 : i64, scratch_operands = 1 : i64, tpu.core_type = #tpu.core_type<tc>, window_params = [{transform_indices = @transform_0, window_bounds = array<i64: 1, 512, 2048>}, {transform_indices = @transform_1, window_bounds = array<i64: 1, 1, 2048>}, {transform_indices = @transform_2, window_bounds = array<i64: 1, 1, 512>}]} {
    %get3A = arith.constant 0 : index
    %get3A_0 = arith.constant 0 : index
    %get3A_1 = arith.constant 0 : index
    %get3A_2 = vector.load %arg2[%get3A, %get3A_0, %get3A_1] : memref<1x512x2048xf32, #tpu.memory_space<vmem>>, vector<1x512x2048xf32>
    %get3A_3 = vector.shape_cast %get3A_2 : vector<1x512x2048xf32> to vector<512x2048xf32>
    %slice3A = vector.extract_strided_slice %get3A_3 {offsets = [0, 0], sizes = [8, 2048], strides = [1, 1]} : vector<512x2048xf32> to vector<8x2048xf32>
    %slice3A_4 = vector.extract_strided_slice %get3A_3 {offsets = [8, 0], sizes = [8, 2048], strides = [1, 1]} : vector<512x2048xf32> to vector<8x2048xf32>
    %add3A = arith.addf %slice3A, %slice3A_4 : vector<8x2048xf32>
    %slice3A_5 = vector.extract_strided_slice %get3A_3 {offsets = [16, 0], sizes = [8, 2048], strides = [1, 1]} : vector<512x2048xf32> to vector<8x2048xf32>
    %add3A_6 = arith.addf %add3A, %slice3A_5 : vector<8x2048xf32>
    %slice3A_7 = vector.extract_strided_slice %get3A_3 {offsets = [24, 0], sizes = [8, 2048], strides = [1, 1]} : vector<512x2048xf32> to vector<8x2048xf32>
    %add3A_8 = arith.addf %add3A_6, %slice3A_7 : vector<8x2048xf32>
    %slice3A_9 = vector.extract_strided_slice %get3A_3 {offsets = [32, 0], sizes = [8, 2048], strides = [1, 1]} : vector<512x2048xf32> to vector<8x2048xf32>
    %add3A_10 = arith.addf %add3A_8, %slice3A_9 : vector<8x2048xf32>
    %slice3A_11 = vector.extract_strided_slice %get3A_3 {offsets = [40, 0], sizes = [8, 2048], strides = [1, 1]} : vector<512x2048xf32> to vector<8x2048xf32>
    %add3A_12 = arith.addf %add3A_10, %slice3A_11 : vector<8x2048xf32>
    %slice3A_13 = vector.extract_strided_slice %get3A_3 {offsets = [48, 0], sizes = [8, 2048], strides = [1, 1]} : vector<512x2048xf32> to vector<8x2048xf32>
    %add3A_14 = arith.addf %add3A_12, %slice3A_13 : vector<8x2048xf32>
    %slice3A_15 = vector.extract_strided_slice %get3A_3 {offsets = [56, 0], sizes = [8, 2048], strides = [1, 1]} : vector<512x2048xf32> to vector<8x2048xf32>
    %add3A_16 = arith.addf %add3A_14, %slice3A_15 : vector<8x2048xf32>
    %slice3A_17 = vector.extract_strided_slice %get3A_3 {offsets = [64, 0], sizes = [8, 2048], strides = [1, 1]} : vector<512x2048xf32> to vector<8x2048xf32>
    %add3A_18 = arith.addf %add3A_16, %slice3A_17 : vector<8x2048xf32>
    %slice3A_19 = vector.extract_strided_slice %get3A_3 {offsets = [72, 0], sizes = [8, 2048], strides = [1, 1]} : vector<512x2048xf32> to vector<8x2048xf32>
    %add3A_20 = arith.addf %add3A_18, %slice3A_19 : vector<8x2048xf32>
    %slice3A_21 = vector.extract_strided_slice %get3A_3 {offsets = [80, 0], sizes = [8, 2048], strides = [1, 1]} : vector<512x2048xf32> to vector<8x2048xf32>
    %add3A_22 = arith.addf %add3A_20, %slice3A_21 : vector<8x2048xf32>
    %slice3A_23 = vector.extract_strided_slice %get3A_3 {offsets = [88, 0], sizes = [8, 2048], strides = [1, 1]} : vector<512x2048xf32> to vector<8x2048xf32>
    %add3A_24 = arith.addf %add3A_22, %slice3A_23 : vector<8x2048xf32>
    %slice3A_25 = vector.extract_strided_slice %get3A_3 {offsets = [96, 0], sizes = [8, 2048], strides = [1, 1]} : vector<512x2048xf32> to vector<8x2048xf32>
    %add3A_26 = arith.addf %add3A_24, %slice3A_25 : vector<8x2048xf32>
    %slice3A_27 = vector.extract_strided_slice %get3A_3 {offsets = [104, 0], sizes = [8, 2048], strides = [1, 1]} : vector<512x2048xf32> to vector<8x2048xf32>
    %add3A_28 = arith.addf %add3A_26, %slice3A_27 : vector<8x2048xf32>
    %slice3A_29 = vector.extract_strided_slice %get3A_3 {offsets = [112, 0], sizes = [8, 2048], strides = [1, 1]} : vector<512x2048xf32> to vector<8x2048xf32>
    %add3A_30 = arith.addf %add3A_28, %slice3A_29 : vector<8x2048xf32>
    %slice3A_31 = vector.extract_strided_slice %get3A_3 {offsets = [120, 0], sizes = [8, 2048], strides = [1, 1]} : vector<512x2048xf32> to vector<8x2048xf32>
    %add3A_32 = arith.addf %add3A_30, %slice3A_31 : vector<8x2048xf32>
    %slice3A_33 = vector.extract_strided_slice %get3A_3 {offsets = [128, 0], sizes = [8, 2048], strides = [1, 1]} : vector<512x2048xf32> to vector<8x2048xf32>
    %add3A_34 = arith.addf %add3A_32, %slice3A_33 : vector<8x2048xf32>
    %slice3A_35 = vector.extract_strided_slice %get3A_3 {offsets = [136, 0], sizes = [8, 2048], strides = [1, 1]} : vector<512x2048xf32> to vector<8x2048xf32>
    %add3A_36 = arith.addf %add3A_34, %slice3A_35 : vector<8x2048xf32>
    %slice3A_37 = vector.extract_strided_slice %get3A_3 {offsets = [144, 0], sizes = [8, 2048], strides = [1, 1]} : vector<512x2048xf32> to vector<8x2048xf32>
    %add3A_38 = arith.addf %add3A_36, %slice3A_37 : vector<8x2048xf32>
    %slice3A_39 = vector.extract_strided_slice %get3A_3 {offsets = [152, 0], sizes = [8, 2048], strides = [1, 1]} : vector<512x2048xf32> to vector<8x2048xf32>
    %add3A_40 = arith.addf %add3A_38, %slice3A_39 : vector<8x2048xf32>
    %slice3A_41 = vector.extract_strided_slice %get3A_3 {offsets = [160, 0], sizes = [8, 2048], strides = [1, 1]} : vector<512x2048xf32> to vector<8x2048xf32>
    %add3A_42 = arith.addf %add3A_40, %slice3A_41 : vector<8x2048xf32>
    %slice3A_43 = vector.extract_strided_slice %get3A_3 {offsets = [168, 0], sizes = [8, 2048], strides = [1, 1]} : vector<512x2048xf32> to vector<8x2048xf32>
    %add3A_44 = arith.addf %add3A_42, %slice3A_43 : vector<8x2048xf32>
    %slice3A_45 = vector.extract_strided_slice %get3A_3 {offsets = [176, 0], sizes = [8, 2048], strides = [1, 1]} : vector<512x2048xf32> to vector<8x2048xf32>
    %add3A_46 = arith.addf %add3A_44, %slice3A_45 : vector<8x2048xf32>
    %slice3A_47 = vector.extract_strided_slice %get3A_3 {offsets = [184, 0], sizes = [8, 2048], strides = [1, 1]} : vector<512x2048xf32> to vector<8x2048xf32>
    %add3A_48 = arith.addf %add3A_46, %slice3A_47 : vector<8x2048xf32>
    %slice3A_49 = vector.extract_strided_slice %get3A_3 {offsets = [192, 0], sizes = [8, 2048], strides = [1, 1]} : vector<512x2048xf32> to vector<8x2048xf32>
    %add3A_50 = arith.addf %add3A_48, %slice3A_49 : vector<8x2048xf32>
    %slice3A_51 = vector.extract_strided_slice %get3A_3 {offsets = [200, 0], sizes = [8, 2048], strides = [1, 1]} : vector<512x2048xf32> to vector<8x2048xf32>
    %add3A_52 = arith.addf %add3A_50, %slice3A_51 : vector<8x2048xf32>
    %slice3A_53 = vector.extract_strided_slice %get3A_3 {offsets = [208, 0], sizes = [8, 2048], strides = [1, 1]} : vector<512x2048xf32> to vector<8x2048xf32>
    %add3A_54 = arith.addf %add3A_52, %slice3A_53 : vector<8x2048xf32>
    %slice3A_55 = vector.extract_strided_slice %get3A_3 {offsets = [216, 0], sizes = [8, 2048], strides = [1, 1]} : vector<512x2048xf32> to vector<8x2048xf32>
    %add3A_56 = arith.addf %add3A_54, %slice3A_55 : vector<8x2048xf32>
    %slice3A_57 = vector.extract_strided_slice %get3A_3 {offsets = [224, 0], sizes = [8, 2048], strides = [1, 1]} : vector<512x2048xf32> to vector<8x2048xf32>
    %add3A_58 = arith.addf %add3A_56, %slice3A_57 : vector<8x2048xf32>
    %slice3A_59 = vector.extract_strided_slice %get3A_3 {offsets = [232, 0], sizes = [8, 2048], strides = [1, 1]} : vector<512x2048xf32> to vector<8x2048xf32>
    %add3A_60 = arith.addf %add3A_58, %slice3A_59 : vector<8x2048xf32>
    %slice3A_61 = vector.extract_strided_slice %get3A_3 {offsets = [240, 0], sizes = [8, 2048], strides = [1, 1]} : vector<512x2048xf32> to vector<8x2048xf32>
    %add3A_62 = arith.addf %add3A_60, %slice3A_61 : vector<8x2048xf32>
    %slice3A_63 = vector.extract_strided_slice %get3A_3 {offsets = [248, 0], sizes = [8, 2048], strides = [1, 1]} : vector<512x2048xf32> to vector<8x2048xf32>
    %add3A_64 = arith.addf %add3A_62, %slice3A_63 : vector<8x2048xf32>
    %slice3A_65 = vector.extract_strided_slice %get3A_3 {offsets = [256, 0], sizes = [8, 2048], strides = [1, 1]} : vector<512x2048xf32> to vector<8x2048xf32>
    %add3A_66 = arith.addf %add3A_64, %slice3A_65 : vector<8x2048xf32>
    %slice3A_67 = vector.extract_strided_slice %get3A_3 {offsets = [264, 0], sizes = [8, 2048], strides = [1, 1]} : vector<512x2048xf32> to vector<8x2048xf32>
    %add3A_68 = arith.addf %add3A_66, %slice3A_67 : vector<8x2048xf32>
    %slice3A_69 = vector.extract_strided_slice %get3A_3 {offsets = [272, 0], sizes = [8, 2048], strides = [1, 1]} : vector<512x2048xf32> to vector<8x2048xf32>
    %add3A_70 = arith.addf %add3A_68, %slice3A_69 : vector<8x2048xf32>
    %slice3A_71 = vector.extract_strided_slice %get3A_3 {offsets = [280, 0], sizes = [8, 2048], strides = [1, 1]} : vector<512x2048xf32> to vector<8x2048xf32>
    %add3A_72 = arith.addf %add3A_70, %slice3A_71 : vector<8x2048xf32>
    %slice3A_73 = vector.extract_strided_slice %get3A_3 {offsets = [288, 0], sizes = [8, 2048], strides = [1, 1]} : vector<512x2048xf32> to vector<8x2048xf32>
    %add3A_74 = arith.addf %add3A_72, %slice3A_73 : vector<8x2048xf32>
    %slice3A_75 = vector.extract_strided_slice %get3A_3 {offsets = [296, 0], sizes = [8, 2048], strides = [1, 1]} : vector<512x2048xf32> to vector<8x2048xf32>
    %add3A_76 = arith.addf %add3A_74, %slice3A_75 : vector<8x2048xf32>
    %slice3A_77 = vector.extract_strided_slice %get3A_3 {offsets = [304, 0], sizes = [8, 2048], strides = [1, 1]} : vector<512x2048xf32> to vector<8x2048xf32>
    %add3A_78 = arith.addf %add3A_76, %slice3A_77 : vector<8x2048xf32>
    %slice3A_79 = vector.extract_strided_slice %get3A_3 {offsets = [312, 0], sizes = [8, 2048], strides = [1, 1]} : vector<512x2048xf32> to vector<8x2048xf32>
    %add3A_80 = arith.addf %add3A_78, %slice3A_79 : vector<8x2048xf32>
    %slice3A_81 = vector.extract_strided_slice %get3A_3 {offsets = [320, 0], sizes = [8, 2048], strides = [1, 1]} : vector<512x2048xf32> to vector<8x2048xf32>
    %add3A_82 = arith.addf %add3A_80, %slice3A_81 : vector<8x2048xf32>
    %slice3A_83 = vector.extract_strided_slice %get3A_3 {offsets = [328, 0], sizes = [8, 2048], strides = [1, 1]} : vector<512x2048xf32> to vector<8x2048xf32>
    %add3A_84 = arith.addf %add3A_82, %slice3A_83 : vector<8x2048xf32>
    %slice3A_85 = vector.extract_strided_slice %get3A_3 {offsets = [336, 0], sizes = [8, 2048], strides = [1, 1]} : vector<512x2048xf32> to vector<8x2048xf32>
    %add3A_86 = arith.addf %add3A_84, %slice3A_85 : vector<8x2048xf32>
    %slice3A_87 = vector.extract_strided_slice %get3A_3 {offsets = [344, 0], sizes = [8, 2048], strides = [1, 1]} : vector<512x2048xf32> to vector<8x2048xf32>
    %add3A_88 = arith.addf %add3A_86, %slice3A_87 : vector<8x2048xf32>
    %slice3A_89 = vector.extract_strided_slice %get3A_3 {offsets = [352, 0], sizes = [8, 2048], strides = [1, 1]} : vector<512x2048xf32> to vector<8x2048xf32>
    %add3A_90 = arith.addf %add3A_88, %slice3A_89 : vector<8x2048xf32>
    %slice3A_91 = vector.extract_strided_slice %get3A_3 {offsets = [360, 0], sizes = [8, 2048], strides = [1, 1]} : vector<512x2048xf32> to vector<8x2048xf32>
    %add3A_92 = arith.addf %add3A_90, %slice3A_91 : vector<8x2048xf32>
    %slice3A_93 = vector.extract_strided_slice %get3A_3 {offsets = [368, 0], sizes = [8, 2048], strides = [1, 1]} : vector<512x2048xf32> to vector<8x2048xf32>
    %add3A_94 = arith.addf %add3A_92, %slice3A_93 : vector<8x2048xf32>
    %slice3A_95 = vector.extract_strided_slice %get3A_3 {offsets = [376, 0], sizes = [8, 2048], strides = [1, 1]} : vector<512x2048xf32> to vector<8x2048xf32>
    %add3A_96 = arith.addf %add3A_94, %slice3A_95 : vector<8x2048xf32>
    %slice3A_97 = vector.extract_strided_slice %get3A_3 {offsets = [384, 0], sizes = [8, 2048], strides = [1, 1]} : vector<512x2048xf32> to vector<8x2048xf32>
    %add3A_98 = arith.addf %add3A_96, %slice3A_97 : vector<8x2048xf32>
    %slice3A_99 = vector.extract_strided_slice %get3A_3 {offsets = [392, 0], sizes = [8, 2048], strides = [1, 1]} : vector<512x2048xf32> to vector<8x2048xf32>
    %add3A_100 = arith.addf %add3A_98, %slice3A_99 : vector<8x2048xf32>
    %slice3A_101 = vector.extract_strided_slice %get3A_3 {offsets = [400, 0], sizes = [8, 2048], strides = [1, 1]} : vector<512x2048xf32> to vector<8x2048xf32>
    %add3A_102 = arith.addf %add3A_100, %slice3A_101 : vector<8x2048xf32>
    %slice3A_103 = vector.extract_strided_slice %get3A_3 {offsets = [408, 0], sizes = [8, 2048], strides = [1, 1]} : vector<512x2048xf32> to vector<8x2048xf32>
    %add3A_104 = arith.addf %add3A_102, %slice3A_103 : vector<8x2048xf32>
    %slice3A_105 = vector.extract_strided_slice %get3A_3 {offsets = [416, 0], sizes = [8, 2048], strides = [1, 1]} : vector<512x2048xf32> to vector<8x2048xf32>
    %add3A_106 = arith.addf %add3A_104, %slice3A_105 : vector<8x2048xf32>
    %slice3A_107 = vector.extract_strided_slice %get3A_3 {offsets = [424, 0], sizes = [8, 2048], strides = [1, 1]} : vector<512x2048xf32> to vector<8x2048xf32>
    %add3A_108 = arith.addf %add3A_106, %slice3A_107 : vector<8x2048xf32>
    %slice3A_109 = vector.extract_strided_slice %get3A_3 {offsets = [432, 0], sizes = [8, 2048], strides = [1, 1]} : vector<512x2048xf32> to vector<8x2048xf32>
    %add3A_110 = arith.addf %add3A_108, %slice3A_109 : vector<8x2048xf32>
    %slice3A_111 = vector.extract_strided_slice %get3A_3 {offsets = [440, 0], sizes = [8, 2048], strides = [1, 1]} : vector<512x2048xf32> to vector<8x2048xf32>
    %add3A_112 = arith.addf %add3A_110, %slice3A_111 : vector<8x2048xf32>
    %slice3A_113 = vector.extract_strided_slice %get3A_3 {offsets = [448, 0], sizes = [8, 2048], strides = [1, 1]} : vector<512x2048xf32> to vector<8x2048xf32>
    %add3A_114 = arith.addf %add3A_112, %slice3A_113 : vector<8x2048xf32>
    %slice3A_115 = vector.extract_strided_slice %get3A_3 {offsets = [456, 0], sizes = [8, 2048], strides = [1, 1]} : vector<512x2048xf32> to vector<8x2048xf32>
    %add3A_116 = arith.addf %add3A_114, %slice3A_115 : vector<8x2048xf32>
    %slice3A_117 = vector.extract_strided_slice %get3A_3 {offsets = [464, 0], sizes = [8, 2048], strides = [1, 1]} : vector<512x2048xf32> to vector<8x2048xf32>
    %add3A_118 = arith.addf %add3A_116, %slice3A_117 : vector<8x2048xf32>
    %slice3A_119 = vector.extract_strided_slice %get3A_3 {offsets = [472, 0], sizes = [8, 2048], strides = [1, 1]} : vector<512x2048xf32> to vector<8x2048xf32>
    %add3A_120 = arith.addf %add3A_118, %slice3A_119 : vector<8x2048xf32>
    %slice3A_121 = vector.extract_strided_slice %get3A_3 {offsets = [480, 0], sizes = [8, 2048], strides = [1, 1]} : vector<512x2048xf32> to vector<8x2048xf32>
    %add3A_122 = arith.addf %add3A_120, %slice3A_121 : vector<8x2048xf32>
    %slice3A_123 = vector.extract_strided_slice %get3A_3 {offsets = [488, 0], sizes = [8, 2048], strides = [1, 1]} : vector<512x2048xf32> to vector<8x2048xf32>
    %add3A_124 = arith.addf %add3A_122, %slice3A_123 : vector<8x2048xf32>
    %slice3A_125 = vector.extract_strided_slice %get3A_3 {offsets = [496, 0], sizes = [8, 2048], strides = [1, 1]} : vector<512x2048xf32> to vector<8x2048xf32>
    %add3A_126 = arith.addf %add3A_124, %slice3A_125 : vector<8x2048xf32>
    %slice3A_127 = vector.extract_strided_slice %get3A_3 {offsets = [504, 0], sizes = [8, 2048], strides = [1, 1]} : vector<512x2048xf32> to vector<8x2048xf32>
    %add3A_128 = arith.addf %add3A_126, %slice3A_127 : vector<8x2048xf32>
    %slice3A_129 = vector.extract_strided_slice %add3A_128 {offsets = [0, 0], sizes = [4, 2048], strides = [1, 1]} : vector<8x2048xf32> to vector<4x2048xf32>
    %slice3A_130 = vector.extract_strided_slice %add3A_128 {offsets = [4, 0], sizes = [4, 2048], strides = [1, 1]} : vector<8x2048xf32> to vector<4x2048xf32>
    %add3A_131 = arith.addf %slice3A_129, %slice3A_130 : vector<4x2048xf32>
    %slice3A_132 = vector.extract_strided_slice %add3A_131 {offsets = [0, 0], sizes = [2, 2048], strides = [1, 1]} : vector<4x2048xf32> to vector<2x2048xf32>
    %slice3A_133 = vector.extract_strided_slice %add3A_131 {offsets = [2, 0], sizes = [2, 2048], strides = [1, 1]} : vector<4x2048xf32> to vector<2x2048xf32>
    %add3A_134 = arith.addf %slice3A_132, %slice3A_133 : vector<2x2048xf32>
    %slice3A_135 = vector.extract_strided_slice %add3A_134 {offsets = [0, 0], sizes = [1, 2048], strides = [1, 1]} : vector<2x2048xf32> to vector<1x2048xf32>
    %slice3A_136 = vector.extract_strided_slice %add3A_134 {offsets = [1, 0], sizes = [1, 2048], strides = [1, 1]} : vector<2x2048xf32> to vector<1x2048xf32>
    %add3A_137 = arith.addf %slice3A_135, %slice3A_136 : vector<1x2048xf32>
    %eq3A = arith.constant 0 : i32
    %eq3A_138 = arith.cmpi eq, %arg1, %eq3A : i32
    %convert_element_type3A = arith.extui %eq3A_138 : i1 to i32
    %cond3A = arith.constant 0 : i32
    %cond3A_139 = arith.cmpi ne, %convert_element_type3A, %cond3A : i32
    scf.if %cond3A_139 {
      %swap3A_167 = arith.constant 0 : index
      %swap3A_168 = arith.constant 0 : index
      %swap3A_169 = vector.load %arg5[%swap3A_167, %swap3A_168] : memref<1x2048xf32, #tpu.memory_space<vmem>>, vector<1x2048xf32>
      tpu.vector_store %arg5[%swap3A_167, %swap3A_168], %add3A_137 {strides = array<i32>} : memref<1x2048xf32, #tpu.memory_space<vmem>>, vector<1x2048xf32>,
    } else {
    }
    %gt3A = arith.constant 0 : i32
    %gt3A_140 = arith.cmpi sgt, %arg1, %gt3A : i32
    %convert_element_type3A_141 = arith.extui %gt3A_140 : i1 to i32
    %cond3A_142 = arith.constant 0 : i32
    %cond3A_143 = arith.cmpi ne, %convert_element_type3A_141, %cond3A_142 : i32
    scf.if %cond3A_143 {
      %get3A_167 = arith.constant 0 : index
      %get3A_168 = arith.constant 0 : index
      %get3A_169 = vector.load %arg5[%get3A_167, %get3A_168] : memref<1x2048xf32, #tpu.memory_space<vmem>>, vector<1x2048xf32>
      %add3A_170 = arith.addf %get3A_169, %add3A_137 : vector<1x2048xf32>
      %swap3A_171 = arith.constant 0 : index
      %swap3A_172 = arith.constant 0 : index
      %swap3A_173 = vector.load %arg5[%swap3A_171, %swap3A_172] : memref<1x2048xf32, #tpu.memory_space<vmem>>, vector<1x2048xf32>
      tpu.vector_store %arg5[%swap3A_171, %swap3A_172], %add3A_170 {strides = array<i32>} : memref<1x2048xf32, #tpu.memory_space<vmem>>, vector<1x2048xf32>,
    } else {
    }
    %eq3A_144 = arith.constant 3 : i32
    %eq3A_145 = arith.cmpi eq, %arg1, %eq3A_144 : i32
    %convert_element_type3A_146 = arith.extui %eq3A_145 : i1 to i32
    %cond3A_147 = arith.constant 0 : i32
    %cond3A_148 = arith.cmpi ne, %convert_element_type3A_146, %cond3A_147 : i32
    scf.if %cond3A_148 {
      %get3A_167 = arith.constant 0 : index
      %get3A_168 = arith.constant 0 : index
      %get3A_169 = vector.load %arg5[%get3A_167, %get3A_168] : memref<1x2048xf32, #tpu.memory_space<vmem>>, vector<1x2048xf32>
      %swap3A_170 = arith.constant 0 : index
      %swap3A_171 = arith.constant 0 : index
      %swap3A_172 = arith.constant 0 : index
      %swap3A_173 = vector.load %arg3[%swap3A_170, %swap3A_171, %swap3A_172] : memref<1x1x2048xf32, #tpu.memory_space<vmem>>, vector<1x1x2048xf32>
      %swap3A_174 = vector.shape_cast %swap3A_173 : vector<1x1x2048xf32> to vector<1x2048xf32>
      %swap3A_175 = vector.shape_cast %get3A_169 : vector<1x2048xf32> to vector<1x1x2048xf32>
      tpu.vector_store %arg3[%swap3A_170, %swap3A_171, %swap3A_172], %swap3A_175 {strides = array<i32>} : memref<1x1x2048xf32, #tpu.memory_space<vmem>>, vector<1x1x2048xf32>,
    } else {
    }
    %reduce_sum3A = arith.constant dense<0.000000e+00> : vector<512xf32>
    %reduce_sum3A_149 = vector.multi_reduction <add>, %get3A_3, %reduce_sum3A [1] : vector<512x2048xf32> to vector<512xf32>
    %broadcast_in_dim3A = vector.shape_cast %reduce_sum3A_149 : vector<512xf32> to vector<512x1xf32>
    %add3A_150 = arith.constant 1.000000e-10 : f32
    %add3A_151 = vector.broadcast %add3A_150 : f32 to vector<512x1xf32>
    %add3A_152 = arith.addf %broadcast_in_dim3A, %add3A_151 : vector<512x1xf32>
    %div3A = vector.broadcast %add3A_152 : vector<512x1xf32> to vector<512x2048xf32>
    %div3A_153 = arith.divf %get3A_3, %div3A : vector<512x2048xf32>
    %add3A_154 = arith.constant 1.000000e-10 : f32
    %add3A_155 = vector.broadcast %add3A_154 : f32 to vector<512x2048xf32>
    %add3A_156 = arith.addf %div3A_153, %add3A_155 : vector<512x2048xf32>
    %log3A = math.log %add3A_156 : vector<512x2048xf32>
    %mul3A = arith.mulf %div3A_153, %log3A : vector<512x2048xf32>
    %reduce_sum3A_157 = arith.constant dense<0.000000e+00> : vector<512xf32>
    %reduce_sum3A_158 = vector.multi_reduction <add>, %mul3A, %reduce_sum3A_157 [1] : vector<512x2048xf32> to vector<512xf32>
    %broadcast_in_dim3A_159 = vector.shape_cast %reduce_sum3A_158 : vector<512xf32> to vector<512x1xf32>
    %neg3A = arith.constant 0.000000e+00 : f32
    %neg3A_160 = vector.broadcast %neg3A : f32 to vector<512x1xf32>
    %neg3A_161 = arith.subf %neg3A_160, %broadcast_in_dim3A_159 : vector<512x1xf32>
    %reshape3A = vector.shape_cast %neg3A_161 : vector<512x1xf32> to vector<1x512xf32>
    %swap3A = arith.constant 0 : index
    %swap3A_162 = arith.constant 0 : index
    %swap3A_163 = arith.constant 0 : index
    %swap3A_164 = vector.load %arg4[%swap3A, %swap3A_162, %swap3A_163] : memref<1x1x512xf32, #tpu.memory_space<vmem>>, vector<1x1x512xf32>
    %swap3A_165 = vector.shape_cast %swap3A_164 : vector<1x1x512xf32> to vector<1x512xf32>
    %swap3A_166 = vector.shape_cast %reshape3A : vector<1x512xf32> to vector<1x1x512xf32>
    tpu.vector_store %arg4[%swap3A, %swap3A_162, %swap3A_163], %swap3A_166 {strides = array<i32>} : memref<1x1x512xf32, #tpu.memory_space<vmem>>, vector<1x1x512xf32>,
    return
  }
  func.func @transform_0(%arg0: i32, %arg1: i32) -> (i32, i32, i32) {
    %c0_i32 = arith.constant 0 : i32
    %c0_i32_0 = arith.constant 0 : i32
    return %arg0, %arg1, %c0_i32 : i32, i32, i32
  }
  func.func @transform_1(%arg0: i32, %arg1: i32) -> (i32, i32, i32) {
    %c0_i32 = arith.constant 0 : i32
    %c0_i32_0 = arith.constant 0 : i32
    %c0_i32_1 = arith.constant 0 : i32
    return %arg0, %c0_i32, %c0_i32_0 : i32, i32, i32
  }
  func.func @transform_2(%arg0: i32, %arg1: i32) -> (i32, i32, i32) {
    %mul3A = arith.constant 4 : i32
    %mul3A_0 = arith.muli %arg0, %mul3A : i32
    %add3A = arith.addi %mul3A_0, %arg1 : i32
    %c0_i32 = arith.constant 0 : i32
    %c0_i32_1 = arith.constant 0 : i32
    %c0_i32_2 = arith.constant 0 : i32
    return %add3A, %c0_i32, %c0_i32_1 : i32, i32, i32
  }
}

module attributes {stable_mosaic.version = 14 : i64} {
  func.func @_rank_body(%arg0: memref<1x4096xf32, #tpu.memory_space<vmem>>, %arg1: memref<8x1x512xf32, #tpu.memory_space<vmem>>, %arg2: memref<1x2048xi32, #tpu.memory_space<vmem>>, %arg3: memref<1x2048xi32, #tpu.memory_space<vmem>>, %arg4: memref<1x2048xi32, #tpu.memory_space<vmem>>, %arg5: memref<1x1xf32, #tpu.memory_space<vmem>>, %arg6: memref<1x1xf32, #tpu.memory_space<vmem>>) attributes {dimension_semantics = [], scalar_prefetch = 0 : i64, scratch_operands = 0 : i64, tpu.core_type = #tpu.core_type<tc>} {
    %get3A = arith.constant 0 : index
    %get3A_0 = arith.constant 0 : index
    %get3A_1 = vector.load %arg0[%get3A, %get3A_0] : memref<1x4096xf32, #tpu.memory_space<vmem>>, vector<1x4096xf32>
    %reshape3A = vector.shape_cast %get3A_1 : vector<1x4096xf32> to vector<4096x1xf32>
    %iota3A = tpu.iota {dimensions = array<i32: 0>} : vector<256x256xi32>
    %iota3A_2 = tpu.iota {dimensions = array<i32: 1>} : vector<256x256xi32>
    %slice3A = vector.extract_strided_slice %get3A_1 {offsets = [0, 0], sizes = [1, 256], strides = [1, 1]} : vector<1x4096xf32> to vector<1x256xf32>
    %slice3A_3 = vector.extract_strided_slice %get3A_1 {offsets = [0, 256], sizes = [1, 256], strides = [1, 1]} : vector<1x4096xf32> to vector<1x256xf32>
    %slice3A_4 = vector.extract_strided_slice %get3A_1 {offsets = [0, 512], sizes = [1, 256], strides = [1, 1]} : vector<1x4096xf32> to vector<1x256xf32>
    %slice3A_5 = vector.extract_strided_slice %get3A_1 {offsets = [0, 768], sizes = [1, 256], strides = [1, 1]} : vector<1x4096xf32> to vector<1x256xf32>
    %slice3A_6 = vector.extract_strided_slice %get3A_1 {offsets = [0, 1024], sizes = [1, 256], strides = [1, 1]} : vector<1x4096xf32> to vector<1x256xf32>
    %slice3A_7 = vector.extract_strided_slice %get3A_1 {offsets = [0, 1280], sizes = [1, 256], strides = [1, 1]} : vector<1x4096xf32> to vector<1x256xf32>
    %slice3A_8 = vector.extract_strided_slice %get3A_1 {offsets = [0, 1536], sizes = [1, 256], strides = [1, 1]} : vector<1x4096xf32> to vector<1x256xf32>
    %slice3A_9 = vector.extract_strided_slice %get3A_1 {offsets = [0, 1792], sizes = [1, 256], strides = [1, 1]} : vector<1x4096xf32> to vector<1x256xf32>
    %slice3A_10 = vector.extract_strided_slice %get3A_1 {offsets = [0, 2048], sizes = [1, 256], strides = [1, 1]} : vector<1x4096xf32> to vector<1x256xf32>
    %slice3A_11 = vector.extract_strided_slice %get3A_1 {offsets = [0, 2304], sizes = [1, 256], strides = [1, 1]} : vector<1x4096xf32> to vector<1x256xf32>
    %slice3A_12 = vector.extract_strided_slice %get3A_1 {offsets = [0, 2560], sizes = [1, 256], strides = [1, 1]} : vector<1x4096xf32> to vector<1x256xf32>
    %slice3A_13 = vector.extract_strided_slice %get3A_1 {offsets = [0, 2816], sizes = [1, 256], strides = [1, 1]} : vector<1x4096xf32> to vector<1x256xf32>
    %slice3A_14 = vector.extract_strided_slice %get3A_1 {offsets = [0, 3072], sizes = [1, 256], strides = [1, 1]} : vector<1x4096xf32> to vector<1x256xf32>
    %slice3A_15 = vector.extract_strided_slice %get3A_1 {offsets = [0, 3328], sizes = [1, 256], strides = [1, 1]} : vector<1x4096xf32> to vector<1x256xf32>
    %slice3A_16 = vector.extract_strided_slice %get3A_1 {offsets = [0, 3584], sizes = [1, 256], strides = [1, 1]} : vector<1x4096xf32> to vector<1x256xf32>
    %slice3A_17 = vector.extract_strided_slice %get3A_1 {offsets = [0, 3840], sizes = [1, 256], strides = [1, 1]} : vector<1x4096xf32> to vector<1x256xf32>
    %slice3A_18 = vector.extract_strided_slice %reshape3A {offsets = [0, 0], sizes = [256, 1], strides = [1, 1]} : vector<4096x1xf32> to vector<256x1xf32>
    %slice3A_19 = vector.extract_strided_slice %reshape3A {offsets = [256, 0], sizes = [256, 1], strides = [1, 1]} : vector<4096x1xf32> to vector<256x1xf32>
    %slice3A_20 = vector.extract_strided_slice %reshape3A {offsets = [512, 0], sizes = [256, 1], strides = [1, 1]} : vector<4096x1xf32> to vector<256x1xf32>
    %slice3A_21 = vector.extract_strided_slice %reshape3A {offsets = [768, 0], sizes = [256, 1], strides = [1, 1]} : vector<4096x1xf32> to vector<256x1xf32>
    %slice3A_22 = vector.extract_strided_slice %reshape3A {offsets = [1024, 0], sizes = [256, 1], strides = [1, 1]} : vector<4096x1xf32> to vector<256x1xf32>
    %slice3A_23 = vector.extract_strided_slice %reshape3A {offsets = [1280, 0], sizes = [256, 1], strides = [1, 1]} : vector<4096x1xf32> to vector<256x1xf32>
    %slice3A_24 = vector.extract_strided_slice %reshape3A {offsets = [1536, 0], sizes = [256, 1], strides = [1, 1]} : vector<4096x1xf32> to vector<256x1xf32>
    %slice3A_25 = vector.extract_strided_slice %reshape3A {offsets = [1792, 0], sizes = [256, 1], strides = [1, 1]} : vector<4096x1xf32> to vector<256x1xf32>
    %slice3A_26 = vector.extract_strided_slice %reshape3A {offsets = [2048, 0], sizes = [256, 1], strides = [1, 1]} : vector<4096x1xf32> to vector<256x1xf32>
    %slice3A_27 = vector.extract_strided_slice %reshape3A {offsets = [2304, 0], sizes = [256, 1], strides = [1, 1]} : vector<4096x1xf32> to vector<256x1xf32>
    %slice3A_28 = vector.extract_strided_slice %reshape3A {offsets = [2560, 0], sizes = [256, 1], strides = [1, 1]} : vector<4096x1xf32> to vector<256x1xf32>
    %slice3A_29 = vector.extract_strided_slice %reshape3A {offsets = [2816, 0], sizes = [256, 1], strides = [1, 1]} : vector<4096x1xf32> to vector<256x1xf32>
    %slice3A_30 = vector.extract_strided_slice %reshape3A {offsets = [3072, 0], sizes = [256, 1], strides = [1, 1]} : vector<4096x1xf32> to vector<256x1xf32>
    %slice3A_31 = vector.extract_strided_slice %reshape3A {offsets = [3328, 0], sizes = [256, 1], strides = [1, 1]} : vector<4096x1xf32> to vector<256x1xf32>
    %slice3A_32 = vector.extract_strided_slice %reshape3A {offsets = [3584, 0], sizes = [256, 1], strides = [1, 1]} : vector<4096x1xf32> to vector<256x1xf32>
    %slice3A_33 = vector.extract_strided_slice %reshape3A {offsets = [3840, 0], sizes = [256, 1], strides = [1, 1]} : vector<4096x1xf32> to vector<256x1xf32>
    %gt3A = vector.broadcast %slice3A_18 : vector<256x1xf32> to vector<256x256xf32>
    %gt3A_34 = vector.broadcast %slice3A : vector<1x256xf32> to vector<256x256xf32>
    %gt3A_35 = arith.cmpf ogt, %gt3A, %gt3A_34 : vector<256x256xf32>
    %eq3A = vector.broadcast %slice3A_18 : vector<256x1xf32> to vector<256x256xf32>
    %eq3A_36 = vector.broadcast %slice3A : vector<1x256xf32> to vector<256x256xf32>
    %eq3A_37 = arith.cmpf oeq, %eq3A, %eq3A_36 : vector<256x256xf32>
    %lt3A = arith.cmpi slt, %iota3A, %iota3A_2 : vector<256x256xi32>
    %and3A = arith.andi %eq3A_37, %lt3A : vector<256x256xi1>
    %or3A = arith.ori %gt3A_35, %and3A : vector<256x256xi1>
    %convert_element_type3A = arith.extui %or3A : vector<256x256xi1> to vector<256x256xi32>
    %convert_element_type3A_38 = arith.sitofp %convert_element_type3A : vector<256x256xi32> to vector<256x256xf32>
    %reduce_sum3A = arith.constant dense<0.000000e+00> : vector<256xf32>
    %reduce_sum3A_39 = vector.multi_reduction <add>, %convert_element_type3A_38, %reduce_sum3A [0] : vector<256x256xf32> to vector<256xf32>
    %broadcast_in_dim3A = vector.shape_cast %reduce_sum3A_39 : vector<256xf32> to vector<1x256xf32>
    %gt3A_40 = vector.broadcast %slice3A_19 : vector<256x1xf32> to vector<256x256xf32>
    %gt3A_41 = vector.broadcast %slice3A_3 : vector<1x256xf32> to vector<256x256xf32>
    %gt3A_42 = arith.cmpf ogt, %gt3A_40, %gt3A_41 : vector<256x256xf32>
    %eq3A_43 = vector.broadcast %slice3A_19 : vector<256x1xf32> to vector<256x256xf32>
    %eq3A_44 = vector.broadcast %slice3A_3 : vector<1x256xf32> to vector<256x256xf32>
    %eq3A_45 = arith.cmpf oeq, %eq3A_43, %eq3A_44 : vector<256x256xf32>
    %lt3A_46 = arith.cmpi slt, %iota3A, %iota3A_2 : vector<256x256xi32>
    %and3A_47 = arith.andi %eq3A_45, %lt3A_46 : vector<256x256xi1>
    %or3A_48 = arith.ori %gt3A_42, %and3A_47 : vector<256x256xi1>
    %convert_element_type3A_49 = arith.extui %or3A_48 : vector<256x256xi1> to vector<256x256xi32>
    %convert_element_type3A_50 = arith.sitofp %convert_element_type3A_49 : vector<256x256xi32> to vector<256x256xf32>
    %reduce_sum3A_51 = arith.constant dense<0.000000e+00> : vector<256xf32>
    %reduce_sum3A_52 = vector.multi_reduction <add>, %convert_element_type3A_50, %reduce_sum3A_51 [0] : vector<256x256xf32> to vector<256xf32>
    %broadcast_in_dim3A_53 = vector.shape_cast %reduce_sum3A_52 : vector<256xf32> to vector<1x256xf32>
    %gt3A_54 = vector.broadcast %slice3A_20 : vector<256x1xf32> to vector<256x256xf32>
    %gt3A_55 = vector.broadcast %slice3A_4 : vector<1x256xf32> to vector<256x256xf32>
    %gt3A_56 = arith.cmpf ogt, %gt3A_54, %gt3A_55 : vector<256x256xf32>
    %eq3A_57 = vector.broadcast %slice3A_20 : vector<256x1xf32> to vector<256x256xf32>
    %eq3A_58 = vector.broadcast %slice3A_4 : vector<1x256xf32> to vector<256x256xf32>
    %eq3A_59 = arith.cmpf oeq, %eq3A_57, %eq3A_58 : vector<256x256xf32>
    %lt3A_60 = arith.cmpi slt, %iota3A, %iota3A_2 : vector<256x256xi32>
    %and3A_61 = arith.andi %eq3A_59, %lt3A_60 : vector<256x256xi1>
    %or3A_62 = arith.ori %gt3A_56, %and3A_61 : vector<256x256xi1>
    %convert_element_type3A_63 = arith.extui %or3A_62 : vector<256x256xi1> to vector<256x256xi32>
    %convert_element_type3A_64 = arith.sitofp %convert_element_type3A_63 : vector<256x256xi32> to vector<256x256xf32>
    %reduce_sum3A_65 = arith.constant dense<0.000000e+00> : vector<256xf32>
    %reduce_sum3A_66 = vector.multi_reduction <add>, %convert_element_type3A_64, %reduce_sum3A_65 [0] : vector<256x256xf32> to vector<256xf32>
    %broadcast_in_dim3A_67 = vector.shape_cast %reduce_sum3A_66 : vector<256xf32> to vector<1x256xf32>
    %gt3A_68 = vector.broadcast %slice3A_21 : vector<256x1xf32> to vector<256x256xf32>
    %gt3A_69 = vector.broadcast %slice3A_5 : vector<1x256xf32> to vector<256x256xf32>
    %gt3A_70 = arith.cmpf ogt, %gt3A_68, %gt3A_69 : vector<256x256xf32>
    %eq3A_71 = vector.broadcast %slice3A_21 : vector<256x1xf32> to vector<256x256xf32>
    %eq3A_72 = vector.broadcast %slice3A_5 : vector<1x256xf32> to vector<256x256xf32>
    %eq3A_73 = arith.cmpf oeq, %eq3A_71, %eq3A_72 : vector<256x256xf32>
    %lt3A_74 = arith.cmpi slt, %iota3A, %iota3A_2 : vector<256x256xi32>
    %and3A_75 = arith.andi %eq3A_73, %lt3A_74 : vector<256x256xi1>
    %or3A_76 = arith.ori %gt3A_70, %and3A_75 : vector<256x256xi1>
    %convert_element_type3A_77 = arith.extui %or3A_76 : vector<256x256xi1> to vector<256x256xi32>
    %convert_element_type3A_78 = arith.sitofp %convert_element_type3A_77 : vector<256x256xi32> to vector<256x256xf32>
    %reduce_sum3A_79 = arith.constant dense<0.000000e+00> : vector<256xf32>
    %reduce_sum3A_80 = vector.multi_reduction <add>, %convert_element_type3A_78, %reduce_sum3A_79 [0] : vector<256x256xf32> to vector<256xf32>
    %broadcast_in_dim3A_81 = vector.shape_cast %reduce_sum3A_80 : vector<256xf32> to vector<1x256xf32>
    %gt3A_82 = vector.broadcast %slice3A_22 : vector<256x1xf32> to vector<256x256xf32>
    %gt3A_83 = vector.broadcast %slice3A_6 : vector<1x256xf32> to vector<256x256xf32>
    %gt3A_84 = arith.cmpf ogt, %gt3A_82, %gt3A_83 : vector<256x256xf32>
    %eq3A_85 = vector.broadcast %slice3A_22 : vector<256x1xf32> to vector<256x256xf32>
    %eq3A_86 = vector.broadcast %slice3A_6 : vector<1x256xf32> to vector<256x256xf32>
    %eq3A_87 = arith.cmpf oeq, %eq3A_85, %eq3A_86 : vector<256x256xf32>
    %lt3A_88 = arith.cmpi slt, %iota3A, %iota3A_2 : vector<256x256xi32>
    %and3A_89 = arith.andi %eq3A_87, %lt3A_88 : vector<256x256xi1>
    %or3A_90 = arith.ori %gt3A_84, %and3A_89 : vector<256x256xi1>
    %convert_element_type3A_91 = arith.extui %or3A_90 : vector<256x256xi1> to vector<256x256xi32>
    %convert_element_type3A_92 = arith.sitofp %convert_element_type3A_91 : vector<256x256xi32> to vector<256x256xf32>
    %reduce_sum3A_93 = arith.constant dense<0.000000e+00> : vector<256xf32>
    %reduce_sum3A_94 = vector.multi_reduction <add>, %convert_element_type3A_92, %reduce_sum3A_93 [0] : vector<256x256xf32> to vector<256xf32>
    %broadcast_in_dim3A_95 = vector.shape_cast %reduce_sum3A_94 : vector<256xf32> to vector<1x256xf32>
    %gt3A_96 = vector.broadcast %slice3A_23 : vector<256x1xf32> to vector<256x256xf32>
    %gt3A_97 = vector.broadcast %slice3A_7 : vector<1x256xf32> to vector<256x256xf32>
    %gt3A_98 = arith.cmpf ogt, %gt3A_96, %gt3A_97 : vector<256x256xf32>
    %eq3A_99 = vector.broadcast %slice3A_23 : vector<256x1xf32> to vector<256x256xf32>
    %eq3A_100 = vector.broadcast %slice3A_7 : vector<1x256xf32> to vector<256x256xf32>
    %eq3A_101 = arith.cmpf oeq, %eq3A_99, %eq3A_100 : vector<256x256xf32>
    %lt3A_102 = arith.cmpi slt, %iota3A, %iota3A_2 : vector<256x256xi32>
    %and3A_103 = arith.andi %eq3A_101, %lt3A_102 : vector<256x256xi1>
    %or3A_104 = arith.ori %gt3A_98, %and3A_103 : vector<256x256xi1>
    %convert_element_type3A_105 = arith.extui %or3A_104 : vector<256x256xi1> to vector<256x256xi32>
    %convert_element_type3A_106 = arith.sitofp %convert_element_type3A_105 : vector<256x256xi32> to vector<256x256xf32>
    %reduce_sum3A_107 = arith.constant dense<0.000000e+00> : vector<256xf32>
    %reduce_sum3A_108 = vector.multi_reduction <add>, %convert_element_type3A_106, %reduce_sum3A_107 [0] : vector<256x256xf32> to vector<256xf32>
    %broadcast_in_dim3A_109 = vector.shape_cast %reduce_sum3A_108 : vector<256xf32> to vector<1x256xf32>
    %gt3A_110 = vector.broadcast %slice3A_24 : vector<256x1xf32> to vector<256x256xf32>
    %gt3A_111 = vector.broadcast %slice3A_8 : vector<1x256xf32> to vector<256x256xf32>
    %gt3A_112 = arith.cmpf ogt, %gt3A_110, %gt3A_111 : vector<256x256xf32>
    %eq3A_113 = vector.broadcast %slice3A_24 : vector<256x1xf32> to vector<256x256xf32>
    %eq3A_114 = vector.broadcast %slice3A_8 : vector<1x256xf32> to vector<256x256xf32>
    %eq3A_115 = arith.cmpf oeq, %eq3A_113, %eq3A_114 : vector<256x256xf32>
    %lt3A_116 = arith.cmpi slt, %iota3A, %iota3A_2 : vector<256x256xi32>
    %and3A_117 = arith.andi %eq3A_115, %lt3A_116 : vector<256x256xi1>
    %or3A_118 = arith.ori %gt3A_112, %and3A_117 : vector<256x256xi1>
    %convert_element_type3A_119 = arith.extui %or3A_118 : vector<256x256xi1> to vector<256x256xi32>
    %convert_element_type3A_120 = arith.sitofp %convert_element_type3A_119 : vector<256x256xi32> to vector<256x256xf32>
    %reduce_sum3A_121 = arith.constant dense<0.000000e+00> : vector<256xf32>
    %reduce_sum3A_122 = vector.multi_reduction <add>, %convert_element_type3A_120, %reduce_sum3A_121 [0] : vector<256x256xf32> to vector<256xf32>
    %broadcast_in_dim3A_123 = vector.shape_cast %reduce_sum3A_122 : vector<256xf32> to vector<1x256xf32>
    %gt3A_124 = vector.broadcast %slice3A_25 : vector<256x1xf32> to vector<256x256xf32>
    %gt3A_125 = vector.broadcast %slice3A_9 : vector<1x256xf32> to vector<256x256xf32>
    %gt3A_126 = arith.cmpf ogt, %gt3A_124, %gt3A_125 : vector<256x256xf32>
    %eq3A_127 = vector.broadcast %slice3A_25 : vector<256x1xf32> to vector<256x256xf32>
    %eq3A_128 = vector.broadcast %slice3A_9 : vector<1x256xf32> to vector<256x256xf32>
    %eq3A_129 = arith.cmpf oeq, %eq3A_127, %eq3A_128 : vector<256x256xf32>
    %lt3A_130 = arith.cmpi slt, %iota3A, %iota3A_2 : vector<256x256xi32>
    %and3A_131 = arith.andi %eq3A_129, %lt3A_130 : vector<256x256xi1>
    %or3A_132 = arith.ori %gt3A_126, %and3A_131 : vector<256x256xi1>
    %convert_element_type3A_133 = arith.extui %or3A_132 : vector<256x256xi1> to vector<256x256xi32>
    %convert_element_type3A_134 = arith.sitofp %convert_element_type3A_133 : vector<256x256xi32> to vector<256x256xf32>
    %reduce_sum3A_135 = arith.constant dense<0.000000e+00> : vector<256xf32>
    %reduce_sum3A_136 = vector.multi_reduction <add>, %convert_element_type3A_134, %reduce_sum3A_135 [0] : vector<256x256xf32> to vector<256xf32>
    %broadcast_in_dim3A_137 = vector.shape_cast %reduce_sum3A_136 : vector<256xf32> to vector<1x256xf32>
    %gt3A_138 = vector.broadcast %slice3A_26 : vector<256x1xf32> to vector<256x256xf32>
    %gt3A_139 = vector.broadcast %slice3A_10 : vector<1x256xf32> to vector<256x256xf32>
    %gt3A_140 = arith.cmpf ogt, %gt3A_138, %gt3A_139 : vector<256x256xf32>
    %eq3A_141 = vector.broadcast %slice3A_26 : vector<256x1xf32> to vector<256x256xf32>
    %eq3A_142 = vector.broadcast %slice3A_10 : vector<1x256xf32> to vector<256x256xf32>
    %eq3A_143 = arith.cmpf oeq, %eq3A_141, %eq3A_142 : vector<256x256xf32>
    %lt3A_144 = arith.cmpi slt, %iota3A, %iota3A_2 : vector<256x256xi32>
    %and3A_145 = arith.andi %eq3A_143, %lt3A_144 : vector<256x256xi1>
    %or3A_146 = arith.ori %gt3A_140, %and3A_145 : vector<256x256xi1>
    %convert_element_type3A_147 = arith.extui %or3A_146 : vector<256x256xi1> to vector<256x256xi32>
    %convert_element_type3A_148 = arith.sitofp %convert_element_type3A_147 : vector<256x256xi32> to vector<256x256xf32>
    %reduce_sum3A_149 = arith.constant dense<0.000000e+00> : vector<256xf32>
    %reduce_sum3A_150 = vector.multi_reduction <add>, %convert_element_type3A_148, %reduce_sum3A_149 [0] : vector<256x256xf32> to vector<256xf32>
    %broadcast_in_dim3A_151 = vector.shape_cast %reduce_sum3A_150 : vector<256xf32> to vector<1x256xf32>
    %gt3A_152 = vector.broadcast %slice3A_27 : vector<256x1xf32> to vector<256x256xf32>
    %gt3A_153 = vector.broadcast %slice3A_11 : vector<1x256xf32> to vector<256x256xf32>
    %gt3A_154 = arith.cmpf ogt, %gt3A_152, %gt3A_153 : vector<256x256xf32>
    %eq3A_155 = vector.broadcast %slice3A_27 : vector<256x1xf32> to vector<256x256xf32>
    %eq3A_156 = vector.broadcast %slice3A_11 : vector<1x256xf32> to vector<256x256xf32>
    %eq3A_157 = arith.cmpf oeq, %eq3A_155, %eq3A_156 : vector<256x256xf32>
    %lt3A_158 = arith.cmpi slt, %iota3A, %iota3A_2 : vector<256x256xi32>
    %and3A_159 = arith.andi %eq3A_157, %lt3A_158 : vector<256x256xi1>
    %or3A_160 = arith.ori %gt3A_154, %and3A_159 : vector<256x256xi1>
    %convert_element_type3A_161 = arith.extui %or3A_160 : vector<256x256xi1> to vector<256x256xi32>
    %convert_element_type3A_162 = arith.sitofp %convert_element_type3A_161 : vector<256x256xi32> to vector<256x256xf32>
    %reduce_sum3A_163 = arith.constant dense<0.000000e+00> : vector<256xf32>
    %reduce_sum3A_164 = vector.multi_reduction <add>, %convert_element_type3A_162, %reduce_sum3A_163 [0] : vector<256x256xf32> to vector<256xf32>
    %broadcast_in_dim3A_165 = vector.shape_cast %reduce_sum3A_164 : vector<256xf32> to vector<1x256xf32>
    %gt3A_166 = vector.broadcast %slice3A_28 : vector<256x1xf32> to vector<256x256xf32>
    %gt3A_167 = vector.broadcast %slice3A_12 : vector<1x256xf32> to vector<256x256xf32>
    %gt3A_168 = arith.cmpf ogt, %gt3A_166, %gt3A_167 : vector<256x256xf32>
    %eq3A_169 = vector.broadcast %slice3A_28 : vector<256x1xf32> to vector<256x256xf32>
    %eq3A_170 = vector.broadcast %slice3A_12 : vector<1x256xf32> to vector<256x256xf32>
    %eq3A_171 = arith.cmpf oeq, %eq3A_169, %eq3A_170 : vector<256x256xf32>
    %lt3A_172 = arith.cmpi slt, %iota3A, %iota3A_2 : vector<256x256xi32>
    %and3A_173 = arith.andi %eq3A_171, %lt3A_172 : vector<256x256xi1>
    %or3A_174 = arith.ori %gt3A_168, %and3A_173 : vector<256x256xi1>
    %convert_element_type3A_175 = arith.extui %or3A_174 : vector<256x256xi1> to vector<256x256xi32>
    %convert_element_type3A_176 = arith.sitofp %convert_element_type3A_175 : vector<256x256xi32> to vector<256x256xf32>
    %reduce_sum3A_177 = arith.constant dense<0.000000e+00> : vector<256xf32>
    %reduce_sum3A_178 = vector.multi_reduction <add>, %convert_element_type3A_176, %reduce_sum3A_177 [0] : vector<256x256xf32> to vector<256xf32>
    %broadcast_in_dim3A_179 = vector.shape_cast %reduce_sum3A_178 : vector<256xf32> to vector<1x256xf32>
    %gt3A_180 = vector.broadcast %slice3A_29 : vector<256x1xf32> to vector<256x256xf32>
    %gt3A_181 = vector.broadcast %slice3A_13 : vector<1x256xf32> to vector<256x256xf32>
    %gt3A_182 = arith.cmpf ogt, %gt3A_180, %gt3A_181 : vector<256x256xf32>
    %eq3A_183 = vector.broadcast %slice3A_29 : vector<256x1xf32> to vector<256x256xf32>
    %eq3A_184 = vector.broadcast %slice3A_13 : vector<1x256xf32> to vector<256x256xf32>
    %eq3A_185 = arith.cmpf oeq, %eq3A_183, %eq3A_184 : vector<256x256xf32>
    %lt3A_186 = arith.cmpi slt, %iota3A, %iota3A_2 : vector<256x256xi32>
    %and3A_187 = arith.andi %eq3A_185, %lt3A_186 : vector<256x256xi1>
    %or3A_188 = arith.ori %gt3A_182, %and3A_187 : vector<256x256xi1>
    %convert_element_type3A_189 = arith.extui %or3A_188 : vector<256x256xi1> to vector<256x256xi32>
    %convert_element_type3A_190 = arith.sitofp %convert_element_type3A_189 : vector<256x256xi32> to vector<256x256xf32>
    %reduce_sum3A_191 = arith.constant dense<0.000000e+00> : vector<256xf32>
    %reduce_sum3A_192 = vector.multi_reduction <add>, %convert_element_type3A_190, %reduce_sum3A_191 [0] : vector<256x256xf32> to vector<256xf32>
    %broadcast_in_dim3A_193 = vector.shape_cast %reduce_sum3A_192 : vector<256xf32> to vector<1x256xf32>
    %gt3A_194 = vector.broadcast %slice3A_30 : vector<256x1xf32> to vector<256x256xf32>
    %gt3A_195 = vector.broadcast %slice3A_14 : vector<1x256xf32> to vector<256x256xf32>
    %gt3A_196 = arith.cmpf ogt, %gt3A_194, %gt3A_195 : vector<256x256xf32>
    %eq3A_197 = vector.broadcast %slice3A_30 : vector<256x1xf32> to vector<256x256xf32>
    %eq3A_198 = vector.broadcast %slice3A_14 : vector<1x256xf32> to vector<256x256xf32>
    %eq3A_199 = arith.cmpf oeq, %eq3A_197, %eq3A_198 : vector<256x256xf32>
    %lt3A_200 = arith.cmpi slt, %iota3A, %iota3A_2 : vector<256x256xi32>
    %and3A_201 = arith.andi %eq3A_199, %lt3A_200 : vector<256x256xi1>
    %or3A_202 = arith.ori %gt3A_196, %and3A_201 : vector<256x256xi1>
    %convert_element_type3A_203 = arith.extui %or3A_202 : vector<256x256xi1> to vector<256x256xi32>
    %convert_element_type3A_204 = arith.sitofp %convert_element_type3A_203 : vector<256x256xi32> to vector<256x256xf32>
    %reduce_sum3A_205 = arith.constant dense<0.000000e+00> : vector<256xf32>
    %reduce_sum3A_206 = vector.multi_reduction <add>, %convert_element_type3A_204, %reduce_sum3A_205 [0] : vector<256x256xf32> to vector<256xf32>
    %broadcast_in_dim3A_207 = vector.shape_cast %reduce_sum3A_206 : vector<256xf32> to vector<1x256xf32>
    %gt3A_208 = vector.broadcast %slice3A_31 : vector<256x1xf32> to vector<256x256xf32>
    %gt3A_209 = vector.broadcast %slice3A_15 : vector<1x256xf32> to vector<256x256xf32>
    %gt3A_210 = arith.cmpf ogt, %gt3A_208, %gt3A_209 : vector<256x256xf32>
    %eq3A_211 = vector.broadcast %slice3A_31 : vector<256x1xf32> to vector<256x256xf32>
    %eq3A_212 = vector.broadcast %slice3A_15 : vector<1x256xf32> to vector<256x256xf32>
    %eq3A_213 = arith.cmpf oeq, %eq3A_211, %eq3A_212 : vector<256x256xf32>
    %lt3A_214 = arith.cmpi slt, %iota3A, %iota3A_2 : vector<256x256xi32>
    %and3A_215 = arith.andi %eq3A_213, %lt3A_214 : vector<256x256xi1>
    %or3A_216 = arith.ori %gt3A_210, %and3A_215 : vector<256x256xi1>
    %convert_element_type3A_217 = arith.extui %or3A_216 : vector<256x256xi1> to vector<256x256xi32>
    %convert_element_type3A_218 = arith.sitofp %convert_element_type3A_217 : vector<256x256xi32> to vector<256x256xf32>
    %reduce_sum3A_219 = arith.constant dense<0.000000e+00> : vector<256xf32>
    %reduce_sum3A_220 = vector.multi_reduction <add>, %convert_element_type3A_218, %reduce_sum3A_219 [0] : vector<256x256xf32> to vector<256xf32>
    %broadcast_in_dim3A_221 = vector.shape_cast %reduce_sum3A_220 : vector<256xf32> to vector<1x256xf32>
    %gt3A_222 = vector.broadcast %slice3A_32 : vector<256x1xf32> to vector<256x256xf32>
    %gt3A_223 = vector.broadcast %slice3A_16 : vector<1x256xf32> to vector<256x256xf32>
    %gt3A_224 = arith.cmpf ogt, %gt3A_222, %gt3A_223 : vector<256x256xf32>
    %eq3A_225 = vector.broadcast %slice3A_32 : vector<256x1xf32> to vector<256x256xf32>
    %eq3A_226 = vector.broadcast %slice3A_16 : vector<1x256xf32> to vector<256x256xf32>
    %eq3A_227 = arith.cmpf oeq, %eq3A_225, %eq3A_226 : vector<256x256xf32>
    %lt3A_228 = arith.cmpi slt, %iota3A, %iota3A_2 : vector<256x256xi32>
    %and3A_229 = arith.andi %eq3A_227, %lt3A_228 : vector<256x256xi1>
    %or3A_230 = arith.ori %gt3A_224, %and3A_229 : vector<256x256xi1>
    %convert_element_type3A_231 = arith.extui %or3A_230 : vector<256x256xi1> to vector<256x256xi32>
    %convert_element_type3A_232 = arith.sitofp %convert_element_type3A_231 : vector<256x256xi32> to vector<256x256xf32>
    %reduce_sum3A_233 = arith.constant dense<0.000000e+00> : vector<256xf32>
    %reduce_sum3A_234 = vector.multi_reduction <add>, %convert_element_type3A_232, %reduce_sum3A_233 [0] : vector<256x256xf32> to vector<256xf32>
    %broadcast_in_dim3A_235 = vector.shape_cast %reduce_sum3A_234 : vector<256xf32> to vector<1x256xf32>
    %gt3A_236 = vector.broadcast %slice3A_33 : vector<256x1xf32> to vector<256x256xf32>
    %gt3A_237 = vector.broadcast %slice3A_17 : vector<1x256xf32> to vector<256x256xf32>
    %gt3A_238 = arith.cmpf ogt, %gt3A_236, %gt3A_237 : vector<256x256xf32>
    %eq3A_239 = vector.broadcast %slice3A_33 : vector<256x1xf32> to vector<256x256xf32>
    %eq3A_240 = vector.broadcast %slice3A_17 : vector<1x256xf32> to vector<256x256xf32>
    %eq3A_241 = arith.cmpf oeq, %eq3A_239, %eq3A_240 : vector<256x256xf32>
    %lt3A_242 = arith.cmpi slt, %iota3A, %iota3A_2 : vector<256x256xi32>
    %and3A_243 = arith.andi %eq3A_241, %lt3A_242 : vector<256x256xi1>
    %or3A_244 = arith.ori %gt3A_238, %and3A_243 : vector<256x256xi1>
    %convert_element_type3A_245 = arith.extui %or3A_244 : vector<256x256xi1> to vector<256x256xi32>
    %convert_element_type3A_246 = arith.sitofp %convert_element_type3A_245 : vector<256x256xi32> to vector<256x256xf32>
    %reduce_sum3A_247 = arith.constant dense<0.000000e+00> : vector<256xf32>
    %reduce_sum3A_248 = vector.multi_reduction <add>, %convert_element_type3A_246, %reduce_sum3A_247 [0] : vector<256x256xf32> to vector<256xf32>
    %broadcast_in_dim3A_249 = vector.shape_cast %reduce_sum3A_248 : vector<256xf32> to vector<1x256xf32>
    %gt3A_250 = vector.broadcast %slice3A_19 : vector<256x1xf32> to vector<256x256xf32>
    %gt3A_251 = vector.broadcast %slice3A : vector<1x256xf32> to vector<256x256xf32>
    %gt3A_252 = arith.cmpf ogt, %gt3A_250, %gt3A_251 : vector<256x256xf32>
    %convert_element_type3A_253 = arith.extui %gt3A_252 : vector<256x256xi1> to vector<256x256xi32>
    %convert_element_type3A_254 = arith.sitofp %convert_element_type3A_253 : vector<256x256xi32> to vector<256x256xf32>
    %reduce_sum3A_255 = arith.constant dense<0.000000e+00> : vector<256xf32>
    %reduce_sum3A_256 = vector.multi_reduction <add>, %convert_element_type3A_254, %reduce_sum3A_255 [0] : vector<256x256xf32> to vector<256xf32>
    %broadcast_in_dim3A_257 = vector.shape_cast %reduce_sum3A_256 : vector<256xf32> to vector<1x256xf32>
    %add3A = arith.addf %broadcast_in_dim3A, %broadcast_in_dim3A_257 : vector<1x256xf32>
    %reduce_sum3A_258 = arith.constant dense<0.000000e+00> : vector<256xf32>
    %reduce_sum3A_259 = vector.multi_reduction <add>, %convert_element_type3A_254, %reduce_sum3A_258 [1] : vector<256x256xf32> to vector<256xf32>
    %broadcast_in_dim3A_260 = vector.shape_cast %reduce_sum3A_259 : vector<256xf32> to vector<256x1xf32>
    %reshape3A_261 = vector.shape_cast %broadcast_in_dim3A_260 : vector<256x1xf32> to vector<1x256xf32>
    %sub3A = arith.constant 2.560000e+02 : f32
    %sub3A_262 = vector.broadcast %sub3A : f32 to vector<1x256xf32>
    %sub3A_263 = arith.subf %sub3A_262, %reshape3A_261 : vector<1x256xf32>
    %add3A_264 = arith.addf %broadcast_in_dim3A_53, %sub3A_263 : vector<1x256xf32>
    %gt3A_265 = vector.broadcast %slice3A_20 : vector<256x1xf32> to vector<256x256xf32>
    %gt3A_266 = vector.broadcast %slice3A : vector<1x256xf32> to vector<256x256xf32>
    %gt3A_267 = arith.cmpf ogt, %gt3A_265, %gt3A_266 : vector<256x256xf32>
    %convert_element_type3A_268 = arith.extui %gt3A_267 : vector<256x256xi1> to vector<256x256xi32>
    %convert_element_type3A_269 = arith.sitofp %convert_element_type3A_268 : vector<256x256xi32> to vector<256x256xf32>
    %reduce_sum3A_270 = arith.constant dense<0.000000e+00> : vector<256xf32>
    %reduce_sum3A_271 = vector.multi_reduction <add>, %convert_element_type3A_269, %reduce_sum3A_270 [0] : vector<256x256xf32> to vector<256xf32>
    %broadcast_in_dim3A_272 = vector.shape_cast %reduce_sum3A_271 : vector<256xf32> to vector<1x256xf32>
    %add3A_273 = arith.addf %add3A, %broadcast_in_dim3A_272 : vector<1x256xf32>
    %reduce_sum3A_274 = arith.constant dense<0.000000e+00> : vector<256xf32>
    %reduce_sum3A_275 = vector.multi_reduction <add>, %convert_element_type3A_269, %reduce_sum3A_274 [1] : vector<256x256xf32> to vector<256xf32>
    %broadcast_in_dim3A_276 = vector.shape_cast %reduce_sum3A_275 : vector<256xf32> to vector<256x1xf32>
    %reshape3A_277 = vector.shape_cast %broadcast_in_dim3A_276 : vector<256x1xf32> to vector<1x256xf32>
    %sub3A_278 = arith.constant 2.560000e+02 : f32
    %sub3A_279 = vector.broadcast %sub3A_278 : f32 to vector<1x256xf32>
    %sub3A_280 = arith.subf %sub3A_279, %reshape3A_277 : vector<1x256xf32>
    %add3A_281 = arith.addf %broadcast_in_dim3A_67, %sub3A_280 : vector<1x256xf32>
    %gt3A_282 = vector.broadcast %slice3A_21 : vector<256x1xf32> to vector<256x256xf32>
    %gt3A_283 = vector.broadcast %slice3A : vector<1x256xf32> to vector<256x256xf32>
    %gt3A_284 = arith.cmpf ogt, %gt3A_282, %gt3A_283 : vector<256x256xf32>
    %convert_element_type3A_285 = arith.extui %gt3A_284 : vector<256x256xi1> to vector<256x256xi32>
    %convert_element_type3A_286 = arith.sitofp %convert_element_type3A_285 : vector<256x256xi32> to vector<256x256xf32>
    %reduce_sum3A_287 = arith.constant dense<0.000000e+00> : vector<256xf32>
    %reduce_sum3A_288 = vector.multi_reduction <add>, %convert_element_type3A_286, %reduce_sum3A_287 [0] : vector<256x256xf32> to vector<256xf32>
    %broadcast_in_dim3A_289 = vector.shape_cast %reduce_sum3A_288 : vector<256xf32> to vector<1x256xf32>
    %add3A_290 = arith.addf %add3A_273, %broadcast_in_dim3A_289 : vector<1x256xf32>
    %reduce_sum3A_291 = arith.constant dense<0.000000e+00> : vector<256xf32>
    %reduce_sum3A_292 = vector.multi_reduction <add>, %convert_element_type3A_286, %reduce_sum3A_291 [1] : vector<256x256xf32> to vector<256xf32>
    %broadcast_in_dim3A_293 = vector.shape_cast %reduce_sum3A_292 : vector<256xf32> to vector<256x1xf32>
    %reshape3A_294 = vector.shape_cast %broadcast_in_dim3A_293 : vector<256x1xf32> to vector<1x256xf32>
    %sub3A_295 = arith.constant 2.560000e+02 : f32
    %sub3A_296 = vector.broadcast %sub3A_295 : f32 to vector<1x256xf32>
    %sub3A_297 = arith.subf %sub3A_296, %reshape3A_294 : vector<1x256xf32>
    %add3A_298 = arith.addf %broadcast_in_dim3A_81, %sub3A_297 : vector<1x256xf32>
    %gt3A_299 = vector.broadcast %slice3A_22 : vector<256x1xf32> to vector<256x256xf32>
    %gt3A_300 = vector.broadcast %slice3A : vector<1x256xf32> to vector<256x256xf32>
    %gt3A_301 = arith.cmpf ogt, %gt3A_299, %gt3A_300 : vector<256x256xf32>
    %convert_element_type3A_302 = arith.extui %gt3A_301 : vector<256x256xi1> to vector<256x256xi32>
    %convert_element_type3A_303 = arith.sitofp %convert_element_type3A_302 : vector<256x256xi32> to vector<256x256xf32>
    %reduce_sum3A_304 = arith.constant dense<0.000000e+00> : vector<256xf32>
    %reduce_sum3A_305 = vector.multi_reduction <add>, %convert_element_type3A_303, %reduce_sum3A_304 [0] : vector<256x256xf32> to vector<256xf32>
    %broadcast_in_dim3A_306 = vector.shape_cast %reduce_sum3A_305 : vector<256xf32> to vector<1x256xf32>
    %add3A_307 = arith.addf %add3A_290, %broadcast_in_dim3A_306 : vector<1x256xf32>
    %reduce_sum3A_308 = arith.constant dense<0.000000e+00> : vector<256xf32>
    %reduce_sum3A_309 = vector.multi_reduction <add>, %convert_element_type3A_303, %reduce_sum3A_308 [1] : vector<256x256xf32> to vector<256xf32>
    %broadcast_in_dim3A_310 = vector.shape_cast %reduce_sum3A_309 : vector<256xf32> to vector<256x1xf32>
    %reshape3A_311 = vector.shape_cast %broadcast_in_dim3A_310 : vector<256x1xf32> to vector<1x256xf32>
    %sub3A_312 = arith.constant 2.560000e+02 : f32
    %sub3A_313 = vector.broadcast %sub3A_312 : f32 to vector<1x256xf32>
    %sub3A_314 = arith.subf %sub3A_313, %reshape3A_311 : vector<1x256xf32>
    %add3A_315 = arith.addf %broadcast_in_dim3A_95, %sub3A_314 : vector<1x256xf32>
    %gt3A_316 = vector.broadcast %slice3A_23 : vector<256x1xf32> to vector<256x256xf32>
    %gt3A_317 = vector.broadcast %slice3A : vector<1x256xf32> to vector<256x256xf32>
    %gt3A_318 = arith.cmpf ogt, %gt3A_316, %gt3A_317 : vector<256x256xf32>
    %convert_element_type3A_319 = arith.extui %gt3A_318 : vector<256x256xi1> to vector<256x256xi32>
    %convert_element_type3A_320 = arith.sitofp %convert_element_type3A_319 : vector<256x256xi32> to vector<256x256xf32>
    %reduce_sum3A_321 = arith.constant dense<0.000000e+00> : vector<256xf32>
    %reduce_sum3A_322 = vector.multi_reduction <add>, %convert_element_type3A_320, %reduce_sum3A_321 [0] : vector<256x256xf32> to vector<256xf32>
    %broadcast_in_dim3A_323 = vector.shape_cast %reduce_sum3A_322 : vector<256xf32> to vector<1x256xf32>
    %add3A_324 = arith.addf %add3A_307, %broadcast_in_dim3A_323 : vector<1x256xf32>
    %reduce_sum3A_325 = arith.constant dense<0.000000e+00> : vector<256xf32>
    %reduce_sum3A_326 = vector.multi_reduction <add>, %convert_element_type3A_320, %reduce_sum3A_325 [1] : vector<256x256xf32> to vector<256xf32>
    %broadcast_in_dim3A_327 = vector.shape_cast %reduce_sum3A_326 : vector<256xf32> to vector<256x1xf32>
    %reshape3A_328 = vector.shape_cast %broadcast_in_dim3A_327 : vector<256x1xf32> to vector<1x256xf32>
    %sub3A_329 = arith.constant 2.560000e+02 : f32
    %sub3A_330 = vector.broadcast %sub3A_329 : f32 to vector<1x256xf32>
    %sub3A_331 = arith.subf %sub3A_330, %reshape3A_328 : vector<1x256xf32>
    %add3A_332 = arith.addf %broadcast_in_dim3A_109, %sub3A_331 : vector<1x256xf32>
    %gt3A_333 = vector.broadcast %slice3A_24 : vector<256x1xf32> to vector<256x256xf32>
    %gt3A_334 = vector.broadcast %slice3A : vector<1x256xf32> to vector<256x256xf32>
    %gt3A_335 = arith.cmpf ogt, %gt3A_333, %gt3A_334 : vector<256x256xf32>
    %convert_element_type3A_336 = arith.extui %gt3A_335 : vector<256x256xi1> to vector<256x256xi32>
    %convert_element_type3A_337 = arith.sitofp %convert_element_type3A_336 : vector<256x256xi32> to vector<256x256xf32>
    %reduce_sum3A_338 = arith.constant dense<0.000000e+00> : vector<256xf32>
    %reduce_sum3A_339 = vector.multi_reduction <add>, %convert_element_type3A_337, %reduce_sum3A_338 [0] : vector<256x256xf32> to vector<256xf32>
    %broadcast_in_dim3A_340 = vector.shape_cast %reduce_sum3A_339 : vector<256xf32> to vector<1x256xf32>
    %add3A_341 = arith.addf %add3A_324, %broadcast_in_dim3A_340 : vector<1x256xf32>
    %reduce_sum3A_342 = arith.constant dense<0.000000e+00> : vector<256xf32>
    %reduce_sum3A_343 = vector.multi_reduction <add>, %convert_element_type3A_337, %reduce_sum3A_342 [1] : vector<256x256xf32> to vector<256xf32>
    %broadcast_in_dim3A_344 = vector.shape_cast %reduce_sum3A_343 : vector<256xf32> to vector<256x1xf32>
    %reshape3A_345 = vector.shape_cast %broadcast_in_dim3A_344 : vector<256x1xf32> to vector<1x256xf32>
    %sub3A_346 = arith.constant 2.560000e+02 : f32
    %sub3A_347 = vector.broadcast %sub3A_346 : f32 to vector<1x256xf32>
    %sub3A_348 = arith.subf %sub3A_347, %reshape3A_345 : vector<1x256xf32>
    %add3A_349 = arith.addf %broadcast_in_dim3A_123, %sub3A_348 : vector<1x256xf32>
    %gt3A_350 = vector.broadcast %slice3A_25 : vector<256x1xf32> to vector<256x256xf32>
    %gt3A_351 = vector.broadcast %slice3A : vector<1x256xf32> to vector<256x256xf32>
    %gt3A_352 = arith.cmpf ogt, %gt3A_350, %gt3A_351 : vector<256x256xf32>
    %convert_element_type3A_353 = arith.extui %gt3A_352 : vector<256x256xi1> to vector<256x256xi32>
    %convert_element_type3A_354 = arith.sitofp %convert_element_type3A_353 : vector<256x256xi32> to vector<256x256xf32>
    %reduce_sum3A_355 = arith.constant dense<0.000000e+00> : vector<256xf32>
    %reduce_sum3A_356 = vector.multi_reduction <add>, %convert_element_type3A_354, %reduce_sum3A_355 [0] : vector<256x256xf32> to vector<256xf32>
    %broadcast_in_dim3A_357 = vector.shape_cast %reduce_sum3A_356 : vector<256xf32> to vector<1x256xf32>
    %add3A_358 = arith.addf %add3A_341, %broadcast_in_dim3A_357 : vector<1x256xf32>
    %reduce_sum3A_359 = arith.constant dense<0.000000e+00> : vector<256xf32>
    %reduce_sum3A_360 = vector.multi_reduction <add>, %convert_element_type3A_354, %reduce_sum3A_359 [1] : vector<256x256xf32> to vector<256xf32>
    %broadcast_in_dim3A_361 = vector.shape_cast %reduce_sum3A_360 : vector<256xf32> to vector<256x1xf32>
    %reshape3A_362 = vector.shape_cast %broadcast_in_dim3A_361 : vector<256x1xf32> to vector<1x256xf32>
    %sub3A_363 = arith.constant 2.560000e+02 : f32
    %sub3A_364 = vector.broadcast %sub3A_363 : f32 to vector<1x256xf32>
    %sub3A_365 = arith.subf %sub3A_364, %reshape3A_362 : vector<1x256xf32>
    %add3A_366 = arith.addf %broadcast_in_dim3A_137, %sub3A_365 : vector<1x256xf32>
    %gt3A_367 = vector.broadcast %slice3A_26 : vector<256x1xf32> to vector<256x256xf32>
    %gt3A_368 = vector.broadcast %slice3A : vector<1x256xf32> to vector<256x256xf32>
    %gt3A_369 = arith.cmpf ogt, %gt3A_367, %gt3A_368 : vector<256x256xf32>
    %convert_element_type3A_370 = arith.extui %gt3A_369 : vector<256x256xi1> to vector<256x256xi32>
    %convert_element_type3A_371 = arith.sitofp %convert_element_type3A_370 : vector<256x256xi32> to vector<256x256xf32>
    %reduce_sum3A_372 = arith.constant dense<0.000000e+00> : vector<256xf32>
    %reduce_sum3A_373 = vector.multi_reduction <add>, %convert_element_type3A_371, %reduce_sum3A_372 [0] : vector<256x256xf32> to vector<256xf32>
    %broadcast_in_dim3A_374 = vector.shape_cast %reduce_sum3A_373 : vector<256xf32> to vector<1x256xf32>
    %add3A_375 = arith.addf %add3A_358, %broadcast_in_dim3A_374 : vector<1x256xf32>
    %reduce_sum3A_376 = arith.constant dense<0.000000e+00> : vector<256xf32>
    %reduce_sum3A_377 = vector.multi_reduction <add>, %convert_element_type3A_371, %reduce_sum3A_376 [1] : vector<256x256xf32> to vector<256xf32>
    %broadcast_in_dim3A_378 = vector.shape_cast %reduce_sum3A_377 : vector<256xf32> to vector<256x1xf32>
    %reshape3A_379 = vector.shape_cast %broadcast_in_dim3A_378 : vector<256x1xf32> to vector<1x256xf32>
    %sub3A_380 = arith.constant 2.560000e+02 : f32
    %sub3A_381 = vector.broadcast %sub3A_380 : f32 to vector<1x256xf32>
    %sub3A_382 = arith.subf %sub3A_381, %reshape3A_379 : vector<1x256xf32>
    %add3A_383 = arith.addf %broadcast_in_dim3A_151, %sub3A_382 : vector<1x256xf32>
    %gt3A_384 = vector.broadcast %slice3A_27 : vector<256x1xf32> to vector<256x256xf32>
    %gt3A_385 = vector.broadcast %slice3A : vector<1x256xf32> to vector<256x256xf32>
    %gt3A_386 = arith.cmpf ogt, %gt3A_384, %gt3A_385 : vector<256x256xf32>
    %convert_element_type3A_387 = arith.extui %gt3A_386 : vector<256x256xi1> to vector<256x256xi32>
    %convert_element_type3A_388 = arith.sitofp %convert_element_type3A_387 : vector<256x256xi32> to vector<256x256xf32>
    %reduce_sum3A_389 = arith.constant dense<0.000000e+00> : vector<256xf32>
    %reduce_sum3A_390 = vector.multi_reduction <add>, %convert_element_type3A_388, %reduce_sum3A_389 [0] : vector<256x256xf32> to vector<256xf32>
    %broadcast_in_dim3A_391 = vector.shape_cast %reduce_sum3A_390 : vector<256xf32> to vector<1x256xf32>
    %add3A_392 = arith.addf %add3A_375, %broadcast_in_dim3A_391 : vector<1x256xf32>
    %reduce_sum3A_393 = arith.constant dense<0.000000e+00> : vector<256xf32>
    %reduce_sum3A_394 = vector.multi_reduction <add>, %convert_element_type3A_388, %reduce_sum3A_393 [1] : vector<256x256xf32> to vector<256xf32>
    %broadcast_in_dim3A_395 = vector.shape_cast %reduce_sum3A_394 : vector<256xf32> to vector<256x1xf32>
    %reshape3A_396 = vector.shape_cast %broadcast_in_dim3A_395 : vector<256x1xf32> to vector<1x256xf32>
    %sub3A_397 = arith.constant 2.560000e+02 : f32
    %sub3A_398 = vector.broadcast %sub3A_397 : f32 to vector<1x256xf32>
    %sub3A_399 = arith.subf %sub3A_398, %reshape3A_396 : vector<1x256xf32>
    %add3A_400 = arith.addf %broadcast_in_dim3A_165, %sub3A_399 : vector<1x256xf32>
    %gt3A_401 = vector.broadcast %slice3A_28 : vector<256x1xf32> to vector<256x256xf32>
    %gt3A_402 = vector.broadcast %slice3A : vector<1x256xf32> to vector<256x256xf32>
    %gt3A_403 = arith.cmpf ogt, %gt3A_401, %gt3A_402 : vector<256x256xf32>
    %convert_element_type3A_404 = arith.extui %gt3A_403 : vector<256x256xi1> to vector<256x256xi32>
    %convert_element_type3A_405 = arith.sitofp %convert_element_type3A_404 : vector<256x256xi32> to vector<256x256xf32>
    %reduce_sum3A_406 = arith.constant dense<0.000000e+00> : vector<256xf32>
    %reduce_sum3A_407 = vector.multi_reduction <add>, %convert_element_type3A_405, %reduce_sum3A_406 [0] : vector<256x256xf32> to vector<256xf32>
    %broadcast_in_dim3A_408 = vector.shape_cast %reduce_sum3A_407 : vector<256xf32> to vector<1x256xf32>
    %add3A_409 = arith.addf %add3A_392, %broadcast_in_dim3A_408 : vector<1x256xf32>
    %reduce_sum3A_410 = arith.constant dense<0.000000e+00> : vector<256xf32>
    %reduce_sum3A_411 = vector.multi_reduction <add>, %convert_element_type3A_405, %reduce_sum3A_410 [1] : vector<256x256xf32> to vector<256xf32>
    %broadcast_in_dim3A_412 = vector.shape_cast %reduce_sum3A_411 : vector<256xf32> to vector<256x1xf32>
    %reshape3A_413 = vector.shape_cast %broadcast_in_dim3A_412 : vector<256x1xf32> to vector<1x256xf32>
    %sub3A_414 = arith.constant 2.560000e+02 : f32
    %sub3A_415 = vector.broadcast %sub3A_414 : f32 to vector<1x256xf32>
    %sub3A_416 = arith.subf %sub3A_415, %reshape3A_413 : vector<1x256xf32>
    %add3A_417 = arith.addf %broadcast_in_dim3A_179, %sub3A_416 : vector<1x256xf32>
    %gt3A_418 = vector.broadcast %slice3A_29 : vector<256x1xf32> to vector<256x256xf32>
    %gt3A_419 = vector.broadcast %slice3A : vector<1x256xf32> to vector<256x256xf32>
    %gt3A_420 = arith.cmpf ogt, %gt3A_418, %gt3A_419 : vector<256x256xf32>
    %convert_element_type3A_421 = arith.extui %gt3A_420 : vector<256x256xi1> to vector<256x256xi32>
    %convert_element_type3A_422 = arith.sitofp %convert_element_type3A_421 : vector<256x256xi32> to vector<256x256xf32>
    %reduce_sum3A_423 = arith.constant dense<0.000000e+00> : vector<256xf32>
    %reduce_sum3A_424 = vector.multi_reduction <add>, %convert_element_type3A_422, %reduce_sum3A_423 [0] : vector<256x256xf32> to vector<256xf32>
    %broadcast_in_dim3A_425 = vector.shape_cast %reduce_sum3A_424 : vector<256xf32> to vector<1x256xf32>
    %add3A_426 = arith.addf %add3A_409, %broadcast_in_dim3A_425 : vector<1x256xf32>
    %reduce_sum3A_427 = arith.constant dense<0.000000e+00> : vector<256xf32>
    %reduce_sum3A_428 = vector.multi_reduction <add>, %convert_element_type3A_422, %reduce_sum3A_427 [1] : vector<256x256xf32> to vector<256xf32>
    %broadcast_in_dim3A_429 = vector.shape_cast %reduce_sum3A_428 : vector<256xf32> to vector<256x1xf32>
    %reshape3A_430 = vector.shape_cast %broadcast_in_dim3A_429 : vector<256x1xf32> to vector<1x256xf32>
    %sub3A_431 = arith.constant 2.560000e+02 : f32
    %sub3A_432 = vector.broadcast %sub3A_431 : f32 to vector<1x256xf32>
    %sub3A_433 = arith.subf %sub3A_432, %reshape3A_430 : vector<1x256xf32>
    %add3A_434 = arith.addf %broadcast_in_dim3A_193, %sub3A_433 : vector<1x256xf32>
    %gt3A_435 = vector.broadcast %slice3A_30 : vector<256x1xf32> to vector<256x256xf32>
    %gt3A_436 = vector.broadcast %slice3A : vector<1x256xf32> to vector<256x256xf32>
    %gt3A_437 = arith.cmpf ogt, %gt3A_435, %gt3A_436 : vector<256x256xf32>
    %convert_element_type3A_438 = arith.extui %gt3A_437 : vector<256x256xi1> to vector<256x256xi32>
    %convert_element_type3A_439 = arith.sitofp %convert_element_type3A_438 : vector<256x256xi32> to vector<256x256xf32>
    %reduce_sum3A_440 = arith.constant dense<0.000000e+00> : vector<256xf32>
    %reduce_sum3A_441 = vector.multi_reduction <add>, %convert_element_type3A_439, %reduce_sum3A_440 [0] : vector<256x256xf32> to vector<256xf32>
    %broadcast_in_dim3A_442 = vector.shape_cast %reduce_sum3A_441 : vector<256xf32> to vector<1x256xf32>
    %add3A_443 = arith.addf %add3A_426, %broadcast_in_dim3A_442 : vector<1x256xf32>
    %reduce_sum3A_444 = arith.constant dense<0.000000e+00> : vector<256xf32>
    %reduce_sum3A_445 = vector.multi_reduction <add>, %convert_element_type3A_439, %reduce_sum3A_444 [1] : vector<256x256xf32> to vector<256xf32>
    %broadcast_in_dim3A_446 = vector.shape_cast %reduce_sum3A_445 : vector<256xf32> to vector<256x1xf32>
    %reshape3A_447 = vector.shape_cast %broadcast_in_dim3A_446 : vector<256x1xf32> to vector<1x256xf32>
    %sub3A_448 = arith.constant 2.560000e+02 : f32
    %sub3A_449 = vector.broadcast %sub3A_448 : f32 to vector<1x256xf32>
    %sub3A_450 = arith.subf %sub3A_449, %reshape3A_447 : vector<1x256xf32>
    %add3A_451 = arith.addf %broadcast_in_dim3A_207, %sub3A_450 : vector<1x256xf32>
    %gt3A_452 = vector.broadcast %slice3A_31 : vector<256x1xf32> to vector<256x256xf32>
    %gt3A_453 = vector.broadcast %slice3A : vector<1x256xf32> to vector<256x256xf32>
    %gt3A_454 = arith.cmpf ogt, %gt3A_452, %gt3A_453 : vector<256x256xf32>
    %convert_element_type3A_455 = arith.extui %gt3A_454 : vector<256x256xi1> to vector<256x256xi32>
    %convert_element_type3A_456 = arith.sitofp %convert_element_type3A_455 : vector<256x256xi32> to vector<256x256xf32>
    %reduce_sum3A_457 = arith.constant dense<0.000000e+00> : vector<256xf32>
    %reduce_sum3A_458 = vector.multi_reduction <add>, %convert_element_type3A_456, %reduce_sum3A_457 [0] : vector<256x256xf32> to vector<256xf32>
    %broadcast_in_dim3A_459 = vector.shape_cast %reduce_sum3A_458 : vector<256xf32> to vector<1x256xf32>
    %add3A_460 = arith.addf %add3A_443, %broadcast_in_dim3A_459 : vector<1x256xf32>
    %reduce_sum3A_461 = arith.constant dense<0.000000e+00> : vector<256xf32>
    %reduce_sum3A_462 = vector.multi_reduction <add>, %convert_element_type3A_456, %reduce_sum3A_461 [1] : vector<256x256xf32> to vector<256xf32>
    %broadcast_in_dim3A_463 = vector.shape_cast %reduce_sum3A_462 : vector<256xf32> to vector<256x1xf32>
    %reshape3A_464 = vector.shape_cast %broadcast_in_dim3A_463 : vector<256x1xf32> to vector<1x256xf32>
    %sub3A_465 = arith.constant 2.560000e+02 : f32
    %sub3A_466 = vector.broadcast %sub3A_465 : f32 to vector<1x256xf32>
    %sub3A_467 = arith.subf %sub3A_466, %reshape3A_464 : vector<1x256xf32>
    %add3A_468 = arith.addf %broadcast_in_dim3A_221, %sub3A_467 : vector<1x256xf32>
    %gt3A_469 = vector.broadcast %slice3A_32 : vector<256x1xf32> to vector<256x256xf32>
    %gt3A_470 = vector.broadcast %slice3A : vector<1x256xf32> to vector<256x256xf32>
    %gt3A_471 = arith.cmpf ogt, %gt3A_469, %gt3A_470 : vector<256x256xf32>
    %convert_element_type3A_472 = arith.extui %gt3A_471 : vector<256x256xi1> to vector<256x256xi32>
    %convert_element_type3A_473 = arith.sitofp %convert_element_type3A_472 : vector<256x256xi32> to vector<256x256xf32>
    %reduce_sum3A_474 = arith.constant dense<0.000000e+00> : vector<256xf32>
    %reduce_sum3A_475 = vector.multi_reduction <add>, %convert_element_type3A_473, %reduce_sum3A_474 [0] : vector<256x256xf32> to vector<256xf32>
    %broadcast_in_dim3A_476 = vector.shape_cast %reduce_sum3A_475 : vector<256xf32> to vector<1x256xf32>
    %add3A_477 = arith.addf %add3A_460, %broadcast_in_dim3A_476 : vector<1x256xf32>
    %reduce_sum3A_478 = arith.constant dense<0.000000e+00> : vector<256xf32>
    %reduce_sum3A_479 = vector.multi_reduction <add>, %convert_element_type3A_473, %reduce_sum3A_478 [1] : vector<256x256xf32> to vector<256xf32>
    %broadcast_in_dim3A_480 = vector.shape_cast %reduce_sum3A_479 : vector<256xf32> to vector<256x1xf32>
    %reshape3A_481 = vector.shape_cast %broadcast_in_dim3A_480 : vector<256x1xf32> to vector<1x256xf32>
    %sub3A_482 = arith.constant 2.560000e+02 : f32
    %sub3A_483 = vector.broadcast %sub3A_482 : f32 to vector<1x256xf32>
    %sub3A_484 = arith.subf %sub3A_483, %reshape3A_481 : vector<1x256xf32>
    %add3A_485 = arith.addf %broadcast_in_dim3A_235, %sub3A_484 : vector<1x256xf32>
    %gt3A_486 = vector.broadcast %slice3A_33 : vector<256x1xf32> to vector<256x256xf32>
    %gt3A_487 = vector.broadcast %slice3A : vector<1x256xf32> to vector<256x256xf32>
    %gt3A_488 = arith.cmpf ogt, %gt3A_486, %gt3A_487 : vector<256x256xf32>
    %convert_element_type3A_489 = arith.extui %gt3A_488 : vector<256x256xi1> to vector<256x256xi32>
    %convert_element_type3A_490 = arith.sitofp %convert_element_type3A_489 : vector<256x256xi32> to vector<256x256xf32>
    %reduce_sum3A_491 = arith.constant dense<0.000000e+00> : vector<256xf32>
    %reduce_sum3A_492 = vector.multi_reduction <add>, %convert_element_type3A_490, %reduce_sum3A_491 [0] : vector<256x256xf32> to vector<256xf32>
    %broadcast_in_dim3A_493 = vector.shape_cast %reduce_sum3A_492 : vector<256xf32> to vector<1x256xf32>
    %add3A_494 = arith.addf %add3A_477, %broadcast_in_dim3A_493 : vector<1x256xf32>
    %reduce_sum3A_495 = arith.constant dense<0.000000e+00> : vector<256xf32>
    %reduce_sum3A_496 = vector.multi_reduction <add>, %convert_element_type3A_490, %reduce_sum3A_495 [1] : vector<256x256xf32> to vector<256xf32>
    %broadcast_in_dim3A_497 = vector.shape_cast %reduce_sum3A_496 : vector<256xf32> to vector<256x1xf32>
    %reshape3A_498 = vector.shape_cast %broadcast_in_dim3A_497 : vector<256x1xf32> to vector<1x256xf32>
    %sub3A_499 = arith.constant 2.560000e+02 : f32
    %sub3A_500 = vector.broadcast %sub3A_499 : f32 to vector<1x256xf32>
    %sub3A_501 = arith.subf %sub3A_500, %reshape3A_498 : vector<1x256xf32>
    %add3A_502 = arith.addf %broadcast_in_dim3A_249, %sub3A_501 : vector<1x256xf32>
    %gt3A_503 = vector.broadcast %slice3A_20 : vector<256x1xf32> to vector<256x256xf32>
    %gt3A_504 = vector.broadcast %slice3A_3 : vector<1x256xf32> to vector<256x256xf32>
    %gt3A_505 = arith.cmpf ogt, %gt3A_503, %gt3A_504 : vector<256x256xf32>
    %convert_element_type3A_506 = arith.extui %gt3A_505 : vector<256x256xi1> to vector<256x256xi32>
    %convert_element_type3A_507 = arith.sitofp %convert_element_type3A_506 : vector<256x256xi32> to vector<256x256xf32>
    %reduce_sum3A_508 = arith.constant dense<0.000000e+00> : vector<256xf32>
    %reduce_sum3A_509 = vector.multi_reduction <add>, %convert_element_type3A_507, %reduce_sum3A_508 [0] : vector<256x256xf32> to vector<256xf32>
    %broadcast_in_dim3A_510 = vector.shape_cast %reduce_sum3A_509 : vector<256xf32> to vector<1x256xf32>
    %add3A_511 = arith.addf %add3A_264, %broadcast_in_dim3A_510 : vector<1x256xf32>
    %reduce_sum3A_512 = arith.constant dense<0.000000e+00> : vector<256xf32>
    %reduce_sum3A_513 = vector.multi_reduction <add>, %convert_element_type3A_507, %reduce_sum3A_512 [1] : vector<256x256xf32> to vector<256xf32>
    %broadcast_in_dim3A_514 = vector.shape_cast %reduce_sum3A_513 : vector<256xf32> to vector<256x1xf32>
    %reshape3A_515 = vector.shape_cast %broadcast_in_dim3A_514 : vector<256x1xf32> to vector<1x256xf32>
    %sub3A_516 = arith.constant 2.560000e+02 : f32
    %sub3A_517 = vector.broadcast %sub3A_516 : f32 to vector<1x256xf32>
    %sub3A_518 = arith.subf %sub3A_517, %reshape3A_515 : vector<1x256xf32>
    %add3A_519 = arith.addf %add3A_281, %sub3A_518 : vector<1x256xf32>
    %gt3A_520 = vector.broadcast %slice3A_21 : vector<256x1xf32> to vector<256x256xf32>
    %gt3A_521 = vector.broadcast %slice3A_3 : vector<1x256xf32> to vector<256x256xf32>
    %gt3A_522 = arith.cmpf ogt, %gt3A_520, %gt3A_521 : vector<256x256xf32>
    %convert_element_type3A_523 = arith.extui %gt3A_522 : vector<256x256xi1> to vector<256x256xi32>
    %convert_element_type3A_524 = arith.sitofp %convert_element_type3A_523 : vector<256x256xi32> to vector<256x256xf32>
    %reduce_sum3A_525 = arith.constant dense<0.000000e+00> : vector<256xf32>
    %reduce_sum3A_526 = vector.multi_reduction <add>, %convert_element_type3A_524, %reduce_sum3A_525 [0] : vector<256x256xf32> to vector<256xf32>
    %broadcast_in_dim3A_527 = vector.shape_cast %reduce_sum3A_526 : vector<256xf32> to vector<1x256xf32>
    %add3A_528 = arith.addf %add3A_511, %broadcast_in_dim3A_527 : vector<1x256xf32>
    %reduce_sum3A_529 = arith.constant dense<0.000000e+00> : vector<256xf32>
    %reduce_sum3A_530 = vector.multi_reduction <add>, %convert_element_type3A_524, %reduce_sum3A_529 [1] : vector<256x256xf32> to vector<256xf32>
    %broadcast_in_dim3A_531 = vector.shape_cast %reduce_sum3A_530 : vector<256xf32> to vector<256x1xf32>
    %reshape3A_532 = vector.shape_cast %broadcast_in_dim3A_531 : vector<256x1xf32> to vector<1x256xf32>
    %sub3A_533 = arith.constant 2.560000e+02 : f32
    %sub3A_534 = vector.broadcast %sub3A_533 : f32 to vector<1x256xf32>
    %sub3A_535 = arith.subf %sub3A_534, %reshape3A_532 : vector<1x256xf32>
    %add3A_536 = arith.addf %add3A_298, %sub3A_535 : vector<1x256xf32>
    %gt3A_537 = vector.broadcast %slice3A_22 : vector<256x1xf32> to vector<256x256xf32>
    %gt3A_538 = vector.broadcast %slice3A_3 : vector<1x256xf32> to vector<256x256xf32>
    %gt3A_539 = arith.cmpf ogt, %gt3A_537, %gt3A_538 : vector<256x256xf32>
    %convert_element_type3A_540 = arith.extui %gt3A_539 : vector<256x256xi1> to vector<256x256xi32>
    %convert_element_type3A_541 = arith.sitofp %convert_element_type3A_540 : vector<256x256xi32> to vector<256x256xf32>
    %reduce_sum3A_542 = arith.constant dense<0.000000e+00> : vector<256xf32>
    %reduce_sum3A_543 = vector.multi_reduction <add>, %convert_element_type3A_541, %reduce_sum3A_542 [0] : vector<256x256xf32> to vector<256xf32>
    %broadcast_in_dim3A_544 = vector.shape_cast %reduce_sum3A_543 : vector<256xf32> to vector<1x256xf32>
    %add3A_545 = arith.addf %add3A_528, %broadcast_in_dim3A_544 : vector<1x256xf32>
    %reduce_sum3A_546 = arith.constant dense<0.000000e+00> : vector<256xf32>
    %reduce_sum3A_547 = vector.multi_reduction <add>, %convert_element_type3A_541, %reduce_sum3A_546 [1] : vector<256x256xf32> to vector<256xf32>
    %broadcast_in_dim3A_548 = vector.shape_cast %reduce_sum3A_547 : vector<256xf32> to vector<256x1xf32>
    %reshape3A_549 = vector.shape_cast %broadcast_in_dim3A_548 : vector<256x1xf32> to vector<1x256xf32>
    %sub3A_550 = arith.constant 2.560000e+02 : f32
    %sub3A_551 = vector.broadcast %sub3A_550 : f32 to vector<1x256xf32>
    %sub3A_552 = arith.subf %sub3A_551, %reshape3A_549 : vector<1x256xf32>
    %add3A_553 = arith.addf %add3A_315, %sub3A_552 : vector<1x256xf32>
    %gt3A_554 = vector.broadcast %slice3A_23 : vector<256x1xf32> to vector<256x256xf32>
    %gt3A_555 = vector.broadcast %slice3A_3 : vector<1x256xf32> to vector<256x256xf32>
    %gt3A_556 = arith.cmpf ogt, %gt3A_554, %gt3A_555 : vector<256x256xf32>
    %convert_element_type3A_557 = arith.extui %gt3A_556 : vector<256x256xi1> to vector<256x256xi32>
    %convert_element_type3A_558 = arith.sitofp %convert_element_type3A_557 : vector<256x256xi32> to vector<256x256xf32>
    %reduce_sum3A_559 = arith.constant dense<0.000000e+00> : vector<256xf32>
    %reduce_sum3A_560 = vector.multi_reduction <add>, %convert_element_type3A_558, %reduce_sum3A_559 [0] : vector<256x256xf32> to vector<256xf32>
    %broadcast_in_dim3A_561 = vector.shape_cast %reduce_sum3A_560 : vector<256xf32> to vector<1x256xf32>
    %add3A_562 = arith.addf %add3A_545, %broadcast_in_dim3A_561 : vector<1x256xf32>
    %reduce_sum3A_563 = arith.constant dense<0.000000e+00> : vector<256xf32>
    %reduce_sum3A_564 = vector.multi_reduction <add>, %convert_element_type3A_558, %reduce_sum3A_563 [1] : vector<256x256xf32> to vector<256xf32>
    %broadcast_in_dim3A_565 = vector.shape_cast %reduce_sum3A_564 : vector<256xf32> to vector<256x1xf32>
    %reshape3A_566 = vector.shape_cast %broadcast_in_dim3A_565 : vector<256x1xf32> to vector<1x256xf32>
    %sub3A_567 = arith.constant 2.560000e+02 : f32
    %sub3A_568 = vector.broadcast %sub3A_567 : f32 to vector<1x256xf32>
    %sub3A_569 = arith.subf %sub3A_568, %reshape3A_566 : vector<1x256xf32>
    %add3A_570 = arith.addf %add3A_332, %sub3A_569 : vector<1x256xf32>
    %gt3A_571 = vector.broadcast %slice3A_24 : vector<256x1xf32> to vector<256x256xf32>
    %gt3A_572 = vector.broadcast %slice3A_3 : vector<1x256xf32> to vector<256x256xf32>
    %gt3A_573 = arith.cmpf ogt, %gt3A_571, %gt3A_572 : vector<256x256xf32>
    %convert_element_type3A_574 = arith.extui %gt3A_573 : vector<256x256xi1> to vector<256x256xi32>
    %convert_element_type3A_575 = arith.sitofp %convert_element_type3A_574 : vector<256x256xi32> to vector<256x256xf32>
    %reduce_sum3A_576 = arith.constant dense<0.000000e+00> : vector<256xf32>
    %reduce_sum3A_577 = vector.multi_reduction <add>, %convert_element_type3A_575, %reduce_sum3A_576 [0] : vector<256x256xf32> to vector<256xf32>
    %broadcast_in_dim3A_578 = vector.shape_cast %reduce_sum3A_577 : vector<256xf32> to vector<1x256xf32>
    %add3A_579 = arith.addf %add3A_562, %broadcast_in_dim3A_578 : vector<1x256xf32>
    %reduce_sum3A_580 = arith.constant dense<0.000000e+00> : vector<256xf32>
    %reduce_sum3A_581 = vector.multi_reduction <add>, %convert_element_type3A_575, %reduce_sum3A_580 [1] : vector<256x256xf32> to vector<256xf32>
    %broadcast_in_dim3A_582 = vector.shape_cast %reduce_sum3A_581 : vector<256xf32> to vector<256x1xf32>
    %reshape3A_583 = vector.shape_cast %broadcast_in_dim3A_582 : vector<256x1xf32> to vector<1x256xf32>
    %sub3A_584 = arith.constant 2.560000e+02 : f32
    %sub3A_585 = vector.broadcast %sub3A_584 : f32 to vector<1x256xf32>
    %sub3A_586 = arith.subf %sub3A_585, %reshape3A_583 : vector<1x256xf32>
    %add3A_587 = arith.addf %add3A_349, %sub3A_586 : vector<1x256xf32>
    %gt3A_588 = vector.broadcast %slice3A_25 : vector<256x1xf32> to vector<256x256xf32>
    %gt3A_589 = vector.broadcast %slice3A_3 : vector<1x256xf32> to vector<256x256xf32>
    %gt3A_590 = arith.cmpf ogt, %gt3A_588, %gt3A_589 : vector<256x256xf32>
    %convert_element_type3A_591 = arith.extui %gt3A_590 : vector<256x256xi1> to vector<256x256xi32>
    %convert_element_type3A_592 = arith.sitofp %convert_element_type3A_591 : vector<256x256xi32> to vector<256x256xf32>
    %reduce_sum3A_593 = arith.constant dense<0.000000e+00> : vector<256xf32>
    %reduce_sum3A_594 = vector.multi_reduction <add>, %convert_element_type3A_592, %reduce_sum3A_593 [0] : vector<256x256xf32> to vector<256xf32>
    %broadcast_in_dim3A_595 = vector.shape_cast %reduce_sum3A_594 : vector<256xf32> to vector<1x256xf32>
    %add3A_596 = arith.addf %add3A_579, %broadcast_in_dim3A_595 : vector<1x256xf32>
    %reduce_sum3A_597 = arith.constant dense<0.000000e+00> : vector<256xf32>
    %reduce_sum3A_598 = vector.multi_reduction <add>, %convert_element_type3A_592, %reduce_sum3A_597 [1] : vector<256x256xf32> to vector<256xf32>
    %broadcast_in_dim3A_599 = vector.shape_cast %reduce_sum3A_598 : vector<256xf32> to vector<256x1xf32>
    %reshape3A_600 = vector.shape_cast %broadcast_in_dim3A_599 : vector<256x1xf32> to vector<1x256xf32>
    %sub3A_601 = arith.constant 2.560000e+02 : f32
    %sub3A_602 = vector.broadcast %sub3A_601 : f32 to vector<1x256xf32>
    %sub3A_603 = arith.subf %sub3A_602, %reshape3A_600 : vector<1x256xf32>
    %add3A_604 = arith.addf %add3A_366, %sub3A_603 : vector<1x256xf32>
    %gt3A_605 = vector.broadcast %slice3A_26 : vector<256x1xf32> to vector<256x256xf32>
    %gt3A_606 = vector.broadcast %slice3A_3 : vector<1x256xf32> to vector<256x256xf32>
    %gt3A_607 = arith.cmpf ogt, %gt3A_605, %gt3A_606 : vector<256x256xf32>
    %convert_element_type3A_608 = arith.extui %gt3A_607 : vector<256x256xi1> to vector<256x256xi32>
    %convert_element_type3A_609 = arith.sitofp %convert_element_type3A_608 : vector<256x256xi32> to vector<256x256xf32>
    %reduce_sum3A_610 = arith.constant dense<0.000000e+00> : vector<256xf32>
    %reduce_sum3A_611 = vector.multi_reduction <add>, %convert_element_type3A_609, %reduce_sum3A_610 [0] : vector<256x256xf32> to vector<256xf32>
    %broadcast_in_dim3A_612 = vector.shape_cast %reduce_sum3A_611 : vector<256xf32> to vector<1x256xf32>
    %add3A_613 = arith.addf %add3A_596, %broadcast_in_dim3A_612 : vector<1x256xf32>
    %reduce_sum3A_614 = arith.constant dense<0.000000e+00> : vector<256xf32>
    %reduce_sum3A_615 = vector.multi_reduction <add>, %convert_element_type3A_609, %reduce_sum3A_614 [1] : vector<256x256xf32> to vector<256xf32>
    %broadcast_in_dim3A_616 = vector.shape_cast %reduce_sum3A_615 : vector<256xf32> to vector<256x1xf32>
    %reshape3A_617 = vector.shape_cast %broadcast_in_dim3A_616 : vector<256x1xf32> to vector<1x256xf32>
    %sub3A_618 = arith.constant 2.560000e+02 : f32
    %sub3A_619 = vector.broadcast %sub3A_618 : f32 to vector<1x256xf32>
    %sub3A_620 = arith.subf %sub3A_619, %reshape3A_617 : vector<1x256xf32>
    %add3A_621 = arith.addf %add3A_383, %sub3A_620 : vector<1x256xf32>
    %gt3A_622 = vector.broadcast %slice3A_27 : vector<256x1xf32> to vector<256x256xf32>
    %gt3A_623 = vector.broadcast %slice3A_3 : vector<1x256xf32> to vector<256x256xf32>
    %gt3A_624 = arith.cmpf ogt, %gt3A_622, %gt3A_623 : vector<256x256xf32>
    %convert_element_type3A_625 = arith.extui %gt3A_624 : vector<256x256xi1> to vector<256x256xi32>
    %convert_element_type3A_626 = arith.sitofp %convert_element_type3A_625 : vector<256x256xi32> to vector<256x256xf32>
    %reduce_sum3A_627 = arith.constant dense<0.000000e+00> : vector<256xf32>
    %reduce_sum3A_628 = vector.multi_reduction <add>, %convert_element_type3A_626, %reduce_sum3A_627 [0] : vector<256x256xf32> to vector<256xf32>
    %broadcast_in_dim3A_629 = vector.shape_cast %reduce_sum3A_628 : vector<256xf32> to vector<1x256xf32>
    %add3A_630 = arith.addf %add3A_613, %broadcast_in_dim3A_629 : vector<1x256xf32>
    %reduce_sum3A_631 = arith.constant dense<0.000000e+00> : vector<256xf32>
    %reduce_sum3A_632 = vector.multi_reduction <add>, %convert_element_type3A_626, %reduce_sum3A_631 [1] : vector<256x256xf32> to vector<256xf32>
    %broadcast_in_dim3A_633 = vector.shape_cast %reduce_sum3A_632 : vector<256xf32> to vector<256x1xf32>
    %reshape3A_634 = vector.shape_cast %broadcast_in_dim3A_633 : vector<256x1xf32> to vector<1x256xf32>
    %sub3A_635 = arith.constant 2.560000e+02 : f32
    %sub3A_636 = vector.broadcast %sub3A_635 : f32 to vector<1x256xf32>
    %sub3A_637 = arith.subf %sub3A_636, %reshape3A_634 : vector<1x256xf32>
    %add3A_638 = arith.addf %add3A_400, %sub3A_637 : vector<1x256xf32>
    %gt3A_639 = vector.broadcast %slice3A_28 : vector<256x1xf32> to vector<256x256xf32>
    %gt3A_640 = vector.broadcast %slice3A_3 : vector<1x256xf32> to vector<256x256xf32>
    %gt3A_641 = arith.cmpf ogt, %gt3A_639, %gt3A_640 : vector<256x256xf32>
    %convert_element_type3A_642 = arith.extui %gt3A_641 : vector<256x256xi1> to vector<256x256xi32>
    %convert_element_type3A_643 = arith.sitofp %convert_element_type3A_642 : vector<256x256xi32> to vector<256x256xf32>
    %reduce_sum3A_644 = arith.constant dense<0.000000e+00> : vector<256xf32>
    %reduce_sum3A_645 = vector.multi_reduction <add>, %convert_element_type3A_643, %reduce_sum3A_644 [0] : vector<256x256xf32> to vector<256xf32>
    %broadcast_in_dim3A_646 = vector.shape_cast %reduce_sum3A_645 : vector<256xf32> to vector<1x256xf32>
    %add3A_647 = arith.addf %add3A_630, %broadcast_in_dim3A_646 : vector<1x256xf32>
    %reduce_sum3A_648 = arith.constant dense<0.000000e+00> : vector<256xf32>
    %reduce_sum3A_649 = vector.multi_reduction <add>, %convert_element_type3A_643, %reduce_sum3A_648 [1] : vector<256x256xf32> to vector<256xf32>
    %broadcast_in_dim3A_650 = vector.shape_cast %reduce_sum3A_649 : vector<256xf32> to vector<256x1xf32>
    %reshape3A_651 = vector.shape_cast %broadcast_in_dim3A_650 : vector<256x1xf32> to vector<1x256xf32>
    %sub3A_652 = arith.constant 2.560000e+02 : f32
    %sub3A_653 = vector.broadcast %sub3A_652 : f32 to vector<1x256xf32>
    %sub3A_654 = arith.subf %sub3A_653, %reshape3A_651 : vector<1x256xf32>
    %add3A_655 = arith.addf %add3A_417, %sub3A_654 : vector<1x256xf32>
    %gt3A_656 = vector.broadcast %slice3A_29 : vector<256x1xf32> to vector<256x256xf32>
    %gt3A_657 = vector.broadcast %slice3A_3 : vector<1x256xf32> to vector<256x256xf32>
    %gt3A_658 = arith.cmpf ogt, %gt3A_656, %gt3A_657 : vector<256x256xf32>
    %convert_element_type3A_659 = arith.extui %gt3A_658 : vector<256x256xi1> to vector<256x256xi32>
    %convert_element_type3A_660 = arith.sitofp %convert_element_type3A_659 : vector<256x256xi32> to vector<256x256xf32>
    %reduce_sum3A_661 = arith.constant dense<0.000000e+00> : vector<256xf32>
    %reduce_sum3A_662 = vector.multi_reduction <add>, %convert_element_type3A_660, %reduce_sum3A_661 [0] : vector<256x256xf32> to vector<256xf32>
    %broadcast_in_dim3A_663 = vector.shape_cast %reduce_sum3A_662 : vector<256xf32> to vector<1x256xf32>
    %add3A_664 = arith.addf %add3A_647, %broadcast_in_dim3A_663 : vector<1x256xf32>
    %reduce_sum3A_665 = arith.constant dense<0.000000e+00> : vector<256xf32>
    %reduce_sum3A_666 = vector.multi_reduction <add>, %convert_element_type3A_660, %reduce_sum3A_665 [1] : vector<256x256xf32> to vector<256xf32>
    %broadcast_in_dim3A_667 = vector.shape_cast %reduce_sum3A_666 : vector<256xf32> to vector<256x1xf32>
    %reshape3A_668 = vector.shape_cast %broadcast_in_dim3A_667 : vector<256x1xf32> to vector<1x256xf32>
    %sub3A_669 = arith.constant 2.560000e+02 : f32
    %sub3A_670 = vector.broadcast %sub3A_669 : f32 to vector<1x256xf32>
    %sub3A_671 = arith.subf %sub3A_670, %reshape3A_668 : vector<1x256xf32>
    %add3A_672 = arith.addf %add3A_434, %sub3A_671 : vector<1x256xf32>
    %gt3A_673 = vector.broadcast %slice3A_30 : vector<256x1xf32> to vector<256x256xf32>
    %gt3A_674 = vector.broadcast %slice3A_3 : vector<1x256xf32> to vector<256x256xf32>
    %gt3A_675 = arith.cmpf ogt, %gt3A_673, %gt3A_674 : vector<256x256xf32>
    %convert_element_type3A_676 = arith.extui %gt3A_675 : vector<256x256xi1> to vector<256x256xi32>
    %convert_element_type3A_677 = arith.sitofp %convert_element_type3A_676 : vector<256x256xi32> to vector<256x256xf32>
    %reduce_sum3A_678 = arith.constant dense<0.000000e+00> : vector<256xf32>
    %reduce_sum3A_679 = vector.multi_reduction <add>, %convert_element_type3A_677, %reduce_sum3A_678 [0] : vector<256x256xf32> to vector<256xf32>
    %broadcast_in_dim3A_680 = vector.shape_cast %reduce_sum3A_679 : vector<256xf32> to vector<1x256xf32>
    %add3A_681 = arith.addf %add3A_664, %broadcast_in_dim3A_680 : vector<1x256xf32>
    %reduce_sum3A_682 = arith.constant dense<0.000000e+00> : vector<256xf32>
    %reduce_sum3A_683 = vector.multi_reduction <add>, %convert_element_type3A_677, %reduce_sum3A_682 [1] : vector<256x256xf32> to vector<256xf32>
    %broadcast_in_dim3A_684 = vector.shape_cast %reduce_sum3A_683 : vector<256xf32> to vector<256x1xf32>
    %reshape3A_685 = vector.shape_cast %broadcast_in_dim3A_684 : vector<256x1xf32> to vector<1x256xf32>
    %sub3A_686 = arith.constant 2.560000e+02 : f32
    %sub3A_687 = vector.broadcast %sub3A_686 : f32 to vector<1x256xf32>
    %sub3A_688 = arith.subf %sub3A_687, %reshape3A_685 : vector<1x256xf32>
    %add3A_689 = arith.addf %add3A_451, %sub3A_688 : vector<1x256xf32>
    %gt3A_690 = vector.broadcast %slice3A_31 : vector<256x1xf32> to vector<256x256xf32>
    %gt3A_691 = vector.broadcast %slice3A_3 : vector<1x256xf32> to vector<256x256xf32>
    %gt3A_692 = arith.cmpf ogt, %gt3A_690, %gt3A_691 : vector<256x256xf32>
    %convert_element_type3A_693 = arith.extui %gt3A_692 : vector<256x256xi1> to vector<256x256xi32>
    %convert_element_type3A_694 = arith.sitofp %convert_element_type3A_693 : vector<256x256xi32> to vector<256x256xf32>
    %reduce_sum3A_695 = arith.constant dense<0.000000e+00> : vector<256xf32>
    %reduce_sum3A_696 = vector.multi_reduction <add>, %convert_element_type3A_694, %reduce_sum3A_695 [0] : vector<256x256xf32> to vector<256xf32>
    %broadcast_in_dim3A_697 = vector.shape_cast %reduce_sum3A_696 : vector<256xf32> to vector<1x256xf32>
    %add3A_698 = arith.addf %add3A_681, %broadcast_in_dim3A_697 : vector<1x256xf32>
    %reduce_sum3A_699 = arith.constant dense<0.000000e+00> : vector<256xf32>
    %reduce_sum3A_700 = vector.multi_reduction <add>, %convert_element_type3A_694, %reduce_sum3A_699 [1] : vector<256x256xf32> to vector<256xf32>
    %broadcast_in_dim3A_701 = vector.shape_cast %reduce_sum3A_700 : vector<256xf32> to vector<256x1xf32>
    %reshape3A_702 = vector.shape_cast %broadcast_in_dim3A_701 : vector<256x1xf32> to vector<1x256xf32>
    %sub3A_703 = arith.constant 2.560000e+02 : f32
    %sub3A_704 = vector.broadcast %sub3A_703 : f32 to vector<1x256xf32>
    %sub3A_705 = arith.subf %sub3A_704, %reshape3A_702 : vector<1x256xf32>
    %add3A_706 = arith.addf %add3A_468, %sub3A_705 : vector<1x256xf32>
    %gt3A_707 = vector.broadcast %slice3A_32 : vector<256x1xf32> to vector<256x256xf32>
    %gt3A_708 = vector.broadcast %slice3A_3 : vector<1x256xf32> to vector<256x256xf32>
    %gt3A_709 = arith.cmpf ogt, %gt3A_707, %gt3A_708 : vector<256x256xf32>
    %convert_element_type3A_710 = arith.extui %gt3A_709 : vector<256x256xi1> to vector<256x256xi32>
    %convert_element_type3A_711 = arith.sitofp %convert_element_type3A_710 : vector<256x256xi32> to vector<256x256xf32>
    %reduce_sum3A_712 = arith.constant dense<0.000000e+00> : vector<256xf32>
    %reduce_sum3A_713 = vector.multi_reduction <add>, %convert_element_type3A_711, %reduce_sum3A_712 [0] : vector<256x256xf32> to vector<256xf32>
    %broadcast_in_dim3A_714 = vector.shape_cast %reduce_sum3A_713 : vector<256xf32> to vector<1x256xf32>
    %add3A_715 = arith.addf %add3A_698, %broadcast_in_dim3A_714 : vector<1x256xf32>
    %reduce_sum3A_716 = arith.constant dense<0.000000e+00> : vector<256xf32>
    %reduce_sum3A_717 = vector.multi_reduction <add>, %convert_element_type3A_711, %reduce_sum3A_716 [1] : vector<256x256xf32> to vector<256xf32>
    %broadcast_in_dim3A_718 = vector.shape_cast %reduce_sum3A_717 : vector<256xf32> to vector<256x1xf32>
    %reshape3A_719 = vector.shape_cast %broadcast_in_dim3A_718 : vector<256x1xf32> to vector<1x256xf32>
    %sub3A_720 = arith.constant 2.560000e+02 : f32
    %sub3A_721 = vector.broadcast %sub3A_720 : f32 to vector<1x256xf32>
    %sub3A_722 = arith.subf %sub3A_721, %reshape3A_719 : vector<1x256xf32>
    %add3A_723 = arith.addf %add3A_485, %sub3A_722 : vector<1x256xf32>
    %gt3A_724 = vector.broadcast %slice3A_33 : vector<256x1xf32> to vector<256x256xf32>
    %gt3A_725 = vector.broadcast %slice3A_3 : vector<1x256xf32> to vector<256x256xf32>
    %gt3A_726 = arith.cmpf ogt, %gt3A_724, %gt3A_725 : vector<256x256xf32>
    %convert_element_type3A_727 = arith.extui %gt3A_726 : vector<256x256xi1> to vector<256x256xi32>
    %convert_element_type3A_728 = arith.sitofp %convert_element_type3A_727 : vector<256x256xi32> to vector<256x256xf32>
    %reduce_sum3A_729 = arith.constant dense<0.000000e+00> : vector<256xf32>
    %reduce_sum3A_730 = vector.multi_reduction <add>, %convert_element_type3A_728, %reduce_sum3A_729 [0] : vector<256x256xf32> to vector<256xf32>
    %broadcast_in_dim3A_731 = vector.shape_cast %reduce_sum3A_730 : vector<256xf32> to vector<1x256xf32>
    %add3A_732 = arith.addf %add3A_715, %broadcast_in_dim3A_731 : vector<1x256xf32>
    %reduce_sum3A_733 = arith.constant dense<0.000000e+00> : vector<256xf32>
    %reduce_sum3A_734 = vector.multi_reduction <add>, %convert_element_type3A_728, %reduce_sum3A_733 [1] : vector<256x256xf32> to vector<256xf32>
    %broadcast_in_dim3A_735 = vector.shape_cast %reduce_sum3A_734 : vector<256xf32> to vector<256x1xf32>
    %reshape3A_736 = vector.shape_cast %broadcast_in_dim3A_735 : vector<256x1xf32> to vector<1x256xf32>
    %sub3A_737 = arith.constant 2.560000e+02 : f32
    %sub3A_738 = vector.broadcast %sub3A_737 : f32 to vector<1x256xf32>
    %sub3A_739 = arith.subf %sub3A_738, %reshape3A_736 : vector<1x256xf32>
    %add3A_740 = arith.addf %add3A_502, %sub3A_739 : vector<1x256xf32>
    %gt3A_741 = vector.broadcast %slice3A_21 : vector<256x1xf32> to vector<256x256xf32>
    %gt3A_742 = vector.broadcast %slice3A_4 : vector<1x256xf32> to vector<256x256xf32>
    %gt3A_743 = arith.cmpf ogt, %gt3A_741, %gt3A_742 : vector<256x256xf32>
    %convert_element_type3A_744 = arith.extui %gt3A_743 : vector<256x256xi1> to vector<256x256xi32>
    %convert_element_type3A_745 = arith.sitofp %convert_element_type3A_744 : vector<256x256xi32> to vector<256x256xf32>
    %reduce_sum3A_746 = arith.constant dense<0.000000e+00> : vector<256xf32>
    %reduce_sum3A_747 = vector.multi_reduction <add>, %convert_element_type3A_745, %reduce_sum3A_746 [0] : vector<256x256xf32> to vector<256xf32>
    %broadcast_in_dim3A_748 = vector.shape_cast %reduce_sum3A_747 : vector<256xf32> to vector<1x256xf32>
    %add3A_749 = arith.addf %add3A_519, %broadcast_in_dim3A_748 : vector<1x256xf32>
    %reduce_sum3A_750 = arith.constant dense<0.000000e+00> : vector<256xf32>
    %reduce_sum3A_751 = vector.multi_reduction <add>, %convert_element_type3A_745, %reduce_sum3A_750 [1] : vector<256x256xf32> to vector<256xf32>
    %broadcast_in_dim3A_752 = vector.shape_cast %reduce_sum3A_751 : vector<256xf32> to vector<256x1xf32>
    %reshape3A_753 = vector.shape_cast %broadcast_in_dim3A_752 : vector<256x1xf32> to vector<1x256xf32>
    %sub3A_754 = arith.constant 2.560000e+02 : f32
    %sub3A_755 = vector.broadcast %sub3A_754 : f32 to vector<1x256xf32>
    %sub3A_756 = arith.subf %sub3A_755, %reshape3A_753 : vector<1x256xf32>
    %add3A_757 = arith.addf %add3A_536, %sub3A_756 : vector<1x256xf32>
    %gt3A_758 = vector.broadcast %slice3A_22 : vector<256x1xf32> to vector<256x256xf32>
    %gt3A_759 = vector.broadcast %slice3A_4 : vector<1x256xf32> to vector<256x256xf32>
    %gt3A_760 = arith.cmpf ogt, %gt3A_758, %gt3A_759 : vector<256x256xf32>
    %convert_element_type3A_761 = arith.extui %gt3A_760 : vector<256x256xi1> to vector<256x256xi32>
    %convert_element_type3A_762 = arith.sitofp %convert_element_type3A_761 : vector<256x256xi32> to vector<256x256xf32>
    %reduce_sum3A_763 = arith.constant dense<0.000000e+00> : vector<256xf32>
    %reduce_sum3A_764 = vector.multi_reduction <add>, %convert_element_type3A_762, %reduce_sum3A_763 [0] : vector<256x256xf32> to vector<256xf32>
    %broadcast_in_dim3A_765 = vector.shape_cast %reduce_sum3A_764 : vector<256xf32> to vector<1x256xf32>
    %add3A_766 = arith.addf %add3A_749, %broadcast_in_dim3A_765 : vector<1x256xf32>
    %reduce_sum3A_767 = arith.constant dense<0.000000e+00> : vector<256xf32>
    %reduce_sum3A_768 = vector.multi_reduction <add>, %convert_element_type3A_762, %reduce_sum3A_767 [1] : vector<256x256xf32> to vector<256xf32>
    %broadcast_in_dim3A_769 = vector.shape_cast %reduce_sum3A_768 : vector<256xf32> to vector<256x1xf32>
    %reshape3A_770 = vector.shape_cast %broadcast_in_dim3A_769 : vector<256x1xf32> to vector<1x256xf32>
    %sub3A_771 = arith.constant 2.560000e+02 : f32
    %sub3A_772 = vector.broadcast %sub3A_771 : f32 to vector<1x256xf32>
    %sub3A_773 = arith.subf %sub3A_772, %reshape3A_770 : vector<1x256xf32>
    %add3A_774 = arith.addf %add3A_553, %sub3A_773 : vector<1x256xf32>
    %gt3A_775 = vector.broadcast %slice3A_23 : vector<256x1xf32> to vector<256x256xf32>
    %gt3A_776 = vector.broadcast %slice3A_4 : vector<1x256xf32> to vector<256x256xf32>
    %gt3A_777 = arith.cmpf ogt, %gt3A_775, %gt3A_776 : vector<256x256xf32>
    %convert_element_type3A_778 = arith.extui %gt3A_777 : vector<256x256xi1> to vector<256x256xi32>
    %convert_element_type3A_779 = arith.sitofp %convert_element_type3A_778 : vector<256x256xi32> to vector<256x256xf32>
    %reduce_sum3A_780 = arith.constant dense<0.000000e+00> : vector<256xf32>
    %reduce_sum3A_781 = vector.multi_reduction <add>, %convert_element_type3A_779, %reduce_sum3A_780 [0] : vector<256x256xf32> to vector<256xf32>
    %broadcast_in_dim3A_782 = vector.shape_cast %reduce_sum3A_781 : vector<256xf32> to vector<1x256xf32>
    %add3A_783 = arith.addf %add3A_766, %broadcast_in_dim3A_782 : vector<1x256xf32>
    %reduce_sum3A_784 = arith.constant dense<0.000000e+00> : vector<256xf32>
    %reduce_sum3A_785 = vector.multi_reduction <add>, %convert_element_type3A_779, %reduce_sum3A_784 [1] : vector<256x256xf32> to vector<256xf32>
    %broadcast_in_dim3A_786 = vector.shape_cast %reduce_sum3A_785 : vector<256xf32> to vector<256x1xf32>
    %reshape3A_787 = vector.shape_cast %broadcast_in_dim3A_786 : vector<256x1xf32> to vector<1x256xf32>
    %sub3A_788 = arith.constant 2.560000e+02 : f32
    %sub3A_789 = vector.broadcast %sub3A_788 : f32 to vector<1x256xf32>
    %sub3A_790 = arith.subf %sub3A_789, %reshape3A_787 : vector<1x256xf32>
    %add3A_791 = arith.addf %add3A_570, %sub3A_790 : vector<1x256xf32>
    %gt3A_792 = vector.broadcast %slice3A_24 : vector<256x1xf32> to vector<256x256xf32>
    %gt3A_793 = vector.broadcast %slice3A_4 : vector<1x256xf32> to vector<256x256xf32>
    %gt3A_794 = arith.cmpf ogt, %gt3A_792, %gt3A_793 : vector<256x256xf32>
    %convert_element_type3A_795 = arith.extui %gt3A_794 : vector<256x256xi1> to vector<256x256xi32>
    %convert_element_type3A_796 = arith.sitofp %convert_element_type3A_795 : vector<256x256xi32> to vector<256x256xf32>
    %reduce_sum3A_797 = arith.constant dense<0.000000e+00> : vector<256xf32>
    %reduce_sum3A_798 = vector.multi_reduction <add>, %convert_element_type3A_796, %reduce_sum3A_797 [0] : vector<256x256xf32> to vector<256xf32>
    %broadcast_in_dim3A_799 = vector.shape_cast %reduce_sum3A_798 : vector<256xf32> to vector<1x256xf32>
    %add3A_800 = arith.addf %add3A_783, %broadcast_in_dim3A_799 : vector<1x256xf32>
    %reduce_sum3A_801 = arith.constant dense<0.000000e+00> : vector<256xf32>
    %reduce_sum3A_802 = vector.multi_reduction <add>, %convert_element_type3A_796, %reduce_sum3A_801 [1] : vector<256x256xf32> to vector<256xf32>
    %broadcast_in_dim3A_803 = vector.shape_cast %reduce_sum3A_802 : vector<256xf32> to vector<256x1xf32>
    %reshape3A_804 = vector.shape_cast %broadcast_in_dim3A_803 : vector<256x1xf32> to vector<1x256xf32>
    %sub3A_805 = arith.constant 2.560000e+02 : f32
    %sub3A_806 = vector.broadcast %sub3A_805 : f32 to vector<1x256xf32>
    %sub3A_807 = arith.subf %sub3A_806, %reshape3A_804 : vector<1x256xf32>
    %add3A_808 = arith.addf %add3A_587, %sub3A_807 : vector<1x256xf32>
    %gt3A_809 = vector.broadcast %slice3A_25 : vector<256x1xf32> to vector<256x256xf32>
    %gt3A_810 = vector.broadcast %slice3A_4 : vector<1x256xf32> to vector<256x256xf32>
    %gt3A_811 = arith.cmpf ogt, %gt3A_809, %gt3A_810 : vector<256x256xf32>
    %convert_element_type3A_812 = arith.extui %gt3A_811 : vector<256x256xi1> to vector<256x256xi32>
    %convert_element_type3A_813 = arith.sitofp %convert_element_type3A_812 : vector<256x256xi32> to vector<256x256xf32>
    %reduce_sum3A_814 = arith.constant dense<0.000000e+00> : vector<256xf32>
    %reduce_sum3A_815 = vector.multi_reduction <add>, %convert_element_type3A_813, %reduce_sum3A_814 [0] : vector<256x256xf32> to vector<256xf32>
    %broadcast_in_dim3A_816 = vector.shape_cast %reduce_sum3A_815 : vector<256xf32> to vector<1x256xf32>
    %add3A_817 = arith.addf %add3A_800, %broadcast_in_dim3A_816 : vector<1x256xf32>
    %reduce_sum3A_818 = arith.constant dense<0.000000e+00> : vector<256xf32>
    %reduce_sum3A_819 = vector.multi_reduction <add>, %convert_element_type3A_813, %reduce_sum3A_818 [1] : vector<256x256xf32> to vector<256xf32>
    %broadcast_in_dim3A_820 = vector.shape_cast %reduce_sum3A_819 : vector<256xf32> to vector<256x1xf32>
    %reshape3A_821 = vector.shape_cast %broadcast_in_dim3A_820 : vector<256x1xf32> to vector<1x256xf32>
    %sub3A_822 = arith.constant 2.560000e+02 : f32
    %sub3A_823 = vector.broadcast %sub3A_822 : f32 to vector<1x256xf32>
    %sub3A_824 = arith.subf %sub3A_823, %reshape3A_821 : vector<1x256xf32>
    %add3A_825 = arith.addf %add3A_604, %sub3A_824 : vector<1x256xf32>
    %gt3A_826 = vector.broadcast %slice3A_26 : vector<256x1xf32> to vector<256x256xf32>
    %gt3A_827 = vector.broadcast %slice3A_4 : vector<1x256xf32> to vector<256x256xf32>
    %gt3A_828 = arith.cmpf ogt, %gt3A_826, %gt3A_827 : vector<256x256xf32>
    %convert_element_type3A_829 = arith.extui %gt3A_828 : vector<256x256xi1> to vector<256x256xi32>
    %convert_element_type3A_830 = arith.sitofp %convert_element_type3A_829 : vector<256x256xi32> to vector<256x256xf32>
    %reduce_sum3A_831 = arith.constant dense<0.000000e+00> : vector<256xf32>
    %reduce_sum3A_832 = vector.multi_reduction <add>, %convert_element_type3A_830, %reduce_sum3A_831 [0] : vector<256x256xf32> to vector<256xf32>
    %broadcast_in_dim3A_833 = vector.shape_cast %reduce_sum3A_832 : vector<256xf32> to vector<1x256xf32>
    %add3A_834 = arith.addf %add3A_817, %broadcast_in_dim3A_833 : vector<1x256xf32>
    %reduce_sum3A_835 = arith.constant dense<0.000000e+00> : vector<256xf32>
    %reduce_sum3A_836 = vector.multi_reduction <add>, %convert_element_type3A_830, %reduce_sum3A_835 [1] : vector<256x256xf32> to vector<256xf32>
    %broadcast_in_dim3A_837 = vector.shape_cast %reduce_sum3A_836 : vector<256xf32> to vector<256x1xf32>
    %reshape3A_838 = vector.shape_cast %broadcast_in_dim3A_837 : vector<256x1xf32> to vector<1x256xf32>
    %sub3A_839 = arith.constant 2.560000e+02 : f32
    %sub3A_840 = vector.broadcast %sub3A_839 : f32 to vector<1x256xf32>
    %sub3A_841 = arith.subf %sub3A_840, %reshape3A_838 : vector<1x256xf32>
    %add3A_842 = arith.addf %add3A_621, %sub3A_841 : vector<1x256xf32>
    %gt3A_843 = vector.broadcast %slice3A_27 : vector<256x1xf32> to vector<256x256xf32>
    %gt3A_844 = vector.broadcast %slice3A_4 : vector<1x256xf32> to vector<256x256xf32>
    %gt3A_845 = arith.cmpf ogt, %gt3A_843, %gt3A_844 : vector<256x256xf32>
    %convert_element_type3A_846 = arith.extui %gt3A_845 : vector<256x256xi1> to vector<256x256xi32>
    %convert_element_type3A_847 = arith.sitofp %convert_element_type3A_846 : vector<256x256xi32> to vector<256x256xf32>
    %reduce_sum3A_848 = arith.constant dense<0.000000e+00> : vector<256xf32>
    %reduce_sum3A_849 = vector.multi_reduction <add>, %convert_element_type3A_847, %reduce_sum3A_848 [0] : vector<256x256xf32> to vector<256xf32>
    %broadcast_in_dim3A_850 = vector.shape_cast %reduce_sum3A_849 : vector<256xf32> to vector<1x256xf32>
    %add3A_851 = arith.addf %add3A_834, %broadcast_in_dim3A_850 : vector<1x256xf32>
    %reduce_sum3A_852 = arith.constant dense<0.000000e+00> : vector<256xf32>
    %reduce_sum3A_853 = vector.multi_reduction <add>, %convert_element_type3A_847, %reduce_sum3A_852 [1] : vector<256x256xf32> to vector<256xf32>
    %broadcast_in_dim3A_854 = vector.shape_cast %reduce_sum3A_853 : vector<256xf32> to vector<256x1xf32>
    %reshape3A_855 = vector.shape_cast %broadcast_in_dim3A_854 : vector<256x1xf32> to vector<1x256xf32>
    %sub3A_856 = arith.constant 2.560000e+02 : f32
    %sub3A_857 = vector.broadcast %sub3A_856 : f32 to vector<1x256xf32>
    %sub3A_858 = arith.subf %sub3A_857, %reshape3A_855 : vector<1x256xf32>
    %add3A_859 = arith.addf %add3A_638, %sub3A_858 : vector<1x256xf32>
    %gt3A_860 = vector.broadcast %slice3A_28 : vector<256x1xf32> to vector<256x256xf32>
    %gt3A_861 = vector.broadcast %slice3A_4 : vector<1x256xf32> to vector<256x256xf32>
    %gt3A_862 = arith.cmpf ogt, %gt3A_860, %gt3A_861 : vector<256x256xf32>
    %convert_element_type3A_863 = arith.extui %gt3A_862 : vector<256x256xi1> to vector<256x256xi32>
    %convert_element_type3A_864 = arith.sitofp %convert_element_type3A_863 : vector<256x256xi32> to vector<256x256xf32>
    %reduce_sum3A_865 = arith.constant dense<0.000000e+00> : vector<256xf32>
    %reduce_sum3A_866 = vector.multi_reduction <add>, %convert_element_type3A_864, %reduce_sum3A_865 [0] : vector<256x256xf32> to vector<256xf32>
    %broadcast_in_dim3A_867 = vector.shape_cast %reduce_sum3A_866 : vector<256xf32> to vector<1x256xf32>
    %add3A_868 = arith.addf %add3A_851, %broadcast_in_dim3A_867 : vector<1x256xf32>
    %reduce_sum3A_869 = arith.constant dense<0.000000e+00> : vector<256xf32>
    %reduce_sum3A_870 = vector.multi_reduction <add>, %convert_element_type3A_864, %reduce_sum3A_869 [1] : vector<256x256xf32> to vector<256xf32>
    %broadcast_in_dim3A_871 = vector.shape_cast %reduce_sum3A_870 : vector<256xf32> to vector<256x1xf32>
    %reshape3A_872 = vector.shape_cast %broadcast_in_dim3A_871 : vector<256x1xf32> to vector<1x256xf32>
    %sub3A_873 = arith.constant 2.560000e+02 : f32
    %sub3A_874 = vector.broadcast %sub3A_873 : f32 to vector<1x256xf32>
    %sub3A_875 = arith.subf %sub3A_874, %reshape3A_872 : vector<1x256xf32>
    %add3A_876 = arith.addf %add3A_655, %sub3A_875 : vector<1x256xf32>
    %gt3A_877 = vector.broadcast %slice3A_29 : vector<256x1xf32> to vector<256x256xf32>
    %gt3A_878 = vector.broadcast %slice3A_4 : vector<1x256xf32> to vector<256x256xf32>
    %gt3A_879 = arith.cmpf ogt, %gt3A_877, %gt3A_878 : vector<256x256xf32>
    %convert_element_type3A_880 = arith.extui %gt3A_879 : vector<256x256xi1> to vector<256x256xi32>
    %convert_element_type3A_881 = arith.sitofp %convert_element_type3A_880 : vector<256x256xi32> to vector<256x256xf32>
    %reduce_sum3A_882 = arith.constant dense<0.000000e+00> : vector<256xf32>
    %reduce_sum3A_883 = vector.multi_reduction <add>, %convert_element_type3A_881, %reduce_sum3A_882 [0] : vector<256x256xf32> to vector<256xf32>
    %broadcast_in_dim3A_884 = vector.shape_cast %reduce_sum3A_883 : vector<256xf32> to vector<1x256xf32>
    %add3A_885 = arith.addf %add3A_868, %broadcast_in_dim3A_884 : vector<1x256xf32>
    %reduce_sum3A_886 = arith.constant dense<0.000000e+00> : vector<256xf32>
    %reduce_sum3A_887 = vector.multi_reduction <add>, %convert_element_type3A_881, %reduce_sum3A_886 [1] : vector<256x256xf32> to vector<256xf32>
    %broadcast_in_dim3A_888 = vector.shape_cast %reduce_sum3A_887 : vector<256xf32> to vector<256x1xf32>
    %reshape3A_889 = vector.shape_cast %broadcast_in_dim3A_888 : vector<256x1xf32> to vector<1x256xf32>
    %sub3A_890 = arith.constant 2.560000e+02 : f32
    %sub3A_891 = vector.broadcast %sub3A_890 : f32 to vector<1x256xf32>
    %sub3A_892 = arith.subf %sub3A_891, %reshape3A_889 : vector<1x256xf32>
    %add3A_893 = arith.addf %add3A_672, %sub3A_892 : vector<1x256xf32>
    %gt3A_894 = vector.broadcast %slice3A_30 : vector<256x1xf32> to vector<256x256xf32>
    %gt3A_895 = vector.broadcast %slice3A_4 : vector<1x256xf32> to vector<256x256xf32>
    %gt3A_896 = arith.cmpf ogt, %gt3A_894, %gt3A_895 : vector<256x256xf32>
    %convert_element_type3A_897 = arith.extui %gt3A_896 : vector<256x256xi1> to vector<256x256xi32>
    %convert_element_type3A_898 = arith.sitofp %convert_element_type3A_897 : vector<256x256xi32> to vector<256x256xf32>
    %reduce_sum3A_899 = arith.constant dense<0.000000e+00> : vector<256xf32>
    %reduce_sum3A_900 = vector.multi_reduction <add>, %convert_element_type3A_898, %reduce_sum3A_899 [0] : vector<256x256xf32> to vector<256xf32>
    %broadcast_in_dim3A_901 = vector.shape_cast %reduce_sum3A_900 : vector<256xf32> to vector<1x256xf32>
    %add3A_902 = arith.addf %add3A_885, %broadcast_in_dim3A_901 : vector<1x256xf32>
    %reduce_sum3A_903 = arith.constant dense<0.000000e+00> : vector<256xf32>
    %reduce_sum3A_904 = vector.multi_reduction <add>, %convert_element_type3A_898, %reduce_sum3A_903 [1] : vector<256x256xf32> to vector<256xf32>
    %broadcast_in_dim3A_905 = vector.shape_cast %reduce_sum3A_904 : vector<256xf32> to vector<256x1xf32>
    %reshape3A_906 = vector.shape_cast %broadcast_in_dim3A_905 : vector<256x1xf32> to vector<1x256xf32>
    %sub3A_907 = arith.constant 2.560000e+02 : f32
    %sub3A_908 = vector.broadcast %sub3A_907 : f32 to vector<1x256xf32>
    %sub3A_909 = arith.subf %sub3A_908, %reshape3A_906 : vector<1x256xf32>
    %add3A_910 = arith.addf %add3A_689, %sub3A_909 : vector<1x256xf32>
    %gt3A_911 = vector.broadcast %slice3A_31 : vector<256x1xf32> to vector<256x256xf32>
    %gt3A_912 = vector.broadcast %slice3A_4 : vector<1x256xf32> to vector<256x256xf32>
    %gt3A_913 = arith.cmpf ogt, %gt3A_911, %gt3A_912 : vector<256x256xf32>
    %convert_element_type3A_914 = arith.extui %gt3A_913 : vector<256x256xi1> to vector<256x256xi32>
    %convert_element_type3A_915 = arith.sitofp %convert_element_type3A_914 : vector<256x256xi32> to vector<256x256xf32>
    %reduce_sum3A_916 = arith.constant dense<0.000000e+00> : vector<256xf32>
    %reduce_sum3A_917 = vector.multi_reduction <add>, %convert_element_type3A_915, %reduce_sum3A_916 [0] : vector<256x256xf32> to vector<256xf32>
    %broadcast_in_dim3A_918 = vector.shape_cast %reduce_sum3A_917 : vector<256xf32> to vector<1x256xf32>
    %add3A_919 = arith.addf %add3A_902, %broadcast_in_dim3A_918 : vector<1x256xf32>
    %reduce_sum3A_920 = arith.constant dense<0.000000e+00> : vector<256xf32>
    %reduce_sum3A_921 = vector.multi_reduction <add>, %convert_element_type3A_915, %reduce_sum3A_920 [1] : vector<256x256xf32> to vector<256xf32>
    %broadcast_in_dim3A_922 = vector.shape_cast %reduce_sum3A_921 : vector<256xf32> to vector<256x1xf32>
    %reshape3A_923 = vector.shape_cast %broadcast_in_dim3A_922 : vector<256x1xf32> to vector<1x256xf32>
    %sub3A_924 = arith.constant 2.560000e+02 : f32
    %sub3A_925 = vector.broadcast %sub3A_924 : f32 to vector<1x256xf32>
    %sub3A_926 = arith.subf %sub3A_925, %reshape3A_923 : vector<1x256xf32>
    %add3A_927 = arith.addf %add3A_706, %sub3A_926 : vector<1x256xf32>
    %gt3A_928 = vector.broadcast %slice3A_32 : vector<256x1xf32> to vector<256x256xf32>
    %gt3A_929 = vector.broadcast %slice3A_4 : vector<1x256xf32> to vector<256x256xf32>
    %gt3A_930 = arith.cmpf ogt, %gt3A_928, %gt3A_929 : vector<256x256xf32>
    %convert_element_type3A_931 = arith.extui %gt3A_930 : vector<256x256xi1> to vector<256x256xi32>
    %convert_element_type3A_932 = arith.sitofp %convert_element_type3A_931 : vector<256x256xi32> to vector<256x256xf32>
    %reduce_sum3A_933 = arith.constant dense<0.000000e+00> : vector<256xf32>
    %reduce_sum3A_934 = vector.multi_reduction <add>, %convert_element_type3A_932, %reduce_sum3A_933 [0] : vector<256x256xf32> to vector<256xf32>
    %broadcast_in_dim3A_935 = vector.shape_cast %reduce_sum3A_934 : vector<256xf32> to vector<1x256xf32>
    %add3A_936 = arith.addf %add3A_919, %broadcast_in_dim3A_935 : vector<1x256xf32>
    %reduce_sum3A_937 = arith.constant dense<0.000000e+00> : vector<256xf32>
    %reduce_sum3A_938 = vector.multi_reduction <add>, %convert_element_type3A_932, %reduce_sum3A_937 [1] : vector<256x256xf32> to vector<256xf32>
    %broadcast_in_dim3A_939 = vector.shape_cast %reduce_sum3A_938 : vector<256xf32> to vector<256x1xf32>
    %reshape3A_940 = vector.shape_cast %broadcast_in_dim3A_939 : vector<256x1xf32> to vector<1x256xf32>
    %sub3A_941 = arith.constant 2.560000e+02 : f32
    %sub3A_942 = vector.broadcast %sub3A_941 : f32 to vector<1x256xf32>
    %sub3A_943 = arith.subf %sub3A_942, %reshape3A_940 : vector<1x256xf32>
    %add3A_944 = arith.addf %add3A_723, %sub3A_943 : vector<1x256xf32>
    %gt3A_945 = vector.broadcast %slice3A_33 : vector<256x1xf32> to vector<256x256xf32>
    %gt3A_946 = vector.broadcast %slice3A_4 : vector<1x256xf32> to vector<256x256xf32>
    %gt3A_947 = arith.cmpf ogt, %gt3A_945, %gt3A_946 : vector<256x256xf32>
    %convert_element_type3A_948 = arith.extui %gt3A_947 : vector<256x256xi1> to vector<256x256xi32>
    %convert_element_type3A_949 = arith.sitofp %convert_element_type3A_948 : vector<256x256xi32> to vector<256x256xf32>
    %reduce_sum3A_950 = arith.constant dense<0.000000e+00> : vector<256xf32>
    %reduce_sum3A_951 = vector.multi_reduction <add>, %convert_element_type3A_949, %reduce_sum3A_950 [0] : vector<256x256xf32> to vector<256xf32>
    %broadcast_in_dim3A_952 = vector.shape_cast %reduce_sum3A_951 : vector<256xf32> to vector<1x256xf32>
    %add3A_953 = arith.addf %add3A_936, %broadcast_in_dim3A_952 : vector<1x256xf32>
    %reduce_sum3A_954 = arith.constant dense<0.000000e+00> : vector<256xf32>
    %reduce_sum3A_955 = vector.multi_reduction <add>, %convert_element_type3A_949, %reduce_sum3A_954 [1] : vector<256x256xf32> to vector<256xf32>
    %broadcast_in_dim3A_956 = vector.shape_cast %reduce_sum3A_955 : vector<256xf32> to vector<256x1xf32>
    %reshape3A_957 = vector.shape_cast %broadcast_in_dim3A_956 : vector<256x1xf32> to vector<1x256xf32>
    %sub3A_958 = arith.constant 2.560000e+02 : f32
    %sub3A_959 = vector.broadcast %sub3A_958 : f32 to vector<1x256xf32>
    %sub3A_960 = arith.subf %sub3A_959, %reshape3A_957 : vector<1x256xf32>
    %add3A_961 = arith.addf %add3A_740, %sub3A_960 : vector<1x256xf32>
    %gt3A_962 = vector.broadcast %slice3A_22 : vector<256x1xf32> to vector<256x256xf32>
    %gt3A_963 = vector.broadcast %slice3A_5 : vector<1x256xf32> to vector<256x256xf32>
    %gt3A_964 = arith.cmpf ogt, %gt3A_962, %gt3A_963 : vector<256x256xf32>
    %convert_element_type3A_965 = arith.extui %gt3A_964 : vector<256x256xi1> to vector<256x256xi32>
    %convert_element_type3A_966 = arith.sitofp %convert_element_type3A_965 : vector<256x256xi32> to vector<256x256xf32>
    %reduce_sum3A_967 = arith.constant dense<0.000000e+00> : vector<256xf32>
    %reduce_sum3A_968 = vector.multi_reduction <add>, %convert_element_type3A_966, %reduce_sum3A_967 [0] : vector<256x256xf32> to vector<256xf32>
    %broadcast_in_dim3A_969 = vector.shape_cast %reduce_sum3A_968 : vector<256xf32> to vector<1x256xf32>
    %add3A_970 = arith.addf %add3A_757, %broadcast_in_dim3A_969 : vector<1x256xf32>
    %reduce_sum3A_971 = arith.constant dense<0.000000e+00> : vector<256xf32>
    %reduce_sum3A_972 = vector.multi_reduction <add>, %convert_element_type3A_966, %reduce_sum3A_971 [1] : vector<256x256xf32> to vector<256xf32>
    %broadcast_in_dim3A_973 = vector.shape_cast %reduce_sum3A_972 : vector<256xf32> to vector<256x1xf32>
    %reshape3A_974 = vector.shape_cast %broadcast_in_dim3A_973 : vector<256x1xf32> to vector<1x256xf32>
    %sub3A_975 = arith.constant 2.560000e+02 : f32
    %sub3A_976 = vector.broadcast %sub3A_975 : f32 to vector<1x256xf32>
    %sub3A_977 = arith.subf %sub3A_976, %reshape3A_974 : vector<1x256xf32>
    %add3A_978 = arith.addf %add3A_774, %sub3A_977 : vector<1x256xf32>
    %gt3A_979 = vector.broadcast %slice3A_23 : vector<256x1xf32> to vector<256x256xf32>
    %gt3A_980 = vector.broadcast %slice3A_5 : vector<1x256xf32> to vector<256x256xf32>
    %gt3A_981 = arith.cmpf ogt, %gt3A_979, %gt3A_980 : vector<256x256xf32>
    %convert_element_type3A_982 = arith.extui %gt3A_981 : vector<256x256xi1> to vector<256x256xi32>
    %convert_element_type3A_983 = arith.sitofp %convert_element_type3A_982 : vector<256x256xi32> to vector<256x256xf32>
    %reduce_sum3A_984 = arith.constant dense<0.000000e+00> : vector<256xf32>
    %reduce_sum3A_985 = vector.multi_reduction <add>, %convert_element_type3A_983, %reduce_sum3A_984 [0] : vector<256x256xf32> to vector<256xf32>
    %broadcast_in_dim3A_986 = vector.shape_cast %reduce_sum3A_985 : vector<256xf32> to vector<1x256xf32>
    %add3A_987 = arith.addf %add3A_970, %broadcast_in_dim3A_986 : vector<1x256xf32>
    %reduce_sum3A_988 = arith.constant dense<0.000000e+00> : vector<256xf32>
    %reduce_sum3A_989 = vector.multi_reduction <add>, %convert_element_type3A_983, %reduce_sum3A_988 [1] : vector<256x256xf32> to vector<256xf32>
    %broadcast_in_dim3A_990 = vector.shape_cast %reduce_sum3A_989 : vector<256xf32> to vector<256x1xf32>
    %reshape3A_991 = vector.shape_cast %broadcast_in_dim3A_990 : vector<256x1xf32> to vector<1x256xf32>
    %sub3A_992 = arith.constant 2.560000e+02 : f32
    %sub3A_993 = vector.broadcast %sub3A_992 : f32 to vector<1x256xf32>
    %sub3A_994 = arith.subf %sub3A_993, %reshape3A_991 : vector<1x256xf32>
    %add3A_995 = arith.addf %add3A_791, %sub3A_994 : vector<1x256xf32>
    %gt3A_996 = vector.broadcast %slice3A_24 : vector<256x1xf32> to vector<256x256xf32>
    %gt3A_997 = vector.broadcast %slice3A_5 : vector<1x256xf32> to vector<256x256xf32>
    %gt3A_998 = arith.cmpf ogt, %gt3A_996, %gt3A_997 : vector<256x256xf32>
    %convert_element_type3A_999 = arith.extui %gt3A_998 : vector<256x256xi1> to vector<256x256xi32>
    %convert_element_type3A_1000 = arith.sitofp %convert_element_type3A_999 : vector<256x256xi32> to vector<256x256xf32>
    %reduce_sum3A_1001 = arith.constant dense<0.000000e+00> : vector<256xf32>
    %reduce_sum3A_1002 = vector.multi_reduction <add>, %convert_element_type3A_1000, %reduce_sum3A_1001 [0] : vector<256x256xf32> to vector<256xf32>
    %broadcast_in_dim3A_1003 = vector.shape_cast %reduce_sum3A_1002 : vector<256xf32> to vector<1x256xf32>
    %add3A_1004 = arith.addf %add3A_987, %broadcast_in_dim3A_1003 : vector<1x256xf32>
    %reduce_sum3A_1005 = arith.constant dense<0.000000e+00> : vector<256xf32>
    %reduce_sum3A_1006 = vector.multi_reduction <add>, %convert_element_type3A_1000, %reduce_sum3A_1005 [1] : vector<256x256xf32> to vector<256xf32>
    %broadcast_in_dim3A_1007 = vector.shape_cast %reduce_sum3A_1006 : vector<256xf32> to vector<256x1xf32>
    %reshape3A_1008 = vector.shape_cast %broadcast_in_dim3A_1007 : vector<256x1xf32> to vector<1x256xf32>
    %sub3A_1009 = arith.constant 2.560000e+02 : f32
    %sub3A_1010 = vector.broadcast %sub3A_1009 : f32 to vector<1x256xf32>
    %sub3A_1011 = arith.subf %sub3A_1010, %reshape3A_1008 : vector<1x256xf32>
    %add3A_1012 = arith.addf %add3A_808, %sub3A_1011 : vector<1x256xf32>
    %gt3A_1013 = vector.broadcast %slice3A_25 : vector<256x1xf32> to vector<256x256xf32>
    %gt3A_1014 = vector.broadcast %slice3A_5 : vector<1x256xf32> to vector<256x256xf32>
    %gt3A_1015 = arith.cmpf ogt, %gt3A_1013, %gt3A_1014 : vector<256x256xf32>
    %convert_element_type3A_1016 = arith.extui %gt3A_1015 : vector<256x256xi1> to vector<256x256xi32>
    %convert_element_type3A_1017 = arith.sitofp %convert_element_type3A_1016 : vector<256x256xi32> to vector<256x256xf32>
    %reduce_sum3A_1018 = arith.constant dense<0.000000e+00> : vector<256xf32>
    %reduce_sum3A_1019 = vector.multi_reduction <add>, %convert_element_type3A_1017, %reduce_sum3A_1018 [0] : vector<256x256xf32> to vector<256xf32>
    %broadcast_in_dim3A_1020 = vector.shape_cast %reduce_sum3A_1019 : vector<256xf32> to vector<1x256xf32>
    %add3A_1021 = arith.addf %add3A_1004, %broadcast_in_dim3A_1020 : vector<1x256xf32>
    %reduce_sum3A_1022 = arith.constant dense<0.000000e+00> : vector<256xf32>
    %reduce_sum3A_1023 = vector.multi_reduction <add>, %convert_element_type3A_1017, %reduce_sum3A_1022 [1] : vector<256x256xf32> to vector<256xf32>
    %broadcast_in_dim3A_1024 = vector.shape_cast %reduce_sum3A_1023 : vector<256xf32> to vector<256x1xf32>
    %reshape3A_1025 = vector.shape_cast %broadcast_in_dim3A_1024 : vector<256x1xf32> to vector<1x256xf32>
    %sub3A_1026 = arith.constant 2.560000e+02 : f32
    %sub3A_1027 = vector.broadcast %sub3A_1026 : f32 to vector<1x256xf32>
    %sub3A_1028 = arith.subf %sub3A_1027, %reshape3A_1025 : vector<1x256xf32>
    %add3A_1029 = arith.addf %add3A_825, %sub3A_1028 : vector<1x256xf32>
    %gt3A_1030 = vector.broadcast %slice3A_26 : vector<256x1xf32> to vector<256x256xf32>
    %gt3A_1031 = vector.broadcast %slice3A_5 : vector<1x256xf32> to vector<256x256xf32>
    %gt3A_1032 = arith.cmpf ogt, %gt3A_1030, %gt3A_1031 : vector<256x256xf32>
    %convert_element_type3A_1033 = arith.extui %gt3A_1032 : vector<256x256xi1> to vector<256x256xi32>
    %convert_element_type3A_1034 = arith.sitofp %convert_element_type3A_1033 : vector<256x256xi32> to vector<256x256xf32>
    %reduce_sum3A_1035 = arith.constant dense<0.000000e+00> : vector<256xf32>
    %reduce_sum3A_1036 = vector.multi_reduction <add>, %convert_element_type3A_1034, %reduce_sum3A_1035 [0] : vector<256x256xf32> to vector<256xf32>
    %broadcast_in_dim3A_1037 = vector.shape_cast %reduce_sum3A_1036 : vector<256xf32> to vector<1x256xf32>
    %add3A_1038 = arith.addf %add3A_1021, %broadcast_in_dim3A_1037 : vector<1x256xf32>
    %reduce_sum3A_1039 = arith.constant dense<0.000000e+00> : vector<256xf32>
    %reduce_sum3A_1040 = vector.multi_reduction <add>, %convert_element_type3A_1034, %reduce_sum3A_1039 [1] : vector<256x256xf32> to vector<256xf32>
    %broadcast_in_dim3A_1041 = vector.shape_cast %reduce_sum3A_1040 : vector<256xf32> to vector<256x1xf32>
    %reshape3A_1042 = vector.shape_cast %broadcast_in_dim3A_1041 : vector<256x1xf32> to vector<1x256xf32>
    %sub3A_1043 = arith.constant 2.560000e+02 : f32
    %sub3A_1044 = vector.broadcast %sub3A_1043 : f32 to vector<1x256xf32>
    %sub3A_1045 = arith.subf %sub3A_1044, %reshape3A_1042 : vector<1x256xf32>
    %add3A_1046 = arith.addf %add3A_842, %sub3A_1045 : vector<1x256xf32>
    %gt3A_1047 = vector.broadcast %slice3A_27 : vector<256x1xf32> to vector<256x256xf32>
    %gt3A_1048 = vector.broadcast %slice3A_5 : vector<1x256xf32> to vector<256x256xf32>
    %gt3A_1049 = arith.cmpf ogt, %gt3A_1047, %gt3A_1048 : vector<256x256xf32>
    %convert_element_type3A_1050 = arith.extui %gt3A_1049 : vector<256x256xi1> to vector<256x256xi32>
    %convert_element_type3A_1051 = arith.sitofp %convert_element_type3A_1050 : vector<256x256xi32> to vector<256x256xf32>
    %reduce_sum3A_1052 = arith.constant dense<0.000000e+00> : vector<256xf32>
    %reduce_sum3A_1053 = vector.multi_reduction <add>, %convert_element_type3A_1051, %reduce_sum3A_1052 [0] : vector<256x256xf32> to vector<256xf32>
    %broadcast_in_dim3A_1054 = vector.shape_cast %reduce_sum3A_1053 : vector<256xf32> to vector<1x256xf32>
    %add3A_1055 = arith.addf %add3A_1038, %broadcast_in_dim3A_1054 : vector<1x256xf32>
    %reduce_sum3A_1056 = arith.constant dense<0.000000e+00> : vector<256xf32>
    %reduce_sum3A_1057 = vector.multi_reduction <add>, %convert_element_type3A_1051, %reduce_sum3A_1056 [1] : vector<256x256xf32> to vector<256xf32>
    %broadcast_in_dim3A_1058 = vector.shape_cast %reduce_sum3A_1057 : vector<256xf32> to vector<256x1xf32>
    %reshape3A_1059 = vector.shape_cast %broadcast_in_dim3A_1058 : vector<256x1xf32> to vector<1x256xf32>
    %sub3A_1060 = arith.constant 2.560000e+02 : f32
    %sub3A_1061 = vector.broadcast %sub3A_1060 : f32 to vector<1x256xf32>
    %sub3A_1062 = arith.subf %sub3A_1061, %reshape3A_1059 : vector<1x256xf32>
    %add3A_1063 = arith.addf %add3A_859, %sub3A_1062 : vector<1x256xf32>
    %gt3A_1064 = vector.broadcast %slice3A_28 : vector<256x1xf32> to vector<256x256xf32>
    %gt3A_1065 = vector.broadcast %slice3A_5 : vector<1x256xf32> to vector<256x256xf32>
    %gt3A_1066 = arith.cmpf ogt, %gt3A_1064, %gt3A_1065 : vector<256x256xf32>
    %convert_element_type3A_1067 = arith.extui %gt3A_1066 : vector<256x256xi1> to vector<256x256xi32>
    %convert_element_type3A_1068 = arith.sitofp %convert_element_type3A_1067 : vector<256x256xi32> to vector<256x256xf32>
    %reduce_sum3A_1069 = arith.constant dense<0.000000e+00> : vector<256xf32>
    %reduce_sum3A_1070 = vector.multi_reduction <add>, %convert_element_type3A_1068, %reduce_sum3A_1069 [0] : vector<256x256xf32> to vector<256xf32>
    %broadcast_in_dim3A_1071 = vector.shape_cast %reduce_sum3A_1070 : vector<256xf32> to vector<1x256xf32>
    %add3A_1072 = arith.addf %add3A_1055, %broadcast_in_dim3A_1071 : vector<1x256xf32>
    %reduce_sum3A_1073 = arith.constant dense<0.000000e+00> : vector<256xf32>
    %reduce_sum3A_1074 = vector.multi_reduction <add>, %convert_element_type3A_1068, %reduce_sum3A_1073 [1] : vector<256x256xf32> to vector<256xf32>
    %broadcast_in_dim3A_1075 = vector.shape_cast %reduce_sum3A_1074 : vector<256xf32> to vector<256x1xf32>
    %reshape3A_1076 = vector.shape_cast %broadcast_in_dim3A_1075 : vector<256x1xf32> to vector<1x256xf32>
    %sub3A_1077 = arith.constant 2.560000e+02 : f32
    %sub3A_1078 = vector.broadcast %sub3A_1077 : f32 to vector<1x256xf32>
    %sub3A_1079 = arith.subf %sub3A_1078, %reshape3A_1076 : vector<1x256xf32>
    %add3A_1080 = arith.addf %add3A_876, %sub3A_1079 : vector<1x256xf32>
    %gt3A_1081 = vector.broadcast %slice3A_29 : vector<256x1xf32> to vector<256x256xf32>
    %gt3A_1082 = vector.broadcast %slice3A_5 : vector<1x256xf32> to vector<256x256xf32>
    %gt3A_1083 = arith.cmpf ogt, %gt3A_1081, %gt3A_1082 : vector<256x256xf32>
    %convert_element_type3A_1084 = arith.extui %gt3A_1083 : vector<256x256xi1> to vector<256x256xi32>
    %convert_element_type3A_1085 = arith.sitofp %convert_element_type3A_1084 : vector<256x256xi32> to vector<256x256xf32>
    %reduce_sum3A_1086 = arith.constant dense<0.000000e+00> : vector<256xf32>
    %reduce_sum3A_1087 = vector.multi_reduction <add>, %convert_element_type3A_1085, %reduce_sum3A_1086 [0] : vector<256x256xf32> to vector<256xf32>
    %broadcast_in_dim3A_1088 = vector.shape_cast %reduce_sum3A_1087 : vector<256xf32> to vector<1x256xf32>
    %add3A_1089 = arith.addf %add3A_1072, %broadcast_in_dim3A_1088 : vector<1x256xf32>
    %reduce_sum3A_1090 = arith.constant dense<0.000000e+00> : vector<256xf32>
    %reduce_sum3A_1091 = vector.multi_reduction <add>, %convert_element_type3A_1085, %reduce_sum3A_1090 [1] : vector<256x256xf32> to vector<256xf32>
    %broadcast_in_dim3A_1092 = vector.shape_cast %reduce_sum3A_1091 : vector<256xf32> to vector<256x1xf32>
    %reshape3A_1093 = vector.shape_cast %broadcast_in_dim3A_1092 : vector<256x1xf32> to vector<1x256xf32>
    %sub3A_1094 = arith.constant 2.560000e+02 : f32
    %sub3A_1095 = vector.broadcast %sub3A_1094 : f32 to vector<1x256xf32>
    %sub3A_1096 = arith.subf %sub3A_1095, %reshape3A_1093 : vector<1x256xf32>
    %add3A_1097 = arith.addf %add3A_893, %sub3A_1096 : vector<1x256xf32>
    %gt3A_1098 = vector.broadcast %slice3A_30 : vector<256x1xf32> to vector<256x256xf32>
    %gt3A_1099 = vector.broadcast %slice3A_5 : vector<1x256xf32> to vector<256x256xf32>
    %gt3A_1100 = arith.cmpf ogt, %gt3A_1098, %gt3A_1099 : vector<256x256xf32>
    %convert_element_type3A_1101 = arith.extui %gt3A_1100 : vector<256x256xi1> to vector<256x256xi32>
    %convert_element_type3A_1102 = arith.sitofp %convert_element_type3A_1101 : vector<256x256xi32> to vector<256x256xf32>
    %reduce_sum3A_1103 = arith.constant dense<0.000000e+00> : vector<256xf32>
    %reduce_sum3A_1104 = vector.multi_reduction <add>, %convert_element_type3A_1102, %reduce_sum3A_1103 [0] : vector<256x256xf32> to vector<256xf32>
    %broadcast_in_dim3A_1105 = vector.shape_cast %reduce_sum3A_1104 : vector<256xf32> to vector<1x256xf32>
    %add3A_1106 = arith.addf %add3A_1089, %broadcast_in_dim3A_1105 : vector<1x256xf32>
    %reduce_sum3A_1107 = arith.constant dense<0.000000e+00> : vector<256xf32>
    %reduce_sum3A_1108 = vector.multi_reduction <add>, %convert_element_type3A_1102, %reduce_sum3A_1107 [1] : vector<256x256xf32> to vector<256xf32>
    %broadcast_in_dim3A_1109 = vector.shape_cast %reduce_sum3A_1108 : vector<256xf32> to vector<256x1xf32>
    %reshape3A_1110 = vector.shape_cast %broadcast_in_dim3A_1109 : vector<256x1xf32> to vector<1x256xf32>
    %sub3A_1111 = arith.constant 2.560000e+02 : f32
    %sub3A_1112 = vector.broadcast %sub3A_1111 : f32 to vector<1x256xf32>
    %sub3A_1113 = arith.subf %sub3A_1112, %reshape3A_1110 : vector<1x256xf32>
    %add3A_1114 = arith.addf %add3A_910, %sub3A_1113 : vector<1x256xf32>
    %gt3A_1115 = vector.broadcast %slice3A_31 : vector<256x1xf32> to vector<256x256xf32>
    %gt3A_1116 = vector.broadcast %slice3A_5 : vector<1x256xf32> to vector<256x256xf32>
    %gt3A_1117 = arith.cmpf ogt, %gt3A_1115, %gt3A_1116 : vector<256x256xf32>
    %convert_element_type3A_1118 = arith.extui %gt3A_1117 : vector<256x256xi1> to vector<256x256xi32>
    %convert_element_type3A_1119 = arith.sitofp %convert_element_type3A_1118 : vector<256x256xi32> to vector<256x256xf32>
    %reduce_sum3A_1120 = arith.constant dense<0.000000e+00> : vector<256xf32>
    %reduce_sum3A_1121 = vector.multi_reduction <add>, %convert_element_type3A_1119, %reduce_sum3A_1120 [0] : vector<256x256xf32> to vector<256xf32>
    %broadcast_in_dim3A_1122 = vector.shape_cast %reduce_sum3A_1121 : vector<256xf32> to vector<1x256xf32>
    %add3A_1123 = arith.addf %add3A_1106, %broadcast_in_dim3A_1122 : vector<1x256xf32>
    %reduce_sum3A_1124 = arith.constant dense<0.000000e+00> : vector<256xf32>
    %reduce_sum3A_1125 = vector.multi_reduction <add>, %convert_element_type3A_1119, %reduce_sum3A_1124 [1] : vector<256x256xf32> to vector<256xf32>
    %broadcast_in_dim3A_1126 = vector.shape_cast %reduce_sum3A_1125 : vector<256xf32> to vector<256x1xf32>
    %reshape3A_1127 = vector.shape_cast %broadcast_in_dim3A_1126 : vector<256x1xf32> to vector<1x256xf32>
    %sub3A_1128 = arith.constant 2.560000e+02 : f32
    %sub3A_1129 = vector.broadcast %sub3A_1128 : f32 to vector<1x256xf32>
    %sub3A_1130 = arith.subf %sub3A_1129, %reshape3A_1127 : vector<1x256xf32>
    %add3A_1131 = arith.addf %add3A_927, %sub3A_1130 : vector<1x256xf32>
    %gt3A_1132 = vector.broadcast %slice3A_32 : vector<256x1xf32> to vector<256x256xf32>
    %gt3A_1133 = vector.broadcast %slice3A_5 : vector<1x256xf32> to vector<256x256xf32>
    %gt3A_1134 = arith.cmpf ogt, %gt3A_1132, %gt3A_1133 : vector<256x256xf32>
    %convert_element_type3A_1135 = arith.extui %gt3A_1134 : vector<256x256xi1> to vector<256x256xi32>
    %convert_element_type3A_1136 = arith.sitofp %convert_element_type3A_1135 : vector<256x256xi32> to vector<256x256xf32>
    %reduce_sum3A_1137 = arith.constant dense<0.000000e+00> : vector<256xf32>
    %reduce_sum3A_1138 = vector.multi_reduction <add>, %convert_element_type3A_1136, %reduce_sum3A_1137 [0] : vector<256x256xf32> to vector<256xf32>
    %broadcast_in_dim3A_1139 = vector.shape_cast %reduce_sum3A_1138 : vector<256xf32> to vector<1x256xf32>
    %add3A_1140 = arith.addf %add3A_1123, %broadcast_in_dim3A_1139 : vector<1x256xf32>
    %reduce_sum3A_1141 = arith.constant dense<0.000000e+00> : vector<256xf32>
    %reduce_sum3A_1142 = vector.multi_reduction <add>, %convert_element_type3A_1136, %reduce_sum3A_1141 [1] : vector<256x256xf32> to vector<256xf32>
    %broadcast_in_dim3A_1143 = vector.shape_cast %reduce_sum3A_1142 : vector<256xf32> to vector<256x1xf32>
    %reshape3A_1144 = vector.shape_cast %broadcast_in_dim3A_1143 : vector<256x1xf32> to vector<1x256xf32>
    %sub3A_1145 = arith.constant 2.560000e+02 : f32
    %sub3A_1146 = vector.broadcast %sub3A_1145 : f32 to vector<1x256xf32>
    %sub3A_1147 = arith.subf %sub3A_1146, %reshape3A_1144 : vector<1x256xf32>
    %add3A_1148 = arith.addf %add3A_944, %sub3A_1147 : vector<1x256xf32>
    %gt3A_1149 = vector.broadcast %slice3A_33 : vector<256x1xf32> to vector<256x256xf32>
    %gt3A_1150 = vector.broadcast %slice3A_5 : vector<1x256xf32> to vector<256x256xf32>
    %gt3A_1151 = arith.cmpf ogt, %gt3A_1149, %gt3A_1150 : vector<256x256xf32>
    %convert_element_type3A_1152 = arith.extui %gt3A_1151 : vector<256x256xi1> to vector<256x256xi32>
    %convert_element_type3A_1153 = arith.sitofp %convert_element_type3A_1152 : vector<256x256xi32> to vector<256x256xf32>
    %reduce_sum3A_1154 = arith.constant dense<0.000000e+00> : vector<256xf32>
    %reduce_sum3A_1155 = vector.multi_reduction <add>, %convert_element_type3A_1153, %reduce_sum3A_1154 [0] : vector<256x256xf32> to vector<256xf32>
    %broadcast_in_dim3A_1156 = vector.shape_cast %reduce_sum3A_1155 : vector<256xf32> to vector<1x256xf32>
    %add3A_1157 = arith.addf %add3A_1140, %broadcast_in_dim3A_1156 : vector<1x256xf32>
    %reduce_sum3A_1158 = arith.constant dense<0.000000e+00> : vector<256xf32>
    %reduce_sum3A_1159 = vector.multi_reduction <add>, %convert_element_type3A_1153, %reduce_sum3A_1158 [1] : vector<256x256xf32> to vector<256xf32>
    %broadcast_in_dim3A_1160 = vector.shape_cast %reduce_sum3A_1159 : vector<256xf32> to vector<256x1xf32>
    %reshape3A_1161 = vector.shape_cast %broadcast_in_dim3A_1160 : vector<256x1xf32> to vector<1x256xf32>
    %sub3A_1162 = arith.constant 2.560000e+02 : f32
    %sub3A_1163 = vector.broadcast %sub3A_1162 : f32 to vector<1x256xf32>
    %sub3A_1164 = arith.subf %sub3A_1163, %reshape3A_1161 : vector<1x256xf32>
    %add3A_1165 = arith.addf %add3A_961, %sub3A_1164 : vector<1x256xf32>
    %gt3A_1166 = vector.broadcast %slice3A_23 : vector<256x1xf32> to vector<256x256xf32>
    %gt3A_1167 = vector.broadcast %slice3A_6 : vector<1x256xf32> to vector<256x256xf32>
    %gt3A_1168 = arith.cmpf ogt, %gt3A_1166, %gt3A_1167 : vector<256x256xf32>
    %convert_element_type3A_1169 = arith.extui %gt3A_1168 : vector<256x256xi1> to vector<256x256xi32>
    %convert_element_type3A_1170 = arith.sitofp %convert_element_type3A_1169 : vector<256x256xi32> to vector<256x256xf32>
    %reduce_sum3A_1171 = arith.constant dense<0.000000e+00> : vector<256xf32>
    %reduce_sum3A_1172 = vector.multi_reduction <add>, %convert_element_type3A_1170, %reduce_sum3A_1171 [0] : vector<256x256xf32> to vector<256xf32>
    %broadcast_in_dim3A_1173 = vector.shape_cast %reduce_sum3A_1172 : vector<256xf32> to vector<1x256xf32>
    %add3A_1174 = arith.addf %add3A_978, %broadcast_in_dim3A_1173 : vector<1x256xf32>
    %reduce_sum3A_1175 = arith.constant dense<0.000000e+00> : vector<256xf32>
    %reduce_sum3A_1176 = vector.multi_reduction <add>, %convert_element_type3A_1170, %reduce_sum3A_1175 [1] : vector<256x256xf32> to vector<256xf32>
    %broadcast_in_dim3A_1177 = vector.shape_cast %reduce_sum3A_1176 : vector<256xf32> to vector<256x1xf32>
    %reshape3A_1178 = vector.shape_cast %broadcast_in_dim3A_1177 : vector<256x1xf32> to vector<1x256xf32>
    %sub3A_1179 = arith.constant 2.560000e+02 : f32
    %sub3A_1180 = vector.broadcast %sub3A_1179 : f32 to vector<1x256xf32>
    %sub3A_1181 = arith.subf %sub3A_1180, %reshape3A_1178 : vector<1x256xf32>
    %add3A_1182 = arith.addf %add3A_995, %sub3A_1181 : vector<1x256xf32>
    %gt3A_1183 = vector.broadcast %slice3A_24 : vector<256x1xf32> to vector<256x256xf32>
    %gt3A_1184 = vector.broadcast %slice3A_6 : vector<1x256xf32> to vector<256x256xf32>
    %gt3A_1185 = arith.cmpf ogt, %gt3A_1183, %gt3A_1184 : vector<256x256xf32>
    %convert_element_type3A_1186 = arith.extui %gt3A_1185 : vector<256x256xi1> to vector<256x256xi32>
    %convert_element_type3A_1187 = arith.sitofp %convert_element_type3A_1186 : vector<256x256xi32> to vector<256x256xf32>
    %reduce_sum3A_1188 = arith.constant dense<0.000000e+00> : vector<256xf32>
    %reduce_sum3A_1189 = vector.multi_reduction <add>, %convert_element_type3A_1187, %reduce_sum3A_1188 [0] : vector<256x256xf32> to vector<256xf32>
    %broadcast_in_dim3A_1190 = vector.shape_cast %reduce_sum3A_1189 : vector<256xf32> to vector<1x256xf32>
    %add3A_1191 = arith.addf %add3A_1174, %broadcast_in_dim3A_1190 : vector<1x256xf32>
    %reduce_sum3A_1192 = arith.constant dense<0.000000e+00> : vector<256xf32>
    %reduce_sum3A_1193 = vector.multi_reduction <add>, %convert_element_type3A_1187, %reduce_sum3A_1192 [1] : vector<256x256xf32> to vector<256xf32>
    %broadcast_in_dim3A_1194 = vector.shape_cast %reduce_sum3A_1193 : vector<256xf32> to vector<256x1xf32>
    %reshape3A_1195 = vector.shape_cast %broadcast_in_dim3A_1194 : vector<256x1xf32> to vector<1x256xf32>
    %sub3A_1196 = arith.constant 2.560000e+02 : f32
    %sub3A_1197 = vector.broadcast %sub3A_1196 : f32 to vector<1x256xf32>
    %sub3A_1198 = arith.subf %sub3A_1197, %reshape3A_1195 : vector<1x256xf32>
    %add3A_1199 = arith.addf %add3A_1012, %sub3A_1198 : vector<1x256xf32>
    %gt3A_1200 = vector.broadcast %slice3A_25 : vector<256x1xf32> to vector<256x256xf32>
    %gt3A_1201 = vector.broadcast %slice3A_6 : vector<1x256xf32> to vector<256x256xf32>
    %gt3A_1202 = arith.cmpf ogt, %gt3A_1200, %gt3A_1201 : vector<256x256xf32>
    %convert_element_type3A_1203 = arith.extui %gt3A_1202 : vector<256x256xi1> to vector<256x256xi32>
    %convert_element_type3A_1204 = arith.sitofp %convert_element_type3A_1203 : vector<256x256xi32> to vector<256x256xf32>
    %reduce_sum3A_1205 = arith.constant dense<0.000000e+00> : vector<256xf32>
    %reduce_sum3A_1206 = vector.multi_reduction <add>, %convert_element_type3A_1204, %reduce_sum3A_1205 [0] : vector<256x256xf32> to vector<256xf32>
    %broadcast_in_dim3A_1207 = vector.shape_cast %reduce_sum3A_1206 : vector<256xf32> to vector<1x256xf32>
    %add3A_1208 = arith.addf %add3A_1191, %broadcast_in_dim3A_1207 : vector<1x256xf32>
    %reduce_sum3A_1209 = arith.constant dense<0.000000e+00> : vector<256xf32>
    %reduce_sum3A_1210 = vector.multi_reduction <add>, %convert_element_type3A_1204, %reduce_sum3A_1209 [1] : vector<256x256xf32> to vector<256xf32>
    %broadcast_in_dim3A_1211 = vector.shape_cast %reduce_sum3A_1210 : vector<256xf32> to vector<256x1xf32>
    %reshape3A_1212 = vector.shape_cast %broadcast_in_dim3A_1211 : vector<256x1xf32> to vector<1x256xf32>
    %sub3A_1213 = arith.constant 2.560000e+02 : f32
    %sub3A_1214 = vector.broadcast %sub3A_1213 : f32 to vector<1x256xf32>
    %sub3A_1215 = arith.subf %sub3A_1214, %reshape3A_1212 : vector<1x256xf32>
    %add3A_1216 = arith.addf %add3A_1029, %sub3A_1215 : vector<1x256xf32>
    %gt3A_1217 = vector.broadcast %slice3A_26 : vector<256x1xf32> to vector<256x256xf32>
    %gt3A_1218 = vector.broadcast %slice3A_6 : vector<1x256xf32> to vector<256x256xf32>
    %gt3A_1219 = arith.cmpf ogt, %gt3A_1217, %gt3A_1218 : vector<256x256xf32>
    %convert_element_type3A_1220 = arith.extui %gt3A_1219 : vector<256x256xi1> to vector<256x256xi32>
    %convert_element_type3A_1221 = arith.sitofp %convert_element_type3A_1220 : vector<256x256xi32> to vector<256x256xf32>
    %reduce_sum3A_1222 = arith.constant dense<0.000000e+00> : vector<256xf32>
    %reduce_sum3A_1223 = vector.multi_reduction <add>, %convert_element_type3A_1221, %reduce_sum3A_1222 [0] : vector<256x256xf32> to vector<256xf32>
    %broadcast_in_dim3A_1224 = vector.shape_cast %reduce_sum3A_1223 : vector<256xf32> to vector<1x256xf32>
    %add3A_1225 = arith.addf %add3A_1208, %broadcast_in_dim3A_1224 : vector<1x256xf32>
    %reduce_sum3A_1226 = arith.constant dense<0.000000e+00> : vector<256xf32>
    %reduce_sum3A_1227 = vector.multi_reduction <add>, %convert_element_type3A_1221, %reduce_sum3A_1226 [1] : vector<256x256xf32> to vector<256xf32>
    %broadcast_in_dim3A_1228 = vector.shape_cast %reduce_sum3A_1227 : vector<256xf32> to vector<256x1xf32>
    %reshape3A_1229 = vector.shape_cast %broadcast_in_dim3A_1228 : vector<256x1xf32> to vector<1x256xf32>
    %sub3A_1230 = arith.constant 2.560000e+02 : f32
    %sub3A_1231 = vector.broadcast %sub3A_1230 : f32 to vector<1x256xf32>
    %sub3A_1232 = arith.subf %sub3A_1231, %reshape3A_1229 : vector<1x256xf32>
    %add3A_1233 = arith.addf %add3A_1046, %sub3A_1232 : vector<1x256xf32>
    %gt3A_1234 = vector.broadcast %slice3A_27 : vector<256x1xf32> to vector<256x256xf32>
    %gt3A_1235 = vector.broadcast %slice3A_6 : vector<1x256xf32> to vector<256x256xf32>
    %gt3A_1236 = arith.cmpf ogt, %gt3A_1234, %gt3A_1235 : vector<256x256xf32>
    %convert_element_type3A_1237 = arith.extui %gt3A_1236 : vector<256x256xi1> to vector<256x256xi32>
    %convert_element_type3A_1238 = arith.sitofp %convert_element_type3A_1237 : vector<256x256xi32> to vector<256x256xf32>
    %reduce_sum3A_1239 = arith.constant dense<0.000000e+00> : vector<256xf32>
    %reduce_sum3A_1240 = vector.multi_reduction <add>, %convert_element_type3A_1238, %reduce_sum3A_1239 [0] : vector<256x256xf32> to vector<256xf32>
    %broadcast_in_dim3A_1241 = vector.shape_cast %reduce_sum3A_1240 : vector<256xf32> to vector<1x256xf32>
    %add3A_1242 = arith.addf %add3A_1225, %broadcast_in_dim3A_1241 : vector<1x256xf32>
    %reduce_sum3A_1243 = arith.constant dense<0.000000e+00> : vector<256xf32>
    %reduce_sum3A_1244 = vector.multi_reduction <add>, %convert_element_type3A_1238, %reduce_sum3A_1243 [1] : vector<256x256xf32> to vector<256xf32>
    %broadcast_in_dim3A_1245 = vector.shape_cast %reduce_sum3A_1244 : vector<256xf32> to vector<256x1xf32>
    %reshape3A_1246 = vector.shape_cast %broadcast_in_dim3A_1245 : vector<256x1xf32> to vector<1x256xf32>
    %sub3A_1247 = arith.constant 2.560000e+02 : f32
    %sub3A_1248 = vector.broadcast %sub3A_1247 : f32 to vector<1x256xf32>
    %sub3A_1249 = arith.subf %sub3A_1248, %reshape3A_1246 : vector<1x256xf32>
    %add3A_1250 = arith.addf %add3A_1063, %sub3A_1249 : vector<1x256xf32>
    %gt3A_1251 = vector.broadcast %slice3A_28 : vector<256x1xf32> to vector<256x256xf32>
    %gt3A_1252 = vector.broadcast %slice3A_6 : vector<1x256xf32> to vector<256x256xf32>
    %gt3A_1253 = arith.cmpf ogt, %gt3A_1251, %gt3A_1252 : vector<256x256xf32>
    %convert_element_type3A_1254 = arith.extui %gt3A_1253 : vector<256x256xi1> to vector<256x256xi32>
    %convert_element_type3A_1255 = arith.sitofp %convert_element_type3A_1254 : vector<256x256xi32> to vector<256x256xf32>
    %reduce_sum3A_1256 = arith.constant dense<0.000000e+00> : vector<256xf32>
    %reduce_sum3A_1257 = vector.multi_reduction <add>, %convert_element_type3A_1255, %reduce_sum3A_1256 [0] : vector<256x256xf32> to vector<256xf32>
    %broadcast_in_dim3A_1258 = vector.shape_cast %reduce_sum3A_1257 : vector<256xf32> to vector<1x256xf32>
    %add3A_1259 = arith.addf %add3A_1242, %broadcast_in_dim3A_1258 : vector<1x256xf32>
    %reduce_sum3A_1260 = arith.constant dense<0.000000e+00> : vector<256xf32>
    %reduce_sum3A_1261 = vector.multi_reduction <add>, %convert_element_type3A_1255, %reduce_sum3A_1260 [1] : vector<256x256xf32> to vector<256xf32>
    %broadcast_in_dim3A_1262 = vector.shape_cast %reduce_sum3A_1261 : vector<256xf32> to vector<256x1xf32>
    %reshape3A_1263 = vector.shape_cast %broadcast_in_dim3A_1262 : vector<256x1xf32> to vector<1x256xf32>
    %sub3A_1264 = arith.constant 2.560000e+02 : f32
    %sub3A_1265 = vector.broadcast %sub3A_1264 : f32 to vector<1x256xf32>
    %sub3A_1266 = arith.subf %sub3A_1265, %reshape3A_1263 : vector<1x256xf32>
    %add3A_1267 = arith.addf %add3A_1080, %sub3A_1266 : vector<1x256xf32>
    %gt3A_1268 = vector.broadcast %slice3A_29 : vector<256x1xf32> to vector<256x256xf32>
    %gt3A_1269 = vector.broadcast %slice3A_6 : vector<1x256xf32> to vector<256x256xf32>
    %gt3A_1270 = arith.cmpf ogt, %gt3A_1268, %gt3A_1269 : vector<256x256xf32>
    %convert_element_type3A_1271 = arith.extui %gt3A_1270 : vector<256x256xi1> to vector<256x256xi32>
    %convert_element_type3A_1272 = arith.sitofp %convert_element_type3A_1271 : vector<256x256xi32> to vector<256x256xf32>
    %reduce_sum3A_1273 = arith.constant dense<0.000000e+00> : vector<256xf32>
    %reduce_sum3A_1274 = vector.multi_reduction <add>, %convert_element_type3A_1272, %reduce_sum3A_1273 [0] : vector<256x256xf32> to vector<256xf32>
    %broadcast_in_dim3A_1275 = vector.shape_cast %reduce_sum3A_1274 : vector<256xf32> to vector<1x256xf32>
    %add3A_1276 = arith.addf %add3A_1259, %broadcast_in_dim3A_1275 : vector<1x256xf32>
    %reduce_sum3A_1277 = arith.constant dense<0.000000e+00> : vector<256xf32>
    %reduce_sum3A_1278 = vector.multi_reduction <add>, %convert_element_type3A_1272, %reduce_sum3A_1277 [1] : vector<256x256xf32> to vector<256xf32>
    %broadcast_in_dim3A_1279 = vector.shape_cast %reduce_sum3A_1278 : vector<256xf32> to vector<256x1xf32>
    %reshape3A_1280 = vector.shape_cast %broadcast_in_dim3A_1279 : vector<256x1xf32> to vector<1x256xf32>
    %sub3A_1281 = arith.constant 2.560000e+02 : f32
    %sub3A_1282 = vector.broadcast %sub3A_1281 : f32 to vector<1x256xf32>
    %sub3A_1283 = arith.subf %sub3A_1282, %reshape3A_1280 : vector<1x256xf32>
    %add3A_1284 = arith.addf %add3A_1097, %sub3A_1283 : vector<1x256xf32>
    %gt3A_1285 = vector.broadcast %slice3A_30 : vector<256x1xf32> to vector<256x256xf32>
    %gt3A_1286 = vector.broadcast %slice3A_6 : vector<1x256xf32> to vector<256x256xf32>
    %gt3A_1287 = arith.cmpf ogt, %gt3A_1285, %gt3A_1286 : vector<256x256xf32>
    %convert_element_type3A_1288 = arith.extui %gt3A_1287 : vector<256x256xi1> to vector<256x256xi32>
    %convert_element_type3A_1289 = arith.sitofp %convert_element_type3A_1288 : vector<256x256xi32> to vector<256x256xf32>
    %reduce_sum3A_1290 = arith.constant dense<0.000000e+00> : vector<256xf32>
    %reduce_sum3A_1291 = vector.multi_reduction <add>, %convert_element_type3A_1289, %reduce_sum3A_1290 [0] : vector<256x256xf32> to vector<256xf32>
    %broadcast_in_dim3A_1292 = vector.shape_cast %reduce_sum3A_1291 : vector<256xf32> to vector<1x256xf32>
    %add3A_1293 = arith.addf %add3A_1276, %broadcast_in_dim3A_1292 : vector<1x256xf32>
    %reduce_sum3A_1294 = arith.constant dense<0.000000e+00> : vector<256xf32>
    %reduce_sum3A_1295 = vector.multi_reduction <add>, %convert_element_type3A_1289, %reduce_sum3A_1294 [1] : vector<256x256xf32> to vector<256xf32>
    %broadcast_in_dim3A_1296 = vector.shape_cast %reduce_sum3A_1295 : vector<256xf32> to vector<256x1xf32>
    %reshape3A_1297 = vector.shape_cast %broadcast_in_dim3A_1296 : vector<256x1xf32> to vector<1x256xf32>
    %sub3A_1298 = arith.constant 2.560000e+02 : f32
    %sub3A_1299 = vector.broadcast %sub3A_1298 : f32 to vector<1x256xf32>
    %sub3A_1300 = arith.subf %sub3A_1299, %reshape3A_1297 : vector<1x256xf32>
    %add3A_1301 = arith.addf %add3A_1114, %sub3A_1300 : vector<1x256xf32>
    %gt3A_1302 = vector.broadcast %slice3A_31 : vector<256x1xf32> to vector<256x256xf32>
    %gt3A_1303 = vector.broadcast %slice3A_6 : vector<1x256xf32> to vector<256x256xf32>
    %gt3A_1304 = arith.cmpf ogt, %gt3A_1302, %gt3A_1303 : vector<256x256xf32>
    %convert_element_type3A_1305 = arith.extui %gt3A_1304 : vector<256x256xi1> to vector<256x256xi32>
    %convert_element_type3A_1306 = arith.sitofp %convert_element_type3A_1305 : vector<256x256xi32> to vector<256x256xf32>
    %reduce_sum3A_1307 = arith.constant dense<0.000000e+00> : vector<256xf32>
    %reduce_sum3A_1308 = vector.multi_reduction <add>, %convert_element_type3A_1306, %reduce_sum3A_1307 [0] : vector<256x256xf32> to vector<256xf32>
    %broadcast_in_dim3A_1309 = vector.shape_cast %reduce_sum3A_1308 : vector<256xf32> to vector<1x256xf32>
    %add3A_1310 = arith.addf %add3A_1293, %broadcast_in_dim3A_1309 : vector<1x256xf32>
    %reduce_sum3A_1311 = arith.constant dense<0.000000e+00> : vector<256xf32>
    %reduce_sum3A_1312 = vector.multi_reduction <add>, %convert_element_type3A_1306, %reduce_sum3A_1311 [1] : vector<256x256xf32> to vector<256xf32>
    %broadcast_in_dim3A_1313 = vector.shape_cast %reduce_sum3A_1312 : vector<256xf32> to vector<256x1xf32>
    %reshape3A_1314 = vector.shape_cast %broadcast_in_dim3A_1313 : vector<256x1xf32> to vector<1x256xf32>
    %sub3A_1315 = arith.constant 2.560000e+02 : f32
    %sub3A_1316 = vector.broadcast %sub3A_1315 : f32 to vector<1x256xf32>
    %sub3A_1317 = arith.subf %sub3A_1316, %reshape3A_1314 : vector<1x256xf32>
    %add3A_1318 = arith.addf %add3A_1131, %sub3A_1317 : vector<1x256xf32>
    %gt3A_1319 = vector.broadcast %slice3A_32 : vector<256x1xf32> to vector<256x256xf32>
    %gt3A_1320 = vector.broadcast %slice3A_6 : vector<1x256xf32> to vector<256x256xf32>
    %gt3A_1321 = arith.cmpf ogt, %gt3A_1319, %gt3A_1320 : vector<256x256xf32>
    %convert_element_type3A_1322 = arith.extui %gt3A_1321 : vector<256x256xi1> to vector<256x256xi32>
    %convert_element_type3A_1323 = arith.sitofp %convert_element_type3A_1322 : vector<256x256xi32> to vector<256x256xf32>
    %reduce_sum3A_1324 = arith.constant dense<0.000000e+00> : vector<256xf32>
    %reduce_sum3A_1325 = vector.multi_reduction <add>, %convert_element_type3A_1323, %reduce_sum3A_1324 [0] : vector<256x256xf32> to vector<256xf32>
    %broadcast_in_dim3A_1326 = vector.shape_cast %reduce_sum3A_1325 : vector<256xf32> to vector<1x256xf32>
    %add3A_1327 = arith.addf %add3A_1310, %broadcast_in_dim3A_1326 : vector<1x256xf32>
    %reduce_sum3A_1328 = arith.constant dense<0.000000e+00> : vector<256xf32>
    %reduce_sum3A_1329 = vector.multi_reduction <add>, %convert_element_type3A_1323, %reduce_sum3A_1328 [1] : vector<256x256xf32> to vector<256xf32>
    %broadcast_in_dim3A_1330 = vector.shape_cast %reduce_sum3A_1329 : vector<256xf32> to vector<256x1xf32>
    %reshape3A_1331 = vector.shape_cast %broadcast_in_dim3A_1330 : vector<256x1xf32> to vector<1x256xf32>
    %sub3A_1332 = arith.constant 2.560000e+02 : f32
    %sub3A_1333 = vector.broadcast %sub3A_1332 : f32 to vector<1x256xf32>
    %sub3A_1334 = arith.subf %sub3A_1333, %reshape3A_1331 : vector<1x256xf32>
    %add3A_1335 = arith.addf %add3A_1148, %sub3A_1334 : vector<1x256xf32>
    %gt3A_1336 = vector.broadcast %slice3A_33 : vector<256x1xf32> to vector<256x256xf32>
    %gt3A_1337 = vector.broadcast %slice3A_6 : vector<1x256xf32> to vector<256x256xf32>
    %gt3A_1338 = arith.cmpf ogt, %gt3A_1336, %gt3A_1337 : vector<256x256xf32>
    %convert_element_type3A_1339 = arith.extui %gt3A_1338 : vector<256x256xi1> to vector<256x256xi32>
    %convert_element_type3A_1340 = arith.sitofp %convert_element_type3A_1339 : vector<256x256xi32> to vector<256x256xf32>
    %reduce_sum3A_1341 = arith.constant dense<0.000000e+00> : vector<256xf32>
    %reduce_sum3A_1342 = vector.multi_reduction <add>, %convert_element_type3A_1340, %reduce_sum3A_1341 [0] : vector<256x256xf32> to vector<256xf32>
    %broadcast_in_dim3A_1343 = vector.shape_cast %reduce_sum3A_1342 : vector<256xf32> to vector<1x256xf32>
    %add3A_1344 = arith.addf %add3A_1327, %broadcast_in_dim3A_1343 : vector<1x256xf32>
    %reduce_sum3A_1345 = arith.constant dense<0.000000e+00> : vector<256xf32>
    %reduce_sum3A_1346 = vector.multi_reduction <add>, %convert_element_type3A_1340, %reduce_sum3A_1345 [1] : vector<256x256xf32> to vector<256xf32>
    %broadcast_in_dim3A_1347 = vector.shape_cast %reduce_sum3A_1346 : vector<256xf32> to vector<256x1xf32>
    %reshape3A_1348 = vector.shape_cast %broadcast_in_dim3A_1347 : vector<256x1xf32> to vector<1x256xf32>
    %sub3A_1349 = arith.constant 2.560000e+02 : f32
    %sub3A_1350 = vector.broadcast %sub3A_1349 : f32 to vector<1x256xf32>
    %sub3A_1351 = arith.subf %sub3A_1350, %reshape3A_1348 : vector<1x256xf32>
    %add3A_1352 = arith.addf %add3A_1165, %sub3A_1351 : vector<1x256xf32>
    %gt3A_1353 = vector.broadcast %slice3A_24 : vector<256x1xf32> to vector<256x256xf32>
    %gt3A_1354 = vector.broadcast %slice3A_7 : vector<1x256xf32> to vector<256x256xf32>
    %gt3A_1355 = arith.cmpf ogt, %gt3A_1353, %gt3A_1354 : vector<256x256xf32>
    %convert_element_type3A_1356 = arith.extui %gt3A_1355 : vector<256x256xi1> to vector<256x256xi32>
    %convert_element_type3A_1357 = arith.sitofp %convert_element_type3A_1356 : vector<256x256xi32> to vector<256x256xf32>
    %reduce_sum3A_1358 = arith.constant dense<0.000000e+00> : vector<256xf32>
    %reduce_sum3A_1359 = vector.multi_reduction <add>, %convert_element_type3A_1357, %reduce_sum3A_1358 [0] : vector<256x256xf32> to vector<256xf32>
    %broadcast_in_dim3A_1360 = vector.shape_cast %reduce_sum3A_1359 : vector<256xf32> to vector<1x256xf32>
    %add3A_1361 = arith.addf %add3A_1182, %broadcast_in_dim3A_1360 : vector<1x256xf32>
    %reduce_sum3A_1362 = arith.constant dense<0.000000e+00> : vector<256xf32>
    %reduce_sum3A_1363 = vector.multi_reduction <add>, %convert_element_type3A_1357, %reduce_sum3A_1362 [1] : vector<256x256xf32> to vector<256xf32>
    %broadcast_in_dim3A_1364 = vector.shape_cast %reduce_sum3A_1363 : vector<256xf32> to vector<256x1xf32>
    %reshape3A_1365 = vector.shape_cast %broadcast_in_dim3A_1364 : vector<256x1xf32> to vector<1x256xf32>
    %sub3A_1366 = arith.constant 2.560000e+02 : f32
    %sub3A_1367 = vector.broadcast %sub3A_1366 : f32 to vector<1x256xf32>
    %sub3A_1368 = arith.subf %sub3A_1367, %reshape3A_1365 : vector<1x256xf32>
    %add3A_1369 = arith.addf %add3A_1199, %sub3A_1368 : vector<1x256xf32>
    %gt3A_1370 = vector.broadcast %slice3A_25 : vector<256x1xf32> to vector<256x256xf32>
    %gt3A_1371 = vector.broadcast %slice3A_7 : vector<1x256xf32> to vector<256x256xf32>
    %gt3A_1372 = arith.cmpf ogt, %gt3A_1370, %gt3A_1371 : vector<256x256xf32>
    %convert_element_type3A_1373 = arith.extui %gt3A_1372 : vector<256x256xi1> to vector<256x256xi32>
    %convert_element_type3A_1374 = arith.sitofp %convert_element_type3A_1373 : vector<256x256xi32> to vector<256x256xf32>
    %reduce_sum3A_1375 = arith.constant dense<0.000000e+00> : vector<256xf32>
    %reduce_sum3A_1376 = vector.multi_reduction <add>, %convert_element_type3A_1374, %reduce_sum3A_1375 [0] : vector<256x256xf32> to vector<256xf32>
    %broadcast_in_dim3A_1377 = vector.shape_cast %reduce_sum3A_1376 : vector<256xf32> to vector<1x256xf32>
    %add3A_1378 = arith.addf %add3A_1361, %broadcast_in_dim3A_1377 : vector<1x256xf32>
    %reduce_sum3A_1379 = arith.constant dense<0.000000e+00> : vector<256xf32>
    %reduce_sum3A_1380 = vector.multi_reduction <add>, %convert_element_type3A_1374, %reduce_sum3A_1379 [1] : vector<256x256xf32> to vector<256xf32>
    %broadcast_in_dim3A_1381 = vector.shape_cast %reduce_sum3A_1380 : vector<256xf32> to vector<256x1xf32>
    %reshape3A_1382 = vector.shape_cast %broadcast_in_dim3A_1381 : vector<256x1xf32> to vector<1x256xf32>
    %sub3A_1383 = arith.constant 2.560000e+02 : f32
    %sub3A_1384 = vector.broadcast %sub3A_1383 : f32 to vector<1x256xf32>
    %sub3A_1385 = arith.subf %sub3A_1384, %reshape3A_1382 : vector<1x256xf32>
    %add3A_1386 = arith.addf %add3A_1216, %sub3A_1385 : vector<1x256xf32>
    %gt3A_1387 = vector.broadcast %slice3A_26 : vector<256x1xf32> to vector<256x256xf32>
    %gt3A_1388 = vector.broadcast %slice3A_7 : vector<1x256xf32> to vector<256x256xf32>
    %gt3A_1389 = arith.cmpf ogt, %gt3A_1387, %gt3A_1388 : vector<256x256xf32>
    %convert_element_type3A_1390 = arith.extui %gt3A_1389 : vector<256x256xi1> to vector<256x256xi32>
    %convert_element_type3A_1391 = arith.sitofp %convert_element_type3A_1390 : vector<256x256xi32> to vector<256x256xf32>
    %reduce_sum3A_1392 = arith.constant dense<0.000000e+00> : vector<256xf32>
    %reduce_sum3A_1393 = vector.multi_reduction <add>, %convert_element_type3A_1391, %reduce_sum3A_1392 [0] : vector<256x256xf32> to vector<256xf32>
    %broadcast_in_dim3A_1394 = vector.shape_cast %reduce_sum3A_1393 : vector<256xf32> to vector<1x256xf32>
    %add3A_1395 = arith.addf %add3A_1378, %broadcast_in_dim3A_1394 : vector<1x256xf32>
    %reduce_sum3A_1396 = arith.constant dense<0.000000e+00> : vector<256xf32>
    %reduce_sum3A_1397 = vector.multi_reduction <add>, %convert_element_type3A_1391, %reduce_sum3A_1396 [1] : vector<256x256xf32> to vector<256xf32>
    %broadcast_in_dim3A_1398 = vector.shape_cast %reduce_sum3A_1397 : vector<256xf32> to vector<256x1xf32>
    %reshape3A_1399 = vector.shape_cast %broadcast_in_dim3A_1398 : vector<256x1xf32> to vector<1x256xf32>
    %sub3A_1400 = arith.constant 2.560000e+02 : f32
    %sub3A_1401 = vector.broadcast %sub3A_1400 : f32 to vector<1x256xf32>
    %sub3A_1402 = arith.subf %sub3A_1401, %reshape3A_1399 : vector<1x256xf32>
    %add3A_1403 = arith.addf %add3A_1233, %sub3A_1402 : vector<1x256xf32>
    %gt3A_1404 = vector.broadcast %slice3A_27 : vector<256x1xf32> to vector<256x256xf32>
    %gt3A_1405 = vector.broadcast %slice3A_7 : vector<1x256xf32> to vector<256x256xf32>
    %gt3A_1406 = arith.cmpf ogt, %gt3A_1404, %gt3A_1405 : vector<256x256xf32>
    %convert_element_type3A_1407 = arith.extui %gt3A_1406 : vector<256x256xi1> to vector<256x256xi32>
    %convert_element_type3A_1408 = arith.sitofp %convert_element_type3A_1407 : vector<256x256xi32> to vector<256x256xf32>
    %reduce_sum3A_1409 = arith.constant dense<0.000000e+00> : vector<256xf32>
    %reduce_sum3A_1410 = vector.multi_reduction <add>, %convert_element_type3A_1408, %reduce_sum3A_1409 [0] : vector<256x256xf32> to vector<256xf32>
    %broadcast_in_dim3A_1411 = vector.shape_cast %reduce_sum3A_1410 : vector<256xf32> to vector<1x256xf32>
    %add3A_1412 = arith.addf %add3A_1395, %broadcast_in_dim3A_1411 : vector<1x256xf32>
    %reduce_sum3A_1413 = arith.constant dense<0.000000e+00> : vector<256xf32>
    %reduce_sum3A_1414 = vector.multi_reduction <add>, %convert_element_type3A_1408, %reduce_sum3A_1413 [1] : vector<256x256xf32> to vector<256xf32>
    %broadcast_in_dim3A_1415 = vector.shape_cast %reduce_sum3A_1414 : vector<256xf32> to vector<256x1xf32>
    %reshape3A_1416 = vector.shape_cast %broadcast_in_dim3A_1415 : vector<256x1xf32> to vector<1x256xf32>
    %sub3A_1417 = arith.constant 2.560000e+02 : f32
    %sub3A_1418 = vector.broadcast %sub3A_1417 : f32 to vector<1x256xf32>
    %sub3A_1419 = arith.subf %sub3A_1418, %reshape3A_1416 : vector<1x256xf32>
    %add3A_1420 = arith.addf %add3A_1250, %sub3A_1419 : vector<1x256xf32>
    %gt3A_1421 = vector.broadcast %slice3A_28 : vector<256x1xf32> to vector<256x256xf32>
    %gt3A_1422 = vector.broadcast %slice3A_7 : vector<1x256xf32> to vector<256x256xf32>
    %gt3A_1423 = arith.cmpf ogt, %gt3A_1421, %gt3A_1422 : vector<256x256xf32>
    %convert_element_type3A_1424 = arith.extui %gt3A_1423 : vector<256x256xi1> to vector<256x256xi32>
    %convert_element_type3A_1425 = arith.sitofp %convert_element_type3A_1424 : vector<256x256xi32> to vector<256x256xf32>
    %reduce_sum3A_1426 = arith.constant dense<0.000000e+00> : vector<256xf32>
    %reduce_sum3A_1427 = vector.multi_reduction <add>, %convert_element_type3A_1425, %reduce_sum3A_1426 [0] : vector<256x256xf32> to vector<256xf32>
    %broadcast_in_dim3A_1428 = vector.shape_cast %reduce_sum3A_1427 : vector<256xf32> to vector<1x256xf32>
    %add3A_1429 = arith.addf %add3A_1412, %broadcast_in_dim3A_1428 : vector<1x256xf32>
    %reduce_sum3A_1430 = arith.constant dense<0.000000e+00> : vector<256xf32>
    %reduce_sum3A_1431 = vector.multi_reduction <add>, %convert_element_type3A_1425, %reduce_sum3A_1430 [1] : vector<256x256xf32> to vector<256xf32>
    %broadcast_in_dim3A_1432 = vector.shape_cast %reduce_sum3A_1431 : vector<256xf32> to vector<256x1xf32>
    %reshape3A_1433 = vector.shape_cast %broadcast_in_dim3A_1432 : vector<256x1xf32> to vector<1x256xf32>
    %sub3A_1434 = arith.constant 2.560000e+02 : f32
    %sub3A_1435 = vector.broadcast %sub3A_1434 : f32 to vector<1x256xf32>
    %sub3A_1436 = arith.subf %sub3A_1435, %reshape3A_1433 : vector<1x256xf32>
    %add3A_1437 = arith.addf %add3A_1267, %sub3A_1436 : vector<1x256xf32>
    %gt3A_1438 = vector.broadcast %slice3A_29 : vector<256x1xf32> to vector<256x256xf32>
    %gt3A_1439 = vector.broadcast %slice3A_7 : vector<1x256xf32> to vector<256x256xf32>
    %gt3A_1440 = arith.cmpf ogt, %gt3A_1438, %gt3A_1439 : vector<256x256xf32>
    %convert_element_type3A_1441 = arith.extui %gt3A_1440 : vector<256x256xi1> to vector<256x256xi32>
    %convert_element_type3A_1442 = arith.sitofp %convert_element_type3A_1441 : vector<256x256xi32> to vector<256x256xf32>
    %reduce_sum3A_1443 = arith.constant dense<0.000000e+00> : vector<256xf32>
    %reduce_sum3A_1444 = vector.multi_reduction <add>, %convert_element_type3A_1442, %reduce_sum3A_1443 [0] : vector<256x256xf32> to vector<256xf32>
    %broadcast_in_dim3A_1445 = vector.shape_cast %reduce_sum3A_1444 : vector<256xf32> to vector<1x256xf32>
    %add3A_1446 = arith.addf %add3A_1429, %broadcast_in_dim3A_1445 : vector<1x256xf32>
    %reduce_sum3A_1447 = arith.constant dense<0.000000e+00> : vector<256xf32>
    %reduce_sum3A_1448 = vector.multi_reduction <add>, %convert_element_type3A_1442, %reduce_sum3A_1447 [1] : vector<256x256xf32> to vector<256xf32>
    %broadcast_in_dim3A_1449 = vector.shape_cast %reduce_sum3A_1448 : vector<256xf32> to vector<256x1xf32>
    %reshape3A_1450 = vector.shape_cast %broadcast_in_dim3A_1449 : vector<256x1xf32> to vector<1x256xf32>
    %sub3A_1451 = arith.constant 2.560000e+02 : f32
    %sub3A_1452 = vector.broadcast %sub3A_1451 : f32 to vector<1x256xf32>
    %sub3A_1453 = arith.subf %sub3A_1452, %reshape3A_1450 : vector<1x256xf32>
    %add3A_1454 = arith.addf %add3A_1284, %sub3A_1453 : vector<1x256xf32>
    %gt3A_1455 = vector.broadcast %slice3A_30 : vector<256x1xf32> to vector<256x256xf32>
    %gt3A_1456 = vector.broadcast %slice3A_7 : vector<1x256xf32> to vector<256x256xf32>
    %gt3A_1457 = arith.cmpf ogt, %gt3A_1455, %gt3A_1456 : vector<256x256xf32>
    %convert_element_type3A_1458 = arith.extui %gt3A_1457 : vector<256x256xi1> to vector<256x256xi32>
    %convert_element_type3A_1459 = arith.sitofp %convert_element_type3A_1458 : vector<256x256xi32> to vector<256x256xf32>
    %reduce_sum3A_1460 = arith.constant dense<0.000000e+00> : vector<256xf32>
    %reduce_sum3A_1461 = vector.multi_reduction <add>, %convert_element_type3A_1459, %reduce_sum3A_1460 [0] : vector<256x256xf32> to vector<256xf32>
    %broadcast_in_dim3A_1462 = vector.shape_cast %reduce_sum3A_1461 : vector<256xf32> to vector<1x256xf32>
    %add3A_1463 = arith.addf %add3A_1446, %broadcast_in_dim3A_1462 : vector<1x256xf32>
    %reduce_sum3A_1464 = arith.constant dense<0.000000e+00> : vector<256xf32>
    %reduce_sum3A_1465 = vector.multi_reduction <add>, %convert_element_type3A_1459, %reduce_sum3A_1464 [1] : vector<256x256xf32> to vector<256xf32>
    %broadcast_in_dim3A_1466 = vector.shape_cast %reduce_sum3A_1465 : vector<256xf32> to vector<256x1xf32>
    %reshape3A_1467 = vector.shape_cast %broadcast_in_dim3A_1466 : vector<256x1xf32> to vector<1x256xf32>
    %sub3A_1468 = arith.constant 2.560000e+02 : f32
    %sub3A_1469 = vector.broadcast %sub3A_1468 : f32 to vector<1x256xf32>
    %sub3A_1470 = arith.subf %sub3A_1469, %reshape3A_1467 : vector<1x256xf32>
    %add3A_1471 = arith.addf %add3A_1301, %sub3A_1470 : vector<1x256xf32>
    %gt3A_1472 = vector.broadcast %slice3A_31 : vector<256x1xf32> to vector<256x256xf32>
    %gt3A_1473 = vector.broadcast %slice3A_7 : vector<1x256xf32> to vector<256x256xf32>
    %gt3A_1474 = arith.cmpf ogt, %gt3A_1472, %gt3A_1473 : vector<256x256xf32>
    %convert_element_type3A_1475 = arith.extui %gt3A_1474 : vector<256x256xi1> to vector<256x256xi32>
    %convert_element_type3A_1476 = arith.sitofp %convert_element_type3A_1475 : vector<256x256xi32> to vector<256x256xf32>
    %reduce_sum3A_1477 = arith.constant dense<0.000000e+00> : vector<256xf32>
    %reduce_sum3A_1478 = vector.multi_reduction <add>, %convert_element_type3A_1476, %reduce_sum3A_1477 [0] : vector<256x256xf32> to vector<256xf32>
    %broadcast_in_dim3A_1479 = vector.shape_cast %reduce_sum3A_1478 : vector<256xf32> to vector<1x256xf32>
    %add3A_1480 = arith.addf %add3A_1463, %broadcast_in_dim3A_1479 : vector<1x256xf32>
    %reduce_sum3A_1481 = arith.constant dense<0.000000e+00> : vector<256xf32>
    %reduce_sum3A_1482 = vector.multi_reduction <add>, %convert_element_type3A_1476, %reduce_sum3A_1481 [1] : vector<256x256xf32> to vector<256xf32>
    %broadcast_in_dim3A_1483 = vector.shape_cast %reduce_sum3A_1482 : vector<256xf32> to vector<256x1xf32>
    %reshape3A_1484 = vector.shape_cast %broadcast_in_dim3A_1483 : vector<256x1xf32> to vector<1x256xf32>
    %sub3A_1485 = arith.constant 2.560000e+02 : f32
    %sub3A_1486 = vector.broadcast %sub3A_1485 : f32 to vector<1x256xf32>
    %sub3A_1487 = arith.subf %sub3A_1486, %reshape3A_1484 : vector<1x256xf32>
    %add3A_1488 = arith.addf %add3A_1318, %sub3A_1487 : vector<1x256xf32>
    %gt3A_1489 = vector.broadcast %slice3A_32 : vector<256x1xf32> to vector<256x256xf32>
    %gt3A_1490 = vector.broadcast %slice3A_7 : vector<1x256xf32> to vector<256x256xf32>
    %gt3A_1491 = arith.cmpf ogt, %gt3A_1489, %gt3A_1490 : vector<256x256xf32>
    %convert_element_type3A_1492 = arith.extui %gt3A_1491 : vector<256x256xi1> to vector<256x256xi32>
    %convert_element_type3A_1493 = arith.sitofp %convert_element_type3A_1492 : vector<256x256xi32> to vector<256x256xf32>
    %reduce_sum3A_1494 = arith.constant dense<0.000000e+00> : vector<256xf32>
    %reduce_sum3A_1495 = vector.multi_reduction <add>, %convert_element_type3A_1493, %reduce_sum3A_1494 [0] : vector<256x256xf32> to vector<256xf32>
    %broadcast_in_dim3A_1496 = vector.shape_cast %reduce_sum3A_1495 : vector<256xf32> to vector<1x256xf32>
    %add3A_1497 = arith.addf %add3A_1480, %broadcast_in_dim3A_1496 : vector<1x256xf32>
    %reduce_sum3A_1498 = arith.constant dense<0.000000e+00> : vector<256xf32>
    %reduce_sum3A_1499 = vector.multi_reduction <add>, %convert_element_type3A_1493, %reduce_sum3A_1498 [1] : vector<256x256xf32> to vector<256xf32>
    %broadcast_in_dim3A_1500 = vector.shape_cast %reduce_sum3A_1499 : vector<256xf32> to vector<256x1xf32>
    %reshape3A_1501 = vector.shape_cast %broadcast_in_dim3A_1500 : vector<256x1xf32> to vector<1x256xf32>
    %sub3A_1502 = arith.constant 2.560000e+02 : f32
    %sub3A_1503 = vector.broadcast %sub3A_1502 : f32 to vector<1x256xf32>
    %sub3A_1504 = arith.subf %sub3A_1503, %reshape3A_1501 : vector<1x256xf32>
    %add3A_1505 = arith.addf %add3A_1335, %sub3A_1504 : vector<1x256xf32>
    %gt3A_1506 = vector.broadcast %slice3A_33 : vector<256x1xf32> to vector<256x256xf32>
    %gt3A_1507 = vector.broadcast %slice3A_7 : vector<1x256xf32> to vector<256x256xf32>
    %gt3A_1508 = arith.cmpf ogt, %gt3A_1506, %gt3A_1507 : vector<256x256xf32>
    %convert_element_type3A_1509 = arith.extui %gt3A_1508 : vector<256x256xi1> to vector<256x256xi32>
    %convert_element_type3A_1510 = arith.sitofp %convert_element_type3A_1509 : vector<256x256xi32> to vector<256x256xf32>
    %reduce_sum3A_1511 = arith.constant dense<0.000000e+00> : vector<256xf32>
    %reduce_sum3A_1512 = vector.multi_reduction <add>, %convert_element_type3A_1510, %reduce_sum3A_1511 [0] : vector<256x256xf32> to vector<256xf32>
    %broadcast_in_dim3A_1513 = vector.shape_cast %reduce_sum3A_1512 : vector<256xf32> to vector<1x256xf32>
    %add3A_1514 = arith.addf %add3A_1497, %broadcast_in_dim3A_1513 : vector<1x256xf32>
    %reduce_sum3A_1515 = arith.constant dense<0.000000e+00> : vector<256xf32>
    %reduce_sum3A_1516 = vector.multi_reduction <add>, %convert_element_type3A_1510, %reduce_sum3A_1515 [1] : vector<256x256xf32> to vector<256xf32>
    %broadcast_in_dim3A_1517 = vector.shape_cast %reduce_sum3A_1516 : vector<256xf32> to vector<256x1xf32>
    %reshape3A_1518 = vector.shape_cast %broadcast_in_dim3A_1517 : vector<256x1xf32> to vector<1x256xf32>
    %sub3A_1519 = arith.constant 2.560000e+02 : f32
    %sub3A_1520 = vector.broadcast %sub3A_1519 : f32 to vector<1x256xf32>
    %sub3A_1521 = arith.subf %sub3A_1520, %reshape3A_1518 : vector<1x256xf32>
    %add3A_1522 = arith.addf %add3A_1352, %sub3A_1521 : vector<1x256xf32>
    %gt3A_1523 = vector.broadcast %slice3A_25 : vector<256x1xf32> to vector<256x256xf32>
    %gt3A_1524 = vector.broadcast %slice3A_8 : vector<1x256xf32> to vector<256x256xf32>
    %gt3A_1525 = arith.cmpf ogt, %gt3A_1523, %gt3A_1524 : vector<256x256xf32>
    %convert_element_type3A_1526 = arith.extui %gt3A_1525 : vector<256x256xi1> to vector<256x256xi32>
    %convert_element_type3A_1527 = arith.sitofp %convert_element_type3A_1526 : vector<256x256xi32> to vector<256x256xf32>
    %reduce_sum3A_1528 = arith.constant dense<0.000000e+00> : vector<256xf32>
    %reduce_sum3A_1529 = vector.multi_reduction <add>, %convert_element_type3A_1527, %reduce_sum3A_1528 [0] : vector<256x256xf32> to vector<256xf32>
    %broadcast_in_dim3A_1530 = vector.shape_cast %reduce_sum3A_1529 : vector<256xf32> to vector<1x256xf32>
    %add3A_1531 = arith.addf %add3A_1369, %broadcast_in_dim3A_1530 : vector<1x256xf32>
    %reduce_sum3A_1532 = arith.constant dense<0.000000e+00> : vector<256xf32>
    %reduce_sum3A_1533 = vector.multi_reduction <add>, %convert_element_type3A_1527, %reduce_sum3A_1532 [1] : vector<256x256xf32> to vector<256xf32>
    %broadcast_in_dim3A_1534 = vector.shape_cast %reduce_sum3A_1533 : vector<256xf32> to vector<256x1xf32>
    %reshape3A_1535 = vector.shape_cast %broadcast_in_dim3A_1534 : vector<256x1xf32> to vector<1x256xf32>
    %sub3A_1536 = arith.constant 2.560000e+02 : f32
    %sub3A_1537 = vector.broadcast %sub3A_1536 : f32 to vector<1x256xf32>
    %sub3A_1538 = arith.subf %sub3A_1537, %reshape3A_1535 : vector<1x256xf32>
    %add3A_1539 = arith.addf %add3A_1386, %sub3A_1538 : vector<1x256xf32>
    %gt3A_1540 = vector.broadcast %slice3A_26 : vector<256x1xf32> to vector<256x256xf32>
    %gt3A_1541 = vector.broadcast %slice3A_8 : vector<1x256xf32> to vector<256x256xf32>
    %gt3A_1542 = arith.cmpf ogt, %gt3A_1540, %gt3A_1541 : vector<256x256xf32>
    %convert_element_type3A_1543 = arith.extui %gt3A_1542 : vector<256x256xi1> to vector<256x256xi32>
    %convert_element_type3A_1544 = arith.sitofp %convert_element_type3A_1543 : vector<256x256xi32> to vector<256x256xf32>
    %reduce_sum3A_1545 = arith.constant dense<0.000000e+00> : vector<256xf32>
    %reduce_sum3A_1546 = vector.multi_reduction <add>, %convert_element_type3A_1544, %reduce_sum3A_1545 [0] : vector<256x256xf32> to vector<256xf32>
    %broadcast_in_dim3A_1547 = vector.shape_cast %reduce_sum3A_1546 : vector<256xf32> to vector<1x256xf32>
    %add3A_1548 = arith.addf %add3A_1531, %broadcast_in_dim3A_1547 : vector<1x256xf32>
    %reduce_sum3A_1549 = arith.constant dense<0.000000e+00> : vector<256xf32>
    %reduce_sum3A_1550 = vector.multi_reduction <add>, %convert_element_type3A_1544, %reduce_sum3A_1549 [1] : vector<256x256xf32> to vector<256xf32>
    %broadcast_in_dim3A_1551 = vector.shape_cast %reduce_sum3A_1550 : vector<256xf32> to vector<256x1xf32>
    %reshape3A_1552 = vector.shape_cast %broadcast_in_dim3A_1551 : vector<256x1xf32> to vector<1x256xf32>
    %sub3A_1553 = arith.constant 2.560000e+02 : f32
    %sub3A_1554 = vector.broadcast %sub3A_1553 : f32 to vector<1x256xf32>
    %sub3A_1555 = arith.subf %sub3A_1554, %reshape3A_1552 : vector<1x256xf32>
    %add3A_1556 = arith.addf %add3A_1403, %sub3A_1555 : vector<1x256xf32>
    %gt3A_1557 = vector.broadcast %slice3A_27 : vector<256x1xf32> to vector<256x256xf32>
    %gt3A_1558 = vector.broadcast %slice3A_8 : vector<1x256xf32> to vector<256x256xf32>
    %gt3A_1559 = arith.cmpf ogt, %gt3A_1557, %gt3A_1558 : vector<256x256xf32>
    %convert_element_type3A_1560 = arith.extui %gt3A_1559 : vector<256x256xi1> to vector<256x256xi32>
    %convert_element_type3A_1561 = arith.sitofp %convert_element_type3A_1560 : vector<256x256xi32> to vector<256x256xf32>
    %reduce_sum3A_1562 = arith.constant dense<0.000000e+00> : vector<256xf32>
    %reduce_sum3A_1563 = vector.multi_reduction <add>, %convert_element_type3A_1561, %reduce_sum3A_1562 [0] : vector<256x256xf32> to vector<256xf32>
    %broadcast_in_dim3A_1564 = vector.shape_cast %reduce_sum3A_1563 : vector<256xf32> to vector<1x256xf32>
    %add3A_1565 = arith.addf %add3A_1548, %broadcast_in_dim3A_1564 : vector<1x256xf32>
    %reduce_sum3A_1566 = arith.constant dense<0.000000e+00> : vector<256xf32>
    %reduce_sum3A_1567 = vector.multi_reduction <add>, %convert_element_type3A_1561, %reduce_sum3A_1566 [1] : vector<256x256xf32> to vector<256xf32>
    %broadcast_in_dim3A_1568 = vector.shape_cast %reduce_sum3A_1567 : vector<256xf32> to vector<256x1xf32>
    %reshape3A_1569 = vector.shape_cast %broadcast_in_dim3A_1568 : vector<256x1xf32> to vector<1x256xf32>
    %sub3A_1570 = arith.constant 2.560000e+02 : f32
    %sub3A_1571 = vector.broadcast %sub3A_1570 : f32 to vector<1x256xf32>
    %sub3A_1572 = arith.subf %sub3A_1571, %reshape3A_1569 : vector<1x256xf32>
    %add3A_1573 = arith.addf %add3A_1420, %sub3A_1572 : vector<1x256xf32>
    %gt3A_1574 = vector.broadcast %slice3A_28 : vector<256x1xf32> to vector<256x256xf32>
    %gt3A_1575 = vector.broadcast %slice3A_8 : vector<1x256xf32> to vector<256x256xf32>
    %gt3A_1576 = arith.cmpf ogt, %gt3A_1574, %gt3A_1575 : vector<256x256xf32>
    %convert_element_type3A_1577 = arith.extui %gt3A_1576 : vector<256x256xi1> to vector<256x256xi32>
    %convert_element_type3A_1578 = arith.sitofp %convert_element_type3A_1577 : vector<256x256xi32> to vector<256x256xf32>
    %reduce_sum3A_1579 = arith.constant dense<0.000000e+00> : vector<256xf32>
    %reduce_sum3A_1580 = vector.multi_reduction <add>, %convert_element_type3A_1578, %reduce_sum3A_1579 [0] : vector<256x256xf32> to vector<256xf32>
    %broadcast_in_dim3A_1581 = vector.shape_cast %reduce_sum3A_1580 : vector<256xf32> to vector<1x256xf32>
    %add3A_1582 = arith.addf %add3A_1565, %broadcast_in_dim3A_1581 : vector<1x256xf32>
    %reduce_sum3A_1583 = arith.constant dense<0.000000e+00> : vector<256xf32>
    %reduce_sum3A_1584 = vector.multi_reduction <add>, %convert_element_type3A_1578, %reduce_sum3A_1583 [1] : vector<256x256xf32> to vector<256xf32>
    %broadcast_in_dim3A_1585 = vector.shape_cast %reduce_sum3A_1584 : vector<256xf32> to vector<256x1xf32>
    %reshape3A_1586 = vector.shape_cast %broadcast_in_dim3A_1585 : vector<256x1xf32> to vector<1x256xf32>
    %sub3A_1587 = arith.constant 2.560000e+02 : f32
    %sub3A_1588 = vector.broadcast %sub3A_1587 : f32 to vector<1x256xf32>
    %sub3A_1589 = arith.subf %sub3A_1588, %reshape3A_1586 : vector<1x256xf32>
    %add3A_1590 = arith.addf %add3A_1437, %sub3A_1589 : vector<1x256xf32>
    %gt3A_1591 = vector.broadcast %slice3A_29 : vector<256x1xf32> to vector<256x256xf32>
    %gt3A_1592 = vector.broadcast %slice3A_8 : vector<1x256xf32> to vector<256x256xf32>
    %gt3A_1593 = arith.cmpf ogt, %gt3A_1591, %gt3A_1592 : vector<256x256xf32>
    %convert_element_type3A_1594 = arith.extui %gt3A_1593 : vector<256x256xi1> to vector<256x256xi32>
    %convert_element_type3A_1595 = arith.sitofp %convert_element_type3A_1594 : vector<256x256xi32> to vector<256x256xf32>
    %reduce_sum3A_1596 = arith.constant dense<0.000000e+00> : vector<256xf32>
    %reduce_sum3A_1597 = vector.multi_reduction <add>, %convert_element_type3A_1595, %reduce_sum3A_1596 [0] : vector<256x256xf32> to vector<256xf32>
    %broadcast_in_dim3A_1598 = vector.shape_cast %reduce_sum3A_1597 : vector<256xf32> to vector<1x256xf32>
    %add3A_1599 = arith.addf %add3A_1582, %broadcast_in_dim3A_1598 : vector<1x256xf32>
    %reduce_sum3A_1600 = arith.constant dense<0.000000e+00> : vector<256xf32>
    %reduce_sum3A_1601 = vector.multi_reduction <add>, %convert_element_type3A_1595, %reduce_sum3A_1600 [1] : vector<256x256xf32> to vector<256xf32>
    %broadcast_in_dim3A_1602 = vector.shape_cast %reduce_sum3A_1601 : vector<256xf32> to vector<256x1xf32>
    %reshape3A_1603 = vector.shape_cast %broadcast_in_dim3A_1602 : vector<256x1xf32> to vector<1x256xf32>
    %sub3A_1604 = arith.constant 2.560000e+02 : f32
    %sub3A_1605 = vector.broadcast %sub3A_1604 : f32 to vector<1x256xf32>
    %sub3A_1606 = arith.subf %sub3A_1605, %reshape3A_1603 : vector<1x256xf32>
    %add3A_1607 = arith.addf %add3A_1454, %sub3A_1606 : vector<1x256xf32>
    %gt3A_1608 = vector.broadcast %slice3A_30 : vector<256x1xf32> to vector<256x256xf32>
    %gt3A_1609 = vector.broadcast %slice3A_8 : vector<1x256xf32> to vector<256x256xf32>
    %gt3A_1610 = arith.cmpf ogt, %gt3A_1608, %gt3A_1609 : vector<256x256xf32>
    %convert_element_type3A_1611 = arith.extui %gt3A_1610 : vector<256x256xi1> to vector<256x256xi32>
    %convert_element_type3A_1612 = arith.sitofp %convert_element_type3A_1611 : vector<256x256xi32> to vector<256x256xf32>
    %reduce_sum3A_1613 = arith.constant dense<0.000000e+00> : vector<256xf32>
    %reduce_sum3A_1614 = vector.multi_reduction <add>, %convert_element_type3A_1612, %reduce_sum3A_1613 [0] : vector<256x256xf32> to vector<256xf32>
    %broadcast_in_dim3A_1615 = vector.shape_cast %reduce_sum3A_1614 : vector<256xf32> to vector<1x256xf32>
    %add3A_1616 = arith.addf %add3A_1599, %broadcast_in_dim3A_1615 : vector<1x256xf32>
    %reduce_sum3A_1617 = arith.constant dense<0.000000e+00> : vector<256xf32>
    %reduce_sum3A_1618 = vector.multi_reduction <add>, %convert_element_type3A_1612, %reduce_sum3A_1617 [1] : vector<256x256xf32> to vector<256xf32>
    %broadcast_in_dim3A_1619 = vector.shape_cast %reduce_sum3A_1618 : vector<256xf32> to vector<256x1xf32>
    %reshape3A_1620 = vector.shape_cast %broadcast_in_dim3A_1619 : vector<256x1xf32> to vector<1x256xf32>
    %sub3A_1621 = arith.constant 2.560000e+02 : f32
    %sub3A_1622 = vector.broadcast %sub3A_1621 : f32 to vector<1x256xf32>
    %sub3A_1623 = arith.subf %sub3A_1622, %reshape3A_1620 : vector<1x256xf32>
    %add3A_1624 = arith.addf %add3A_1471, %sub3A_1623 : vector<1x256xf32>
    %gt3A_1625 = vector.broadcast %slice3A_31 : vector<256x1xf32> to vector<256x256xf32>
    %gt3A_1626 = vector.broadcast %slice3A_8 : vector<1x256xf32> to vector<256x256xf32>
    %gt3A_1627 = arith.cmpf ogt, %gt3A_1625, %gt3A_1626 : vector<256x256xf32>
    %convert_element_type3A_1628 = arith.extui %gt3A_1627 : vector<256x256xi1> to vector<256x256xi32>
    %convert_element_type3A_1629 = arith.sitofp %convert_element_type3A_1628 : vector<256x256xi32> to vector<256x256xf32>
    %reduce_sum3A_1630 = arith.constant dense<0.000000e+00> : vector<256xf32>
    %reduce_sum3A_1631 = vector.multi_reduction <add>, %convert_element_type3A_1629, %reduce_sum3A_1630 [0] : vector<256x256xf32> to vector<256xf32>
    %broadcast_in_dim3A_1632 = vector.shape_cast %reduce_sum3A_1631 : vector<256xf32> to vector<1x256xf32>
    %add3A_1633 = arith.addf %add3A_1616, %broadcast_in_dim3A_1632 : vector<1x256xf32>
    %reduce_sum3A_1634 = arith.constant dense<0.000000e+00> : vector<256xf32>
    %reduce_sum3A_1635 = vector.multi_reduction <add>, %convert_element_type3A_1629, %reduce_sum3A_1634 [1] : vector<256x256xf32> to vector<256xf32>
    %broadcast_in_dim3A_1636 = vector.shape_cast %reduce_sum3A_1635 : vector<256xf32> to vector<256x1xf32>
    %reshape3A_1637 = vector.shape_cast %broadcast_in_dim3A_1636 : vector<256x1xf32> to vector<1x256xf32>
    %sub3A_1638 = arith.constant 2.560000e+02 : f32
    %sub3A_1639 = vector.broadcast %sub3A_1638 : f32 to vector<1x256xf32>
    %sub3A_1640 = arith.subf %sub3A_1639, %reshape3A_1637 : vector<1x256xf32>
    %add3A_1641 = arith.addf %add3A_1488, %sub3A_1640 : vector<1x256xf32>
    %gt3A_1642 = vector.broadcast %slice3A_32 : vector<256x1xf32> to vector<256x256xf32>
    %gt3A_1643 = vector.broadcast %slice3A_8 : vector<1x256xf32> to vector<256x256xf32>
    %gt3A_1644 = arith.cmpf ogt, %gt3A_1642, %gt3A_1643 : vector<256x256xf32>
    %convert_element_type3A_1645 = arith.extui %gt3A_1644 : vector<256x256xi1> to vector<256x256xi32>
    %convert_element_type3A_1646 = arith.sitofp %convert_element_type3A_1645 : vector<256x256xi32> to vector<256x256xf32>
    %reduce_sum3A_1647 = arith.constant dense<0.000000e+00> : vector<256xf32>
    %reduce_sum3A_1648 = vector.multi_reduction <add>, %convert_element_type3A_1646, %reduce_sum3A_1647 [0] : vector<256x256xf32> to vector<256xf32>
    %broadcast_in_dim3A_1649 = vector.shape_cast %reduce_sum3A_1648 : vector<256xf32> to vector<1x256xf32>
    %add3A_1650 = arith.addf %add3A_1633, %broadcast_in_dim3A_1649 : vector<1x256xf32>
    %reduce_sum3A_1651 = arith.constant dense<0.000000e+00> : vector<256xf32>
    %reduce_sum3A_1652 = vector.multi_reduction <add>, %convert_element_type3A_1646, %reduce_sum3A_1651 [1] : vector<256x256xf32> to vector<256xf32>
    %broadcast_in_dim3A_1653 = vector.shape_cast %reduce_sum3A_1652 : vector<256xf32> to vector<256x1xf32>
    %reshape3A_1654 = vector.shape_cast %broadcast_in_dim3A_1653 : vector<256x1xf32> to vector<1x256xf32>
    %sub3A_1655 = arith.constant 2.560000e+02 : f32
    %sub3A_1656 = vector.broadcast %sub3A_1655 : f32 to vector<1x256xf32>
    %sub3A_1657 = arith.subf %sub3A_1656, %reshape3A_1654 : vector<1x256xf32>
    %add3A_1658 = arith.addf %add3A_1505, %sub3A_1657 : vector<1x256xf32>
    %gt3A_1659 = vector.broadcast %slice3A_33 : vector<256x1xf32> to vector<256x256xf32>
    %gt3A_1660 = vector.broadcast %slice3A_8 : vector<1x256xf32> to vector<256x256xf32>
    %gt3A_1661 = arith.cmpf ogt, %gt3A_1659, %gt3A_1660 : vector<256x256xf32>
    %convert_element_type3A_1662 = arith.extui %gt3A_1661 : vector<256x256xi1> to vector<256x256xi32>
    %convert_element_type3A_1663 = arith.sitofp %convert_element_type3A_1662 : vector<256x256xi32> to vector<256x256xf32>
    %reduce_sum3A_1664 = arith.constant dense<0.000000e+00> : vector<256xf32>
    %reduce_sum3A_1665 = vector.multi_reduction <add>, %convert_element_type3A_1663, %reduce_sum3A_1664 [0] : vector<256x256xf32> to vector<256xf32>
    %broadcast_in_dim3A_1666 = vector.shape_cast %reduce_sum3A_1665 : vector<256xf32> to vector<1x256xf32>
    %add3A_1667 = arith.addf %add3A_1650, %broadcast_in_dim3A_1666 : vector<1x256xf32>
    %reduce_sum3A_1668 = arith.constant dense<0.000000e+00> : vector<256xf32>
    %reduce_sum3A_1669 = vector.multi_reduction <add>, %convert_element_type3A_1663, %reduce_sum3A_1668 [1] : vector<256x256xf32> to vector<256xf32>
    %broadcast_in_dim3A_1670 = vector.shape_cast %reduce_sum3A_1669 : vector<256xf32> to vector<256x1xf32>
    %reshape3A_1671 = vector.shape_cast %broadcast_in_dim3A_1670 : vector<256x1xf32> to vector<1x256xf32>
    %sub3A_1672 = arith.constant 2.560000e+02 : f32
    %sub3A_1673 = vector.broadcast %sub3A_1672 : f32 to vector<1x256xf32>
    %sub3A_1674 = arith.subf %sub3A_1673, %reshape3A_1671 : vector<1x256xf32>
    %add3A_1675 = arith.addf %add3A_1522, %sub3A_1674 : vector<1x256xf32>
    %gt3A_1676 = vector.broadcast %slice3A_26 : vector<256x1xf32> to vector<256x256xf32>
    %gt3A_1677 = vector.broadcast %slice3A_9 : vector<1x256xf32> to vector<256x256xf32>
    %gt3A_1678 = arith.cmpf ogt, %gt3A_1676, %gt3A_1677 : vector<256x256xf32>
    %convert_element_type3A_1679 = arith.extui %gt3A_1678 : vector<256x256xi1> to vector<256x256xi32>
    %convert_element_type3A_1680 = arith.sitofp %convert_element_type3A_1679 : vector<256x256xi32> to vector<256x256xf32>
    %reduce_sum3A_1681 = arith.constant dense<0.000000e+00> : vector<256xf32>
    %reduce_sum3A_1682 = vector.multi_reduction <add>, %convert_element_type3A_1680, %reduce_sum3A_1681 [0] : vector<256x256xf32> to vector<256xf32>
    %broadcast_in_dim3A_1683 = vector.shape_cast %reduce_sum3A_1682 : vector<256xf32> to vector<1x256xf32>
    %add3A_1684 = arith.addf %add3A_1539, %broadcast_in_dim3A_1683 : vector<1x256xf32>
    %reduce_sum3A_1685 = arith.constant dense<0.000000e+00> : vector<256xf32>
    %reduce_sum3A_1686 = vector.multi_reduction <add>, %convert_element_type3A_1680, %reduce_sum3A_1685 [1] : vector<256x256xf32> to vector<256xf32>
    %broadcast_in_dim3A_1687 = vector.shape_cast %reduce_sum3A_1686 : vector<256xf32> to vector<256x1xf32>
    %reshape3A_1688 = vector.shape_cast %broadcast_in_dim3A_1687 : vector<256x1xf32> to vector<1x256xf32>
    %sub3A_1689 = arith.constant 2.560000e+02 : f32
    %sub3A_1690 = vector.broadcast %sub3A_1689 : f32 to vector<1x256xf32>
    %sub3A_1691 = arith.subf %sub3A_1690, %reshape3A_1688 : vector<1x256xf32>
    %add3A_1692 = arith.addf %add3A_1556, %sub3A_1691 : vector<1x256xf32>
    %gt3A_1693 = vector.broadcast %slice3A_27 : vector<256x1xf32> to vector<256x256xf32>
    %gt3A_1694 = vector.broadcast %slice3A_9 : vector<1x256xf32> to vector<256x256xf32>
    %gt3A_1695 = arith.cmpf ogt, %gt3A_1693, %gt3A_1694 : vector<256x256xf32>
    %convert_element_type3A_1696 = arith.extui %gt3A_1695 : vector<256x256xi1> to vector<256x256xi32>
    %convert_element_type3A_1697 = arith.sitofp %convert_element_type3A_1696 : vector<256x256xi32> to vector<256x256xf32>
    %reduce_sum3A_1698 = arith.constant dense<0.000000e+00> : vector<256xf32>
    %reduce_sum3A_1699 = vector.multi_reduction <add>, %convert_element_type3A_1697, %reduce_sum3A_1698 [0] : vector<256x256xf32> to vector<256xf32>
    %broadcast_in_dim3A_1700 = vector.shape_cast %reduce_sum3A_1699 : vector<256xf32> to vector<1x256xf32>
    %add3A_1701 = arith.addf %add3A_1684, %broadcast_in_dim3A_1700 : vector<1x256xf32>
    %reduce_sum3A_1702 = arith.constant dense<0.000000e+00> : vector<256xf32>
    %reduce_sum3A_1703 = vector.multi_reduction <add>, %convert_element_type3A_1697, %reduce_sum3A_1702 [1] : vector<256x256xf32> to vector<256xf32>
    %broadcast_in_dim3A_1704 = vector.shape_cast %reduce_sum3A_1703 : vector<256xf32> to vector<256x1xf32>
    %reshape3A_1705 = vector.shape_cast %broadcast_in_dim3A_1704 : vector<256x1xf32> to vector<1x256xf32>
    %sub3A_1706 = arith.constant 2.560000e+02 : f32
    %sub3A_1707 = vector.broadcast %sub3A_1706 : f32 to vector<1x256xf32>
    %sub3A_1708 = arith.subf %sub3A_1707, %reshape3A_1705 : vector<1x256xf32>
    %add3A_1709 = arith.addf %add3A_1573, %sub3A_1708 : vector<1x256xf32>
    %gt3A_1710 = vector.broadcast %slice3A_28 : vector<256x1xf32> to vector<256x256xf32>
    %gt3A_1711 = vector.broadcast %slice3A_9 : vector<1x256xf32> to vector<256x256xf32>
    %gt3A_1712 = arith.cmpf ogt, %gt3A_1710, %gt3A_1711 : vector<256x256xf32>
    %convert_element_type3A_1713 = arith.extui %gt3A_1712 : vector<256x256xi1> to vector<256x256xi32>
    %convert_element_type3A_1714 = arith.sitofp %convert_element_type3A_1713 : vector<256x256xi32> to vector<256x256xf32>
    %reduce_sum3A_1715 = arith.constant dense<0.000000e+00> : vector<256xf32>
    %reduce_sum3A_1716 = vector.multi_reduction <add>, %convert_element_type3A_1714, %reduce_sum3A_1715 [0] : vector<256x256xf32> to vector<256xf32>
    %broadcast_in_dim3A_1717 = vector.shape_cast %reduce_sum3A_1716 : vector<256xf32> to vector<1x256xf32>
    %add3A_1718 = arith.addf %add3A_1701, %broadcast_in_dim3A_1717 : vector<1x256xf32>
    %reduce_sum3A_1719 = arith.constant dense<0.000000e+00> : vector<256xf32>
    %reduce_sum3A_1720 = vector.multi_reduction <add>, %convert_element_type3A_1714, %reduce_sum3A_1719 [1] : vector<256x256xf32> to vector<256xf32>
    %broadcast_in_dim3A_1721 = vector.shape_cast %reduce_sum3A_1720 : vector<256xf32> to vector<256x1xf32>
    %reshape3A_1722 = vector.shape_cast %broadcast_in_dim3A_1721 : vector<256x1xf32> to vector<1x256xf32>
    %sub3A_1723 = arith.constant 2.560000e+02 : f32
    %sub3A_1724 = vector.broadcast %sub3A_1723 : f32 to vector<1x256xf32>
    %sub3A_1725 = arith.subf %sub3A_1724, %reshape3A_1722 : vector<1x256xf32>
    %add3A_1726 = arith.addf %add3A_1590, %sub3A_1725 : vector<1x256xf32>
    %gt3A_1727 = vector.broadcast %slice3A_29 : vector<256x1xf32> to vector<256x256xf32>
    %gt3A_1728 = vector.broadcast %slice3A_9 : vector<1x256xf32> to vector<256x256xf32>
    %gt3A_1729 = arith.cmpf ogt, %gt3A_1727, %gt3A_1728 : vector<256x256xf32>
    %convert_element_type3A_1730 = arith.extui %gt3A_1729 : vector<256x256xi1> to vector<256x256xi32>
    %convert_element_type3A_1731 = arith.sitofp %convert_element_type3A_1730 : vector<256x256xi32> to vector<256x256xf32>
    %reduce_sum3A_1732 = arith.constant dense<0.000000e+00> : vector<256xf32>
    %reduce_sum3A_1733 = vector.multi_reduction <add>, %convert_element_type3A_1731, %reduce_sum3A_1732 [0] : vector<256x256xf32> to vector<256xf32>
    %broadcast_in_dim3A_1734 = vector.shape_cast %reduce_sum3A_1733 : vector<256xf32> to vector<1x256xf32>
    %add3A_1735 = arith.addf %add3A_1718, %broadcast_in_dim3A_1734 : vector<1x256xf32>
    %reduce_sum3A_1736 = arith.constant dense<0.000000e+00> : vector<256xf32>
    %reduce_sum3A_1737 = vector.multi_reduction <add>, %convert_element_type3A_1731, %reduce_sum3A_1736 [1] : vector<256x256xf32> to vector<256xf32>
    %broadcast_in_dim3A_1738 = vector.shape_cast %reduce_sum3A_1737 : vector<256xf32> to vector<256x1xf32>
    %reshape3A_1739 = vector.shape_cast %broadcast_in_dim3A_1738 : vector<256x1xf32> to vector<1x256xf32>
    %sub3A_1740 = arith.constant 2.560000e+02 : f32
    %sub3A_1741 = vector.broadcast %sub3A_1740 : f32 to vector<1x256xf32>
    %sub3A_1742 = arith.subf %sub3A_1741, %reshape3A_1739 : vector<1x256xf32>
    %add3A_1743 = arith.addf %add3A_1607, %sub3A_1742 : vector<1x256xf32>
    %gt3A_1744 = vector.broadcast %slice3A_30 : vector<256x1xf32> to vector<256x256xf32>
    %gt3A_1745 = vector.broadcast %slice3A_9 : vector<1x256xf32> to vector<256x256xf32>
    %gt3A_1746 = arith.cmpf ogt, %gt3A_1744, %gt3A_1745 : vector<256x256xf32>
    %convert_element_type3A_1747 = arith.extui %gt3A_1746 : vector<256x256xi1> to vector<256x256xi32>
    %convert_element_type3A_1748 = arith.sitofp %convert_element_type3A_1747 : vector<256x256xi32> to vector<256x256xf32>
    %reduce_sum3A_1749 = arith.constant dense<0.000000e+00> : vector<256xf32>
    %reduce_sum3A_1750 = vector.multi_reduction <add>, %convert_element_type3A_1748, %reduce_sum3A_1749 [0] : vector<256x256xf32> to vector<256xf32>
    %broadcast_in_dim3A_1751 = vector.shape_cast %reduce_sum3A_1750 : vector<256xf32> to vector<1x256xf32>
    %add3A_1752 = arith.addf %add3A_1735, %broadcast_in_dim3A_1751 : vector<1x256xf32>
    %reduce_sum3A_1753 = arith.constant dense<0.000000e+00> : vector<256xf32>
    %reduce_sum3A_1754 = vector.multi_reduction <add>, %convert_element_type3A_1748, %reduce_sum3A_1753 [1] : vector<256x256xf32> to vector<256xf32>
    %broadcast_in_dim3A_1755 = vector.shape_cast %reduce_sum3A_1754 : vector<256xf32> to vector<256x1xf32>
    %reshape3A_1756 = vector.shape_cast %broadcast_in_dim3A_1755 : vector<256x1xf32> to vector<1x256xf32>
    %sub3A_1757 = arith.constant 2.560000e+02 : f32
    %sub3A_1758 = vector.broadcast %sub3A_1757 : f32 to vector<1x256xf32>
    %sub3A_1759 = arith.subf %sub3A_1758, %reshape3A_1756 : vector<1x256xf32>
    %add3A_1760 = arith.addf %add3A_1624, %sub3A_1759 : vector<1x256xf32>
    %gt3A_1761 = vector.broadcast %slice3A_31 : vector<256x1xf32> to vector<256x256xf32>
    %gt3A_1762 = vector.broadcast %slice3A_9 : vector<1x256xf32> to vector<256x256xf32>
    %gt3A_1763 = arith.cmpf ogt, %gt3A_1761, %gt3A_1762 : vector<256x256xf32>
    %convert_element_type3A_1764 = arith.extui %gt3A_1763 : vector<256x256xi1> to vector<256x256xi32>
    %convert_element_type3A_1765 = arith.sitofp %convert_element_type3A_1764 : vector<256x256xi32> to vector<256x256xf32>
    %reduce_sum3A_1766 = arith.constant dense<0.000000e+00> : vector<256xf32>
    %reduce_sum3A_1767 = vector.multi_reduction <add>, %convert_element_type3A_1765, %reduce_sum3A_1766 [0] : vector<256x256xf32> to vector<256xf32>
    %broadcast_in_dim3A_1768 = vector.shape_cast %reduce_sum3A_1767 : vector<256xf32> to vector<1x256xf32>
    %add3A_1769 = arith.addf %add3A_1752, %broadcast_in_dim3A_1768 : vector<1x256xf32>
    %reduce_sum3A_1770 = arith.constant dense<0.000000e+00> : vector<256xf32>
    %reduce_sum3A_1771 = vector.multi_reduction <add>, %convert_element_type3A_1765, %reduce_sum3A_1770 [1] : vector<256x256xf32> to vector<256xf32>
    %broadcast_in_dim3A_1772 = vector.shape_cast %reduce_sum3A_1771 : vector<256xf32> to vector<256x1xf32>
    %reshape3A_1773 = vector.shape_cast %broadcast_in_dim3A_1772 : vector<256x1xf32> to vector<1x256xf32>
    %sub3A_1774 = arith.constant 2.560000e+02 : f32
    %sub3A_1775 = vector.broadcast %sub3A_1774 : f32 to vector<1x256xf32>
    %sub3A_1776 = arith.subf %sub3A_1775, %reshape3A_1773 : vector<1x256xf32>
    %add3A_1777 = arith.addf %add3A_1641, %sub3A_1776 : vector<1x256xf32>
    %gt3A_1778 = vector.broadcast %slice3A_32 : vector<256x1xf32> to vector<256x256xf32>
    %gt3A_1779 = vector.broadcast %slice3A_9 : vector<1x256xf32> to vector<256x256xf32>
    %gt3A_1780 = arith.cmpf ogt, %gt3A_1778, %gt3A_1779 : vector<256x256xf32>
    %convert_element_type3A_1781 = arith.extui %gt3A_1780 : vector<256x256xi1> to vector<256x256xi32>
    %convert_element_type3A_1782 = arith.sitofp %convert_element_type3A_1781 : vector<256x256xi32> to vector<256x256xf32>
    %reduce_sum3A_1783 = arith.constant dense<0.000000e+00> : vector<256xf32>
    %reduce_sum3A_1784 = vector.multi_reduction <add>, %convert_element_type3A_1782, %reduce_sum3A_1783 [0] : vector<256x256xf32> to vector<256xf32>
    %broadcast_in_dim3A_1785 = vector.shape_cast %reduce_sum3A_1784 : vector<256xf32> to vector<1x256xf32>
    %add3A_1786 = arith.addf %add3A_1769, %broadcast_in_dim3A_1785 : vector<1x256xf32>
    %reduce_sum3A_1787 = arith.constant dense<0.000000e+00> : vector<256xf32>
    %reduce_sum3A_1788 = vector.multi_reduction <add>, %convert_element_type3A_1782, %reduce_sum3A_1787 [1] : vector<256x256xf32> to vector<256xf32>
    %broadcast_in_dim3A_1789 = vector.shape_cast %reduce_sum3A_1788 : vector<256xf32> to vector<256x1xf32>
    %reshape3A_1790 = vector.shape_cast %broadcast_in_dim3A_1789 : vector<256x1xf32> to vector<1x256xf32>
    %sub3A_1791 = arith.constant 2.560000e+02 : f32
    %sub3A_1792 = vector.broadcast %sub3A_1791 : f32 to vector<1x256xf32>
    %sub3A_1793 = arith.subf %sub3A_1792, %reshape3A_1790 : vector<1x256xf32>
    %add3A_1794 = arith.addf %add3A_1658, %sub3A_1793 : vector<1x256xf32>
    %gt3A_1795 = vector.broadcast %slice3A_33 : vector<256x1xf32> to vector<256x256xf32>
    %gt3A_1796 = vector.broadcast %slice3A_9 : vector<1x256xf32> to vector<256x256xf32>
    %gt3A_1797 = arith.cmpf ogt, %gt3A_1795, %gt3A_1796 : vector<256x256xf32>
    %convert_element_type3A_1798 = arith.extui %gt3A_1797 : vector<256x256xi1> to vector<256x256xi32>
    %convert_element_type3A_1799 = arith.sitofp %convert_element_type3A_1798 : vector<256x256xi32> to vector<256x256xf32>
    %reduce_sum3A_1800 = arith.constant dense<0.000000e+00> : vector<256xf32>
    %reduce_sum3A_1801 = vector.multi_reduction <add>, %convert_element_type3A_1799, %reduce_sum3A_1800 [0] : vector<256x256xf32> to vector<256xf32>
    %broadcast_in_dim3A_1802 = vector.shape_cast %reduce_sum3A_1801 : vector<256xf32> to vector<1x256xf32>
    %add3A_1803 = arith.addf %add3A_1786, %broadcast_in_dim3A_1802 : vector<1x256xf32>
    %reduce_sum3A_1804 = arith.constant dense<0.000000e+00> : vector<256xf32>
    %reduce_sum3A_1805 = vector.multi_reduction <add>, %convert_element_type3A_1799, %reduce_sum3A_1804 [1] : vector<256x256xf32> to vector<256xf32>
    %broadcast_in_dim3A_1806 = vector.shape_cast %reduce_sum3A_1805 : vector<256xf32> to vector<256x1xf32>
    %reshape3A_1807 = vector.shape_cast %broadcast_in_dim3A_1806 : vector<256x1xf32> to vector<1x256xf32>
    %sub3A_1808 = arith.constant 2.560000e+02 : f32
    %sub3A_1809 = vector.broadcast %sub3A_1808 : f32 to vector<1x256xf32>
    %sub3A_1810 = arith.subf %sub3A_1809, %reshape3A_1807 : vector<1x256xf32>
    %add3A_1811 = arith.addf %add3A_1675, %sub3A_1810 : vector<1x256xf32>
    %gt3A_1812 = vector.broadcast %slice3A_27 : vector<256x1xf32> to vector<256x256xf32>
    %gt3A_1813 = vector.broadcast %slice3A_10 : vector<1x256xf32> to vector<256x256xf32>
    %gt3A_1814 = arith.cmpf ogt, %gt3A_1812, %gt3A_1813 : vector<256x256xf32>
    %convert_element_type3A_1815 = arith.extui %gt3A_1814 : vector<256x256xi1> to vector<256x256xi32>
    %convert_element_type3A_1816 = arith.sitofp %convert_element_type3A_1815 : vector<256x256xi32> to vector<256x256xf32>
    %reduce_sum3A_1817 = arith.constant dense<0.000000e+00> : vector<256xf32>
    %reduce_sum3A_1818 = vector.multi_reduction <add>, %convert_element_type3A_1816, %reduce_sum3A_1817 [0] : vector<256x256xf32> to vector<256xf32>
    %broadcast_in_dim3A_1819 = vector.shape_cast %reduce_sum3A_1818 : vector<256xf32> to vector<1x256xf32>
    %add3A_1820 = arith.addf %add3A_1692, %broadcast_in_dim3A_1819 : vector<1x256xf32>
    %reduce_sum3A_1821 = arith.constant dense<0.000000e+00> : vector<256xf32>
    %reduce_sum3A_1822 = vector.multi_reduction <add>, %convert_element_type3A_1816, %reduce_sum3A_1821 [1] : vector<256x256xf32> to vector<256xf32>
    %broadcast_in_dim3A_1823 = vector.shape_cast %reduce_sum3A_1822 : vector<256xf32> to vector<256x1xf32>
    %reshape3A_1824 = vector.shape_cast %broadcast_in_dim3A_1823 : vector<256x1xf32> to vector<1x256xf32>
    %sub3A_1825 = arith.constant 2.560000e+02 : f32
    %sub3A_1826 = vector.broadcast %sub3A_1825 : f32 to vector<1x256xf32>
    %sub3A_1827 = arith.subf %sub3A_1826, %reshape3A_1824 : vector<1x256xf32>
    %add3A_1828 = arith.addf %add3A_1709, %sub3A_1827 : vector<1x256xf32>
    %gt3A_1829 = vector.broadcast %slice3A_28 : vector<256x1xf32> to vector<256x256xf32>
    %gt3A_1830 = vector.broadcast %slice3A_10 : vector<1x256xf32> to vector<256x256xf32>
    %gt3A_1831 = arith.cmpf ogt, %gt3A_1829, %gt3A_1830 : vector<256x256xf32>
    %convert_element_type3A_1832 = arith.extui %gt3A_1831 : vector<256x256xi1> to vector<256x256xi32>
    %convert_element_type3A_1833 = arith.sitofp %convert_element_type3A_1832 : vector<256x256xi32> to vector<256x256xf32>
    %reduce_sum3A_1834 = arith.constant dense<0.000000e+00> : vector<256xf32>
    %reduce_sum3A_1835 = vector.multi_reduction <add>, %convert_element_type3A_1833, %reduce_sum3A_1834 [0] : vector<256x256xf32> to vector<256xf32>
    %broadcast_in_dim3A_1836 = vector.shape_cast %reduce_sum3A_1835 : vector<256xf32> to vector<1x256xf32>
    %add3A_1837 = arith.addf %add3A_1820, %broadcast_in_dim3A_1836 : vector<1x256xf32>
    %reduce_sum3A_1838 = arith.constant dense<0.000000e+00> : vector<256xf32>
    %reduce_sum3A_1839 = vector.multi_reduction <add>, %convert_element_type3A_1833, %reduce_sum3A_1838 [1] : vector<256x256xf32> to vector<256xf32>
    %broadcast_in_dim3A_1840 = vector.shape_cast %reduce_sum3A_1839 : vector<256xf32> to vector<256x1xf32>
    %reshape3A_1841 = vector.shape_cast %broadcast_in_dim3A_1840 : vector<256x1xf32> to vector<1x256xf32>
    %sub3A_1842 = arith.constant 2.560000e+02 : f32
    %sub3A_1843 = vector.broadcast %sub3A_1842 : f32 to vector<1x256xf32>
    %sub3A_1844 = arith.subf %sub3A_1843, %reshape3A_1841 : vector<1x256xf32>
    %add3A_1845 = arith.addf %add3A_1726, %sub3A_1844 : vector<1x256xf32>
    %gt3A_1846 = vector.broadcast %slice3A_29 : vector<256x1xf32> to vector<256x256xf32>
    %gt3A_1847 = vector.broadcast %slice3A_10 : vector<1x256xf32> to vector<256x256xf32>
    %gt3A_1848 = arith.cmpf ogt, %gt3A_1846, %gt3A_1847 : vector<256x256xf32>
    %convert_element_type3A_1849 = arith.extui %gt3A_1848 : vector<256x256xi1> to vector<256x256xi32>
    %convert_element_type3A_1850 = arith.sitofp %convert_element_type3A_1849 : vector<256x256xi32> to vector<256x256xf32>
    %reduce_sum3A_1851 = arith.constant dense<0.000000e+00> : vector<256xf32>
    %reduce_sum3A_1852 = vector.multi_reduction <add>, %convert_element_type3A_1850, %reduce_sum3A_1851 [0] : vector<256x256xf32> to vector<256xf32>
    %broadcast_in_dim3A_1853 = vector.shape_cast %reduce_sum3A_1852 : vector<256xf32> to vector<1x256xf32>
    %add3A_1854 = arith.addf %add3A_1837, %broadcast_in_dim3A_1853 : vector<1x256xf32>
    %reduce_sum3A_1855 = arith.constant dense<0.000000e+00> : vector<256xf32>
    %reduce_sum3A_1856 = vector.multi_reduction <add>, %convert_element_type3A_1850, %reduce_sum3A_1855 [1] : vector<256x256xf32> to vector<256xf32>
    %broadcast_in_dim3A_1857 = vector.shape_cast %reduce_sum3A_1856 : vector<256xf32> to vector<256x1xf32>
    %reshape3A_1858 = vector.shape_cast %broadcast_in_dim3A_1857 : vector<256x1xf32> to vector<1x256xf32>
    %sub3A_1859 = arith.constant 2.560000e+02 : f32
    %sub3A_1860 = vector.broadcast %sub3A_1859 : f32 to vector<1x256xf32>
    %sub3A_1861 = arith.subf %sub3A_1860, %reshape3A_1858 : vector<1x256xf32>
    %add3A_1862 = arith.addf %add3A_1743, %sub3A_1861 : vector<1x256xf32>
    %gt3A_1863 = vector.broadcast %slice3A_30 : vector<256x1xf32> to vector<256x256xf32>
    %gt3A_1864 = vector.broadcast %slice3A_10 : vector<1x256xf32> to vector<256x256xf32>
    %gt3A_1865 = arith.cmpf ogt, %gt3A_1863, %gt3A_1864 : vector<256x256xf32>
    %convert_element_type3A_1866 = arith.extui %gt3A_1865 : vector<256x256xi1> to vector<256x256xi32>
    %convert_element_type3A_1867 = arith.sitofp %convert_element_type3A_1866 : vector<256x256xi32> to vector<256x256xf32>
    %reduce_sum3A_1868 = arith.constant dense<0.000000e+00> : vector<256xf32>
    %reduce_sum3A_1869 = vector.multi_reduction <add>, %convert_element_type3A_1867, %reduce_sum3A_1868 [0] : vector<256x256xf32> to vector<256xf32>
    %broadcast_in_dim3A_1870 = vector.shape_cast %reduce_sum3A_1869 : vector<256xf32> to vector<1x256xf32>
    %add3A_1871 = arith.addf %add3A_1854, %broadcast_in_dim3A_1870 : vector<1x256xf32>
    %reduce_sum3A_1872 = arith.constant dense<0.000000e+00> : vector<256xf32>
    %reduce_sum3A_1873 = vector.multi_reduction <add>, %convert_element_type3A_1867, %reduce_sum3A_1872 [1] : vector<256x256xf32> to vector<256xf32>
    %broadcast_in_dim3A_1874 = vector.shape_cast %reduce_sum3A_1873 : vector<256xf32> to vector<256x1xf32>
    %reshape3A_1875 = vector.shape_cast %broadcast_in_dim3A_1874 : vector<256x1xf32> to vector<1x256xf32>
    %sub3A_1876 = arith.constant 2.560000e+02 : f32
    %sub3A_1877 = vector.broadcast %sub3A_1876 : f32 to vector<1x256xf32>
    %sub3A_1878 = arith.subf %sub3A_1877, %reshape3A_1875 : vector<1x256xf32>
    %add3A_1879 = arith.addf %add3A_1760, %sub3A_1878 : vector<1x256xf32>
    %gt3A_1880 = vector.broadcast %slice3A_31 : vector<256x1xf32> to vector<256x256xf32>
    %gt3A_1881 = vector.broadcast %slice3A_10 : vector<1x256xf32> to vector<256x256xf32>
    %gt3A_1882 = arith.cmpf ogt, %gt3A_1880, %gt3A_1881 : vector<256x256xf32>
    %convert_element_type3A_1883 = arith.extui %gt3A_1882 : vector<256x256xi1> to vector<256x256xi32>
    %convert_element_type3A_1884 = arith.sitofp %convert_element_type3A_1883 : vector<256x256xi32> to vector<256x256xf32>
    %reduce_sum3A_1885 = arith.constant dense<0.000000e+00> : vector<256xf32>
    %reduce_sum3A_1886 = vector.multi_reduction <add>, %convert_element_type3A_1884, %reduce_sum3A_1885 [0] : vector<256x256xf32> to vector<256xf32>
    %broadcast_in_dim3A_1887 = vector.shape_cast %reduce_sum3A_1886 : vector<256xf32> to vector<1x256xf32>
    %add3A_1888 = arith.addf %add3A_1871, %broadcast_in_dim3A_1887 : vector<1x256xf32>
    %reduce_sum3A_1889 = arith.constant dense<0.000000e+00> : vector<256xf32>
    %reduce_sum3A_1890 = vector.multi_reduction <add>, %convert_element_type3A_1884, %reduce_sum3A_1889 [1] : vector<256x256xf32> to vector<256xf32>
    %broadcast_in_dim3A_1891 = vector.shape_cast %reduce_sum3A_1890 : vector<256xf32> to vector<256x1xf32>
    %reshape3A_1892 = vector.shape_cast %broadcast_in_dim3A_1891 : vector<256x1xf32> to vector<1x256xf32>
    %sub3A_1893 = arith.constant 2.560000e+02 : f32
    %sub3A_1894 = vector.broadcast %sub3A_1893 : f32 to vector<1x256xf32>
    %sub3A_1895 = arith.subf %sub3A_1894, %reshape3A_1892 : vector<1x256xf32>
    %add3A_1896 = arith.addf %add3A_1777, %sub3A_1895 : vector<1x256xf32>
    %gt3A_1897 = vector.broadcast %slice3A_32 : vector<256x1xf32> to vector<256x256xf32>
    %gt3A_1898 = vector.broadcast %slice3A_10 : vector<1x256xf32> to vector<256x256xf32>
    %gt3A_1899 = arith.cmpf ogt, %gt3A_1897, %gt3A_1898 : vector<256x256xf32>
    %convert_element_type3A_1900 = arith.extui %gt3A_1899 : vector<256x256xi1> to vector<256x256xi32>
    %convert_element_type3A_1901 = arith.sitofp %convert_element_type3A_1900 : vector<256x256xi32> to vector<256x256xf32>
    %reduce_sum3A_1902 = arith.constant dense<0.000000e+00> : vector<256xf32>
    %reduce_sum3A_1903 = vector.multi_reduction <add>, %convert_element_type3A_1901, %reduce_sum3A_1902 [0] : vector<256x256xf32> to vector<256xf32>
    %broadcast_in_dim3A_1904 = vector.shape_cast %reduce_sum3A_1903 : vector<256xf32> to vector<1x256xf32>
    %add3A_1905 = arith.addf %add3A_1888, %broadcast_in_dim3A_1904 : vector<1x256xf32>
    %reduce_sum3A_1906 = arith.constant dense<0.000000e+00> : vector<256xf32>
    %reduce_sum3A_1907 = vector.multi_reduction <add>, %convert_element_type3A_1901, %reduce_sum3A_1906 [1] : vector<256x256xf32> to vector<256xf32>
    %broadcast_in_dim3A_1908 = vector.shape_cast %reduce_sum3A_1907 : vector<256xf32> to vector<256x1xf32>
    %reshape3A_1909 = vector.shape_cast %broadcast_in_dim3A_1908 : vector<256x1xf32> to vector<1x256xf32>
    %sub3A_1910 = arith.constant 2.560000e+02 : f32
    %sub3A_1911 = vector.broadcast %sub3A_1910 : f32 to vector<1x256xf32>
    %sub3A_1912 = arith.subf %sub3A_1911, %reshape3A_1909 : vector<1x256xf32>
    %add3A_1913 = arith.addf %add3A_1794, %sub3A_1912 : vector<1x256xf32>
    %gt3A_1914 = vector.broadcast %slice3A_33 : vector<256x1xf32> to vector<256x256xf32>
    %gt3A_1915 = vector.broadcast %slice3A_10 : vector<1x256xf32> to vector<256x256xf32>
    %gt3A_1916 = arith.cmpf ogt, %gt3A_1914, %gt3A_1915 : vector<256x256xf32>
    %convert_element_type3A_1917 = arith.extui %gt3A_1916 : vector<256x256xi1> to vector<256x256xi32>
    %convert_element_type3A_1918 = arith.sitofp %convert_element_type3A_1917 : vector<256x256xi32> to vector<256x256xf32>
    %reduce_sum3A_1919 = arith.constant dense<0.000000e+00> : vector<256xf32>
    %reduce_sum3A_1920 = vector.multi_reduction <add>, %convert_element_type3A_1918, %reduce_sum3A_1919 [0] : vector<256x256xf32> to vector<256xf32>
    %broadcast_in_dim3A_1921 = vector.shape_cast %reduce_sum3A_1920 : vector<256xf32> to vector<1x256xf32>
    %add3A_1922 = arith.addf %add3A_1905, %broadcast_in_dim3A_1921 : vector<1x256xf32>
    %reduce_sum3A_1923 = arith.constant dense<0.000000e+00> : vector<256xf32>
    %reduce_sum3A_1924 = vector.multi_reduction <add>, %convert_element_type3A_1918, %reduce_sum3A_1923 [1] : vector<256x256xf32> to vector<256xf32>
    %broadcast_in_dim3A_1925 = vector.shape_cast %reduce_sum3A_1924 : vector<256xf32> to vector<256x1xf32>
    %reshape3A_1926 = vector.shape_cast %broadcast_in_dim3A_1925 : vector<256x1xf32> to vector<1x256xf32>
    %sub3A_1927 = arith.constant 2.560000e+02 : f32
    %sub3A_1928 = vector.broadcast %sub3A_1927 : f32 to vector<1x256xf32>
    %sub3A_1929 = arith.subf %sub3A_1928, %reshape3A_1926 : vector<1x256xf32>
    %add3A_1930 = arith.addf %add3A_1811, %sub3A_1929 : vector<1x256xf32>
    %gt3A_1931 = vector.broadcast %slice3A_28 : vector<256x1xf32> to vector<256x256xf32>
    %gt3A_1932 = vector.broadcast %slice3A_11 : vector<1x256xf32> to vector<256x256xf32>
    %gt3A_1933 = arith.cmpf ogt, %gt3A_1931, %gt3A_1932 : vector<256x256xf32>
    %convert_element_type3A_1934 = arith.extui %gt3A_1933 : vector<256x256xi1> to vector<256x256xi32>
    %convert_element_type3A_1935 = arith.sitofp %convert_element_type3A_1934 : vector<256x256xi32> to vector<256x256xf32>
    %reduce_sum3A_1936 = arith.constant dense<0.000000e+00> : vector<256xf32>
    %reduce_sum3A_1937 = vector.multi_reduction <add>, %convert_element_type3A_1935, %reduce_sum3A_1936 [0] : vector<256x256xf32> to vector<256xf32>
    %broadcast_in_dim3A_1938 = vector.shape_cast %reduce_sum3A_1937 : vector<256xf32> to vector<1x256xf32>
    %add3A_1939 = arith.addf %add3A_1828, %broadcast_in_dim3A_1938 : vector<1x256xf32>
    %reduce_sum3A_1940 = arith.constant dense<0.000000e+00> : vector<256xf32>
    %reduce_sum3A_1941 = vector.multi_reduction <add>, %convert_element_type3A_1935, %reduce_sum3A_1940 [1] : vector<256x256xf32> to vector<256xf32>
    %broadcast_in_dim3A_1942 = vector.shape_cast %reduce_sum3A_1941 : vector<256xf32> to vector<256x1xf32>
    %reshape3A_1943 = vector.shape_cast %broadcast_in_dim3A_1942 : vector<256x1xf32> to vector<1x256xf32>
    %sub3A_1944 = arith.constant 2.560000e+02 : f32
    %sub3A_1945 = vector.broadcast %sub3A_1944 : f32 to vector<1x256xf32>
    %sub3A_1946 = arith.subf %sub3A_1945, %reshape3A_1943 : vector<1x256xf32>
    %add3A_1947 = arith.addf %add3A_1845, %sub3A_1946 : vector<1x256xf32>
    %gt3A_1948 = vector.broadcast %slice3A_29 : vector<256x1xf32> to vector<256x256xf32>
    %gt3A_1949 = vector.broadcast %slice3A_11 : vector<1x256xf32> to vector<256x256xf32>
    %gt3A_1950 = arith.cmpf ogt, %gt3A_1948, %gt3A_1949 : vector<256x256xf32>
    %convert_element_type3A_1951 = arith.extui %gt3A_1950 : vector<256x256xi1> to vector<256x256xi32>
    %convert_element_type3A_1952 = arith.sitofp %convert_element_type3A_1951 : vector<256x256xi32> to vector<256x256xf32>
    %reduce_sum3A_1953 = arith.constant dense<0.000000e+00> : vector<256xf32>
    %reduce_sum3A_1954 = vector.multi_reduction <add>, %convert_element_type3A_1952, %reduce_sum3A_1953 [0] : vector<256x256xf32> to vector<256xf32>
    %broadcast_in_dim3A_1955 = vector.shape_cast %reduce_sum3A_1954 : vector<256xf32> to vector<1x256xf32>
    %add3A_1956 = arith.addf %add3A_1939, %broadcast_in_dim3A_1955 : vector<1x256xf32>
    %reduce_sum3A_1957 = arith.constant dense<0.000000e+00> : vector<256xf32>
    %reduce_sum3A_1958 = vector.multi_reduction <add>, %convert_element_type3A_1952, %reduce_sum3A_1957 [1] : vector<256x256xf32> to vector<256xf32>
    %broadcast_in_dim3A_1959 = vector.shape_cast %reduce_sum3A_1958 : vector<256xf32> to vector<256x1xf32>
    %reshape3A_1960 = vector.shape_cast %broadcast_in_dim3A_1959 : vector<256x1xf32> to vector<1x256xf32>
    %sub3A_1961 = arith.constant 2.560000e+02 : f32
    %sub3A_1962 = vector.broadcast %sub3A_1961 : f32 to vector<1x256xf32>
    %sub3A_1963 = arith.subf %sub3A_1962, %reshape3A_1960 : vector<1x256xf32>
    %add3A_1964 = arith.addf %add3A_1862, %sub3A_1963 : vector<1x256xf32>
    %gt3A_1965 = vector.broadcast %slice3A_30 : vector<256x1xf32> to vector<256x256xf32>
    %gt3A_1966 = vector.broadcast %slice3A_11 : vector<1x256xf32> to vector<256x256xf32>
    %gt3A_1967 = arith.cmpf ogt, %gt3A_1965, %gt3A_1966 : vector<256x256xf32>
    %convert_element_type3A_1968 = arith.extui %gt3A_1967 : vector<256x256xi1> to vector<256x256xi32>
    %convert_element_type3A_1969 = arith.sitofp %convert_element_type3A_1968 : vector<256x256xi32> to vector<256x256xf32>
    %reduce_sum3A_1970 = arith.constant dense<0.000000e+00> : vector<256xf32>
    %reduce_sum3A_1971 = vector.multi_reduction <add>, %convert_element_type3A_1969, %reduce_sum3A_1970 [0] : vector<256x256xf32> to vector<256xf32>
    %broadcast_in_dim3A_1972 = vector.shape_cast %reduce_sum3A_1971 : vector<256xf32> to vector<1x256xf32>
    %add3A_1973 = arith.addf %add3A_1956, %broadcast_in_dim3A_1972 : vector<1x256xf32>
    %reduce_sum3A_1974 = arith.constant dense<0.000000e+00> : vector<256xf32>
    %reduce_sum3A_1975 = vector.multi_reduction <add>, %convert_element_type3A_1969, %reduce_sum3A_1974 [1] : vector<256x256xf32> to vector<256xf32>
    %broadcast_in_dim3A_1976 = vector.shape_cast %reduce_sum3A_1975 : vector<256xf32> to vector<256x1xf32>
    %reshape3A_1977 = vector.shape_cast %broadcast_in_dim3A_1976 : vector<256x1xf32> to vector<1x256xf32>
    %sub3A_1978 = arith.constant 2.560000e+02 : f32
    %sub3A_1979 = vector.broadcast %sub3A_1978 : f32 to vector<1x256xf32>
    %sub3A_1980 = arith.subf %sub3A_1979, %reshape3A_1977 : vector<1x256xf32>
    %add3A_1981 = arith.addf %add3A_1879, %sub3A_1980 : vector<1x256xf32>
    %gt3A_1982 = vector.broadcast %slice3A_31 : vector<256x1xf32> to vector<256x256xf32>
    %gt3A_1983 = vector.broadcast %slice3A_11 : vector<1x256xf32> to vector<256x256xf32>
    %gt3A_1984 = arith.cmpf ogt, %gt3A_1982, %gt3A_1983 : vector<256x256xf32>
    %convert_element_type3A_1985 = arith.extui %gt3A_1984 : vector<256x256xi1> to vector<256x256xi32>
    %convert_element_type3A_1986 = arith.sitofp %convert_element_type3A_1985 : vector<256x256xi32> to vector<256x256xf32>
    %reduce_sum3A_1987 = arith.constant dense<0.000000e+00> : vector<256xf32>
    %reduce_sum3A_1988 = vector.multi_reduction <add>, %convert_element_type3A_1986, %reduce_sum3A_1987 [0] : vector<256x256xf32> to vector<256xf32>
    %broadcast_in_dim3A_1989 = vector.shape_cast %reduce_sum3A_1988 : vector<256xf32> to vector<1x256xf32>
    %add3A_1990 = arith.addf %add3A_1973, %broadcast_in_dim3A_1989 : vector<1x256xf32>
    %reduce_sum3A_1991 = arith.constant dense<0.000000e+00> : vector<256xf32>
    %reduce_sum3A_1992 = vector.multi_reduction <add>, %convert_element_type3A_1986, %reduce_sum3A_1991 [1] : vector<256x256xf32> to vector<256xf32>
    %broadcast_in_dim3A_1993 = vector.shape_cast %reduce_sum3A_1992 : vector<256xf32> to vector<256x1xf32>
    %reshape3A_1994 = vector.shape_cast %broadcast_in_dim3A_1993 : vector<256x1xf32> to vector<1x256xf32>
    %sub3A_1995 = arith.constant 2.560000e+02 : f32
    %sub3A_1996 = vector.broadcast %sub3A_1995 : f32 to vector<1x256xf32>
    %sub3A_1997 = arith.subf %sub3A_1996, %reshape3A_1994 : vector<1x256xf32>
    %add3A_1998 = arith.addf %add3A_1896, %sub3A_1997 : vector<1x256xf32>
    %gt3A_1999 = vector.broadcast %slice3A_32 : vector<256x1xf32> to vector<256x256xf32>
    %gt3A_2000 = vector.broadcast %slice3A_11 : vector<1x256xf32> to vector<256x256xf32>
    %gt3A_2001 = arith.cmpf ogt, %gt3A_1999, %gt3A_2000 : vector<256x256xf32>
    %convert_element_type3A_2002 = arith.extui %gt3A_2001 : vector<256x256xi1> to vector<256x256xi32>
    %convert_element_type3A_2003 = arith.sitofp %convert_element_type3A_2002 : vector<256x256xi32> to vector<256x256xf32>
    %reduce_sum3A_2004 = arith.constant dense<0.000000e+00> : vector<256xf32>
    %reduce_sum3A_2005 = vector.multi_reduction <add>, %convert_element_type3A_2003, %reduce_sum3A_2004 [0] : vector<256x256xf32> to vector<256xf32>
    %broadcast_in_dim3A_2006 = vector.shape_cast %reduce_sum3A_2005 : vector<256xf32> to vector<1x256xf32>
    %add3A_2007 = arith.addf %add3A_1990, %broadcast_in_dim3A_2006 : vector<1x256xf32>
    %reduce_sum3A_2008 = arith.constant dense<0.000000e+00> : vector<256xf32>
    %reduce_sum3A_2009 = vector.multi_reduction <add>, %convert_element_type3A_2003, %reduce_sum3A_2008 [1] : vector<256x256xf32> to vector<256xf32>
    %broadcast_in_dim3A_2010 = vector.shape_cast %reduce_sum3A_2009 : vector<256xf32> to vector<256x1xf32>
    %reshape3A_2011 = vector.shape_cast %broadcast_in_dim3A_2010 : vector<256x1xf32> to vector<1x256xf32>
    %sub3A_2012 = arith.constant 2.560000e+02 : f32
    %sub3A_2013 = vector.broadcast %sub3A_2012 : f32 to vector<1x256xf32>
    %sub3A_2014 = arith.subf %sub3A_2013, %reshape3A_2011 : vector<1x256xf32>
    %add3A_2015 = arith.addf %add3A_1913, %sub3A_2014 : vector<1x256xf32>
    %gt3A_2016 = vector.broadcast %slice3A_33 : vector<256x1xf32> to vector<256x256xf32>
    %gt3A_2017 = vector.broadcast %slice3A_11 : vector<1x256xf32> to vector<256x256xf32>
    %gt3A_2018 = arith.cmpf ogt, %gt3A_2016, %gt3A_2017 : vector<256x256xf32>
    %convert_element_type3A_2019 = arith.extui %gt3A_2018 : vector<256x256xi1> to vector<256x256xi32>
    %convert_element_type3A_2020 = arith.sitofp %convert_element_type3A_2019 : vector<256x256xi32> to vector<256x256xf32>
    %reduce_sum3A_2021 = arith.constant dense<0.000000e+00> : vector<256xf32>
    %reduce_sum3A_2022 = vector.multi_reduction <add>, %convert_element_type3A_2020, %reduce_sum3A_2021 [0] : vector<256x256xf32> to vector<256xf32>
    %broadcast_in_dim3A_2023 = vector.shape_cast %reduce_sum3A_2022 : vector<256xf32> to vector<1x256xf32>
    %add3A_2024 = arith.addf %add3A_2007, %broadcast_in_dim3A_2023 : vector<1x256xf32>
    %reduce_sum3A_2025 = arith.constant dense<0.000000e+00> : vector<256xf32>
    %reduce_sum3A_2026 = vector.multi_reduction <add>, %convert_element_type3A_2020, %reduce_sum3A_2025 [1] : vector<256x256xf32> to vector<256xf32>
    %broadcast_in_dim3A_2027 = vector.shape_cast %reduce_sum3A_2026 : vector<256xf32> to vector<256x1xf32>
    %reshape3A_2028 = vector.shape_cast %broadcast_in_dim3A_2027 : vector<256x1xf32> to vector<1x256xf32>
    %sub3A_2029 = arith.constant 2.560000e+02 : f32
    %sub3A_2030 = vector.broadcast %sub3A_2029 : f32 to vector<1x256xf32>
    %sub3A_2031 = arith.subf %sub3A_2030, %reshape3A_2028 : vector<1x256xf32>
    %add3A_2032 = arith.addf %add3A_1930, %sub3A_2031 : vector<1x256xf32>
    %gt3A_2033 = vector.broadcast %slice3A_29 : vector<256x1xf32> to vector<256x256xf32>
    %gt3A_2034 = vector.broadcast %slice3A_12 : vector<1x256xf32> to vector<256x256xf32>
    %gt3A_2035 = arith.cmpf ogt, %gt3A_2033, %gt3A_2034 : vector<256x256xf32>
    %convert_element_type3A_2036 = arith.extui %gt3A_2035 : vector<256x256xi1> to vector<256x256xi32>
    %convert_element_type3A_2037 = arith.sitofp %convert_element_type3A_2036 : vector<256x256xi32> to vector<256x256xf32>
    %reduce_sum3A_2038 = arith.constant dense<0.000000e+00> : vector<256xf32>
    %reduce_sum3A_2039 = vector.multi_reduction <add>, %convert_element_type3A_2037, %reduce_sum3A_2038 [0] : vector<256x256xf32> to vector<256xf32>
    %broadcast_in_dim3A_2040 = vector.shape_cast %reduce_sum3A_2039 : vector<256xf32> to vector<1x256xf32>
    %add3A_2041 = arith.addf %add3A_1947, %broadcast_in_dim3A_2040 : vector<1x256xf32>
    %reduce_sum3A_2042 = arith.constant dense<0.000000e+00> : vector<256xf32>
    %reduce_sum3A_2043 = vector.multi_reduction <add>, %convert_element_type3A_2037, %reduce_sum3A_2042 [1] : vector<256x256xf32> to vector<256xf32>
    %broadcast_in_dim3A_2044 = vector.shape_cast %reduce_sum3A_2043 : vector<256xf32> to vector<256x1xf32>
    %reshape3A_2045 = vector.shape_cast %broadcast_in_dim3A_2044 : vector<256x1xf32> to vector<1x256xf32>
    %sub3A_2046 = arith.constant 2.560000e+02 : f32
    %sub3A_2047 = vector.broadcast %sub3A_2046 : f32 to vector<1x256xf32>
    %sub3A_2048 = arith.subf %sub3A_2047, %reshape3A_2045 : vector<1x256xf32>
    %add3A_2049 = arith.addf %add3A_1964, %sub3A_2048 : vector<1x256xf32>
    %gt3A_2050 = vector.broadcast %slice3A_30 : vector<256x1xf32> to vector<256x256xf32>
    %gt3A_2051 = vector.broadcast %slice3A_12 : vector<1x256xf32> to vector<256x256xf32>
    %gt3A_2052 = arith.cmpf ogt, %gt3A_2050, %gt3A_2051 : vector<256x256xf32>
    %convert_element_type3A_2053 = arith.extui %gt3A_2052 : vector<256x256xi1> to vector<256x256xi32>
    %convert_element_type3A_2054 = arith.sitofp %convert_element_type3A_2053 : vector<256x256xi32> to vector<256x256xf32>
    %reduce_sum3A_2055 = arith.constant dense<0.000000e+00> : vector<256xf32>
    %reduce_sum3A_2056 = vector.multi_reduction <add>, %convert_element_type3A_2054, %reduce_sum3A_2055 [0] : vector<256x256xf32> to vector<256xf32>
    %broadcast_in_dim3A_2057 = vector.shape_cast %reduce_sum3A_2056 : vector<256xf32> to vector<1x256xf32>
    %add3A_2058 = arith.addf %add3A_2041, %broadcast_in_dim3A_2057 : vector<1x256xf32>
    %reduce_sum3A_2059 = arith.constant dense<0.000000e+00> : vector<256xf32>
    %reduce_sum3A_2060 = vector.multi_reduction <add>, %convert_element_type3A_2054, %reduce_sum3A_2059 [1] : vector<256x256xf32> to vector<256xf32>
    %broadcast_in_dim3A_2061 = vector.shape_cast %reduce_sum3A_2060 : vector<256xf32> to vector<256x1xf32>
    %reshape3A_2062 = vector.shape_cast %broadcast_in_dim3A_2061 : vector<256x1xf32> to vector<1x256xf32>
    %sub3A_2063 = arith.constant 2.560000e+02 : f32
    %sub3A_2064 = vector.broadcast %sub3A_2063 : f32 to vector<1x256xf32>
    %sub3A_2065 = arith.subf %sub3A_2064, %reshape3A_2062 : vector<1x256xf32>
    %add3A_2066 = arith.addf %add3A_1981, %sub3A_2065 : vector<1x256xf32>
    %gt3A_2067 = vector.broadcast %slice3A_31 : vector<256x1xf32> to vector<256x256xf32>
    %gt3A_2068 = vector.broadcast %slice3A_12 : vector<1x256xf32> to vector<256x256xf32>
    %gt3A_2069 = arith.cmpf ogt, %gt3A_2067, %gt3A_2068 : vector<256x256xf32>
    %convert_element_type3A_2070 = arith.extui %gt3A_2069 : vector<256x256xi1> to vector<256x256xi32>
    %convert_element_type3A_2071 = arith.sitofp %convert_element_type3A_2070 : vector<256x256xi32> to vector<256x256xf32>
    %reduce_sum3A_2072 = arith.constant dense<0.000000e+00> : vector<256xf32>
    %reduce_sum3A_2073 = vector.multi_reduction <add>, %convert_element_type3A_2071, %reduce_sum3A_2072 [0] : vector<256x256xf32> to vector<256xf32>
    %broadcast_in_dim3A_2074 = vector.shape_cast %reduce_sum3A_2073 : vector<256xf32> to vector<1x256xf32>
    %add3A_2075 = arith.addf %add3A_2058, %broadcast_in_dim3A_2074 : vector<1x256xf32>
    %reduce_sum3A_2076 = arith.constant dense<0.000000e+00> : vector<256xf32>
    %reduce_sum3A_2077 = vector.multi_reduction <add>, %convert_element_type3A_2071, %reduce_sum3A_2076 [1] : vector<256x256xf32> to vector<256xf32>
    %broadcast_in_dim3A_2078 = vector.shape_cast %reduce_sum3A_2077 : vector<256xf32> to vector<256x1xf32>
    %reshape3A_2079 = vector.shape_cast %broadcast_in_dim3A_2078 : vector<256x1xf32> to vector<1x256xf32>
    %sub3A_2080 = arith.constant 2.560000e+02 : f32
    %sub3A_2081 = vector.broadcast %sub3A_2080 : f32 to vector<1x256xf32>
    %sub3A_2082 = arith.subf %sub3A_2081, %reshape3A_2079 : vector<1x256xf32>
    %add3A_2083 = arith.addf %add3A_1998, %sub3A_2082 : vector<1x256xf32>
    %gt3A_2084 = vector.broadcast %slice3A_32 : vector<256x1xf32> to vector<256x256xf32>
    %gt3A_2085 = vector.broadcast %slice3A_12 : vector<1x256xf32> to vector<256x256xf32>
    %gt3A_2086 = arith.cmpf ogt, %gt3A_2084, %gt3A_2085 : vector<256x256xf32>
    %convert_element_type3A_2087 = arith.extui %gt3A_2086 : vector<256x256xi1> to vector<256x256xi32>
    %convert_element_type3A_2088 = arith.sitofp %convert_element_type3A_2087 : vector<256x256xi32> to vector<256x256xf32>
    %reduce_sum3A_2089 = arith.constant dense<0.000000e+00> : vector<256xf32>
    %reduce_sum3A_2090 = vector.multi_reduction <add>, %convert_element_type3A_2088, %reduce_sum3A_2089 [0] : vector<256x256xf32> to vector<256xf32>
    %broadcast_in_dim3A_2091 = vector.shape_cast %reduce_sum3A_2090 : vector<256xf32> to vector<1x256xf32>
    %add3A_2092 = arith.addf %add3A_2075, %broadcast_in_dim3A_2091 : vector<1x256xf32>
    %reduce_sum3A_2093 = arith.constant dense<0.000000e+00> : vector<256xf32>
    %reduce_sum3A_2094 = vector.multi_reduction <add>, %convert_element_type3A_2088, %reduce_sum3A_2093 [1] : vector<256x256xf32> to vector<256xf32>
    %broadcast_in_dim3A_2095 = vector.shape_cast %reduce_sum3A_2094 : vector<256xf32> to vector<256x1xf32>
    %reshape3A_2096 = vector.shape_cast %broadcast_in_dim3A_2095 : vector<256x1xf32> to vector<1x256xf32>
    %sub3A_2097 = arith.constant 2.560000e+02 : f32
    %sub3A_2098 = vector.broadcast %sub3A_2097 : f32 to vector<1x256xf32>
    %sub3A_2099 = arith.subf %sub3A_2098, %reshape3A_2096 : vector<1x256xf32>
    %add3A_2100 = arith.addf %add3A_2015, %sub3A_2099 : vector<1x256xf32>
    %gt3A_2101 = vector.broadcast %slice3A_33 : vector<256x1xf32> to vector<256x256xf32>
    %gt3A_2102 = vector.broadcast %slice3A_12 : vector<1x256xf32> to vector<256x256xf32>
    %gt3A_2103 = arith.cmpf ogt, %gt3A_2101, %gt3A_2102 : vector<256x256xf32>
    %convert_element_type3A_2104 = arith.extui %gt3A_2103 : vector<256x256xi1> to vector<256x256xi32>
    %convert_element_type3A_2105 = arith.sitofp %convert_element_type3A_2104 : vector<256x256xi32> to vector<256x256xf32>
    %reduce_sum3A_2106 = arith.constant dense<0.000000e+00> : vector<256xf32>
    %reduce_sum3A_2107 = vector.multi_reduction <add>, %convert_element_type3A_2105, %reduce_sum3A_2106 [0] : vector<256x256xf32> to vector<256xf32>
    %broadcast_in_dim3A_2108 = vector.shape_cast %reduce_sum3A_2107 : vector<256xf32> to vector<1x256xf32>
    %add3A_2109 = arith.addf %add3A_2092, %broadcast_in_dim3A_2108 : vector<1x256xf32>
    %reduce_sum3A_2110 = arith.constant dense<0.000000e+00> : vector<256xf32>
    %reduce_sum3A_2111 = vector.multi_reduction <add>, %convert_element_type3A_2105, %reduce_sum3A_2110 [1] : vector<256x256xf32> to vector<256xf32>
    %broadcast_in_dim3A_2112 = vector.shape_cast %reduce_sum3A_2111 : vector<256xf32> to vector<256x1xf32>
    %reshape3A_2113 = vector.shape_cast %broadcast_in_dim3A_2112 : vector<256x1xf32> to vector<1x256xf32>
    %sub3A_2114 = arith.constant 2.560000e+02 : f32
    %sub3A_2115 = vector.broadcast %sub3A_2114 : f32 to vector<1x256xf32>
    %sub3A_2116 = arith.subf %sub3A_2115, %reshape3A_2113 : vector<1x256xf32>
    %add3A_2117 = arith.addf %add3A_2032, %sub3A_2116 : vector<1x256xf32>
    %gt3A_2118 = vector.broadcast %slice3A_30 : vector<256x1xf32> to vector<256x256xf32>
    %gt3A_2119 = vector.broadcast %slice3A_13 : vector<1x256xf32> to vector<256x256xf32>
    %gt3A_2120 = arith.cmpf ogt, %gt3A_2118, %gt3A_2119 : vector<256x256xf32>
    %convert_element_type3A_2121 = arith.extui %gt3A_2120 : vector<256x256xi1> to vector<256x256xi32>
    %convert_element_type3A_2122 = arith.sitofp %convert_element_type3A_2121 : vector<256x256xi32> to vector<256x256xf32>
    %reduce_sum3A_2123 = arith.constant dense<0.000000e+00> : vector<256xf32>
    %reduce_sum3A_2124 = vector.multi_reduction <add>, %convert_element_type3A_2122, %reduce_sum3A_2123 [0] : vector<256x256xf32> to vector<256xf32>
    %broadcast_in_dim3A_2125 = vector.shape_cast %reduce_sum3A_2124 : vector<256xf32> to vector<1x256xf32>
    %add3A_2126 = arith.addf %add3A_2049, %broadcast_in_dim3A_2125 : vector<1x256xf32>
    %reduce_sum3A_2127 = arith.constant dense<0.000000e+00> : vector<256xf32>
    %reduce_sum3A_2128 = vector.multi_reduction <add>, %convert_element_type3A_2122, %reduce_sum3A_2127 [1] : vector<256x256xf32> to vector<256xf32>
    %broadcast_in_dim3A_2129 = vector.shape_cast %reduce_sum3A_2128 : vector<256xf32> to vector<256x1xf32>
    %reshape3A_2130 = vector.shape_cast %broadcast_in_dim3A_2129 : vector<256x1xf32> to vector<1x256xf32>
    %sub3A_2131 = arith.constant 2.560000e+02 : f32
    %sub3A_2132 = vector.broadcast %sub3A_2131 : f32 to vector<1x256xf32>
    %sub3A_2133 = arith.subf %sub3A_2132, %reshape3A_2130 : vector<1x256xf32>
    %add3A_2134 = arith.addf %add3A_2066, %sub3A_2133 : vector<1x256xf32>
    %gt3A_2135 = vector.broadcast %slice3A_31 : vector<256x1xf32> to vector<256x256xf32>
    %gt3A_2136 = vector.broadcast %slice3A_13 : vector<1x256xf32> to vector<256x256xf32>
    %gt3A_2137 = arith.cmpf ogt, %gt3A_2135, %gt3A_2136 : vector<256x256xf32>
    %convert_element_type3A_2138 = arith.extui %gt3A_2137 : vector<256x256xi1> to vector<256x256xi32>
    %convert_element_type3A_2139 = arith.sitofp %convert_element_type3A_2138 : vector<256x256xi32> to vector<256x256xf32>
    %reduce_sum3A_2140 = arith.constant dense<0.000000e+00> : vector<256xf32>
    %reduce_sum3A_2141 = vector.multi_reduction <add>, %convert_element_type3A_2139, %reduce_sum3A_2140 [0] : vector<256x256xf32> to vector<256xf32>
    %broadcast_in_dim3A_2142 = vector.shape_cast %reduce_sum3A_2141 : vector<256xf32> to vector<1x256xf32>
    %add3A_2143 = arith.addf %add3A_2126, %broadcast_in_dim3A_2142 : vector<1x256xf32>
    %reduce_sum3A_2144 = arith.constant dense<0.000000e+00> : vector<256xf32>
    %reduce_sum3A_2145 = vector.multi_reduction <add>, %convert_element_type3A_2139, %reduce_sum3A_2144 [1] : vector<256x256xf32> to vector<256xf32>
    %broadcast_in_dim3A_2146 = vector.shape_cast %reduce_sum3A_2145 : vector<256xf32> to vector<256x1xf32>
    %reshape3A_2147 = vector.shape_cast %broadcast_in_dim3A_2146 : vector<256x1xf32> to vector<1x256xf32>
    %sub3A_2148 = arith.constant 2.560000e+02 : f32
    %sub3A_2149 = vector.broadcast %sub3A_2148 : f32 to vector<1x256xf32>
    %sub3A_2150 = arith.subf %sub3A_2149, %reshape3A_2147 : vector<1x256xf32>
    %add3A_2151 = arith.addf %add3A_2083, %sub3A_2150 : vector<1x256xf32>
    %gt3A_2152 = vector.broadcast %slice3A_32 : vector<256x1xf32> to vector<256x256xf32>
    %gt3A_2153 = vector.broadcast %slice3A_13 : vector<1x256xf32> to vector<256x256xf32>
    %gt3A_2154 = arith.cmpf ogt, %gt3A_2152, %gt3A_2153 : vector<256x256xf32>
    %convert_element_type3A_2155 = arith.extui %gt3A_2154 : vector<256x256xi1> to vector<256x256xi32>
    %convert_element_type3A_2156 = arith.sitofp %convert_element_type3A_2155 : vector<256x256xi32> to vector<256x256xf32>
    %reduce_sum3A_2157 = arith.constant dense<0.000000e+00> : vector<256xf32>
    %reduce_sum3A_2158 = vector.multi_reduction <add>, %convert_element_type3A_2156, %reduce_sum3A_2157 [0] : vector<256x256xf32> to vector<256xf32>
    %broadcast_in_dim3A_2159 = vector.shape_cast %reduce_sum3A_2158 : vector<256xf32> to vector<1x256xf32>
    %add3A_2160 = arith.addf %add3A_2143, %broadcast_in_dim3A_2159 : vector<1x256xf32>
    %reduce_sum3A_2161 = arith.constant dense<0.000000e+00> : vector<256xf32>
    %reduce_sum3A_2162 = vector.multi_reduction <add>, %convert_element_type3A_2156, %reduce_sum3A_2161 [1] : vector<256x256xf32> to vector<256xf32>
    %broadcast_in_dim3A_2163 = vector.shape_cast %reduce_sum3A_2162 : vector<256xf32> to vector<256x1xf32>
    %reshape3A_2164 = vector.shape_cast %broadcast_in_dim3A_2163 : vector<256x1xf32> to vector<1x256xf32>
    %sub3A_2165 = arith.constant 2.560000e+02 : f32
    %sub3A_2166 = vector.broadcast %sub3A_2165 : f32 to vector<1x256xf32>
    %sub3A_2167 = arith.subf %sub3A_2166, %reshape3A_2164 : vector<1x256xf32>
    %add3A_2168 = arith.addf %add3A_2100, %sub3A_2167 : vector<1x256xf32>
    %gt3A_2169 = vector.broadcast %slice3A_33 : vector<256x1xf32> to vector<256x256xf32>
    %gt3A_2170 = vector.broadcast %slice3A_13 : vector<1x256xf32> to vector<256x256xf32>
    %gt3A_2171 = arith.cmpf ogt, %gt3A_2169, %gt3A_2170 : vector<256x256xf32>
    %convert_element_type3A_2172 = arith.extui %gt3A_2171 : vector<256x256xi1> to vector<256x256xi32>
    %convert_element_type3A_2173 = arith.sitofp %convert_element_type3A_2172 : vector<256x256xi32> to vector<256x256xf32>
    %reduce_sum3A_2174 = arith.constant dense<0.000000e+00> : vector<256xf32>
    %reduce_sum3A_2175 = vector.multi_reduction <add>, %convert_element_type3A_2173, %reduce_sum3A_2174 [0] : vector<256x256xf32> to vector<256xf32>
    %broadcast_in_dim3A_2176 = vector.shape_cast %reduce_sum3A_2175 : vector<256xf32> to vector<1x256xf32>
    %add3A_2177 = arith.addf %add3A_2160, %broadcast_in_dim3A_2176 : vector<1x256xf32>
    %reduce_sum3A_2178 = arith.constant dense<0.000000e+00> : vector<256xf32>
    %reduce_sum3A_2179 = vector.multi_reduction <add>, %convert_element_type3A_2173, %reduce_sum3A_2178 [1] : vector<256x256xf32> to vector<256xf32>
    %broadcast_in_dim3A_2180 = vector.shape_cast %reduce_sum3A_2179 : vector<256xf32> to vector<256x1xf32>
    %reshape3A_2181 = vector.shape_cast %broadcast_in_dim3A_2180 : vector<256x1xf32> to vector<1x256xf32>
    %sub3A_2182 = arith.constant 2.560000e+02 : f32
    %sub3A_2183 = vector.broadcast %sub3A_2182 : f32 to vector<1x256xf32>
    %sub3A_2184 = arith.subf %sub3A_2183, %reshape3A_2181 : vector<1x256xf32>
    %add3A_2185 = arith.addf %add3A_2117, %sub3A_2184 : vector<1x256xf32>
    %gt3A_2186 = vector.broadcast %slice3A_31 : vector<256x1xf32> to vector<256x256xf32>
    %gt3A_2187 = vector.broadcast %slice3A_14 : vector<1x256xf32> to vector<256x256xf32>
    %gt3A_2188 = arith.cmpf ogt, %gt3A_2186, %gt3A_2187 : vector<256x256xf32>
    %convert_element_type3A_2189 = arith.extui %gt3A_2188 : vector<256x256xi1> to vector<256x256xi32>
    %convert_element_type3A_2190 = arith.sitofp %convert_element_type3A_2189 : vector<256x256xi32> to vector<256x256xf32>
    %reduce_sum3A_2191 = arith.constant dense<0.000000e+00> : vector<256xf32>
    %reduce_sum3A_2192 = vector.multi_reduction <add>, %convert_element_type3A_2190, %reduce_sum3A_2191 [0] : vector<256x256xf32> to vector<256xf32>
    %broadcast_in_dim3A_2193 = vector.shape_cast %reduce_sum3A_2192 : vector<256xf32> to vector<1x256xf32>
    %add3A_2194 = arith.addf %add3A_2134, %broadcast_in_dim3A_2193 : vector<1x256xf32>
    %reduce_sum3A_2195 = arith.constant dense<0.000000e+00> : vector<256xf32>
    %reduce_sum3A_2196 = vector.multi_reduction <add>, %convert_element_type3A_2190, %reduce_sum3A_2195 [1] : vector<256x256xf32> to vector<256xf32>
    %broadcast_in_dim3A_2197 = vector.shape_cast %reduce_sum3A_2196 : vector<256xf32> to vector<256x1xf32>
    %reshape3A_2198 = vector.shape_cast %broadcast_in_dim3A_2197 : vector<256x1xf32> to vector<1x256xf32>
    %sub3A_2199 = arith.constant 2.560000e+02 : f32
    %sub3A_2200 = vector.broadcast %sub3A_2199 : f32 to vector<1x256xf32>
    %sub3A_2201 = arith.subf %sub3A_2200, %reshape3A_2198 : vector<1x256xf32>
    %add3A_2202 = arith.addf %add3A_2151, %sub3A_2201 : vector<1x256xf32>
    %gt3A_2203 = vector.broadcast %slice3A_32 : vector<256x1xf32> to vector<256x256xf32>
    %gt3A_2204 = vector.broadcast %slice3A_14 : vector<1x256xf32> to vector<256x256xf32>
    %gt3A_2205 = arith.cmpf ogt, %gt3A_2203, %gt3A_2204 : vector<256x256xf32>
    %convert_element_type3A_2206 = arith.extui %gt3A_2205 : vector<256x256xi1> to vector<256x256xi32>
    %convert_element_type3A_2207 = arith.sitofp %convert_element_type3A_2206 : vector<256x256xi32> to vector<256x256xf32>
    %reduce_sum3A_2208 = arith.constant dense<0.000000e+00> : vector<256xf32>
    %reduce_sum3A_2209 = vector.multi_reduction <add>, %convert_element_type3A_2207, %reduce_sum3A_2208 [0] : vector<256x256xf32> to vector<256xf32>
    %broadcast_in_dim3A_2210 = vector.shape_cast %reduce_sum3A_2209 : vector<256xf32> to vector<1x256xf32>
    %add3A_2211 = arith.addf %add3A_2194, %broadcast_in_dim3A_2210 : vector<1x256xf32>
    %reduce_sum3A_2212 = arith.constant dense<0.000000e+00> : vector<256xf32>
    %reduce_sum3A_2213 = vector.multi_reduction <add>, %convert_element_type3A_2207, %reduce_sum3A_2212 [1] : vector<256x256xf32> to vector<256xf32>
    %broadcast_in_dim3A_2214 = vector.shape_cast %reduce_sum3A_2213 : vector<256xf32> to vector<256x1xf32>
    %reshape3A_2215 = vector.shape_cast %broadcast_in_dim3A_2214 : vector<256x1xf32> to vector<1x256xf32>
    %sub3A_2216 = arith.constant 2.560000e+02 : f32
    %sub3A_2217 = vector.broadcast %sub3A_2216 : f32 to vector<1x256xf32>
    %sub3A_2218 = arith.subf %sub3A_2217, %reshape3A_2215 : vector<1x256xf32>
    %add3A_2219 = arith.addf %add3A_2168, %sub3A_2218 : vector<1x256xf32>
    %gt3A_2220 = vector.broadcast %slice3A_33 : vector<256x1xf32> to vector<256x256xf32>
    %gt3A_2221 = vector.broadcast %slice3A_14 : vector<1x256xf32> to vector<256x256xf32>
    %gt3A_2222 = arith.cmpf ogt, %gt3A_2220, %gt3A_2221 : vector<256x256xf32>
    %convert_element_type3A_2223 = arith.extui %gt3A_2222 : vector<256x256xi1> to vector<256x256xi32>
    %convert_element_type3A_2224 = arith.sitofp %convert_element_type3A_2223 : vector<256x256xi32> to vector<256x256xf32>
    %reduce_sum3A_2225 = arith.constant dense<0.000000e+00> : vector<256xf32>
    %reduce_sum3A_2226 = vector.multi_reduction <add>, %convert_element_type3A_2224, %reduce_sum3A_2225 [0] : vector<256x256xf32> to vector<256xf32>
    %broadcast_in_dim3A_2227 = vector.shape_cast %reduce_sum3A_2226 : vector<256xf32> to vector<1x256xf32>
    %add3A_2228 = arith.addf %add3A_2211, %broadcast_in_dim3A_2227 : vector<1x256xf32>
    %reduce_sum3A_2229 = arith.constant dense<0.000000e+00> : vector<256xf32>
    %reduce_sum3A_2230 = vector.multi_reduction <add>, %convert_element_type3A_2224, %reduce_sum3A_2229 [1] : vector<256x256xf32> to vector<256xf32>
    %broadcast_in_dim3A_2231 = vector.shape_cast %reduce_sum3A_2230 : vector<256xf32> to vector<256x1xf32>
    %reshape3A_2232 = vector.shape_cast %broadcast_in_dim3A_2231 : vector<256x1xf32> to vector<1x256xf32>
    %sub3A_2233 = arith.constant 2.560000e+02 : f32
    %sub3A_2234 = vector.broadcast %sub3A_2233 : f32 to vector<1x256xf32>
    %sub3A_2235 = arith.subf %sub3A_2234, %reshape3A_2232 : vector<1x256xf32>
    %add3A_2236 = arith.addf %add3A_2185, %sub3A_2235 : vector<1x256xf32>
    %gt3A_2237 = vector.broadcast %slice3A_32 : vector<256x1xf32> to vector<256x256xf32>
    %gt3A_2238 = vector.broadcast %slice3A_15 : vector<1x256xf32> to vector<256x256xf32>
    %gt3A_2239 = arith.cmpf ogt, %gt3A_2237, %gt3A_2238 : vector<256x256xf32>
    %convert_element_type3A_2240 = arith.extui %gt3A_2239 : vector<256x256xi1> to vector<256x256xi32>
    %convert_element_type3A_2241 = arith.sitofp %convert_element_type3A_2240 : vector<256x256xi32> to vector<256x256xf32>
    %reduce_sum3A_2242 = arith.constant dense<0.000000e+00> : vector<256xf32>
    %reduce_sum3A_2243 = vector.multi_reduction <add>, %convert_element_type3A_2241, %reduce_sum3A_2242 [0] : vector<256x256xf32> to vector<256xf32>
    %broadcast_in_dim3A_2244 = vector.shape_cast %reduce_sum3A_2243 : vector<256xf32> to vector<1x256xf32>
    %add3A_2245 = arith.addf %add3A_2202, %broadcast_in_dim3A_2244 : vector<1x256xf32>
    %reduce_sum3A_2246 = arith.constant dense<0.000000e+00> : vector<256xf32>
    %reduce_sum3A_2247 = vector.multi_reduction <add>, %convert_element_type3A_2241, %reduce_sum3A_2246 [1] : vector<256x256xf32> to vector<256xf32>
    %broadcast_in_dim3A_2248 = vector.shape_cast %reduce_sum3A_2247 : vector<256xf32> to vector<256x1xf32>
    %reshape3A_2249 = vector.shape_cast %broadcast_in_dim3A_2248 : vector<256x1xf32> to vector<1x256xf32>
    %sub3A_2250 = arith.constant 2.560000e+02 : f32
    %sub3A_2251 = vector.broadcast %sub3A_2250 : f32 to vector<1x256xf32>
    %sub3A_2252 = arith.subf %sub3A_2251, %reshape3A_2249 : vector<1x256xf32>
    %add3A_2253 = arith.addf %add3A_2219, %sub3A_2252 : vector<1x256xf32>
    %gt3A_2254 = vector.broadcast %slice3A_33 : vector<256x1xf32> to vector<256x256xf32>
    %gt3A_2255 = vector.broadcast %slice3A_15 : vector<1x256xf32> to vector<256x256xf32>
    %gt3A_2256 = arith.cmpf ogt, %gt3A_2254, %gt3A_2255 : vector<256x256xf32>
    %convert_element_type3A_2257 = arith.extui %gt3A_2256 : vector<256x256xi1> to vector<256x256xi32>
    %convert_element_type3A_2258 = arith.sitofp %convert_element_type3A_2257 : vector<256x256xi32> to vector<256x256xf32>
    %reduce_sum3A_2259 = arith.constant dense<0.000000e+00> : vector<256xf32>
    %reduce_sum3A_2260 = vector.multi_reduction <add>, %convert_element_type3A_2258, %reduce_sum3A_2259 [0] : vector<256x256xf32> to vector<256xf32>
    %broadcast_in_dim3A_2261 = vector.shape_cast %reduce_sum3A_2260 : vector<256xf32> to vector<1x256xf32>
    %add3A_2262 = arith.addf %add3A_2245, %broadcast_in_dim3A_2261 : vector<1x256xf32>
    %reduce_sum3A_2263 = arith.constant dense<0.000000e+00> : vector<256xf32>
    %reduce_sum3A_2264 = vector.multi_reduction <add>, %convert_element_type3A_2258, %reduce_sum3A_2263 [1] : vector<256x256xf32> to vector<256xf32>
    %broadcast_in_dim3A_2265 = vector.shape_cast %reduce_sum3A_2264 : vector<256xf32> to vector<256x1xf32>
    %reshape3A_2266 = vector.shape_cast %broadcast_in_dim3A_2265 : vector<256x1xf32> to vector<1x256xf32>
    %sub3A_2267 = arith.constant 2.560000e+02 : f32
    %sub3A_2268 = vector.broadcast %sub3A_2267 : f32 to vector<1x256xf32>
    %sub3A_2269 = arith.subf %sub3A_2268, %reshape3A_2266 : vector<1x256xf32>
    %add3A_2270 = arith.addf %add3A_2236, %sub3A_2269 : vector<1x256xf32>
    %gt3A_2271 = vector.broadcast %slice3A_33 : vector<256x1xf32> to vector<256x256xf32>
    %gt3A_2272 = vector.broadcast %slice3A_16 : vector<1x256xf32> to vector<256x256xf32>
    %gt3A_2273 = arith.cmpf ogt, %gt3A_2271, %gt3A_2272 : vector<256x256xf32>
    %convert_element_type3A_2274 = arith.extui %gt3A_2273 : vector<256x256xi1> to vector<256x256xi32>
    %convert_element_type3A_2275 = arith.sitofp %convert_element_type3A_2274 : vector<256x256xi32> to vector<256x256xf32>
    %reduce_sum3A_2276 = arith.constant dense<0.000000e+00> : vector<256xf32>
    %reduce_sum3A_2277 = vector.multi_reduction <add>, %convert_element_type3A_2275, %reduce_sum3A_2276 [0] : vector<256x256xf32> to vector<256xf32>
    %broadcast_in_dim3A_2278 = vector.shape_cast %reduce_sum3A_2277 : vector<256xf32> to vector<1x256xf32>
    %add3A_2279 = arith.addf %add3A_2253, %broadcast_in_dim3A_2278 : vector<1x256xf32>
    %reduce_sum3A_2280 = arith.constant dense<0.000000e+00> : vector<256xf32>
    %reduce_sum3A_2281 = vector.multi_reduction <add>, %convert_element_type3A_2275, %reduce_sum3A_2280 [1] : vector<256x256xf32> to vector<256xf32>
    %broadcast_in_dim3A_2282 = vector.shape_cast %reduce_sum3A_2281 : vector<256xf32> to vector<256x1xf32>
    %reshape3A_2283 = vector.shape_cast %broadcast_in_dim3A_2282 : vector<256x1xf32> to vector<1x256xf32>
    %sub3A_2284 = arith.constant 2.560000e+02 : f32
    %sub3A_2285 = vector.broadcast %sub3A_2284 : f32 to vector<1x256xf32>
    %sub3A_2286 = arith.subf %sub3A_2285, %reshape3A_2283 : vector<1x256xf32>
    %add3A_2287 = arith.addf %add3A_2270, %sub3A_2286 : vector<1x256xf32>
    %concatenate3A = tpu.concatenate %add3A_494, %add3A_732, %add3A_953, %add3A_1157, %add3A_1344, %add3A_1514, %add3A_1667, %add3A_1803, %add3A_1922, %add3A_2024, %add3A_2109, %add3A_2177, %add3A_2228, %add3A_2262, %add3A_2279, %add3A_2287 in 1 : vector<1x256xf32>, vector<1x256xf32>, vector<1x256xf32>, vector<1x256xf32>, vector<1x256xf32>, vector<1x256xf32>, vector<1x256xf32>, vector<1x256xf32>, vector<1x256xf32>, vector<1x256xf32>, vector<1x256xf32>, vector<1x256xf32>, vector<1x256xf32>, vector<1x256xf32>, vector<1x256xf32>, vector<1x256xf32> -> vector<1x4096xf32>
    %reshape3A_2288 = vector.shape_cast %concatenate3A : vector<1x4096xf32> to vector<4096x1xf32>
    %iota3A_2289 = tpu.iota {dimensions = array<i32: 0>} : vector<4096x1xi32>
    %convert_element_type3A_2290 = arith.sitofp %iota3A_2289 : vector<4096x1xi32> to vector<4096x1xf32>
    %iota3A_2291 = tpu.iota {dimensions = array<i32: 1>} : vector<1x256xi32>
    %convert_element_type3A_2292 = arith.sitofp %iota3A_2291 : vector<1x256xi32> to vector<1x256xf32>
    %add3A_2293 = arith.constant 0.000000e+00 : f32
    %add3A_2294 = vector.broadcast %add3A_2293 : f32 to vector<1x256xf32>
    %add3A_2295 = arith.addf %add3A_2294, %convert_element_type3A_2292 : vector<1x256xf32>
    %eq3A_2296 = vector.broadcast %reshape3A_2288 : vector<4096x1xf32> to vector<4096x256xf32>
    %eq3A_2297 = vector.broadcast %add3A_2295 : vector<1x256xf32> to vector<4096x256xf32>
    %eq3A_2298 = arith.cmpf oeq, %eq3A_2296, %eq3A_2297 : vector<4096x256xf32>
    %convert_element_type3A_2299 = arith.extui %eq3A_2298 : vector<4096x256xi1> to vector<4096x256xi32>
    %convert_element_type3A_2300 = arith.sitofp %convert_element_type3A_2299 : vector<4096x256xi32> to vector<4096x256xf32>
    %mul3A = vector.broadcast %convert_element_type3A_2290 : vector<4096x1xf32> to vector<4096x256xf32>
    %mul3A_2301 = arith.mulf %mul3A, %convert_element_type3A_2300 : vector<4096x256xf32>
    %reduce_sum3A_2302 = arith.constant dense<0.000000e+00> : vector<256xf32>
    %reduce_sum3A_2303 = vector.multi_reduction <add>, %mul3A_2301, %reduce_sum3A_2302 [0] : vector<4096x256xf32> to vector<256xf32>
    %broadcast_in_dim3A_2304 = vector.shape_cast %reduce_sum3A_2303 : vector<256xf32> to vector<1x256xf32>
    %iota3A_2305 = tpu.iota {dimensions = array<i32: 1>} : vector<1x256xi32>
    %convert_element_type3A_2306 = arith.sitofp %iota3A_2305 : vector<1x256xi32> to vector<1x256xf32>
    %add3A_2307 = arith.constant 2.560000e+02 : f32
    %add3A_2308 = vector.broadcast %add3A_2307 : f32 to vector<1x256xf32>
    %add3A_2309 = arith.addf %add3A_2308, %convert_element_type3A_2306 : vector<1x256xf32>
    %eq3A_2310 = vector.broadcast %reshape3A_2288 : vector<4096x1xf32> to vector<4096x256xf32>
    %eq3A_2311 = vector.broadcast %add3A_2309 : vector<1x256xf32> to vector<4096x256xf32>
    %eq3A_2312 = arith.cmpf oeq, %eq3A_2310, %eq3A_2311 : vector<4096x256xf32>
    %convert_element_type3A_2313 = arith.extui %eq3A_2312 : vector<4096x256xi1> to vector<4096x256xi32>
    %convert_element_type3A_2314 = arith.sitofp %convert_element_type3A_2313 : vector<4096x256xi32> to vector<4096x256xf32>
    %mul3A_2315 = vector.broadcast %convert_element_type3A_2290 : vector<4096x1xf32> to vector<4096x256xf32>
    %mul3A_2316 = arith.mulf %mul3A_2315, %convert_element_type3A_2314 : vector<4096x256xf32>
    %reduce_sum3A_2317 = arith.constant dense<0.000000e+00> : vector<256xf32>
    %reduce_sum3A_2318 = vector.multi_reduction <add>, %mul3A_2316, %reduce_sum3A_2317 [0] : vector<4096x256xf32> to vector<256xf32>
    %broadcast_in_dim3A_2319 = vector.shape_cast %reduce_sum3A_2318 : vector<256xf32> to vector<1x256xf32>
    %iota3A_2320 = tpu.iota {dimensions = array<i32: 1>} : vector<1x256xi32>
    %convert_element_type3A_2321 = arith.sitofp %iota3A_2320 : vector<1x256xi32> to vector<1x256xf32>
    %add3A_2322 = arith.constant 5.120000e+02 : f32
    %add3A_2323 = vector.broadcast %add3A_2322 : f32 to vector<1x256xf32>
    %add3A_2324 = arith.addf %add3A_2323, %convert_element_type3A_2321 : vector<1x256xf32>
    %eq3A_2325 = vector.broadcast %reshape3A_2288 : vector<4096x1xf32> to vector<4096x256xf32>
    %eq3A_2326 = vector.broadcast %add3A_2324 : vector<1x256xf32> to vector<4096x256xf32>
    %eq3A_2327 = arith.cmpf oeq, %eq3A_2325, %eq3A_2326 : vector<4096x256xf32>
    %convert_element_type3A_2328 = arith.extui %eq3A_2327 : vector<4096x256xi1> to vector<4096x256xi32>
    %convert_element_type3A_2329 = arith.sitofp %convert_element_type3A_2328 : vector<4096x256xi32> to vector<4096x256xf32>
    %mul3A_2330 = vector.broadcast %convert_element_type3A_2290 : vector<4096x1xf32> to vector<4096x256xf32>
    %mul3A_2331 = arith.mulf %mul3A_2330, %convert_element_type3A_2329 : vector<4096x256xf32>
    %reduce_sum3A_2332 = arith.constant dense<0.000000e+00> : vector<256xf32>
    %reduce_sum3A_2333 = vector.multi_reduction <add>, %mul3A_2331, %reduce_sum3A_2332 [0] : vector<4096x256xf32> to vector<256xf32>
    %broadcast_in_dim3A_2334 = vector.shape_cast %reduce_sum3A_2333 : vector<256xf32> to vector<1x256xf32>
    %iota3A_2335 = tpu.iota {dimensions = array<i32: 1>} : vector<1x256xi32>
    %convert_element_type3A_2336 = arith.sitofp %iota3A_2335 : vector<1x256xi32> to vector<1x256xf32>
    %add3A_2337 = arith.constant 7.680000e+02 : f32
    %add3A_2338 = vector.broadcast %add3A_2337 : f32 to vector<1x256xf32>
    %add3A_2339 = arith.addf %add3A_2338, %convert_element_type3A_2336 : vector<1x256xf32>
    %eq3A_2340 = vector.broadcast %reshape3A_2288 : vector<4096x1xf32> to vector<4096x256xf32>
    %eq3A_2341 = vector.broadcast %add3A_2339 : vector<1x256xf32> to vector<4096x256xf32>
    %eq3A_2342 = arith.cmpf oeq, %eq3A_2340, %eq3A_2341 : vector<4096x256xf32>
    %convert_element_type3A_2343 = arith.extui %eq3A_2342 : vector<4096x256xi1> to vector<4096x256xi32>
    %convert_element_type3A_2344 = arith.sitofp %convert_element_type3A_2343 : vector<4096x256xi32> to vector<4096x256xf32>
    %mul3A_2345 = vector.broadcast %convert_element_type3A_2290 : vector<4096x1xf32> to vector<4096x256xf32>
    %mul3A_2346 = arith.mulf %mul3A_2345, %convert_element_type3A_2344 : vector<4096x256xf32>
    %reduce_sum3A_2347 = arith.constant dense<0.000000e+00> : vector<256xf32>
    %reduce_sum3A_2348 = vector.multi_reduction <add>, %mul3A_2346, %reduce_sum3A_2347 [0] : vector<4096x256xf32> to vector<256xf32>
    %broadcast_in_dim3A_2349 = vector.shape_cast %reduce_sum3A_2348 : vector<256xf32> to vector<1x256xf32>
    %iota3A_2350 = tpu.iota {dimensions = array<i32: 1>} : vector<1x256xi32>
    %convert_element_type3A_2351 = arith.sitofp %iota3A_2350 : vector<1x256xi32> to vector<1x256xf32>
    %add3A_2352 = arith.constant 1.024000e+03 : f32
    %add3A_2353 = vector.broadcast %add3A_2352 : f32 to vector<1x256xf32>
    %add3A_2354 = arith.addf %add3A_2353, %convert_element_type3A_2351 : vector<1x256xf32>
    %eq3A_2355 = vector.broadcast %reshape3A_2288 : vector<4096x1xf32> to vector<4096x256xf32>
    %eq3A_2356 = vector.broadcast %add3A_2354 : vector<1x256xf32> to vector<4096x256xf32>
    %eq3A_2357 = arith.cmpf oeq, %eq3A_2355, %eq3A_2356 : vector<4096x256xf32>
    %convert_element_type3A_2358 = arith.extui %eq3A_2357 : vector<4096x256xi1> to vector<4096x256xi32>
    %convert_element_type3A_2359 = arith.sitofp %convert_element_type3A_2358 : vector<4096x256xi32> to vector<4096x256xf32>
    %mul3A_2360 = vector.broadcast %convert_element_type3A_2290 : vector<4096x1xf32> to vector<4096x256xf32>
    %mul3A_2361 = arith.mulf %mul3A_2360, %convert_element_type3A_2359 : vector<4096x256xf32>
    %reduce_sum3A_2362 = arith.constant dense<0.000000e+00> : vector<256xf32>
    %reduce_sum3A_2363 = vector.multi_reduction <add>, %mul3A_2361, %reduce_sum3A_2362 [0] : vector<4096x256xf32> to vector<256xf32>
    %broadcast_in_dim3A_2364 = vector.shape_cast %reduce_sum3A_2363 : vector<256xf32> to vector<1x256xf32>
    %iota3A_2365 = tpu.iota {dimensions = array<i32: 1>} : vector<1x256xi32>
    %convert_element_type3A_2366 = arith.sitofp %iota3A_2365 : vector<1x256xi32> to vector<1x256xf32>
    %add3A_2367 = arith.constant 1.280000e+03 : f32
    %add3A_2368 = vector.broadcast %add3A_2367 : f32 to vector<1x256xf32>
    %add3A_2369 = arith.addf %add3A_2368, %convert_element_type3A_2366 : vector<1x256xf32>
    %eq3A_2370 = vector.broadcast %reshape3A_2288 : vector<4096x1xf32> to vector<4096x256xf32>
    %eq3A_2371 = vector.broadcast %add3A_2369 : vector<1x256xf32> to vector<4096x256xf32>
    %eq3A_2372 = arith.cmpf oeq, %eq3A_2370, %eq3A_2371 : vector<4096x256xf32>
    %convert_element_type3A_2373 = arith.extui %eq3A_2372 : vector<4096x256xi1> to vector<4096x256xi32>
    %convert_element_type3A_2374 = arith.sitofp %convert_element_type3A_2373 : vector<4096x256xi32> to vector<4096x256xf32>
    %mul3A_2375 = vector.broadcast %convert_element_type3A_2290 : vector<4096x1xf32> to vector<4096x256xf32>
    %mul3A_2376 = arith.mulf %mul3A_2375, %convert_element_type3A_2374 : vector<4096x256xf32>
    %reduce_sum3A_2377 = arith.constant dense<0.000000e+00> : vector<256xf32>
    %reduce_sum3A_2378 = vector.multi_reduction <add>, %mul3A_2376, %reduce_sum3A_2377 [0] : vector<4096x256xf32> to vector<256xf32>
    %broadcast_in_dim3A_2379 = vector.shape_cast %reduce_sum3A_2378 : vector<256xf32> to vector<1x256xf32>
    %iota3A_2380 = tpu.iota {dimensions = array<i32: 1>} : vector<1x256xi32>
    %convert_element_type3A_2381 = arith.sitofp %iota3A_2380 : vector<1x256xi32> to vector<1x256xf32>
    %add3A_2382 = arith.constant 1.536000e+03 : f32
    %add3A_2383 = vector.broadcast %add3A_2382 : f32 to vector<1x256xf32>
    %add3A_2384 = arith.addf %add3A_2383, %convert_element_type3A_2381 : vector<1x256xf32>
    %eq3A_2385 = vector.broadcast %reshape3A_2288 : vector<4096x1xf32> to vector<4096x256xf32>
    %eq3A_2386 = vector.broadcast %add3A_2384 : vector<1x256xf32> to vector<4096x256xf32>
    %eq3A_2387 = arith.cmpf oeq, %eq3A_2385, %eq3A_2386 : vector<4096x256xf32>
    %convert_element_type3A_2388 = arith.extui %eq3A_2387 : vector<4096x256xi1> to vector<4096x256xi32>
    %convert_element_type3A_2389 = arith.sitofp %convert_element_type3A_2388 : vector<4096x256xi32> to vector<4096x256xf32>
    %mul3A_2390 = vector.broadcast %convert_element_type3A_2290 : vector<4096x1xf32> to vector<4096x256xf32>
    %mul3A_2391 = arith.mulf %mul3A_2390, %convert_element_type3A_2389 : vector<4096x256xf32>
    %reduce_sum3A_2392 = arith.constant dense<0.000000e+00> : vector<256xf32>
    %reduce_sum3A_2393 = vector.multi_reduction <add>, %mul3A_2391, %reduce_sum3A_2392 [0] : vector<4096x256xf32> to vector<256xf32>
    %broadcast_in_dim3A_2394 = vector.shape_cast %reduce_sum3A_2393 : vector<256xf32> to vector<1x256xf32>
    %iota3A_2395 = tpu.iota {dimensions = array<i32: 1>} : vector<1x256xi32>
    %convert_element_type3A_2396 = arith.sitofp %iota3A_2395 : vector<1x256xi32> to vector<1x256xf32>
    %add3A_2397 = arith.constant 1.792000e+03 : f32
    %add3A_2398 = vector.broadcast %add3A_2397 : f32 to vector<1x256xf32>
    %add3A_2399 = arith.addf %add3A_2398, %convert_element_type3A_2396 : vector<1x256xf32>
    %eq3A_2400 = vector.broadcast %reshape3A_2288 : vector<4096x1xf32> to vector<4096x256xf32>
    %eq3A_2401 = vector.broadcast %add3A_2399 : vector<1x256xf32> to vector<4096x256xf32>
    %eq3A_2402 = arith.cmpf oeq, %eq3A_2400, %eq3A_2401 : vector<4096x256xf32>
    %convert_element_type3A_2403 = arith.extui %eq3A_2402 : vector<4096x256xi1> to vector<4096x256xi32>
    %convert_element_type3A_2404 = arith.sitofp %convert_element_type3A_2403 : vector<4096x256xi32> to vector<4096x256xf32>
    %mul3A_2405 = vector.broadcast %convert_element_type3A_2290 : vector<4096x1xf32> to vector<4096x256xf32>
    %mul3A_2406 = arith.mulf %mul3A_2405, %convert_element_type3A_2404 : vector<4096x256xf32>
    %reduce_sum3A_2407 = arith.constant dense<0.000000e+00> : vector<256xf32>
    %reduce_sum3A_2408 = vector.multi_reduction <add>, %mul3A_2406, %reduce_sum3A_2407 [0] : vector<4096x256xf32> to vector<256xf32>
    %broadcast_in_dim3A_2409 = vector.shape_cast %reduce_sum3A_2408 : vector<256xf32> to vector<1x256xf32>
    %concatenate3A_2410 = tpu.concatenate %broadcast_in_dim3A_2304, %broadcast_in_dim3A_2319, %broadcast_in_dim3A_2334, %broadcast_in_dim3A_2349, %broadcast_in_dim3A_2364, %broadcast_in_dim3A_2379, %broadcast_in_dim3A_2394, %broadcast_in_dim3A_2409 in 1 : vector<1x256xf32>, vector<1x256xf32>, vector<1x256xf32>, vector<1x256xf32>, vector<1x256xf32>, vector<1x256xf32>, vector<1x256xf32>, vector<1x256xf32> -> vector<1x2048xf32>
    %convert_element_type3A_2411 = arith.fptosi %concatenate3A_2410 : vector<1x2048xf32> to vector<1x2048xi32>
    %swap3A = arith.constant 0 : index
    %swap3A_2412 = arith.constant 0 : index
    %swap3A_2413 = vector.load %arg2[%swap3A, %swap3A_2412] : memref<1x2048xi32, #tpu.memory_space<vmem>>, vector<1x2048xi32>
    tpu.vector_store %arg2[%swap3A, %swap3A_2412], %convert_element_type3A_2411 {strides = array<i32>} : memref<1x2048xi32, #tpu.memory_space<vmem>>, vector<1x2048xi32>,
    %slice3A_2414 = vector.extract_strided_slice %concatenate3A {offsets = [0, 0], sizes = [1, 2048], strides = [1, 1]} : vector<1x4096xf32> to vector<1x2048xf32>
    %slice3A_2415 = vector.extract_strided_slice %concatenate3A {offsets = [0, 2048], sizes = [1, 2048], strides = [1, 1]} : vector<1x4096xf32> to vector<1x2048xf32>
    %lt3A_2416 = arith.constant 2.048000e+03 : f32
    %lt3A_2417 = vector.broadcast %lt3A_2416 : f32 to vector<1x2048xf32>
    %lt3A_2418 = arith.cmpf olt, %slice3A_2414, %lt3A_2417 : vector<1x2048xf32>
    %lt3A_2419 = arith.constant 2.048000e+03 : f32
    %lt3A_2420 = vector.broadcast %lt3A_2419 : f32 to vector<1x2048xf32>
    %lt3A_2421 = arith.cmpf olt, %slice3A_2415, %lt3A_2420 : vector<1x2048xf32>
    %or3A_2422 = arith.ori %lt3A_2418, %lt3A_2421 : vector<1x2048xi1>
    %iota3A_2423 = tpu.iota {dimensions = array<i32: 1>} : vector<1x2048xi32>
    %convert_element_type3A_2424 = arith.sitofp %iota3A_2423 : vector<1x2048xi32> to vector<1x2048xf32>
    %and3A_2425 = arith.andi %lt3A_2418, %lt3A_2421 : vector<1x2048xi1>
    %gt3A_2426 = arith.cmpf ogt, %slice3A_2414, %slice3A_2415 : vector<1x2048xf32>
    %add3A_2427 = arith.constant 2.048000e+03 : f32
    %add3A_2428 = vector.broadcast %add3A_2427 : f32 to vector<1x2048xf32>
    %add3A_2429 = arith.addf %convert_element_type3A_2424, %add3A_2428 : vector<1x2048xf32>
    %select_n3A = arith.select %gt3A_2426, %convert_element_type3A_2424, %add3A_2429 : vector<1x2048xi1>, vector<1x2048xf32>
    %add3A_2430 = arith.constant 2.048000e+03 : f32
    %add3A_2431 = vector.broadcast %add3A_2430 : f32 to vector<1x2048xf32>
    %add3A_2432 = arith.addf %convert_element_type3A_2424, %add3A_2431 : vector<1x2048xf32>
    %select_n3A_2433 = arith.select %lt3A_2418, %convert_element_type3A_2424, %add3A_2432 : vector<1x2048xi1>, vector<1x2048xf32>
    %select_n3A_2434 = arith.select %and3A_2425, %select_n3A, %select_n3A_2433 : vector<1x2048xi1>, vector<1x2048xf32>
    %convert_element_type3A_2435 = arith.extui %or3A_2422 : vector<1x2048xi1> to vector<1x2048xi32>
    %convert_element_type3A_2436 = arith.sitofp %convert_element_type3A_2435 : vector<1x2048xi32> to vector<1x2048xf32>
    %iota3A_2437 = tpu.iota {dimensions = array<i32: 1>} : vector<1x2048xi32>
    %roll3A = arith.constant 1 : i32
    %roll3A_2438 = tpu.dynamic_rotate %convert_element_type3A_2436 by %roll3A dim 1 : vector<1x2048xf32>, i32 -> vector<1x2048xf32>
    %ge3A = arith.constant 1 : i32
    %ge3A_2439 = vector.broadcast %ge3A : i32 to vector<1x2048xi32>
    %ge3A_2440 = arith.cmpi sge, %iota3A_2437, %ge3A_2439 : vector<1x2048xi32>
    %jit3A = arith.constant 0.000000e+00 : f32
    %broadcast_in_dim3A_2441 = vector.broadcast %jit3A : f32 to vector<1x2048xf32>
    %select_n3A_2442 = arith.select %ge3A_2440, %roll3A_2438, %broadcast_in_dim3A_2441 : vector<1x2048xi1>, vector<1x2048xf32>
    %add3A_2443 = arith.addf %convert_element_type3A_2436, %select_n3A_2442 : vector<1x2048xf32>
    %roll3A_2444 = arith.constant 2 : i32
    %roll3A_2445 = tpu.dynamic_rotate %add3A_2443 by %roll3A_2444 dim 1 : vector<1x2048xf32>, i32 -> vector<1x2048xf32>
    %ge3A_2446 = arith.constant 2 : i32
    %ge3A_2447 = vector.broadcast %ge3A_2446 : i32 to vector<1x2048xi32>
    %ge3A_2448 = arith.cmpi sge, %iota3A_2437, %ge3A_2447 : vector<1x2048xi32>
    %jit3A_2449 = arith.constant 0.000000e+00 : f32
    %broadcast_in_dim3A_2450 = vector.broadcast %jit3A_2449 : f32 to vector<1x2048xf32>
    %select_n3A_2451 = arith.select %ge3A_2448, %roll3A_2445, %broadcast_in_dim3A_2450 : vector<1x2048xi1>, vector<1x2048xf32>
    %add3A_2452 = arith.addf %add3A_2443, %select_n3A_2451 : vector<1x2048xf32>
    %roll3A_2453 = arith.constant 4 : i32
    %roll3A_2454 = tpu.dynamic_rotate %add3A_2452 by %roll3A_2453 dim 1 : vector<1x2048xf32>, i32 -> vector<1x2048xf32>
    %ge3A_2455 = arith.constant 4 : i32
    %ge3A_2456 = vector.broadcast %ge3A_2455 : i32 to vector<1x2048xi32>
    %ge3A_2457 = arith.cmpi sge, %iota3A_2437, %ge3A_2456 : vector<1x2048xi32>
    %jit3A_2458 = arith.constant 0.000000e+00 : f32
    %broadcast_in_dim3A_2459 = vector.broadcast %jit3A_2458 : f32 to vector<1x2048xf32>
    %select_n3A_2460 = arith.select %ge3A_2457, %roll3A_2454, %broadcast_in_dim3A_2459 : vector<1x2048xi1>, vector<1x2048xf32>
    %add3A_2461 = arith.addf %add3A_2452, %select_n3A_2460 : vector<1x2048xf32>
    %roll3A_2462 = arith.constant 8 : i32
    %roll3A_2463 = tpu.dynamic_rotate %add3A_2461 by %roll3A_2462 dim 1 : vector<1x2048xf32>, i32 -> vector<1x2048xf32>
    %ge3A_2464 = arith.constant 8 : i32
    %ge3A_2465 = vector.broadcast %ge3A_2464 : i32 to vector<1x2048xi32>
    %ge3A_2466 = arith.cmpi sge, %iota3A_2437, %ge3A_2465 : vector<1x2048xi32>
    %jit3A_2467 = arith.constant 0.000000e+00 : f32
    %broadcast_in_dim3A_2468 = vector.broadcast %jit3A_2467 : f32 to vector<1x2048xf32>
    %select_n3A_2469 = arith.select %ge3A_2466, %roll3A_2463, %broadcast_in_dim3A_2468 : vector<1x2048xi1>, vector<1x2048xf32>
    %add3A_2470 = arith.addf %add3A_2461, %select_n3A_2469 : vector<1x2048xf32>
    %roll3A_2471 = arith.constant 16 : i32
    %roll3A_2472 = tpu.dynamic_rotate %add3A_2470 by %roll3A_2471 dim 1 : vector<1x2048xf32>, i32 -> vector<1x2048xf32>
    %ge3A_2473 = arith.constant 16 : i32
    %ge3A_2474 = vector.broadcast %ge3A_2473 : i32 to vector<1x2048xi32>
    %ge3A_2475 = arith.cmpi sge, %iota3A_2437, %ge3A_2474 : vector<1x2048xi32>
    %jit3A_2476 = arith.constant 0.000000e+00 : f32
    %broadcast_in_dim3A_2477 = vector.broadcast %jit3A_2476 : f32 to vector<1x2048xf32>
    %select_n3A_2478 = arith.select %ge3A_2475, %roll3A_2472, %broadcast_in_dim3A_2477 : vector<1x2048xi1>, vector<1x2048xf32>
    %add3A_2479 = arith.addf %add3A_2470, %select_n3A_2478 : vector<1x2048xf32>
    %roll3A_2480 = arith.constant 32 : i32
    %roll3A_2481 = tpu.dynamic_rotate %add3A_2479 by %roll3A_2480 dim 1 : vector<1x2048xf32>, i32 -> vector<1x2048xf32>
    %ge3A_2482 = arith.constant 32 : i32
    %ge3A_2483 = vector.broadcast %ge3A_2482 : i32 to vector<1x2048xi32>
    %ge3A_2484 = arith.cmpi sge, %iota3A_2437, %ge3A_2483 : vector<1x2048xi32>
    %jit3A_2485 = arith.constant 0.000000e+00 : f32
    %broadcast_in_dim3A_2486 = vector.broadcast %jit3A_2485 : f32 to vector<1x2048xf32>
    %select_n3A_2487 = arith.select %ge3A_2484, %roll3A_2481, %broadcast_in_dim3A_2486 : vector<1x2048xi1>, vector<1x2048xf32>
    %add3A_2488 = arith.addf %add3A_2479, %select_n3A_2487 : vector<1x2048xf32>
    %roll3A_2489 = arith.constant 64 : i32
    %roll3A_2490 = tpu.dynamic_rotate %add3A_2488 by %roll3A_2489 dim 1 : vector<1x2048xf32>, i32 -> vector<1x2048xf32>
    %ge3A_2491 = arith.constant 64 : i32
    %ge3A_2492 = vector.broadcast %ge3A_2491 : i32 to vector<1x2048xi32>
    %ge3A_2493 = arith.cmpi sge, %iota3A_2437, %ge3A_2492 : vector<1x2048xi32>
    %jit3A_2494 = arith.constant 0.000000e+00 : f32
    %broadcast_in_dim3A_2495 = vector.broadcast %jit3A_2494 : f32 to vector<1x2048xf32>
    %select_n3A_2496 = arith.select %ge3A_2493, %roll3A_2490, %broadcast_in_dim3A_2495 : vector<1x2048xi1>, vector<1x2048xf32>
    %add3A_2497 = arith.addf %add3A_2488, %select_n3A_2496 : vector<1x2048xf32>
    %roll3A_2498 = arith.constant 128 : i32
    %roll3A_2499 = tpu.dynamic_rotate %add3A_2497 by %roll3A_2498 dim 1 : vector<1x2048xf32>, i32 -> vector<1x2048xf32>
    %ge3A_2500 = arith.constant 128 : i32
    %ge3A_2501 = vector.broadcast %ge3A_2500 : i32 to vector<1x2048xi32>
    %ge3A_2502 = arith.cmpi sge, %iota3A_2437, %ge3A_2501 : vector<1x2048xi32>
    %jit3A_2503 = arith.constant 0.000000e+00 : f32
    %broadcast_in_dim3A_2504 = vector.broadcast %jit3A_2503 : f32 to vector<1x2048xf32>
    %select_n3A_2505 = arith.select %ge3A_2502, %roll3A_2499, %broadcast_in_dim3A_2504 : vector<1x2048xi1>, vector<1x2048xf32>
    %add3A_2506 = arith.addf %add3A_2497, %select_n3A_2505 : vector<1x2048xf32>
    %roll3A_2507 = arith.constant 256 : i32
    %roll3A_2508 = tpu.dynamic_rotate %add3A_2506 by %roll3A_2507 dim 1 : vector<1x2048xf32>, i32 -> vector<1x2048xf32>
    %ge3A_2509 = arith.constant 256 : i32
    %ge3A_2510 = vector.broadcast %ge3A_2509 : i32 to vector<1x2048xi32>
    %ge3A_2511 = arith.cmpi sge, %iota3A_2437, %ge3A_2510 : vector<1x2048xi32>
    %jit3A_2512 = arith.constant 0.000000e+00 : f32
    %broadcast_in_dim3A_2513 = vector.broadcast %jit3A_2512 : f32 to vector<1x2048xf32>
    %select_n3A_2514 = arith.select %ge3A_2511, %roll3A_2508, %broadcast_in_dim3A_2513 : vector<1x2048xi1>, vector<1x2048xf32>
    %add3A_2515 = arith.addf %add3A_2506, %select_n3A_2514 : vector<1x2048xf32>
    %roll3A_2516 = arith.constant 512 : i32
    %roll3A_2517 = tpu.dynamic_rotate %add3A_2515 by %roll3A_2516 dim 1 : vector<1x2048xf32>, i32 -> vector<1x2048xf32>
    %ge3A_2518 = arith.constant 512 : i32
    %ge3A_2519 = vector.broadcast %ge3A_2518 : i32 to vector<1x2048xi32>
    %ge3A_2520 = arith.cmpi sge, %iota3A_2437, %ge3A_2519 : vector<1x2048xi32>
    %jit3A_2521 = arith.constant 0.000000e+00 : f32
    %broadcast_in_dim3A_2522 = vector.broadcast %jit3A_2521 : f32 to vector<1x2048xf32>
    %select_n3A_2523 = arith.select %ge3A_2520, %roll3A_2517, %broadcast_in_dim3A_2522 : vector<1x2048xi1>, vector<1x2048xf32>
    %add3A_2524 = arith.addf %add3A_2515, %select_n3A_2523 : vector<1x2048xf32>
    %roll3A_2525 = arith.constant 1024 : i32
    %roll3A_2526 = tpu.dynamic_rotate %add3A_2524 by %roll3A_2525 dim 1 : vector<1x2048xf32>, i32 -> vector<1x2048xf32>
    %ge3A_2527 = arith.constant 1024 : i32
    %ge3A_2528 = vector.broadcast %ge3A_2527 : i32 to vector<1x2048xi32>
    %ge3A_2529 = arith.cmpi sge, %iota3A_2437, %ge3A_2528 : vector<1x2048xi32>
    %jit3A_2530 = arith.constant 0.000000e+00 : f32
    %broadcast_in_dim3A_2531 = vector.broadcast %jit3A_2530 : f32 to vector<1x2048xf32>
    %select_n3A_2532 = arith.select %ge3A_2529, %roll3A_2526, %broadcast_in_dim3A_2531 : vector<1x2048xi1>, vector<1x2048xf32>
    %add3A_2533 = arith.addf %add3A_2524, %select_n3A_2532 : vector<1x2048xf32>
    %sub3A_2534 = arith.subf %add3A_2533, %convert_element_type3A_2436 : vector<1x2048xf32>
    %jit3A_2535 = arith.constant -1.000000e+00 : f32
    %broadcast_in_dim3A_2536 = vector.broadcast %jit3A_2535 : f32 to vector<1x2048xf32>
    %select_n3A_2537 = arith.select %or3A_2422, %sub3A_2534, %broadcast_in_dim3A_2536 : vector<1x2048xi1>, vector<1x2048xf32>
    %reduce_sum3A_2538 = vector.shape_cast %convert_element_type3A_2436 : vector<1x2048xf32> to vector<1x1x2048xf32>
    %reduce_sum3A_2539 = arith.constant dense<0.000000e+00> : vector<1xf32>
    %reduce_sum3A_2540 = vector.multi_reduction <add>, %reduce_sum3A_2538, %reduce_sum3A_2539 [1, 2] : vector<1x1x2048xf32> to vector<1xf32>
    %reduce_sum3A_2541 = vector.shape_cast %reduce_sum3A_2540 : vector<1xf32> to vector<1x1x1xf32>
    %reduce_sum3A_2542 = vector.extract %reduce_sum3A_2541[0, 0, 0] : f32 from vector<1x1x1xf32>
    %reshape3A_2543 = vector.shape_cast %select_n3A_2537 : vector<1x2048xf32> to vector<2048x1xf32>
    %reshape3A_2544 = vector.shape_cast %select_n3A_2434 : vector<1x2048xf32> to vector<2048x1xf32>
    %iota3A_2545 = tpu.iota {dimensions = array<i32: 0>} : vector<2048x1xi32>
    %convert_element_type3A_2546 = arith.sitofp %iota3A_2545 : vector<2048x1xi32> to vector<2048x1xf32>
    %iota3A_2547 = tpu.iota {dimensions = array<i32: 1>} : vector<1x256xi32>
    %convert_element_type3A_2548 = arith.sitofp %iota3A_2547 : vector<1x256xi32> to vector<1x256xf32>
    %add3A_2549 = arith.constant 0.000000e+00 : f32
    %add3A_2550 = vector.broadcast %add3A_2549 : f32 to vector<1x256xf32>
    %add3A_2551 = arith.addf %add3A_2550, %convert_element_type3A_2548 : vector<1x256xf32>
    %lt3A_2552 = vector.broadcast %reduce_sum3A_2542 : f32 to vector<1x256xf32>
    %lt3A_2553 = arith.cmpf olt, %add3A_2551, %lt3A_2552 : vector<1x256xf32>
    %sub3A_2554 = vector.broadcast %reduce_sum3A_2542 : f32 to vector<1x256xf32>
    %sub3A_2555 = arith.subf %add3A_2551, %sub3A_2554 : vector<1x256xf32>
    %select_n3A_2556 = arith.select %lt3A_2553, %add3A_2551, %sub3A_2555 : vector<1x256xi1>, vector<1x256xf32>
    %eq3A_2557 = vector.broadcast %reshape3A_2543 : vector<2048x1xf32> to vector<2048x256xf32>
    %eq3A_2558 = vector.broadcast %select_n3A_2556 : vector<1x256xf32> to vector<2048x256xf32>
    %eq3A_2559 = arith.cmpf oeq, %eq3A_2557, %eq3A_2558 : vector<2048x256xf32>
    %convert_element_type3A_2560 = arith.extui %eq3A_2559 : vector<2048x256xi1> to vector<2048x256xi32>
    %convert_element_type3A_2561 = arith.sitofp %convert_element_type3A_2560 : vector<2048x256xi32> to vector<2048x256xf32>
    %mul3A_2562 = vector.broadcast %reshape3A_2544 : vector<2048x1xf32> to vector<2048x256xf32>
    %mul3A_2563 = arith.mulf %mul3A_2562, %convert_element_type3A_2561 : vector<2048x256xf32>
    %reduce_sum3A_2564 = arith.constant dense<0.000000e+00> : vector<256xf32>
    %reduce_sum3A_2565 = vector.multi_reduction <add>, %mul3A_2563, %reduce_sum3A_2564 [0] : vector<2048x256xf32> to vector<256xf32>
    %broadcast_in_dim3A_2566 = vector.shape_cast %reduce_sum3A_2565 : vector<256xf32> to vector<1x256xf32>
    %mul3A_2567 = vector.broadcast %convert_element_type3A_2546 : vector<2048x1xf32> to vector<2048x256xf32>
    %mul3A_2568 = arith.mulf %mul3A_2567, %convert_element_type3A_2561 : vector<2048x256xf32>
    %reduce_sum3A_2569 = arith.constant dense<0.000000e+00> : vector<256xf32>
    %reduce_sum3A_2570 = vector.multi_reduction <add>, %mul3A_2568, %reduce_sum3A_2569 [0] : vector<2048x256xf32> to vector<256xf32>
    %broadcast_in_dim3A_2571 = vector.shape_cast %reduce_sum3A_2570 : vector<256xf32> to vector<1x256xf32>
    %iota3A_2572 = tpu.iota {dimensions = array<i32: 1>} : vector<1x256xi32>
    %convert_element_type3A_2573 = arith.sitofp %iota3A_2572 : vector<1x256xi32> to vector<1x256xf32>
    %add3A_2574 = arith.constant 2.560000e+02 : f32
    %add3A_2575 = vector.broadcast %add3A_2574 : f32 to vector<1x256xf32>
    %add3A_2576 = arith.addf %add3A_2575, %convert_element_type3A_2573 : vector<1x256xf32>
    %lt3A_2577 = vector.broadcast %reduce_sum3A_2542 : f32 to vector<1x256xf32>
    %lt3A_2578 = arith.cmpf olt, %add3A_2576, %lt3A_2577 : vector<1x256xf32>
    %sub3A_2579 = vector.broadcast %reduce_sum3A_2542 : f32 to vector<1x256xf32>
    %sub3A_2580 = arith.subf %add3A_2576, %sub3A_2579 : vector<1x256xf32>
    %select_n3A_2581 = arith.select %lt3A_2578, %add3A_2576, %sub3A_2580 : vector<1x256xi1>, vector<1x256xf32>
    %eq3A_2582 = vector.broadcast %reshape3A_2543 : vector<2048x1xf32> to vector<2048x256xf32>
    %eq3A_2583 = vector.broadcast %select_n3A_2581 : vector<1x256xf32> to vector<2048x256xf32>
    %eq3A_2584 = arith.cmpf oeq, %eq3A_2582, %eq3A_2583 : vector<2048x256xf32>
    %convert_element_type3A_2585 = arith.extui %eq3A_2584 : vector<2048x256xi1> to vector<2048x256xi32>
    %convert_element_type3A_2586 = arith.sitofp %convert_element_type3A_2585 : vector<2048x256xi32> to vector<2048x256xf32>
    %mul3A_2587 = vector.broadcast %reshape3A_2544 : vector<2048x1xf32> to vector<2048x256xf32>
    %mul3A_2588 = arith.mulf %mul3A_2587, %convert_element_type3A_2586 : vector<2048x256xf32>
    %reduce_sum3A_2589 = arith.constant dense<0.000000e+00> : vector<256xf32>
    %reduce_sum3A_2590 = vector.multi_reduction <add>, %mul3A_2588, %reduce_sum3A_2589 [0] : vector<2048x256xf32> to vector<256xf32>
    %broadcast_in_dim3A_2591 = vector.shape_cast %reduce_sum3A_2590 : vector<256xf32> to vector<1x256xf32>
    %mul3A_2592 = vector.broadcast %convert_element_type3A_2546 : vector<2048x1xf32> to vector<2048x256xf32>
    %mul3A_2593 = arith.mulf %mul3A_2592, %convert_element_type3A_2586 : vector<2048x256xf32>
    %reduce_sum3A_2594 = arith.constant dense<0.000000e+00> : vector<256xf32>
    %reduce_sum3A_2595 = vector.multi_reduction <add>, %mul3A_2593, %reduce_sum3A_2594 [0] : vector<2048x256xf32> to vector<256xf32>
    %broadcast_in_dim3A_2596 = vector.shape_cast %reduce_sum3A_2595 : vector<256xf32> to vector<1x256xf32>
    %iota3A_2597 = tpu.iota {dimensions = array<i32: 1>} : vector<1x256xi32>
    %convert_element_type3A_2598 = arith.sitofp %iota3A_2597 : vector<1x256xi32> to vector<1x256xf32>
    %add3A_2599 = arith.constant 5.120000e+02 : f32
    %add3A_2600 = vector.broadcast %add3A_2599 : f32 to vector<1x256xf32>
    %add3A_2601 = arith.addf %add3A_2600, %convert_element_type3A_2598 : vector<1x256xf32>
    %lt3A_2602 = vector.broadcast %reduce_sum3A_2542 : f32 to vector<1x256xf32>
    %lt3A_2603 = arith.cmpf olt, %add3A_2601, %lt3A_2602 : vector<1x256xf32>
    %sub3A_2604 = vector.broadcast %reduce_sum3A_2542 : f32 to vector<1x256xf32>
    %sub3A_2605 = arith.subf %add3A_2601, %sub3A_2604 : vector<1x256xf32>
    %select_n3A_2606 = arith.select %lt3A_2603, %add3A_2601, %sub3A_2605 : vector<1x256xi1>, vector<1x256xf32>
    %eq3A_2607 = vector.broadcast %reshape3A_2543 : vector<2048x1xf32> to vector<2048x256xf32>
    %eq3A_2608 = vector.broadcast %select_n3A_2606 : vector<1x256xf32> to vector<2048x256xf32>
    %eq3A_2609 = arith.cmpf oeq, %eq3A_2607, %eq3A_2608 : vector<2048x256xf32>
    %convert_element_type3A_2610 = arith.extui %eq3A_2609 : vector<2048x256xi1> to vector<2048x256xi32>
    %convert_element_type3A_2611 = arith.sitofp %convert_element_type3A_2610 : vector<2048x256xi32> to vector<2048x256xf32>
    %mul3A_2612 = vector.broadcast %reshape3A_2544 : vector<2048x1xf32> to vector<2048x256xf32>
    %mul3A_2613 = arith.mulf %mul3A_2612, %convert_element_type3A_2611 : vector<2048x256xf32>
    %reduce_sum3A_2614 = arith.constant dense<0.000000e+00> : vector<256xf32>
    %reduce_sum3A_2615 = vector.multi_reduction <add>, %mul3A_2613, %reduce_sum3A_2614 [0] : vector<2048x256xf32> to vector<256xf32>
    %broadcast_in_dim3A_2616 = vector.shape_cast %reduce_sum3A_2615 : vector<256xf32> to vector<1x256xf32>
    %mul3A_2617 = vector.broadcast %convert_element_type3A_2546 : vector<2048x1xf32> to vector<2048x256xf32>
    %mul3A_2618 = arith.mulf %mul3A_2617, %convert_element_type3A_2611 : vector<2048x256xf32>
    %reduce_sum3A_2619 = arith.constant dense<0.000000e+00> : vector<256xf32>
    %reduce_sum3A_2620 = vector.multi_reduction <add>, %mul3A_2618, %reduce_sum3A_2619 [0] : vector<2048x256xf32> to vector<256xf32>
    %broadcast_in_dim3A_2621 = vector.shape_cast %reduce_sum3A_2620 : vector<256xf32> to vector<1x256xf32>
    %iota3A_2622 = tpu.iota {dimensions = array<i32: 1>} : vector<1x256xi32>
    %convert_element_type3A_2623 = arith.sitofp %iota3A_2622 : vector<1x256xi32> to vector<1x256xf32>
    %add3A_2624 = arith.constant 7.680000e+02 : f32
    %add3A_2625 = vector.broadcast %add3A_2624 : f32 to vector<1x256xf32>
    %add3A_2626 = arith.addf %add3A_2625, %convert_element_type3A_2623 : vector<1x256xf32>
    %lt3A_2627 = vector.broadcast %reduce_sum3A_2542 : f32 to vector<1x256xf32>
    %lt3A_2628 = arith.cmpf olt, %add3A_2626, %lt3A_2627 : vector<1x256xf32>
    %sub3A_2629 = vector.broadcast %reduce_sum3A_2542 : f32 to vector<1x256xf32>
    %sub3A_2630 = arith.subf %add3A_2626, %sub3A_2629 : vector<1x256xf32>
    %select_n3A_2631 = arith.select %lt3A_2628, %add3A_2626, %sub3A_2630 : vector<1x256xi1>, vector<1x256xf32>
    %eq3A_2632 = vector.broadcast %reshape3A_2543 : vector<2048x1xf32> to vector<2048x256xf32>
    %eq3A_2633 = vector.broadcast %select_n3A_2631 : vector<1x256xf32> to vector<2048x256xf32>
    %eq3A_2634 = arith.cmpf oeq, %eq3A_2632, %eq3A_2633 : vector<2048x256xf32>
    %convert_element_type3A_2635 = arith.extui %eq3A_2634 : vector<2048x256xi1> to vector<2048x256xi32>
    %convert_element_type3A_2636 = arith.sitofp %convert_element_type3A_2635 : vector<2048x256xi32> to vector<2048x256xf32>
    %mul3A_2637 = vector.broadcast %reshape3A_2544 : vector<2048x1xf32> to vector<2048x256xf32>
    %mul3A_2638 = arith.mulf %mul3A_2637, %convert_element_type3A_2636 : vector<2048x256xf32>
    %reduce_sum3A_2639 = arith.constant dense<0.000000e+00> : vector<256xf32>
    %reduce_sum3A_2640 = vector.multi_reduction <add>, %mul3A_2638, %reduce_sum3A_2639 [0] : vector<2048x256xf32> to vector<256xf32>
    %broadcast_in_dim3A_2641 = vector.shape_cast %reduce_sum3A_2640 : vector<256xf32> to vector<1x256xf32>
    %mul3A_2642 = vector.broadcast %convert_element_type3A_2546 : vector<2048x1xf32> to vector<2048x256xf32>
    %mul3A_2643 = arith.mulf %mul3A_2642, %convert_element_type3A_2636 : vector<2048x256xf32>
    %reduce_sum3A_2644 = arith.constant dense<0.000000e+00> : vector<256xf32>
    %reduce_sum3A_2645 = vector.multi_reduction <add>, %mul3A_2643, %reduce_sum3A_2644 [0] : vector<2048x256xf32> to vector<256xf32>
    %broadcast_in_dim3A_2646 = vector.shape_cast %reduce_sum3A_2645 : vector<256xf32> to vector<1x256xf32>
    %iota3A_2647 = tpu.iota {dimensions = array<i32: 1>} : vector<1x256xi32>
    %convert_element_type3A_2648 = arith.sitofp %iota3A_2647 : vector<1x256xi32> to vector<1x256xf32>
    %add3A_2649 = arith.constant 1.024000e+03 : f32
    %add3A_2650 = vector.broadcast %add3A_2649 : f32 to vector<1x256xf32>
    %add3A_2651 = arith.addf %add3A_2650, %convert_element_type3A_2648 : vector<1x256xf32>
    %lt3A_2652 = vector.broadcast %reduce_sum3A_2542 : f32 to vector<1x256xf32>
    %lt3A_2653 = arith.cmpf olt, %add3A_2651, %lt3A_2652 : vector<1x256xf32>
    %sub3A_2654 = vector.broadcast %reduce_sum3A_2542 : f32 to vector<1x256xf32>
    %sub3A_2655 = arith.subf %add3A_2651, %sub3A_2654 : vector<1x256xf32>
    %select_n3A_2656 = arith.select %lt3A_2653, %add3A_2651, %sub3A_2655 : vector<1x256xi1>, vector<1x256xf32>
    %eq3A_2657 = vector.broadcast %reshape3A_2543 : vector<2048x1xf32> to vector<2048x256xf32>
    %eq3A_2658 = vector.broadcast %select_n3A_2656 : vector<1x256xf32> to vector<2048x256xf32>
    %eq3A_2659 = arith.cmpf oeq, %eq3A_2657, %eq3A_2658 : vector<2048x256xf32>
    %convert_element_type3A_2660 = arith.extui %eq3A_2659 : vector<2048x256xi1> to vector<2048x256xi32>
    %convert_element_type3A_2661 = arith.sitofp %convert_element_type3A_2660 : vector<2048x256xi32> to vector<2048x256xf32>
    %mul3A_2662 = vector.broadcast %reshape3A_2544 : vector<2048x1xf32> to vector<2048x256xf32>
    %mul3A_2663 = arith.mulf %mul3A_2662, %convert_element_type3A_2661 : vector<2048x256xf32>
    %reduce_sum3A_2664 = arith.constant dense<0.000000e+00> : vector<256xf32>
    %reduce_sum3A_2665 = vector.multi_reduction <add>, %mul3A_2663, %reduce_sum3A_2664 [0] : vector<2048x256xf32> to vector<256xf32>
    %broadcast_in_dim3A_2666 = vector.shape_cast %reduce_sum3A_2665 : vector<256xf32> to vector<1x256xf32>
    %mul3A_2667 = vector.broadcast %convert_element_type3A_2546 : vector<2048x1xf32> to vector<2048x256xf32>
    %mul3A_2668 = arith.mulf %mul3A_2667, %convert_element_type3A_2661 : vector<2048x256xf32>
    %reduce_sum3A_2669 = arith.constant dense<0.000000e+00> : vector<256xf32>
    %reduce_sum3A_2670 = vector.multi_reduction <add>, %mul3A_2668, %reduce_sum3A_2669 [0] : vector<2048x256xf32> to vector<256xf32>
    %broadcast_in_dim3A_2671 = vector.shape_cast %reduce_sum3A_2670 : vector<256xf32> to vector<1x256xf32>
    %iota3A_2672 = tpu.iota {dimensions = array<i32: 1>} : vector<1x256xi32>
    %convert_element_type3A_2673 = arith.sitofp %iota3A_2672 : vector<1x256xi32> to vector<1x256xf32>
    %add3A_2674 = arith.constant 1.280000e+03 : f32
    %add3A_2675 = vector.broadcast %add3A_2674 : f32 to vector<1x256xf32>
    %add3A_2676 = arith.addf %add3A_2675, %convert_element_type3A_2673 : vector<1x256xf32>
    %lt3A_2677 = vector.broadcast %reduce_sum3A_2542 : f32 to vector<1x256xf32>
    %lt3A_2678 = arith.cmpf olt, %add3A_2676, %lt3A_2677 : vector<1x256xf32>
    %sub3A_2679 = vector.broadcast %reduce_sum3A_2542 : f32 to vector<1x256xf32>
    %sub3A_2680 = arith.subf %add3A_2676, %sub3A_2679 : vector<1x256xf32>
    %select_n3A_2681 = arith.select %lt3A_2678, %add3A_2676, %sub3A_2680 : vector<1x256xi1>, vector<1x256xf32>
    %eq3A_2682 = vector.broadcast %reshape3A_2543 : vector<2048x1xf32> to vector<2048x256xf32>
    %eq3A_2683 = vector.broadcast %select_n3A_2681 : vector<1x256xf32> to vector<2048x256xf32>
    %eq3A_2684 = arith.cmpf oeq, %eq3A_2682, %eq3A_2683 : vector<2048x256xf32>
    %convert_element_type3A_2685 = arith.extui %eq3A_2684 : vector<2048x256xi1> to vector<2048x256xi32>
    %convert_element_type3A_2686 = arith.sitofp %convert_element_type3A_2685 : vector<2048x256xi32> to vector<2048x256xf32>
    %mul3A_2687 = vector.broadcast %reshape3A_2544 : vector<2048x1xf32> to vector<2048x256xf32>
    %mul3A_2688 = arith.mulf %mul3A_2687, %convert_element_type3A_2686 : vector<2048x256xf32>
    %reduce_sum3A_2689 = arith.constant dense<0.000000e+00> : vector<256xf32>
    %reduce_sum3A_2690 = vector.multi_reduction <add>, %mul3A_2688, %reduce_sum3A_2689 [0] : vector<2048x256xf32> to vector<256xf32>
    %broadcast_in_dim3A_2691 = vector.shape_cast %reduce_sum3A_2690 : vector<256xf32> to vector<1x256xf32>
    %mul3A_2692 = vector.broadcast %convert_element_type3A_2546 : vector<2048x1xf32> to vector<2048x256xf32>
    %mul3A_2693 = arith.mulf %mul3A_2692, %convert_element_type3A_2686 : vector<2048x256xf32>
    %reduce_sum3A_2694 = arith.constant dense<0.000000e+00> : vector<256xf32>
    %reduce_sum3A_2695 = vector.multi_reduction <add>, %mul3A_2693, %reduce_sum3A_2694 [0] : vector<2048x256xf32> to vector<256xf32>
    %broadcast_in_dim3A_2696 = vector.shape_cast %reduce_sum3A_2695 : vector<256xf32> to vector<1x256xf32>
    %iota3A_2697 = tpu.iota {dimensions = array<i32: 1>} : vector<1x256xi32>
    %convert_element_type3A_2698 = arith.sitofp %iota3A_2697 : vector<1x256xi32> to vector<1x256xf32>
    %add3A_2699 = arith.constant 1.536000e+03 : f32
    %add3A_2700 = vector.broadcast %add3A_2699 : f32 to vector<1x256xf32>
    %add3A_2701 = arith.addf %add3A_2700, %convert_element_type3A_2698 : vector<1x256xf32>
    %lt3A_2702 = vector.broadcast %reduce_sum3A_2542 : f32 to vector<1x256xf32>
    %lt3A_2703 = arith.cmpf olt, %add3A_2701, %lt3A_2702 : vector<1x256xf32>
    %sub3A_2704 = vector.broadcast %reduce_sum3A_2542 : f32 to vector<1x256xf32>
    %sub3A_2705 = arith.subf %add3A_2701, %sub3A_2704 : vector<1x256xf32>
    %select_n3A_2706 = arith.select %lt3A_2703, %add3A_2701, %sub3A_2705 : vector<1x256xi1>, vector<1x256xf32>
    %eq3A_2707 = vector.broadcast %reshape3A_2543 : vector<2048x1xf32> to vector<2048x256xf32>
    %eq3A_2708 = vector.broadcast %select_n3A_2706 : vector<1x256xf32> to vector<2048x256xf32>
    %eq3A_2709 = arith.cmpf oeq, %eq3A_2707, %eq3A_2708 : vector<2048x256xf32>
    %convert_element_type3A_2710 = arith.extui %eq3A_2709 : vector<2048x256xi1> to vector<2048x256xi32>
    %convert_element_type3A_2711 = arith.sitofp %convert_element_type3A_2710 : vector<2048x256xi32> to vector<2048x256xf32>
    %mul3A_2712 = vector.broadcast %reshape3A_2544 : vector<2048x1xf32> to vector<2048x256xf32>
    %mul3A_2713 = arith.mulf %mul3A_2712, %convert_element_type3A_2711 : vector<2048x256xf32>
    %reduce_sum3A_2714 = arith.constant dense<0.000000e+00> : vector<256xf32>
    %reduce_sum3A_2715 = vector.multi_reduction <add>, %mul3A_2713, %reduce_sum3A_2714 [0] : vector<2048x256xf32> to vector<256xf32>
    %broadcast_in_dim3A_2716 = vector.shape_cast %reduce_sum3A_2715 : vector<256xf32> to vector<1x256xf32>
    %mul3A_2717 = vector.broadcast %convert_element_type3A_2546 : vector<2048x1xf32> to vector<2048x256xf32>
    %mul3A_2718 = arith.mulf %mul3A_2717, %convert_element_type3A_2711 : vector<2048x256xf32>
    %reduce_sum3A_2719 = arith.constant dense<0.000000e+00> : vector<256xf32>
    %reduce_sum3A_2720 = vector.multi_reduction <add>, %mul3A_2718, %reduce_sum3A_2719 [0] : vector<2048x256xf32> to vector<256xf32>
    %broadcast_in_dim3A_2721 = vector.shape_cast %reduce_sum3A_2720 : vector<256xf32> to vector<1x256xf32>
    %iota3A_2722 = tpu.iota {dimensions = array<i32: 1>} : vector<1x256xi32>
    %convert_element_type3A_2723 = arith.sitofp %iota3A_2722 : vector<1x256xi32> to vector<1x256xf32>
    %add3A_2724 = arith.constant 1.792000e+03 : f32
    %add3A_2725 = vector.broadcast %add3A_2724 : f32 to vector<1x256xf32>
    %add3A_2726 = arith.addf %add3A_2725, %convert_element_type3A_2723 : vector<1x256xf32>
    %lt3A_2727 = vector.broadcast %reduce_sum3A_2542 : f32 to vector<1x256xf32>
    %lt3A_2728 = arith.cmpf olt, %add3A_2726, %lt3A_2727 : vector<1x256xf32>
    %sub3A_2729 = vector.broadcast %reduce_sum3A_2542 : f32 to vector<1x256xf32>
    %sub3A_2730 = arith.subf %add3A_2726, %sub3A_2729 : vector<1x256xf32>
    %select_n3A_2731 = arith.select %lt3A_2728, %add3A_2726, %sub3A_2730 : vector<1x256xi1>, vector<1x256xf32>
    %eq3A_2732 = vector.broadcast %reshape3A_2543 : vector<2048x1xf32> to vector<2048x256xf32>
    %eq3A_2733 = vector.broadcast %select_n3A_2731 : vector<1x256xf32> to vector<2048x256xf32>
    %eq3A_2734 = arith.cmpf oeq, %eq3A_2732, %eq3A_2733 : vector<2048x256xf32>
    %convert_element_type3A_2735 = arith.extui %eq3A_2734 : vector<2048x256xi1> to vector<2048x256xi32>
    %convert_element_type3A_2736 = arith.sitofp %convert_element_type3A_2735 : vector<2048x256xi32> to vector<2048x256xf32>
    %mul3A_2737 = vector.broadcast %reshape3A_2544 : vector<2048x1xf32> to vector<2048x256xf32>
    %mul3A_2738 = arith.mulf %mul3A_2737, %convert_element_type3A_2736 : vector<2048x256xf32>
    %reduce_sum3A_2739 = arith.constant dense<0.000000e+00> : vector<256xf32>
    %reduce_sum3A_2740 = vector.multi_reduction <add>, %mul3A_2738, %reduce_sum3A_2739 [0] : vector<2048x256xf32> to vector<256xf32>
    %broadcast_in_dim3A_2741 = vector.shape_cast %reduce_sum3A_2740 : vector<256xf32> to vector<1x256xf32>
    %mul3A_2742 = vector.broadcast %convert_element_type3A_2546 : vector<2048x1xf32> to vector<2048x256xf32>
    %mul3A_2743 = arith.mulf %mul3A_2742, %convert_element_type3A_2736 : vector<2048x256xf32>
    %reduce_sum3A_2744 = arith.constant dense<0.000000e+00> : vector<256xf32>
    %reduce_sum3A_2745 = vector.multi_reduction <add>, %mul3A_2743, %reduce_sum3A_2744 [0] : vector<2048x256xf32> to vector<256xf32>
    %broadcast_in_dim3A_2746 = vector.shape_cast %reduce_sum3A_2745 : vector<256xf32> to vector<1x256xf32>
    %concatenate3A_2747 = tpu.concatenate %broadcast_in_dim3A_2566, %broadcast_in_dim3A_2591, %broadcast_in_dim3A_2616, %broadcast_in_dim3A_2641, %broadcast_in_dim3A_2666, %broadcast_in_dim3A_2691, %broadcast_in_dim3A_2716, %broadcast_in_dim3A_2741 in 1 : vector<1x256xf32>, vector<1x256xf32>, vector<1x256xf32>, vector<1x256xf32>, vector<1x256xf32>, vector<1x256xf32>, vector<1x256xf32>, vector<1x256xf32> -> vector<1x2048xf32>
    %convert_element_type3A_2748 = arith.fptosi %concatenate3A_2747 : vector<1x2048xf32> to vector<1x2048xi32>
    %swap3A_2749 = arith.constant 0 : index
    %swap3A_2750 = arith.constant 0 : index
    %swap3A_2751 = vector.load %arg3[%swap3A_2749, %swap3A_2750] : memref<1x2048xi32, #tpu.memory_space<vmem>>, vector<1x2048xi32>
    tpu.vector_store %arg3[%swap3A_2749, %swap3A_2750], %convert_element_type3A_2748 {strides = array<i32>} : memref<1x2048xi32, #tpu.memory_space<vmem>>, vector<1x2048xi32>,
    %concatenate3A_2752 = tpu.concatenate %broadcast_in_dim3A_2571, %broadcast_in_dim3A_2596, %broadcast_in_dim3A_2621, %broadcast_in_dim3A_2646, %broadcast_in_dim3A_2671, %broadcast_in_dim3A_2696, %broadcast_in_dim3A_2721, %broadcast_in_dim3A_2746 in 1 : vector<1x256xf32>, vector<1x256xf32>, vector<1x256xf32>, vector<1x256xf32>, vector<1x256xf32>, vector<1x256xf32>, vector<1x256xf32>, vector<1x256xf32> -> vector<1x2048xf32>
    %convert_element_type3A_2753 = arith.fptosi %concatenate3A_2752 : vector<1x2048xf32> to vector<1x2048xi32>
    %swap3A_2754 = arith.constant 0 : index
    %swap3A_2755 = arith.constant 0 : index
    %swap3A_2756 = vector.load %arg4[%swap3A_2754, %swap3A_2755] : memref<1x2048xi32, #tpu.memory_space<vmem>>, vector<1x2048xi32>
    tpu.vector_store %arg4[%swap3A_2754, %swap3A_2755], %convert_element_type3A_2753 {strides = array<i32>} : memref<1x2048xi32, #tpu.memory_space<vmem>>, vector<1x2048xi32>,
    %get3A_2757 = arith.constant 0 : index
    %get3A_2758 = arith.constant 0 : index
    %get3A_2759 = arith.constant 0 : index
    %get3A_2760 = vector.load %arg1[%get3A_2757, %get3A_2758, %get3A_2759] : memref<8x1x512xf32, #tpu.memory_space<vmem>>, vector<8x1x512xf32>
    %reduce_sum3A_2761 = vector.shape_cast %get3A_2760 : vector<8x1x512xf32> to vector<1x8x1x512xf32>
    %reduce_sum3A_2762 = arith.constant dense<0.000000e+00> : vector<1xf32>
    %reduce_sum3A_2763 = vector.multi_reduction <add>, %reduce_sum3A_2761, %reduce_sum3A_2762 [1, 2, 3] : vector<1x8x1x512xf32> to vector<1xf32>
    %reduce_sum3A_2764 = vector.shape_cast %reduce_sum3A_2763 : vector<1xf32> to vector<1x1x1x1xf32>
    %reduce_sum3A_2765 = vector.extract %reduce_sum3A_2764[0, 0, 0, 0] : f32 from vector<1x1x1x1xf32>
    %div3A = arith.constant 4.096000e+03 : f32
    %div3A_2766 = arith.divf %reduce_sum3A_2765, %div3A : f32
    %sub3A_2767 = vector.broadcast %div3A_2766 : f32 to vector<8x1x512xf32>
    %sub3A_2768 = arith.subf %get3A_2760, %sub3A_2767 : vector<8x1x512xf32>
    %reshape3A_2769 = vector.broadcast %div3A_2766 : f32 to vector<1x1xf32>
    %swap3A_2770 = arith.constant 0 : index
    %swap3A_2771 = arith.constant 0 : index
    %swap3A_2772 = vector.load %arg5[%swap3A_2770, %swap3A_2771] : memref<1x1xf32, #tpu.memory_space<vmem>>, vector<1x1xf32>
    tpu.vector_store %arg5[%swap3A_2770, %swap3A_2771], %reshape3A_2769 {strides = array<i32>} : memref<1x1xf32, #tpu.memory_space<vmem>>, vector<1x1xf32>,
    %mul3A_2773 = arith.mulf %sub3A_2768, %sub3A_2768 : vector<8x1x512xf32>
    %reduce_sum3A_2774 = vector.shape_cast %mul3A_2773 : vector<8x1x512xf32> to vector<1x8x1x512xf32>
    %reduce_sum3A_2775 = arith.constant dense<0.000000e+00> : vector<1xf32>
    %reduce_sum3A_2776 = vector.multi_reduction <add>, %reduce_sum3A_2774, %reduce_sum3A_2775 [1, 2, 3] : vector<1x8x1x512xf32> to vector<1xf32>
    %reduce_sum3A_2777 = vector.shape_cast %reduce_sum3A_2776 : vector<1xf32> to vector<1x1x1x1xf32>
    %reduce_sum3A_2778 = vector.extract %reduce_sum3A_2777[0, 0, 0, 0] : f32 from vector<1x1x1x1xf32>
    %div3A_2779 = arith.constant 4.096000e+03 : f32
    %div3A_2780 = arith.divf %reduce_sum3A_2778, %div3A_2779 : f32
    %reshape3A_2781 = vector.broadcast %div3A_2780 : f32 to vector<1x1xf32>
    %swap3A_2782 = arith.constant 0 : index
    %swap3A_2783 = arith.constant 0 : index
    %swap3A_2784 = vector.load %arg6[%swap3A_2782, %swap3A_2783] : memref<1x1xf32, #tpu.memory_space<vmem>>, vector<1x1xf32>
    tpu.vector_store %arg6[%swap3A_2782, %swap3A_2783], %reshape3A_2781 {strides = array<i32>} : memref<1x1xf32, #tpu.memory_space<vmem>>, vector<1x1xf32>,
    return
  }
}

</mosaic_0001>

<sc_bundles>
// kernel: kernel.6.cloned.1.call-start
scs
__scs_entry_jumppad:
0x0: {  	(pc) =	sbr.rel $0x88, $3  }
0x1: {  	(tag) =	ssettag $0x0;
	lr =	simm.s32 $0x1  }
0x2: {  	[smem:$0x3F9D] =	sst lr;
	_ =	strace $0xD0000000  }
0x3: {  	_ = 	snop  }
0x4: {  	_ = 	snop  }
0x5: {  	_ = 	snop  }
0x6: {  	_ = 	snop  }
0x7: {  	_ = 	snop  }
__scs_overlays_trampoline_lowered:
0x8: {  	[smem:$0x3FAC] =	sst s0  }
0x9: {  	[smem:$0x3FAD] =	sst s1  }
0xa: {  	[smem:$0x3FAE] =	sst s2  }
0xb: {  	[smem:$0x3FAF] =	sst s3  }
0xc: {  	[smem:$0x3FB0] =	sst s4  }
0xd: {  	[smem:$0x3FB1] =	sst s5  }
0xe: {  	[smem:$0x3FB2] =	sst s6  }
0xf: {  	[smem:$0x3FB3] =	sst s7  }
0x10: {  	[smem:$0x3FB4] =	sst s8  }
0x11: {  	[smem:$0x3FB5] =	sst s9;
	s0 =	simm.s32 @!p0 $0x0  }
0x12: {  	s1 =	sld [smem:$0x3F9B];
	s0 =	simm.s32 @p0 $0x1  }
0x13: {  	[smem:$0x3FB6] =	sst s0;
	s0 =	simm.s32 @!p1 $0x0  }
0x14: {  	s2 =	sld [smem:$0x3F9A];
	s0 =	simm.s32 @p1 $0x1  }
0x15: {  	[smem:$0x3FB7] =	sst s0;
	s0 =	simm.s32 @!p2 $0x0  }
0x16: {  	s3 =	sld [smem:$0x3FDB];
	s0 =	simm.s32 @p2 $0x1  }
0x17: {  	s4 =	simm.s32 $0x1BF5;
	[smem:$0x3FB9] =	sst s0  }
0x18: {  	s0 =	sld [smem:$0x3F9C];
	_ =	swait.ge [sflag:s4], $0x0  }
0x19: {  	s7 =	sld [smem:$0x3F9D]  }
0x1a: {  	s8 =	sadd.s32 $0xFFFFE003, lr  }
0x1b: {  	s9 =	sadd.s32 $0xFFFFFEF7, lr;
	s5 =	simm.s32 $0xFFFFFFFF;
	p2 =	slt.u32 s8, $0xFFFFF086  }
0x1c: {  	p1 =	slt.u32 s9, $0xF7A;
	s5 =	simm.s32 @!p2 $0x0  }
0x1d: {  	s5 =	simm.s32 @p1 $0x1;
	p0 =	seq.s32 s7, s2  }
0x1e: {  	s7 =	smul.u32 @!p0 $0xF7A, s2;
	p2 =	seq.s32 @!p0 s5, $0x0  }
0x1f: {  	s9 =	smul.u32 $0xF7A, s1;
	s8 =	simm.s32 @!p0 $0x1BF5;
	p2 =	por !p2, p0  }
0x20: {  	[sflag:s8] =	ssyncset.s32 @!p0 $0xFFFFF086;
	s6 =	sadd.s32 @!p0 s3, s7;
	s7 =	simm.s32 @!p0 $0x108  }
0x21: {  	s3 =	sadd.s32 s3, s9;
	s6 =	sadd.s32 @!p0 $0x88, s6;
	s7 =	simm.s32 @p2 $0x1082  }
0x22: {  	[simem:s7], [sflag:s8] =	dma.local @!p0 [hbm:s6], $0xF7A  }
0x23: {  	s9 =	sor.u32 $0xD0000000, s2;
	s6 =	simm.s32 $0x108;
	_ =	swait.ge @!p0 [sflag:s8], $0x0  }
0x24: {  	s3 =	sadd.s32 $0x88, s3;
	s6 =	simm.s32 @!p1 $0x1082;
	[sflag:s4] =	ssyncset.s32 $0xFFFFF086  }
0x25: {  	[simem:s6], [sflag:s4] =	dma.local [hbm:s3], $0xF7A  }
0x26: {  	[smem:$0x3F9D] =	sst s1;
	(tag) =	ssettag s2;
	_ =	strace s9  }
0x27: {  	s1 =	sld [smem:$0x3FAD]  }
0x28: {  	s2 =	sld [smem:$0x3FAE]  }
0x29: {  	s4 =	sld [smem:$0x3FB0]  }
0x2a: {  	p0 =	seq.s32 s5, $0x0;
	s5 =	sld [smem:$0x3FB1]  }
0x2b: {  	s6 =	sld [smem:$0x3FB2]  }
0x2c: {  	s7 =	sld [smem:$0x3FB3]  }
0x2d: {  	s3 =	simm.s32 $0x108;
	s8 =	sld [smem:$0x3FB4]  }
0x2e: {  	s3 =	simm.s32 @!p0 $0x1082;
	s9 =	sld [smem:$0x3FB5]  }
0x2f: {  	lr =	sadd.s32 s0, s3;
	s0 =	sld [smem:$0x3FAC]  }
0x30: {  	s3 =	sld [smem:$0x3FAF]  }
0x31: {  	[smem:$0x3FB8] =	sst s10  }
0x32: {  	s10 =	sld [smem:$0x3FB6];
	_ =	sdelay $0x3  }
0x33: {  	p0 =	seq.s32 s10, $0x1;
	s10 =	sld [smem:$0x3FB8];
	_ =	sdelay $0x3  }
0x34: {  	[smem:$0x3FB8] =	sst s10  }
0x35: {  	s10 =	sld [smem:$0x3FB7];
	_ =	sdelay $0x3  }
0x36: {  	p1 =	seq.s32 s10, $0x1;
	s10 =	sld [smem:$0x3FB8];
	_ =	sdelay $0x3  }
0x37: {  	[smem:$0x3FB8] =	sst s10  }
0x38: {  	s10 =	sld [smem:$0x3FB9]  }
0x39: {  	_ = 	snop;
	(pc) =	sbr.ind lr, $3  }
0x3a: {  	_ = 	snop  }
0x3b: {  	_ = 	snop  }
0x3c: {  	p2 =	seq.s32 s10, $0x1;
	s10 =	sld [smem:$0x3FB8]  }
0x3d: {  	_ =	shalt  }
0x3e: {  	_ =	shalt  }
0x3f: {  	_ =	shalt  }
0x40: {  	_ =	shalt  }
0x41: {  	_ =	shalt  }
0x42: {  	_ =	shalt  }
0x43: {  	_ =	shalt  }
0x44: {  	_ =	shalt  }
0x45: {  	_ =	shalt  }
0x46: {  	_ =	shalt  }
0x47: {  	_ =	shalt  }
0x48: {  	_ =	shalt  }
0x49: {  	_ =	shalt  }
0x4a: {  	_ =	shalt  }
0x4b: {  	_ =	shalt  }
0x4c: {  	_ =	shalt  }
0x4d: {  	_ =	shalt  }
0x4e: {  	_ =	shalt  }
0x4f: {  	_ =	shalt  }
0x50: {  	_ =	shalt  }
0x51: {  	_ =	shalt  }
0x52: {  	_ =	shalt  }
0x53: {  	_ =	shalt  }
0x54: {  	_ =	shalt  }
0x55: {  	_ =	shalt  }
0x56: {  	_ =	shalt  }
0x57: {  	_ =	shalt  }
0x58: {  	_ =	shalt  }
0x59: {  	_ =	shalt  }
0x5a: {  	_ =	shalt  }
0x5b: {  	_ =	shalt  }
0x5c: {  	_ =	shalt  }
0x5d: {  	_ =	shalt  }
0x5e: {  	_ =	shalt  }
0x5f: {  	_ =	shalt  }
0x60: {  	_ =	shalt  }
0x61: {  	_ =	shalt  }
0x62: {  	_ =	shalt  }
0x63: {  	_ =	shalt  }
0x64: {  	_ =	shalt  }
0x65: {  	_ =	shalt  }
0x66: {  	_ =	shalt  }
0x67: {  	_ =	shalt  }
0x68: {  	_ =	shalt  }
0x69: {  	_ =	shalt  }
0x6a: {  	_ =	shalt  }
0x6b: {  	_ =	shalt  }
0x6c: {  	_ =	shalt  }
0x6d: {  	_ =	shalt  }
0x6e: {  	_ =	shalt  }
0x6f: {  	_ =	shalt  }
0x70: {  	_ =	shalt  }
0x71: {  	_ =	shalt  }
0x72: {  	_ =	shalt  }
0x73: {  	_ =	shalt  }
0x74: {  	_ =	shalt  }
0x75: {  	_ =	shalt  }
0x76: {  	_ =	shalt  }
0x77: {  	_ =	shalt  }
0x78: {  	_ =	shalt  }
0x79: {  	_ =	shalt  }
0x7a: {  	_ =	shalt  }
0x7b: {  	_ =	shalt  }
0x7c: {  	_ =	shalt  }
0x7d: {  	_ =	shalt  }
0x7e: {  	_ =	shalt  }
0x7f: {  	_ =	shalt  }
0x80: {  	_ =	shalt  }
0x81: {  	_ =	shalt  }
0x82: {  	_ =	shalt  }
0x83: {  	_ =	shalt  }
0x84: {  	_ =	shalt  }
0x85: {  	_ =	shalt  }
0x86: {  	_ =	shalt  }
0x87: {  	_ =	shalt  }
.Lfunc_end0:
.L_simem_size_0:
called_computation_lowered:
.L_overlay_start_0:
0x88: {  	s2 =	sld [smem:$0x3FD9]  }
0x89: {  	s3 =	sld [smem:$0x3FFE];
	_ =	sdelay $0x1  }
0x8a: {  	s1 =	srdreg.scid  }
0x8b: {  	s0 =	sand.u32 $0x1, s1  }
0x8c: {  	s15 =	sshll.u32 s0, $0xA;
	s2 =	sadd.s32 s3, s2  }
0x8d: {  	s2 =	sadd.s32 s2, s15  }
0x8e: {  	[smem:$0x3FC4] =	sst s2  }
0x8f: {  	_ = 	snop  }
0x90: {  	s2 =	sld [smem:$0x3FD0];
	_ =	sdelay $0x1  }
0x91: {  	s16 =	sld [smem:$0x3FC7]  }
0x92: {  	s5 =	simm.s32 $0xA;
	s6 =	simm.s32 $0x10;
	s4 =	sld [smem:$0x3FC6]  }
0x93: {  	[smem:s6], [sflag:s5] =	dma.local [hbm:s2], $0x1  }
0x94: {  	_ =	swait.eq [sflag:s5], $0x1  }
0x95: {  	[sflag:s5] =	ssyncset.done $0x0  }
0x96: {  	s17 =	sld [smem:$0x10];
	[sflag:s5] =	ssyncadd.s32 $0xFFFFFFFF  }
0x97: {  	s18 =	sld [smem:$0x11];
	(tm) =	ssettm $0x1  }
0x98: {  	s19 =	sld [smem:$0x3FFB];
	_ =	sdelay $0x3  }
0x99: {  	_ =	strace s19  }
0x9a: {  	s6 =	sld [smem:$0x3FFC];
	_ =	sdelay $0x3  }
0x9b: {  	_ =	strace s6  }
0x9c: {  	s6 =	sld [smem:$0x3FFD];
	_ =	sdelay $0x3  }
0x9d: {  	_ =	strace s6  }
0x9e: {  	_ =	strace $0x8FFFFFFF  }
0x9f: {  	s20 =	sld [smem:$0x3FDB];
	_ =	sdelay $0x1  }
0xa0: {  	s7 =	simm.s32 $_scs_section_size  }
0xa1: {  	s8 =	simm.s32 $_size__tile_overlayer_lowered;
	s9 =	simm.s32 $_tile_overlayer_lowered  }
0xa2: {  	s23 =	simm.s32 $0x1BFF;
	s22 =	sshll.u32 s9, $0x1;
	s6 =	sadd.s32 s7, s20  }
0xa3: {  	s10 =	simm.s32 $0x0;
	s21 =	sshll.u32 s8, $0x1;
	s8 =	sadd.s32 s22, s6  }
0xa4: {  	[timem:s10], [sflag:s23] =	dma.local [hbm:s8], s21  }
0xa5: {  	_ =	swait.ge [sflag:s23], s21  }
0xa6: {  	s7 =	ssub.s32 $0x0, s21;
	[sflag:s23] =	ssyncset.done $0x0  }
0xa7: {  	[sflag:s23] =	ssyncadd.s32 s7;
	_ =	sdelay $0x1  }
0xa8: {  	s24 =	simm.s32 $0x1B8B  }
0xa9: {  	_ =	swait.ge [sflag:s24], $0x1  }
0xaa: {  	[sflag:s24] =	ssyncset.done $0x0  }
0xab: {  	s25 =	simm.s32 $0x1B8E;
	[sflag:s24] =	ssyncadd.s32 $0xFFFFFFFF  }
0xac: {  	s26 =	simm.s32 $execute0_lowered;
	[smem:$0x3FD2] =	sst s25  }
0xad: {  	s7 =	sshll.u32 s26, $0x1;
	_ =	strace $0x80000046;
	[dreg:$0x1] =	wrdreg $0xFFFFFFFF  }
0xae: {  	s28 =	simm.s32 $_size_execute0_lowered;
	s6 =	sadd.s32 s6, s7;
	[dreg:$0x0] =	wrdreg $0x0  }
0xaf: {  	s7 =	sshll.u32 s28, $0x1;
	[dreg:$0x2] =	wrdreg s6  }
0xb0: {  	[dreg:$0x3] =	wrdreg s7  }
0xb1: {  	[dreg:$0x4] =	wrdreg $0xC0  }
0xb2: {  	_ =	task [dreg:s10], $0x5FFFF  }
0xb3: {  	[dreg:$0x1] =	wrdreg $0xFFFFFFFF  }
0xb4: {  	[dreg:$0x0] =	wrdreg $0x60  }
0xb5: {  	[dreg:$0x2] =	wrdreg s16  }
0xb6: {  	[dreg:$0x3] =	wrdreg s4  }
0xb7: {  	[dreg:$0x4] =	wrdreg s17  }
0xb8: {  	[dreg:$0x5] =	wrdreg s18  }
0xb9: {  	[dreg:$0x6] =	wrdreg $0x9  }
0xba: {  	_ =	task.clear_ibuf [dreg:s10], $0x7FFFF;
	_ =	strace $0x90000046  }
0xbb: {  	s29 =	simm.s32 $0x9;
	_ =	strace $0x80000048  }
0xbc: {  	_ =	swait.ge [sflag:s29], $0x1  }
0xbd: {  	[sflag:s29] =	ssyncadd.s32 $0xFFFFFFFF  }
0xbe: {  	_ =	strace $0x90000048  }
0xbf: {  	_ =	sfence  }
0xc0: {  	s30 =	sld [smem:$0x0];
	_ =	sdelay $0x2  }
0xc1: {  	s31 =	sshll.u32 s1, $0xD;
	s1 =	sshrl.u32 s1, $0x2  }
0xc2: {  	s3 =	sand.u32 $0x4000, s31;
	s1 =	sadd.s32 s1, s30  }
0xc3: {  	s0 =	sor.u32 s3, s0;
	s1 =	sshll.u32 s1, $0x11  }
0xc4: {  	s0 =	sor.u32 s1, s0  }
0xc5: {  	s0 =	sadd.s32 $0x8F2B, s0  }
0xc6: {  	[sflag:s0] =	ssyncadd.remote.s32 $0x1  }
0xc7: {  	_ =	sfence.sel $0xFFFF  }
0xc8: {  	[dreg:$0x0] =	wrdreg $0xFFFFFFFF;
	(pc) =	sbr.abs _section_cstart, $3  }
0xc9: {  	[dreg:$0x1] =	wrdreg $0xFFFFFFFF  }
0xca: {  	_ =	task.clear_ibuf [dreg:s10], $0x2FFFF;
	_ =	strace $0x9FFFFFFF  }
0xcb: {  	(tm) =	ssettm $0x7FFFFFFF  }
tec
execute0_lowered:
.L_overlay_start_1:
0x0: {  	(tag) =	ssettag $0x1  }
0x1: {  	s3 =	rddreg [dreg:$0x0]  }
0x2: {  	s6 =	rddreg [dreg:$0x1]  }
0x3: {  	s5 =	rddreg [dreg:$0x2]  }
0x4: {  	s7 =	rddreg [dreg:$0x3];
	s2 =	srdreg.scid  }
0x5: {  	s0 =	rddreg [dreg:$0x4];
	s1 =	stileid.u32;
	s8 =	sand.u32 $0x1, s2  }
0x6: {  	s2 =	simm.s32 $0x0;
	s4 =	sshll.u32 s1, $0xE;
	s9 =	sshll.u32 s8, $0xD  }
0x7: {  	[smem:$0x7FF] =	sst s2;
	s9 =	sor.u32 s9, s4  }
0x8: {  	_ =	strace $0x80000047;
	s4 =	sadd.s32 s3, s9;
	s3 =	simm.s32 $0x1  }
0x9: {  	[tilespmem:s2], [sflag:$0x1] =	stream.linear.gather [hbm4b:s4+s2], $0x10000, $0x38;
	[tilespmem:$0x10000] =	vst v63  }
0xa: {  	_ =	swait.ge [sflag:s3], $0x10000  }
0xb: {  	[sflag:s3] =	ssyncset.done $0x0  }
0xc: {  	s8 =	ssub.s32 $0x2, s8;
	s5 =	sadd.s32 s5, s9;
	[sflag:s3] =	ssyncadd.s32 $0xFFFF0000  }
0xd: {  	[hbm4b:s5+s2] =	stream.linear.scatter [tilespmem:s2], [sflag:$0x1], $0x10000, $0x38;
	[tilespmem:$0x10000] =	vst v63  }
0xe: {  	s10 =	sshrl.u32 s8, $0x1;
	_ =	swait.ge [sflag:s3], $0x10000  }
0xf: {  	s8 =	ssub.s32 s8, s10;
	[sflag:s3] =	ssyncset.done $0x0  }
0x10: {  	s6 =	sadd.s32 s6, s9;
	s8 =	smax.u32 s8, $0x1;
	[sflag:s3] =	ssyncadd.s32 $0xFFFF0000  }
0x11: {  	[tilespmem:s2], [sflag:$0x1] =	stream.linear.gather [hbm4b:s6+s2], $0x10000, $0x38;
	[tilespmem:$0x10000] =	vst v63  }
0x12: {  	p0 =	sne.s32 s8, $0x1;
	_ =	swait.ge [sflag:s3], $0x10000  }
.Ltmp0:
0x13: {  	[sflag:s3] =	ssyncset.done $0x0;
	(pc) =	sbr.rel @!p0 .LBB2_2-.Ltmp0, $4  }
0x14: {  	s7 =	sadd.s32 s7, s9;
	[sflag:s3] =	ssyncadd.s32 $0xFFFF0000  }
0x15: {  	[hbm4b:s7+s2] =	stream.linear.scatter [tilespmem:s2], [sflag:$0x1], $0x10000, $0x38;
	[tilespmem:$0x10000] =	vst v63  }
0x16: {  	_ =	swait.ge [sflag:s3], $0x10000  }
0x17: {  	s8 =	sadd.s32 $0xFFFFFFFF, s8;
	[sflag:s3] =	ssyncset.done $0x0  }
.LBB2_1:
0x18: {  	p0 =	sne.s32 s8, $0x1;
	s8 =	sadd.s32 $0xFFFFFFFF, s8;
	[sflag:s3] =	ssyncadd.s32 $0xFFFF0000  }
0x19: {  	[tilespmem:s2], [sflag:$0x1] =	stream.linear.gather [hbm4b:s4+s2], $0x10000, $0x38;
	[tilespmem:$0x10000] =	vst v63  }
0x1a: {  	_ =	swait.ge [sflag:s3], $0x10000  }
0x1b: {  	[sflag:s3] =	ssyncset.done $0x0  }
0x1c: {  	[sflag:s3] =	ssyncadd.s32 $0xFFFF0000  }
0x1d: {  	[hbm4b:s5+s2] =	stream.linear.scatter [tilespmem:s2], [sflag:$0x1], $0x10000, $0x38;
	[tilespmem:$0x10000] =	vst v63  }
0x1e: {  	_ =	swait.ge [sflag:s3], $0x10000  }
0x1f: {  	[sflag:s3] =	ssyncset.done $0x0  }
0x20: {  	[sflag:s3] =	ssyncadd.s32 $0xFFFF0000  }
0x21: {  	[tilespmem:s2], [sflag:$0x1] =	stream.linear.gather [hbm4b:s6+s2], $0x10000, $0x38;
	[tilespmem:$0x10000] =	vst v63  }
0x22: {  	_ =	swait.ge [sflag:s3], $0x10000  }
.Ltmp1:
0x23: {  	[sflag:s3] =	ssyncset.done $0x0;
	(pc) =	sbr.rel @p0 .LBB2_1-.Ltmp1, $4  }
0x24: {  	[sflag:s3] =	ssyncadd.s32 $0xFFFF0000  }
0x25: {  	[hbm4b:s7+s2] =	stream.linear.scatter [tilespmem:s2], [sflag:$0x1], $0x10000, $0x38;
	[tilespmem:$0x10000] =	vst v63  }
0x26: {  	_ =	swait.ge [sflag:s3], $0x10000  }
0x27: {  	[sflag:s3] =	ssyncset.done $0x0  }
.LBB2_2:
0x28: {  	[sflag:s3] =	ssyncadd.s32 $0xFFFF0000  }
0x29: {  	_ =	sfence.sel $0x180000  }
0x2a: {  	[bflag:$0x0] =	sbarrier.arrive $0xFFFF  }
0x2b: {  	p0 =	sne.s32 s1, $0x0;
	_ =	strace $0x90000047  }
0x2c: {  	s0 =	sadd.s32 @!p0 $0x100000, s0;
	[bflag:$0x2] =	sbarrier.arrive $0xFFFF  }
0x2d: {  	[sflag:s0] =	ssyncadd.tile.s32 @!p0 $0x1;
	_ =	shalt  }
.Lfunc_end2:
_tile_overlayer_lowered:
.L_overlay_start_2:
0x2e: {  	(tag) =	ssettag $0x2  }
0x2f: {  	s0 =	rddreg [dreg:$0x0];
	s2 =	stileid.u32  }
0x30: {  	s1 =	rddreg [dreg:$0x1];
	p0 =	sne.s32 s2, $0x0  }
0x31: {  	s3 =	rddreg [dreg:$0x2];
	[bflag:$0x3] =	sbarrier.arrive $0xFFFF;
	s2 =	simm.s32 @!p0 $0x1C01  }
0x32: {  	[timem:s3], [sflag:s2] =	dma.local @!p0 [hbm:s0], s1  }
0x33: {  	s0 =	simm.s32 @!p0 $0x1  }
0x34: {  	_ =	swait.ge @!p0 [sflag:s0], s1  }
0x35: {  	s1 =	ssub.s32 @!p0 $0x0, s1;
	[sflag:s0] =	ssyncset.done @!p0 $0x0  }
0x36: {  	[sflag:s0] =	ssyncadd.s32 @!p0 s1  }
0x37: {  	[bflag:$0x3] =	sbarrier.arrive $0xFFFF  }
0x38: {  	_ =	shalt  }

// kernel: kernel.9.cloned.1.call-start
scs
__scs_entry_jumppad:
0x0: {  	(pc) =	sbr.rel $0x88, $3  }
0x1: {  	(tag) =	ssettag $0x0;
	lr =	simm.s32 $0x1  }
0x2: {  	[smem:$0x3F9D] =	sst lr;
	_ =	strace $0xD0000000  }
0x3: {  	_ = 	snop  }
0x4: {  	_ = 	snop  }
0x5: {  	_ = 	snop  }
0x6: {  	_ = 	snop  }
0x7: {  	_ = 	snop  }
__scs_overlays_trampoline_lowered:
0x8: {  	[smem:$0x3FAC] =	sst s0  }
0x9: {  	[smem:$0x3FAD] =	sst s1  }
0xa: {  	[smem:$0x3FAE] =	sst s2  }
0xb: {  	[smem:$0x3FAF] =	sst s3  }
0xc: {  	[smem:$0x3FB0] =	sst s4  }
0xd: {  	[smem:$0x3FB1] =	sst s5  }
0xe: {  	[smem:$0x3FB2] =	sst s6  }
0xf: {  	[smem:$0x3FB3] =	sst s7  }
0x10: {  	[smem:$0x3FB4] =	sst s8  }
0x11: {  	[smem:$0x3FB5] =	sst s9;
	s0 =	simm.s32 @!p0 $0x0  }
0x12: {  	s1 =	sld [smem:$0x3F9B];
	s0 =	simm.s32 @p0 $0x1  }
0x13: {  	[smem:$0x3FB6] =	sst s0;
	s0 =	simm.s32 @!p1 $0x0  }
0x14: {  	s2 =	sld [smem:$0x3F9A];
	s0 =	simm.s32 @p1 $0x1  }
0x15: {  	[smem:$0x3FB7] =	sst s0;
	s0 =	simm.s32 @!p2 $0x0  }
0x16: {  	s3 =	sld [smem:$0x3FDB];
	s0 =	simm.s32 @p2 $0x1  }
0x17: {  	s4 =	simm.s32 $0x1BF5;
	[smem:$0x3FB9] =	sst s0  }
0x18: {  	s0 =	sld [smem:$0x3F9C];
	_ =	swait.ge [sflag:s4], $0x0  }
0x19: {  	s7 =	sld [smem:$0x3F9D]  }
0x1a: {  	s8 =	sadd.s32 $0xFFFFE003, lr  }
0x1b: {  	s9 =	sadd.s32 $0xFFFFFEF7, lr;
	s5 =	simm.s32 $0xFFFFFFFF;
	p2 =	slt.u32 s8, $0xFFFFF086  }
0x1c: {  	p1 =	slt.u32 s9, $0xF7A;
	s5 =	simm.s32 @!p2 $0x0  }
0x1d: {  	s5 =	simm.s32 @p1 $0x1;
	p0 =	seq.s32 s7, s2  }
0x1e: {  	s7 =	smul.u32 @!p0 $0xF7A, s2;
	p2 =	seq.s32 @!p0 s5, $0x0  }
0x1f: {  	s9 =	smul.u32 $0xF7A, s1;
	s8 =	simm.s32 @!p0 $0x1BF5;
	p2 =	por !p2, p0  }
0x20: {  	[sflag:s8] =	ssyncset.s32 @!p0 $0xFFFFF086;
	s6 =	sadd.s32 @!p0 s3, s7;
	s7 =	simm.s32 @!p0 $0x108  }
0x21: {  	s3 =	sadd.s32 s3, s9;
	s6 =	sadd.s32 @!p0 $0x88, s6;
	s7 =	simm.s32 @p2 $0x1082  }
0x22: {  	[simem:s7], [sflag:s8] =	dma.local @!p0 [hbm:s6], $0xF7A  }
0x23: {  	s9 =	sor.u32 $0xD0000000, s2;
	s6 =	simm.s32 $0x108;
	_ =	swait.ge @!p0 [sflag:s8], $0x0  }
0x24: {  	s3 =	sadd.s32 $0x88, s3;
	s6 =	simm.s32 @!p1 $0x1082;
	[sflag:s4] =	ssyncset.s32 $0xFFFFF086  }
0x25: {  	[simem:s6], [sflag:s4] =	dma.local [hbm:s3], $0xF7A  }
0x26: {  	[smem:$0x3F9D] =	sst s1;
	(tag) =	ssettag s2;
	_ =	strace s9  }
0x27: {  	s1 =	sld [smem:$0x3FAD]  }
0x28: {  	s2 =	sld [smem:$0x3FAE]  }
0x29: {  	s4 =	sld [smem:$0x3FB0]  }
0x2a: {  	p0 =	seq.s32 s5, $0x0;
	s5 =	sld [smem:$0x3FB1]  }
0x2b: {  	s6 =	sld [smem:$0x3FB2]  }
0x2c: {  	s7 =	sld [smem:$0x3FB3]  }
0x2d: {  	s3 =	simm.s32 $0x108;
	s8 =	sld [smem:$0x3FB4]  }
0x2e: {  	s3 =	simm.s32 @!p0 $0x1082;
	s9 =	sld [smem:$0x3FB5]  }
0x2f: {  	lr =	sadd.s32 s0, s3;
	s0 =	sld [smem:$0x3FAC]  }
0x30: {  	s3 =	sld [smem:$0x3FAF]  }
0x31: {  	[smem:$0x3FB8] =	sst s10  }
0x32: {  	s10 =	sld [smem:$0x3FB6];
	_ =	sdelay $0x3  }
0x33: {  	p0 =	seq.s32 s10, $0x1;
	s10 =	sld [smem:$0x3FB8];
	_ =	sdelay $0x3  }
0x34: {  	[smem:$0x3FB8] =	sst s10  }
0x35: {  	s10 =	sld [smem:$0x3FB7];
	_ =	sdelay $0x3  }
0x36: {  	p1 =	seq.s32 s10, $0x1;
	s10 =	sld [smem:$0x3FB8];
	_ =	sdelay $0x3  }
0x37: {  	[smem:$0x3FB8] =	sst s10  }
0x38: {  	s10 =	sld [smem:$0x3FB9]  }
0x39: {  	_ = 	snop;
	(pc) =	sbr.ind lr, $3  }
0x3a: {  	_ = 	snop  }
0x3b: {  	_ = 	snop  }
0x3c: {  	p2 =	seq.s32 s10, $0x1;
	s10 =	sld [smem:$0x3FB8]  }
0x3d: {  	_ =	shalt  }
0x3e: {  	_ =	shalt  }
0x3f: {  	_ =	shalt  }
0x40: {  	_ =	shalt  }
0x41: {  	_ =	shalt  }
0x42: {  	_ =	shalt  }
0x43: {  	_ =	shalt  }
0x44: {  	_ =	shalt  }
0x45: {  	_ =	shalt  }
0x46: {  	_ =	shalt  }
0x47: {  	_ =	shalt  }
0x48: {  	_ =	shalt  }
0x49: {  	_ =	shalt  }
0x4a: {  	_ =	shalt  }
0x4b: {  	_ =	shalt  }
0x4c: {  	_ =	shalt  }
0x4d: {  	_ =	shalt  }
0x4e: {  	_ =	shalt  }
0x4f: {  	_ =	shalt  }
0x50: {  	_ =	shalt  }
0x51: {  	_ =	shalt  }
0x52: {  	_ =	shalt  }
0x53: {  	_ =	shalt  }
0x54: {  	_ =	shalt  }
0x55: {  	_ =	shalt  }
0x56: {  	_ =	shalt  }
0x57: {  	_ =	shalt  }
0x58: {  	_ =	shalt  }
0x59: {  	_ =	shalt  }
0x5a: {  	_ =	shalt  }
0x5b: {  	_ =	shalt  }
0x5c: {  	_ =	shalt  }
0x5d: {  	_ =	shalt  }
0x5e: {  	_ =	shalt  }
0x5f: {  	_ =	shalt  }
0x60: {  	_ =	shalt  }
0x61: {  	_ =	shalt  }
0x62: {  	_ =	shalt  }
0x63: {  	_ =	shalt  }
0x64: {  	_ =	shalt  }
0x65: {  	_ =	shalt  }
0x66: {  	_ =	shalt  }
0x67: {  	_ =	shalt  }
0x68: {  	_ =	shalt  }
0x69: {  	_ =	shalt  }
0x6a: {  	_ =	shalt  }
0x6b: {  	_ =	shalt  }
0x6c: {  	_ =	shalt  }
0x6d: {  	_ =	shalt  }
0x6e: {  	_ =	shalt  }
0x6f: {  	_ =	shalt  }
0x70: {  	_ =	shalt  }
0x71: {  	_ =	shalt  }
0x72: {  	_ =	shalt  }
0x73: {  	_ =	shalt  }
0x74: {  	_ =	shalt  }
0x75: {  	_ =	shalt  }
0x76: {  	_ =	shalt  }
0x77: {  	_ =	shalt  }
0x78: {  	_ =	shalt  }
0x79: {  	_ =	shalt  }
0x7a: {  	_ =	shalt  }
0x7b: {  	_ =	shalt  }
0x7c: {  	_ =	shalt  }
0x7d: {  	_ =	shalt  }
0x7e: {  	_ =	shalt  }
0x7f: {  	_ =	shalt  }
0x80: {  	_ =	shalt  }
0x81: {  	_ =	shalt  }
0x82: {  	_ =	shalt  }
0x83: {  	_ =	shalt  }
0x84: {  	_ =	shalt  }
0x85: {  	_ =	shalt  }
0x86: {  	_ =	shalt  }
0x87: {  	_ =	shalt  }
.Lfunc_end0:
.L_simem_size_0:
called_computation.1_lowered:
.L_overlay_start_0:
0x88: {  	s2 =	sld [smem:$0x3FD9]  }
0x89: {  	s3 =	sld [smem:$0x3FFE];
	_ =	sdelay $0x1  }
0x8a: {  	s1 =	srdreg.scid  }
0x8b: {  	s0 =	sand.u32 $0x1, s1  }
0x8c: {  	s14 =	sshll.u32 s0, $0xA;
	s2 =	sadd.s32 s3, s2  }
0x8d: {  	s2 =	sadd.s32 s2, s14  }
0x8e: {  	[smem:$0x3FC4] =	sst s2  }
0x8f: {  	_ = 	snop  }
0x90: {  	s2 =	sld [smem:$0x3FD0];
	_ =	sdelay $0x2  }
0x91: {  	s4 =	simm.s32 $0xA;
	s5 =	simm.s32 $0x10;
	s15 =	sld [smem:$0x3FC9]  }
0x92: {  	[smem:s5], [sflag:s4] =	dma.local [hbm:s2], $0x1  }
0x93: {  	_ =	swait.eq [sflag:s4], $0x1  }
0x94: {  	[sflag:s4] =	ssyncset.done $0x0  }
0x95: {  	s16 =	sld [smem:$0x10];
	[sflag:s4] =	ssyncadd.s32 $0xFFFFFFFF  }
0x96: {  	s17 =	sld [smem:$0x11];
	(tm) =	ssettm $0x1  }
0x97: {  	s18 =	sld [smem:$0x3FFB];
	_ =	sdelay $0x3  }
0x98: {  	_ =	strace s18  }
0x99: {  	s5 =	sld [smem:$0x3FFC];
	_ =	sdelay $0x3  }
0x9a: {  	_ =	strace s5  }
0x9b: {  	s5 =	sld [smem:$0x3FFD];
	_ =	sdelay $0x3  }
0x9c: {  	_ =	strace s5  }
0x9d: {  	_ =	strace $0x8FFFFFFF  }
0x9e: {  	s19 =	sld [smem:$0x3FDB];
	_ =	sdelay $0x1  }
0x9f: {  	s6 =	simm.s32 $_scs_section_size  }
0xa0: {  	s7 =	simm.s32 $_size__tile_overlayer_lowered;
	s8 =	simm.s32 $_tile_overlayer_lowered  }
0xa1: {  	s22 =	simm.s32 $0x1BFF;
	s21 =	sshll.u32 s8, $0x1;
	s5 =	sadd.s32 s6, s19  }
0xa2: {  	s9 =	simm.s32 $0x0;
	s20 =	sshll.u32 s7, $0x1;
	s7 =	sadd.s32 s21, s5  }
0xa3: {  	[timem:s9], [sflag:s22] =	dma.local [hbm:s7], s20  }
0xa4: {  	_ =	swait.ge [sflag:s22], s20  }
0xa5: {  	s6 =	ssub.s32 $0x0, s20;
	[sflag:s22] =	ssyncset.done $0x0  }
0xa6: {  	[sflag:s22] =	ssyncadd.s32 s6;
	_ =	sdelay $0x1  }
0xa7: {  	s23 =	simm.s32 $0x1B8B  }
0xa8: {  	_ =	swait.ge [sflag:s23], $0x1  }
0xa9: {  	[sflag:s23] =	ssyncset.done $0x0  }
0xaa: {  	s25 =	simm.s32 $0x1B8E;
	s24 =	sld [smem:$0x3FFE];
	[sflag:s23] =	ssyncadd.s32 $0xFFFFFFFF  }
0xab: {  	s26 =	simm.s32 $execute0_lowered;
	[smem:$0x3FD2] =	sst s25  }
0xac: {  	s7 =	sshll.u32 s26, $0x1;
	_ =	strace $0x80000049;
	[dreg:$0x1] =	wrdreg $0xFFFFFFFF  }
0xad: {  	s28 =	simm.s32 $_size_execute0_lowered;
	s5 =	sadd.s32 s5, s7;
	[dreg:$0x0] =	wrdreg $0x0  }
0xae: {  	s7 =	sshll.u32 s28, $0x1;
	[dreg:$0x2] =	wrdreg s5  }
0xaf: {  	[dreg:$0x3] =	wrdreg s7  }
0xb0: {  	[dreg:$0x4] =	wrdreg $0xC0  }
0xb1: {  	_ =	task [dreg:s9], $0x5FFFF  }
0xb2: {  	[dreg:$0x1] =	wrdreg $0xFFFFFFFF  }
0xb3: {  	[dreg:$0x0] =	wrdreg $0x60  }
0xb4: {  	[dreg:$0x2] =	wrdreg s15  }
0xb5: {  	[dreg:$0x3] =	wrdreg s24  }
0xb6: {  	[dreg:$0x4] =	wrdreg s16  }
0xb7: {  	[dreg:$0x5] =	wrdreg s17  }
0xb8: {  	[dreg:$0x6] =	wrdreg $0x9  }
0xb9: {  	_ =	task.clear_ibuf [dreg:s9], $0x7FFFF;
	_ =	strace $0x90000049  }
0xba: {  	s29 =	simm.s32 $0x9;
	_ =	strace $0x8000004B  }
0xbb: {  	_ =	swait.ge [sflag:s29], $0x1  }
0xbc: {  	[sflag:s29] =	ssyncadd.s32 $0xFFFFFFFF  }
0xbd: {  	_ =	strace $0x9000004B  }
0xbe: {  	_ =	sfence  }
0xbf: {  	s30 =	sld [smem:$0x0];
	_ =	sdelay $0x2  }
0xc0: {  	s31 =	sshll.u32 s1, $0xD;
	s1 =	sshrl.u32 s1, $0x2  }
0xc1: {  	s3 =	sand.u32 $0x4000, s31;
	s1 =	sadd.s32 s1, s30  }
0xc2: {  	s0 =	sor.u32 s3, s0;
	s1 =	sshll.u32 s1, $0x11  }
0xc3: {  	s0 =	sor.u32 s1, s0  }
0xc4: {  	s0 =	sadd.s32 $0x8F2B, s0  }
0xc5: {  	[sflag:s0] =	ssyncadd.remote.s32 $0x1  }
0xc6: {  	_ =	sfence.sel $0xFFFF  }
0xc7: {  	[dreg:$0x0] =	wrdreg $0xFFFFFFFF;
	(pc) =	sbr.abs _section_cstart, $3  }
0xc8: {  	[dreg:$0x1] =	wrdreg $0xFFFFFFFF  }
0xc9: {  	_ =	task.clear_ibuf [dreg:s9], $0x2FFFF;
	_ =	strace $0x9FFFFFFF  }
0xca: {  	(tm) =	ssettm $0x7FFFFFFF  }
0xcb: {  	_ =	shalt  }
tec
execute0_lowered:
.L_overlay_start_1:
0x0: {  	(tag) =	ssettag $0x1  }
0x1: {  	s1 =	rddreg [dreg:$0x0]  }
0x2: {  	s0 =	rddreg [dreg:$0x1]  }
0x3: {  	s2 =	srdreg.scid;
	s3 =	rddreg [dreg:$0x2]  }
0x4: {  	s5 =	stileid.u32;
	s4 =	rddreg [dreg:$0x3];
	s26 =	simm.s32 $0x200  }
0x5: {  	s17 =	simm.s32 $0x1;
	s18 =	simm.s32 $0x2;
	s23 =	simm.s32 $0x2400  }
0x6: {  	s28 =	simm.s32 $0x4400;
	s29 =	simm.s32 $0x4C00;
	s30 =	simm.s32 $0x5400  }
0x7: {  	s31 =	simm.s32 $0x5C00;
	s2 =	sand.u32 $0x1, s2;
	s6 =	sshll.u32 s5, $0x7  }
0x8: {  	s5 =	simm.s32 $0x0;
	s8 =	sadd.s32 $0x300, s1;
	s9 =	sadd.s32 $0x100, s3  }
0x9: {  	s10 =	sadd.s32 $0x200, s3;
	s11 =	sadd.s32 $0x300, s3;
	s12 =	sadd.s32 $0x100, s4  }
0xa: {  	s13 =	sadd.s32 $0x200, s4;
	s14 =	sadd.s32 $0x300, s4;
	s7 =	sshll.u32 s2, $0x6  }
0xb: {  	[smem:$0x7FF] =	sst s5;
	s2 =	ssub.s32 $0x2, s2;
	s6 =	sor.u32 s7, s6  }
0xc: {  	_ =	strace $0x8000004A;
	s24 =	sshrl.u32 s2, $0x1;
	s7 =	sadd.s32 $0x200, s1  }
0xd: {  	[dreg:$0x7] =	wrdreg s26;
	s26 =	simm.s32 $0x3C00;
	s0 =	sadd.s32 s6, s0  }
0xe: {  	v2 =	vlaneseq.u32;
	s2 =	ssub.s32 s2, s24;
	s6 =	sadd.s32 $0x100, s1;
	s25 =	sadd.s32 $0x1200, s0  }
0xf: {  	vm0 =	vmmov $0xffff;
	v1 =	vshrl.u32 v2, $0x3;
	s24 =	simm.s32 $0x2C00;
	s0 =	sadd.s32 $0xA00, s0;
	[dreg:$0x5] =	wrdreg s25  }
0x10: {  	v0 =	vand.u32 $0x7, v2;
	v2 =	vor.u32 $0x8, v2;
	v1 =	vmul.u32 $0x8, v1;
	s15 =	smax.u32 s2, $0x1;
	[dreg:$0x6] =	wrdreg s0;
	s25 =	simm.s32 $0x3400  }
.LBB2_1:
0x11: {  	s19 =	rddreg [dreg:$0x5];
	s0 =	simm.s32 $0x3  }
0x12: {  	[tilespmem:s5], [sflag:$0x3] =	stream.linear.gather [hbm4b:s19+s5], $0x200, $0x38;
	[tilespmem:$0x10400] =	vst v63  }
0x13: {  	_ =	swait.ge [sflag:s0], $0x200  }
0x14: {  	s2 =	rddreg [dreg:$0x6];
	[sflag:s0] =	ssyncset.done $0x0  }
0x15: {  	s20 =	rddreg [dreg:$0x7];
	[sflag:s0] =	ssyncadd.s32 $0xFFFFFE00  }
0x16: {  	[tilespmem:s20], [sflag:$0x3] =	stream.linear.gather [hbm4b:s2+s5], $0x200, $0x38;
	[tilespmem:$0x10400] =	vst v63  }
0x17: {  	_ =	swait.ge [sflag:s0], $0x200  }
0x18: {  	[sflag:s0] =	ssyncset.done $0x0  }
0x19: {  	[sflag:s0] =	ssyncadd.s32 $0xFFFFFE00  }
0x1a: {  	v3 =	vld [tilespmem:$0x0];
	_ =	sdelay $0x4  }
0x1b: {  	v4 =	vshll.u32 v3, $0x3  }
0x1c: {  	v3 =	vand.u32 $0x7, v3;
	v4 =	vand.u32 $0xFFFFFFC0, v4  }
0x1d: {  	v3 =	vor.u32 v3, v4  }
0x1e: {  	v4 =	vperm.xlane v3, v0;
	_ =	sdelay $0x1  }
0x1f: {  	v4 =	vadd.s32 v1, v4;
	_ =	sdelay $0x3  }
0x20: {  	s19 =	simm.s32 $0x400;
	s3 =	rddreg [dreg:$0x0]  }
0x21: {  	[tilespmem:s19], [sflag:$0x1] =	stream.indirect_vreg.gather [hbm4b:s3+s5], $0x80, v4, vm0, $0xb8;
	[tilespmem:$0x10400] =	vst v63  }
0x22: {  	s20 =	simm.s32 $0xC00;
	v3 =	vperm.xlane v3, v2  }
0x23: {  	[tilespmem:s20], [sflag:$0x1] =	stream.indirect_vreg.gather [hbm4b:s6+s5], $0x80, v4, vm0, $0xb8;
	[tilespmem:$0x10400] =	vst v63  }
0x24: {  	s21 =	simm.s32 $0x1400;
	v3 =	vadd.s32 v1, v3  }
0x25: {  	[tilespmem:s21], [sflag:$0x1] =	stream.indirect_vreg.gather [hbm4b:s7+s5], $0x80, v4, vm0, $0xb8;
	[tilespmem:$0x10400] =	vst v63  }
0x26: {  	s22 =	simm.s32 $0x1C00  }
0x27: {  	[tilespmem:s22], [sflag:$0x1] =	stream.indirect_vreg.gather [hbm4b:s8+s5], $0x80, v4, vm0, $0xb8;
	[tilespmem:$0x10400] =	vst v63  }
0x28: {  	_ = 	snop  }
0x29: {  	[tilespmem:s23], [sflag:$0x1] =	stream.indirect_vreg.gather [hbm4b:s3+s5], $0x80, v3, vm0, $0xb8;
	[tilespmem:$0x10400] =	vst v63  }
0x2a: {  	_ = 	snop  }
0x2b: {  	[tilespmem:s24], [sflag:$0x1] =	stream.indirect_vreg.gather [hbm4b:s6+s5], $0x80, v3, vm0, $0xb8;
	[tilespmem:$0x10400] =	vst v63  }
0x2c: {  	_ = 	snop  }
0x2d: {  	[tilespmem:s25], [sflag:$0x1] =	stream.indirect_vreg.gather [hbm4b:s7+s5], $0x80, v3, vm0, $0xb8;
	[tilespmem:$0x10400] =	vst v63  }
0x2e: {  	_ = 	snop  }
0x2f: {  	[tilespmem:s26], [sflag:$0x1] =	stream.indirect_vreg.gather [hbm4b:s8+s5], $0x80, v3, vm0, $0xb8;
	[tilespmem:$0x10400] =	vst v63  }
0x30: {  	v3 =	vld [tilespmem:$0x80];
	_ =	sdelay $0x4  }
0x31: {  	v53 =	vshll.u32 v3, $0x3  }
0x32: {  	v3 =	vand.u32 $0x7, v3;
	v4 =	vand.u32 $0xFFFFFFC0, v53  }
0x33: {  	v3 =	vor.u32 v3, v4  }
0x34: {  	v4 =	vperm.xlane v3, v0;
	_ =	sdelay $0x1  }
0x35: {  	v4 =	vadd.s32 v1, v4;
	_ =	sdelay $0x4  }
0x36: {  	[tilespmem:s28], [sflag:$0x1] =	stream.indirect_vreg.gather [hbm4b:s3+s5], $0x80, v4, vm0, $0xb8;
	[tilespmem:$0x10400] =	vst v63  }
0x37: {  	v3 =	vperm.xlane v3, v2  }
0x38: {  	[tilespmem:s29], [sflag:$0x1] =	stream.indirect_vreg.gather [hbm4b:s6+s5], $0x80, v4, vm0, $0xb8;
	[tilespmem:$0x10400] =	vst v63  }
0x39: {  	v3 =	vadd.s32 v1, v3  }
0x3a: {  	[tilespmem:s30], [sflag:$0x1] =	stream.indirect_vreg.gather [hbm4b:s7+s5], $0x80, v4, vm0, $0xb8;
	[tilespmem:$0x10400] =	vst v63  }
0x3b: {  	_ = 	snop  }
0x3c: {  	[tilespmem:s31], [sflag:$0x1] =	stream.indirect_vreg.gather [hbm4b:s8+s5], $0x80, v4, vm0, $0xb8;
	[tilespmem:$0x10400] =	vst v63  }
0x3d: {  	s2 =	simm.s32 $0x6400  }
0x3e: {  	[tilespmem:s2], [sflag:$0x1] =	stream.indirect_vreg.gather [hbm4b:s3+s5], $0x80, v3, vm0, $0xb8;
	[tilespmem:$0x10400] =	vst v63  }
0x3f: {  	s4 =	simm.s32 $0x6C00  }
0x40: {  	[tilespmem:s4], [sflag:$0x1] =	stream.indirect_vreg.gather [hbm4b:s6+s5], $0x80, v3, vm0, $0xb8;
	[tilespmem:$0x10400] =	vst v63  }
0x41: {  	s16 =	simm.s32 $0x7400  }
0x42: {  	[tilespmem:s16], [sflag:$0x1] =	stream.indirect_vreg.gather [hbm4b:s7+s5], $0x80, v3, vm0, $0xb8;
	[tilespmem:$0x10400] =	vst v63  }
0x43: {  	s1 =	simm.s32 $0x7C00  }
0x44: {  	[tilespmem:s1], [sflag:$0x1] =	stream.indirect_vreg.gather [hbm4b:s8+s5], $0x80, v3, vm0, $0xb8;
	[tilespmem:$0x10400] =	vst v63  }
0x45: {  	v3 =	vld [tilespmem:$0x100];
	_ =	sdelay $0x4  }
0x46: {  	v54 =	vshll.u32 v3, $0x3  }
0x47: {  	v3 =	vand.u32 $0x7, v3;
	v4 =	vand.u32 $0xFFFFFFC0, v54  }
0x48: {  	v3 =	vor.u32 v3, v4  }
0x49: {  	v4 =	vperm.xlane v3, v0;
	_ =	sdelay $0x1  }
0x4a: {  	v4 =	vadd.s32 v1, v4;
	_ =	sdelay $0x3  }
0x4b: {  	s0 =	simm.s32 $0x8400  }
0x4c: {  	[tilespmem:s0], [sflag:$0x1] =	stream.indirect_vreg.gather [hbm4b:s3+s5], $0x80, v4, vm0, $0xb8;
	[tilespmem:$0x10400] =	vst v63  }
0x4d: {  	v3 =	vperm.xlane v3, v2;
	s0 =	simm.s32 $0x8C00  }
0x4e: {  	[tilespmem:s0], [sflag:$0x1] =	stream.indirect_vreg.gather [hbm4b:s6+s5], $0x80, v4, vm0, $0xb8;
	[tilespmem:$0x10400] =	vst v63  }
0x4f: {  	v3 =	vadd.s32 v1, v3;
	s0 =	simm.s32 $0x9400  }
0x50: {  	[tilespmem:s0], [sflag:$0x1] =	stream.indirect_vreg.gather [hbm4b:s7+s5], $0x80, v4, vm0, $0xb8;
	[tilespmem:$0x10400] =	vst v63  }
0x51: {  	s0 =	simm.s32 $0x9C00  }
0x52: {  	[tilespmem:s0], [sflag:$0x1] =	stream.indirect_vreg.gather [hbm4b:s8+s5], $0x80, v4, vm0, $0xb8;
	[tilespmem:$0x10400] =	vst v63  }
0x53: {  	s0 =	simm.s32 $0xA400  }
0x54: {  	[tilespmem:s0], [sflag:$0x1] =	stream.indirect_vreg.gather [hbm4b:s3+s5], $0x80, v3, vm0, $0xb8;
	[tilespmem:$0x10400] =	vst v63  }
0x55: {  	s0 =	simm.s32 $0xAC00  }
0x56: {  	[tilespmem:s0], [sflag:$0x1] =	stream.indirect_vreg.gather [hbm4b:s6+s5], $0x80, v3, vm0, $0xb8;
	[tilespmem:$0x10400] =	vst v63  }
0x57: {  	s0 =	simm.s32 $0xB400  }
0x58: {  	[tilespmem:s0], [sflag:$0x1] =	stream.indirect_vreg.gather [hbm4b:s7+s5], $0x80, v3, vm0, $0xb8;
	[tilespmem:$0x10400] =	vst v63  }
0x59: {  	s0 =	simm.s32 $0xBC00  }
0x5a: {  	[tilespmem:s0], [sflag:$0x1] =	stream.indirect_vreg.gather [hbm4b:s8+s5], $0x80, v3, vm0, $0xb8;
	[tilespmem:$0x10400] =	vst v63  }
0x5b: {  	v3 =	vld [tilespmem:$0x180];
	_ =	sdelay $0x4  }
0x5c: {  	v55 =	vshll.u32 v3, $0x3  }
0x5d: {  	v3 =	vand.u32 $0x7, v3;
	v4 =	vand.u32 $0xFFFFFFC0, v55  }
0x5e: {  	v3 =	vor.u32 v3, v4  }
0x5f: {  	v4 =	vperm.xlane v3, v0;
	_ =	sdelay $0x1  }
0x60: {  	v4 =	vadd.s32 v1, v4;
	_ =	sdelay $0x3  }
0x61: {  	s0 =	simm.s32 $0xC400  }
0x62: {  	[tilespmem:s0], [sflag:$0x1] =	stream.indirect_vreg.gather [hbm4b:s3+s5], $0x80, v4, vm0, $0xb8;
	[tilespmem:$0x10400] =	vst v63  }
0x63: {  	v3 =	vperm.xlane v3, v2;
	s0 =	simm.s32 $0xCC00  }
0x64: {  	[tilespmem:s0], [sflag:$0x1] =	stream.indirect_vreg.gather [hbm4b:s6+s5], $0x80, v4, vm0, $0xb8;
	[tilespmem:$0x10400] =	vst v63  }
0x65: {  	v3 =	vadd.s32 v1, v3;
	s0 =	simm.s32 $0xD400  }
0x66: {  	[tilespmem:s0], [sflag:$0x1] =	stream.indirect_vreg.gather [hbm4b:s7+s5], $0x80, v4, vm0, $0xb8;
	[tilespmem:$0x10400] =	vst v63  }
0x67: {  	s0 =	simm.s32 $0xDC00  }
0x68: {  	[tilespmem:s0], [sflag:$0x1] =	stream.indirect_vreg.gather [hbm4b:s8+s5], $0x80, v4, vm0, $0xb8;
	[tilespmem:$0x10400] =	vst v63  }
0x69: {  	s0 =	simm.s32 $0xE400  }
0x6a: {  	[tilespmem:s0], [sflag:$0x1] =	stream.indirect_vreg.gather [hbm4b:s3+s5], $0x80, v3, vm0, $0xb8;
	[tilespmem:$0x10400] =	vst v63  }
0x6b: {  	s3 =	simm.s32 $0xEC00  }
0x6c: {  	[tilespmem:s3], [sflag:$0x1] =	stream.indirect_vreg.gather [hbm4b:s6+s5], $0x80, v3, vm0, $0xb8;
	[tilespmem:$0x10400] =	vst v63  }
0x6d: {  	s3 =	simm.s32 $0xF400  }
0x6e: {  	[tilespmem:s3], [sflag:$0x1] =	stream.indirect_vreg.gather [hbm4b:s7+s5], $0x80, v3, vm0, $0xb8;
	[tilespmem:$0x10400] =	vst v63  }
0x6f: {  	s3 =	simm.s32 $0xFC00  }
0x70: {  	[tilespmem:s3], [sflag:$0x1] =	stream.indirect_vreg.gather [hbm4b:s8+s5], $0x80, v3, vm0, $0xb8;
	[tilespmem:$0x10400] =	vst v63  }
0x71: {  	_ =	swait.ge [sflag:s17], $0x4000  }
0x72: {  	[sflag:s17] =	ssyncset.done $0x0  }
0x73: {  	[sflag:s17] =	ssyncadd.s32 $0xFFFFC000  }
0x74: {  	v3 =	vld [tilespmem:$0x200];
	_ =	sdelay $0x4  }
0x75: {  	v56 =	vshll.u32 v3, $0x3  }
0x76: {  	v3 =	vand.u32 $0x7, v3;
	v4 =	vand.u32 $0xFFFFFFC0, v56  }
0x77: {  	v3 =	vor.u32 v3, v4  }
0x78: {  	v4 =	vperm.xlane v3, v0;
	_ =	sdelay $0x1  }
0x79: {  	v4 =	vadd.s32 v1, v4;
	_ =	sdelay $0x3  }
0x7a: {  	s3 =	rddreg [dreg:$0x2]  }
0x7b: {  	[hbm4b:s3+s5] =	stream.indirect_vreg.scatter [tilespmem:s19], [sflag:$0x2], $0x80, v4, vm0, $0xb8;
	[tilespmem:$0x10400] =	vst v63  }
0x7c: {  	v3 =	vperm.xlane v3, v2  }
0x7d: {  	[hbm4b:s9+s5] =	stream.indirect_vreg.scatter [tilespmem:s20], [sflag:$0x2], $0x80, v4, vm0, $0xb8;
	[tilespmem:$0x10400] =	vst v63  }
0x7e: {  	v3 =	vadd.s32 v1, v3  }
0x7f: {  	[hbm4b:s10+s5] =	stream.indirect_vreg.scatter [tilespmem:s21], [sflag:$0x2], $0x80, v4, vm0, $0xb8;
	[tilespmem:$0x10400] =	vst v63  }
0x80: {  	_ = 	snop  }
0x81: {  	[hbm4b:s11+s5] =	stream.indirect_vreg.scatter [tilespmem:s22], [sflag:$0x2], $0x80, v4, vm0, $0xb8;
	[tilespmem:$0x10400] =	vst v63  }
0x82: {  	_ = 	snop  }
0x83: {  	[hbm4b:s3+s5] =	stream.indirect_vreg.scatter [tilespmem:s23], [sflag:$0x2], $0x80, v3, vm0, $0xb8;
	[tilespmem:$0x10400] =	vst v63  }
0x84: {  	_ = 	snop  }
0x85: {  	[hbm4b:s9+s5] =	stream.indirect_vreg.scatter [tilespmem:s24], [sflag:$0x2], $0x80, v3, vm0, $0xb8;
	[tilespmem:$0x10400] =	vst v63  }
0x86: {  	_ = 	snop  }
0x87: {  	[hbm4b:s10+s5] =	stream.indirect_vreg.scatter [tilespmem:s25], [sflag:$0x2], $0x80, v3, vm0, $0xb8;
	[tilespmem:$0x10400] =	vst v63  }
0x88: {  	_ = 	snop  }
0x89: {  	[hbm4b:s11+s5] =	stream.indirect_vreg.scatter [tilespmem:s26], [sflag:$0x2], $0x80, v3, vm0, $0xb8;
	[tilespmem:$0x10400] =	vst v63  }
0x8a: {  	v3 =	vld [tilespmem:$0x200];
	_ =	sdelay $0x4  }
0x8b: {  	v57 =	vshll.u32 v3, $0x3  }
0x8c: {  	v3 =	vand.u32 $0x7, v3;
	v4 =	vand.u32 $0xFFFFFFC0, v57  }
0x8d: {  	v3 =	vor.u32 v3, v4  }
0x8e: {  	v4 =	vperm.xlane v3, v0;
	_ =	sdelay $0x1  }
0x8f: {  	v4 =	vadd.s32 v1, v4;
	_ =	sdelay $0x3  }
0x90: {  	s0 =	rddreg [dreg:$0x3]  }
0x91: {  	[hbm4b:s0+s5] =	stream.indirect_vreg.scatter [tilespmem:s19], [sflag:$0x2], $0x80, v4, vm0, $0xb8;
	[tilespmem:$0x10400] =	vst v63  }
0x92: {  	v3 =	vperm.xlane v3, v2  }
0x93: {  	[hbm4b:s12+s5] =	stream.indirect_vreg.scatter [tilespmem:s20], [sflag:$0x2], $0x80, v4, vm0, $0xb8;
	[tilespmem:$0x10400] =	vst v63  }
0x94: {  	v3 =	vadd.s32 v1, v3  }
0x95: {  	[hbm4b:s13+s5] =	stream.indirect_vreg.scatter [tilespmem:s21], [sflag:$0x2], $0x80, v4, vm0, $0xb8;
	[tilespmem:$0x10400] =	vst v63  }
0x96: {  	_ = 	snop  }
0x97: {  	[hbm4b:s14+s5] =	stream.indirect_vreg.scatter [tilespmem:s22], [sflag:$0x2], $0x80, v4, vm0, $0xb8;
	[tilespmem:$0x10400] =	vst v63  }
0x98: {  	_ = 	snop  }
0x99: {  	[hbm4b:s0+s5] =	stream.indirect_vreg.scatter [tilespmem:s23], [sflag:$0x2], $0x80, v3, vm0, $0xb8;
	[tilespmem:$0x10400] =	vst v63  }
0x9a: {  	_ = 	snop  }
0x9b: {  	[hbm4b:s12+s5] =	stream.indirect_vreg.scatter [tilespmem:s24], [sflag:$0x2], $0x80, v3, vm0, $0xb8;
	[tilespmem:$0x10400] =	vst v63  }
0x9c: {  	_ = 	snop  }
0x9d: {  	[hbm4b:s13+s5] =	stream.indirect_vreg.scatter [tilespmem:s25], [sflag:$0x2], $0x80, v3, vm0, $0xb8;
	[tilespmem:$0x10400] =	vst v63  }
0x9e: {  	_ = 	snop  }
0x9f: {  	[hbm4b:s14+s5] =	stream.indirect_vreg.scatter [tilespmem:s26], [sflag:$0x2], $0x80, v3, vm0, $0xb8;
	[tilespmem:$0x10400] =	vst v63  }
0xa0: {  	_ =	swait.ge [sflag:s17], $0x4000  }
0xa1: {  	[sflag:s17] =	ssyncset.done $0x0  }
0xa2: {  	[sflag:s17] =	ssyncadd.s32 $0xFFFFC000  }
0xa3: {  	v3 =	vld [tilespmem:$0x280];
	_ =	sdelay $0x4  }
0xa4: {  	v58 =	vshll.u32 v3, $0x3  }
0xa5: {  	v3 =	vand.u32 $0x7, v3;
	v4 =	vand.u32 $0xFFFFFFC0, v58  }
0xa6: {  	v3 =	vor.u32 v3, v4  }
0xa7: {  	v4 =	vperm.xlane v3, v0;
	_ =	sdelay $0x1  }
0xa8: {  	v4 =	vadd.s32 v1, v4;
	_ =	sdelay $0x4  }
0xa9: {  	[hbm4b:s3+s5] =	stream.indirect_vreg.scatter [tilespmem:s28], [sflag:$0x2], $0x80, v4, vm0, $0xb8;
	[tilespmem:$0x10400] =	vst v63  }
0xaa: {  	v3 =	vperm.xlane v3, v2  }
0xab: {  	[hbm4b:s9+s5] =	stream.indirect_vreg.scatter [tilespmem:s29], [sflag:$0x2], $0x80, v4, vm0, $0xb8;
	[tilespmem:$0x10400] =	vst v63  }
0xac: {  	v3 =	vadd.s32 v1, v3  }
0xad: {  	[hbm4b:s10+s5] =	stream.indirect_vreg.scatter [tilespmem:s30], [sflag:$0x2], $0x80, v4, vm0, $0xb8;
	[tilespmem:$0x10400] =	vst v63  }
0xae: {  	_ = 	snop  }
0xaf: {  	[hbm4b:s11+s5] =	stream.indirect_vreg.scatter [tilespmem:s31], [sflag:$0x2], $0x80, v4, vm0, $0xb8;
	[tilespmem:$0x10400] =	vst v63  }
0xb0: {  	_ = 	snop  }
0xb1: {  	[hbm4b:s3+s5] =	stream.indirect_vreg.scatter [tilespmem:s2], [sflag:$0x2], $0x80, v3, vm0, $0xb8;
	[tilespmem:$0x10400] =	vst v63  }
0xb2: {  	_ = 	snop  }
0xb3: {  	[hbm4b:s9+s5] =	stream.indirect_vreg.scatter [tilespmem:s4], [sflag:$0x2], $0x80, v3, vm0, $0xb8;
	[tilespmem:$0x10400] =	vst v63  }
0xb4: {  	_ = 	snop  }
0xb5: {  	[hbm4b:s10+s5] =	stream.indirect_vreg.scatter [tilespmem:s16], [sflag:$0x2], $0x80, v3, vm0, $0xb8;
	[tilespmem:$0x10400] =	vst v63  }
0xb6: {  	_ = 	snop  }
0xb7: {  	[hbm4b:s11+s5] =	stream.indirect_vreg.scatter [tilespmem:s1], [sflag:$0x2], $0x80, v3, vm0, $0xb8;
	[tilespmem:$0x10400] =	vst v63  }
0xb8: {  	v3 =	vld [tilespmem:$0x280];
	_ =	sdelay $0x4  }
0xb9: {  	v59 =	vshll.u32 v3, $0x3  }
0xba: {  	v3 =	vand.u32 $0x7, v3;
	v4 =	vand.u32 $0xFFFFFFC0, v59  }
0xbb: {  	v3 =	vor.u32 v3, v4  }
0xbc: {  	v4 =	vperm.xlane v3, v0;
	_ =	sdelay $0x1  }
0xbd: {  	v4 =	vadd.s32 v1, v4;
	_ =	sdelay $0x4  }
0xbe: {  	[hbm4b:s0+s5] =	stream.indirect_vreg.scatter [tilespmem:s28], [sflag:$0x2], $0x80, v4, vm0, $0xb8;
	[tilespmem:$0x10400] =	vst v63  }
0xbf: {  	v3 =	vperm.xlane v3, v2  }
0xc0: {  	[hbm4b:s12+s5] =	stream.indirect_vreg.scatter [tilespmem:s29], [sflag:$0x2], $0x80, v4, vm0, $0xb8;
	[tilespmem:$0x10400] =	vst v63  }
0xc1: {  	v3 =	vadd.s32 v1, v3  }
0xc2: {  	[hbm4b:s13+s5] =	stream.indirect_vreg.scatter [tilespmem:s30], [sflag:$0x2], $0x80, v4, vm0, $0xb8;
	[tilespmem:$0x10400] =	vst v63  }
0xc3: {  	_ = 	snop  }
0xc4: {  	[hbm4b:s14+s5] =	stream.indirect_vreg.scatter [tilespmem:s31], [sflag:$0x2], $0x80, v4, vm0, $0xb8;
	[tilespmem:$0x10400] =	vst v63  }
0xc5: {  	_ = 	snop  }
0xc6: {  	[hbm4b:s0+s5] =	stream.indirect_vreg.scatter [tilespmem:s2], [sflag:$0x2], $0x80, v3, vm0, $0xb8;
	[tilespmem:$0x10400] =	vst v63  }
0xc7: {  	_ = 	snop  }
0xc8: {  	[hbm4b:s12+s5] =	stream.indirect_vreg.scatter [tilespmem:s4], [sflag:$0x2], $0x80, v3, vm0, $0xb8;
	[tilespmem:$0x10400] =	vst v63  }
0xc9: {  	_ = 	snop  }
0xca: {  	[hbm4b:s13+s5] =	stream.indirect_vreg.scatter [tilespmem:s16], [sflag:$0x2], $0x80, v3, vm0, $0xb8;
	[tilespmem:$0x10400] =	vst v63  }
0xcb: {  	_ = 	snop  }
0xcc: {  	[hbm4b:s14+s5] =	stream.indirect_vreg.scatter [tilespmem:s1], [sflag:$0x2], $0x80, v3, vm0, $0xb8;
	[tilespmem:$0x10400] =	vst v63  }
0xcd: {  	_ =	swait.ge [sflag:s17], $0x4000  }
0xce: {  	[sflag:s17] =	ssyncset.done $0x0  }
0xcf: {  	[sflag:s17] =	ssyncadd.s32 $0xFFFFC000  }
0xd0: {  	v3 =	vld [tilespmem:$0x300];
	_ =	sdelay $0x4  }
0xd1: {  	v60 =	vshll.u32 v3, $0x3  }
0xd2: {  	v3 =	vand.u32 $0x7, v3;
	v4 =	vand.u32 $0xFFFFFFC0, v60  }
0xd3: {  	v3 =	vor.u32 v3, v4  }
0xd4: {  	v4 =	vperm.xlane v3, v0;
	_ =	sdelay $0x1  }
0xd5: {  	v4 =	vadd.s32 v1, v4;
	_ =	sdelay $0x3  }
0xd6: {  	s20 =	simm.s32 $0x8400  }
0xd7: {  	[hbm4b:s3+s5] =	stream.indirect_vreg.scatter [tilespmem:s20], [sflag:$0x2], $0x80, v4, vm0, $0xb8;
	[tilespmem:$0x10400] =	vst v63  }
0xd8: {  	s21 =	simm.s32 $0x8C00;
	v3 =	vperm.xlane v3, v2  }
0xd9: {  	[hbm4b:s9+s5] =	stream.indirect_vreg.scatter [tilespmem:s21], [sflag:$0x2], $0x80, v4, vm0, $0xb8;
	[tilespmem:$0x10400] =	vst v63  }
0xda: {  	s1 =	simm.s32 $0x9400;
	v3 =	vadd.s32 v1, v3  }
0xdb: {  	[hbm4b:s10+s5] =	stream.indirect_vreg.scatter [tilespmem:s1], [sflag:$0x2], $0x80, v4, vm0, $0xb8;
	[tilespmem:$0x10400] =	vst v63  }
0xdc: {  	s2 =	simm.s32 $0x9C00  }
0xdd: {  	[hbm4b:s11+s5] =	stream.indirect_vreg.scatter [tilespmem:s2], [sflag:$0x2], $0x80, v4, vm0, $0xb8;
	[tilespmem:$0x10400] =	vst v63  }
0xde: {  	s4 =	simm.s32 $0xA400  }
0xdf: {  	[hbm4b:s3+s5] =	stream.indirect_vreg.scatter [tilespmem:s4], [sflag:$0x2], $0x80, v3, vm0, $0xb8;
	[tilespmem:$0x10400] =	vst v63  }
0xe0: {  	s16 =	simm.s32 $0xAC00  }
0xe1: {  	[hbm4b:s9+s5] =	stream.indirect_vreg.scatter [tilespmem:s16], [sflag:$0x2], $0x80, v3, vm0, $0xb8;
	[tilespmem:$0x10400] =	vst v63  }
0xe2: {  	s19 =	simm.s32 $0xB400  }
0xe3: {  	[hbm4b:s10+s5] =	stream.indirect_vreg.scatter [tilespmem:s19], [sflag:$0x2], $0x80, v3, vm0, $0xb8;
	[tilespmem:$0x10400] =	vst v63  }
0xe4: {  	s22 =	simm.s32 $0xBC00  }
0xe5: {  	[hbm4b:s11+s5] =	stream.indirect_vreg.scatter [tilespmem:s22], [sflag:$0x2], $0x80, v3, vm0, $0xb8;
	[tilespmem:$0x10400] =	vst v63  }
0xe6: {  	v3 =	vld [tilespmem:$0x300];
	_ =	sdelay $0x4  }
0xe7: {  	v61 =	vshll.u32 v3, $0x3  }
0xe8: {  	v3 =	vand.u32 $0x7, v3;
	v4 =	vand.u32 $0xFFFFFFC0, v61  }
0xe9: {  	v3 =	vor.u32 v3, v4  }
0xea: {  	v4 =	vperm.xlane v3, v0;
	_ =	sdelay $0x1  }
0xeb: {  	v4 =	vadd.s32 v1, v4;
	_ =	sdelay $0x4  }
0xec: {  	[hbm4b:s0+s5] =	stream.indirect_vreg.scatter [tilespmem:s20], [sflag:$0x2], $0x80, v4, vm0, $0xb8;
	[tilespmem:$0x10400] =	vst v63  }
0xed: {  	v3 =	vperm.xlane v3, v2  }
0xee: {  	[hbm4b:s12+s5] =	stream.indirect_vreg.scatter [tilespmem:s21], [sflag:$0x2], $0x80, v4, vm0, $0xb8;
	[tilespmem:$0x10400] =	vst v63  }
0xef: {  	v3 =	vadd.s32 v1, v3  }
0xf0: {  	[hbm4b:s13+s5] =	stream.indirect_vreg.scatter [tilespmem:s1], [sflag:$0x2], $0x80, v4, vm0, $0xb8;
	[tilespmem:$0x10400] =	vst v63  }
0xf1: {  	_ = 	snop  }
0xf2: {  	[hbm4b:s14+s5] =	stream.indirect_vreg.scatter [tilespmem:s2], [sflag:$0x2], $0x80, v4, vm0, $0xb8;
	[tilespmem:$0x10400] =	vst v63  }
0xf3: {  	_ = 	snop  }
0xf4: {  	[hbm4b:s0+s5] =	stream.indirect_vreg.scatter [tilespmem:s4], [sflag:$0x2], $0x80, v3, vm0, $0xb8;
	[tilespmem:$0x10400] =	vst v63  }
0xf5: {  	_ = 	snop  }
0xf6: {  	[hbm4b:s12+s5] =	stream.indirect_vreg.scatter [tilespmem:s16], [sflag:$0x2], $0x80, v3, vm0, $0xb8;
	[tilespmem:$0x10400] =	vst v63  }
0xf7: {  	_ = 	snop  }
0xf8: {  	[hbm4b:s13+s5] =	stream.indirect_vreg.scatter [tilespmem:s19], [sflag:$0x2], $0x80, v3, vm0, $0xb8;
	[tilespmem:$0x10400] =	vst v63  }
0xf9: {  	_ = 	snop  }
0xfa: {  	[hbm4b:s14+s5] =	stream.indirect_vreg.scatter [tilespmem:s22], [sflag:$0x2], $0x80, v3, vm0, $0xb8;
	[tilespmem:$0x10400] =	vst v63  }
0xfb: {  	_ =	swait.ge [sflag:s17], $0x4000  }
0xfc: {  	[sflag:s17] =	ssyncset.done $0x0  }
0xfd: {  	[sflag:s17] =	ssyncadd.s32 $0xFFFFC000  }
0xfe: {  	v3 =	vld [tilespmem:$0x380];
	_ =	sdelay $0x4  }
0xff: {  	v62 =	vshll.u32 v3, $0x3  }
0x100: {  	v3 =	vand.u32 $0x7, v3;
	v4 =	vand.u32 $0xFFFFFFC0, v62  }
0x101: {  	v3 =	vor.u32 v3, v4  }
0x102: {  	v4 =	vperm.xlane v3, v0;
	_ =	sdelay $0x1  }
0x103: {  	v4 =	vadd.s32 v1, v4;
	_ =	sdelay $0x3  }
0x104: {  	s19 =	simm.s32 $0xC400  }
0x105: {  	[hbm4b:s3+s5] =	stream.indirect_vreg.scatter [tilespmem:s19], [sflag:$0x2], $0x80, v4, vm0, $0xb8;
	[tilespmem:$0x10400] =	vst v63  }
0x106: {  	s20 =	simm.s32 $0xCC00;
	v3 =	vperm.xlane v3, v2  }
0x107: {  	[hbm4b:s9+s5] =	stream.indirect_vreg.scatter [tilespmem:s20], [sflag:$0x2], $0x80, v4, vm0, $0xb8;
	[tilespmem:$0x10400] =	vst v63  }
0x108: {  	s1 =	simm.s32 $0xD400;
	v3 =	vadd.s32 v1, v3  }
0x109: {  	[hbm4b:s10+s5] =	stream.indirect_vreg.scatter [tilespmem:s1], [sflag:$0x2], $0x80, v4, vm0, $0xb8;
	[tilespmem:$0x10400] =	vst v63  }
0x10a: {  	s2 =	simm.s32 $0xDC00  }
0x10b: {  	[hbm4b:s11+s5] =	stream.indirect_vreg.scatter [tilespmem:s2], [sflag:$0x2], $0x80, v4, vm0, $0xb8;
	[tilespmem:$0x10400] =	vst v63  }
0x10c: {  	s16 =	simm.s32 $0xE400  }
0x10d: {  	[hbm4b:s3+s5] =	stream.indirect_vreg.scatter [tilespmem:s16], [sflag:$0x2], $0x80, v3, vm0, $0xb8;
	[tilespmem:$0x10400] =	vst v63  }
0x10e: {  	s4 =	simm.s32 $0xEC00  }
0x10f: {  	[hbm4b:s9+s5] =	stream.indirect_vreg.scatter [tilespmem:s4], [sflag:$0x2], $0x80, v3, vm0, $0xb8;
	[tilespmem:$0x10400] =	vst v63  }
0x110: {  	s21 =	simm.s32 $0xF400  }
0x111: {  	[hbm4b:s10+s5] =	stream.indirect_vreg.scatter [tilespmem:s21], [sflag:$0x2], $0x80, v3, vm0, $0xb8;
	[tilespmem:$0x10400] =	vst v63  }
0x112: {  	s22 =	simm.s32 $0xFC00  }
0x113: {  	[hbm4b:s11+s5] =	stream.indirect_vreg.scatter [tilespmem:s22], [sflag:$0x2], $0x80, v3, vm0, $0xb8;
	[tilespmem:$0x10400] =	vst v63  }
0x114: {  	v3 =	vld [tilespmem:$0x380];
	_ =	sdelay $0x4  }
0x115: {  	v63 =	vshll.u32 v3, $0x3  }
0x116: {  	v3 =	vand.u32 $0x7, v3;
	v4 =	vand.u32 $0xFFFFFFC0, v63  }
0x117: {  	v3 =	vor.u32 v3, v4  }
0x118: {  	v4 =	vperm.xlane v3, v0;
	_ =	sdelay $0x1  }
0x119: {  	v4 =	vadd.s32 v1, v4;
	_ =	sdelay $0x4  }
0x11a: {  	[hbm4b:s0+s5] =	stream.indirect_vreg.scatter [tilespmem:s19], [sflag:$0x2], $0x80, v4, vm0, $0xb8;
	[tilespmem:$0x10400] =	vst v63  }
0x11b: {  	v3 =	vperm.xlane v3, v2  }
0x11c: {  	[hbm4b:s12+s5] =	stream.indirect_vreg.scatter [tilespmem:s20], [sflag:$0x2], $0x80, v4, vm0, $0xb8;
	[tilespmem:$0x10400] =	vst v63  }
0x11d: {  	v3 =	vadd.s32 v1, v3  }
0x11e: {  	[hbm4b:s13+s5] =	stream.indirect_vreg.scatter [tilespmem:s1], [sflag:$0x2], $0x80, v4, vm0, $0xb8;
	[tilespmem:$0x10400] =	vst v63  }
0x11f: {  	_ = 	snop  }
0x120: {  	[hbm4b:s14+s5] =	stream.indirect_vreg.scatter [tilespmem:s2], [sflag:$0x2], $0x80, v4, vm0, $0xb8;
	[tilespmem:$0x10400] =	vst v63  }
0x121: {  	_ = 	snop  }
0x122: {  	[hbm4b:s0+s5] =	stream.indirect_vreg.scatter [tilespmem:s16], [sflag:$0x2], $0x80, v3, vm0, $0xb8;
	[tilespmem:$0x10400] =	vst v63  }
0x123: {  	_ = 	snop  }
0x124: {  	[hbm4b:s12+s5] =	stream.indirect_vreg.scatter [tilespmem:s4], [sflag:$0x2], $0x80, v3, vm0, $0xb8;
	[tilespmem:$0x10400] =	vst v63  }
0x125: {  	_ = 	snop  }
0x126: {  	[hbm4b:s13+s5] =	stream.indirect_vreg.scatter [tilespmem:s21], [sflag:$0x2], $0x80, v3, vm0, $0xb8;
	[tilespmem:$0x10400] =	vst v63  }
0x127: {  	_ = 	snop  }
0x128: {  	[hbm4b:s14+s5] =	stream.indirect_vreg.scatter [tilespmem:s22], [sflag:$0x2], $0x80, v3, vm0, $0xb8;
	[tilespmem:$0x10400] =	vst v63  }
0x129: {  	_ =	swait.ge [sflag:s18], $0x4000  }
0x12a: {  	[sflag:s18] =	ssyncset.done $0x0  }
0x12b: {  	[sflag:s18] =	ssyncadd.s32 $0xFFFFC000  }
0x12c: {  	_ =	swait.ge [sflag:s18], $0x4000  }
0x12d: {  	[sflag:s18] =	ssyncset.done $0x0  }
0x12e: {  	[sflag:s18] =	ssyncadd.s32 $0xFFFFC000  }
0x12f: {  	_ =	swait.ge [sflag:s18], $0x4000  }
0x130: {  	[sflag:s18] =	ssyncset.done $0x0  }
0x131: {  	[sflag:s18] =	ssyncadd.s32 $0xFFFFC000  }
0x132: {  	_ =	swait.ge [sflag:s18], $0x4000  }
0x133: {  	[sflag:s18] =	ssyncset.done $0x0  }
0x134: {  	[sflag:s18] =	ssyncadd.s32 $0xFFFFC000  }
0x135: {  	_ =	swait.ge [sflag:s18], $0x4000  }
0x136: {  	[sflag:s18] =	ssyncset.done $0x0  }
0x137: {  	[sflag:s18] =	ssyncadd.s32 $0xFFFFC000  }
0x138: {  	_ =	swait.ge [sflag:s18], $0x4000  }
0x139: {  	[sflag:s18] =	ssyncset.done $0x0  }
0x13a: {  	[sflag:s18] =	ssyncadd.s32 $0xFFFFC000  }
0x13b: {  	p0 =	sne.s32 s15, $0x1;
	_ =	swait.ge [sflag:s18], $0x4000  }
.Ltmp0:
0x13c: {  	[sflag:s18] =	ssyncset.done $0x0;
	(pc) =	sbr.rel @p0 .LBB2_1-.Ltmp0, $4  }
0x13d: {  	[sflag:s18] =	ssyncadd.s32 $0xFFFFC000  }
0x13e: {  	_ =	swait.ge [sflag:s18], $0x4000  }
0x13f: {  	[sflag:s18] =	ssyncset.done $0x0  }
0x140: {  	s15 =	sadd.s32 $0xFFFFFFFF, s15;
	[sflag:s18] =	ssyncadd.s32 $0xFFFFC000  }
0x141: {  	_ =	sfence.sel $0x180000  }
0x142: {  	[bflag:$0x0] =	sbarrier.arrive $0xFFFF  }
0x143: {  	_ =	strace $0x9000004A  }
0x144: {  	s0 =	stileid.u32;
	[bflag:$0x2] =	sbarrier.arrive $0xFFFF  }
0x145: {  	p0 =	sne.s32 s0, $0x0;
	s0 =	rddreg [dreg:$0x4]  }
0x146: {  	s0 =	sadd.s32 @!p0 $0x100000, s0  }
0x147: {  	[sflag:s0] =	ssyncadd.tile.s32 @!p0 $0x1;
	_ =	shalt  }
.Lfunc_end2:
_tile_overlayer_lowered:
.L_overlay_start_2:
0x148: {  	(tag) =	ssettag $0x2  }
0x149: {  	s0 =	rddreg [dreg:$0x0];
	s2 =	stileid.u32  }
0x14a: {  	s1 =	rddreg [dreg:$0x1];
	p0 =	sne.s32 s2, $0x0  }
0x14b: {  	s3 =	rddreg [dreg:$0x2];
	[bflag:$0x3] =	sbarrier.arrive $0xFFFF;
	s2 =	simm.s32 @!p0 $0x1C03  }
0x14c: {  	[timem:s3], [sflag:s2] =	dma.local @!p0 [hbm:s0], s1  }
0x14d: {  	s0 =	simm.s32 @!p0 $0x3  }
0x14e: {  	_ =	swait.ge @!p0 [sflag:s0], s1  }
0x14f: {  	s1 =	ssub.s32 @!p0 $0x0, s1;
	[sflag:s0] =	ssyncset.done @!p0 $0x0  }
0x150: {  	[sflag:s0] =	ssyncadd.s32 @!p0 s1  }
0x151: {  	[bflag:$0x3] =	sbarrier.arrive $0xFFFF  }
0x152: {  	_ =	shalt  }

</sc_bundles>
